<compile_context>
chip_gen: v7x
topology: tpu7x:2x2x1
jax: 0.10.2.dev20260603
libtpu: 0.0.44.dev20260713+nightly
codegen_flags: <defaults>
</compile_context>

<pallas_src>
import jax
import jax.numpy as jnp
from jax import lax
from jax.experimental import pallas as pl
from jax.experimental.pallas import tpu as pltpu
from jax.experimental.pallas import tpu_sc as plsc

N = 10000
E = 320000
D = 128
NC = 2
NS = 16
NP = 10240
RPT = NP // NS
CB = 80
EPT = E // NS
NCH = EPT // CB
DH = D // 2
DQ = DH // 2
NEG = -3.0e38
PKS = 14
PKM = (1 << PKS) - 1


def _tc_head_body(fn_ref, wn_ref, wa_ref, z00_ref, z01_ref, z10_ref, z11_ref, s12_ref):
    fn = fn_ref[...]
    zb = lax.dot_general(fn, wn_ref[...], (((1,), (1,)), ((), ())),
                         preferred_element_type=jnp.float32)
    z00_ref[...] = zb[:, 0:32]
    z01_ref[...] = zb[:, 32:64]
    z10_ref[...] = zb[:, 64:96]
    z11_ref[...] = zb[:, 96:128]
    a1 = wa_ref[0, 0:128]
    a2 = wa_ref[0, 128:256]
    A = jnp.stack([a1, a2], axis=1)
    s12_ref[...] = jnp.dot(zb, A, preferred_element_type=jnp.float32)


def _tc_se_body(fe_ref, we_ref, wa_ref, se_ref):
    a3 = wa_ref[0, 256:384]
    w3 = lax.dot_general(a3, we_ref[...], (((0,), (0,)), ((), ())),
                         preferred_element_type=jnp.float32)
    prod = fe_ref[...] * w3[None, :]
    se_ref[...] = jnp.sum(prod, axis=1)[:, None]


NCH2 = NCH // 2
NST2 = NCH // 4
NPQ = NP // 4
SR = NPQ // NS


def _sc_body(pk2_hbm, s12_hbm, se_hbm, z00_hbm, z01_hbm, z10_hbm, z11_hbm,
             h_hbm,
             s12_v, src_v2, dst_v2, ex_v, m_v, mt_v,
             rows_a, rows_b,
             dn_v, red_a, red_t, shm, u_s, d_s,
             gsa, gsb, ssa, ssb, dsa, dsb):
    c = lax.axis_index("c")
    s = lax.axis_index("s")
    pltpu.sync_copy(pk2_hbm.at[s], src_v2)
    pltpu.sync_copy(s12_hbm.at[0], s12_v.at[pl.ds(0, N)])
    pltpu.sync_copy(s12_hbm.at[1], s12_v.at[pl.ds(N, N)])
    pltpu.sync_copy(se_hbm.at[s], ex_v)

    def unpack(i, carry):
        for k in range(CB // 16):
            slk = pl.ds(k * 16, 16)
            pk = src_v2[i, slk]
            dst_v2[i, slk] = lax.shift_right_logical(pk, PKS)
            src_v2[i, slk] = jnp.bitwise_and(pk, PKM)
        return carry

    lax.fori_loop(0, NCH, unpack, 0)

    neg = jnp.full((16,), NEG, jnp.float32)

    def init_m(k, carry):
        m_v[pl.ds(k * 16, 16)] = neg
        return carry

    lax.fori_loop(0, NP // 16, init_m, 0)

    def edge_step(i, carry):
        for k in range(CB // 16):
            slk = pl.ds(k * 16, 16)
            sl = pl.ds(i * CB + k * 16, 16)
            srcv = src_v2[i, slk]
            dstv = dst_v2[i, slk]
            ev = (plsc.load_gather(s12_v, [srcv])
                  + plsc.load_gather(s12_v, [dstv + N]) + ex_v[sl])
            ev = jnp.where(ev > 0, ev, 0.2 * ev)
            ex_v[sl] = ev

            def upd_body(go):
                cur = plsc.load_gather(m_v, [dstv])
                need = ev > cur
                plsc.store_scatter(m_v, [dstv], ev, mask=need)
                cur2 = plsc.load_gather(m_v, [dstv])
                return jnp.any(ev > cur2)

            lax.while_loop(lambda go: go, upd_body,
                           jnp.any(ev > plsc.load_gather(m_v, [dstv])))
        return carry

    lax.fori_loop(0, NCH, edge_step, 0)

    def phase(p, carry):
        pltpu.sync_copy(m_v.at[pl.ds(p * NPQ, NPQ)], shm.at[s])
        plsc.subcore_barrier()
        rb = s * SR

        def jred(j, carry2):
            pltpu.sync_copy(shm.at[j, pl.ds(rb, SR)], red_t)

            def red(k, carry3):
                sl = pl.ds(k * 16, 16)
                red_a[sl] = jnp.maximum(red_a[sl], red_t[sl])
                return carry3

            lax.fori_loop(0, SR // 16, red, 0)
            return carry2

        pltpu.sync_copy(shm.at[0, pl.ds(rb, SR)], red_a)
        lax.fori_loop(1, NS, jred, 0)
        pltpu.sync_copy(red_a, shm.at[0, pl.ds(rb, SR)])
        plsc.subcore_barrier()
        pltpu.sync_copy(shm.at[0], m_v.at[pl.ds(p * NPQ, NPQ)])
        plsc.subcore_barrier()
        return carry

    lax.fori_loop(0, NP // NPQ, phase, 0)

    zro = jnp.zeros((16,), jnp.float32)

    def zb_flat(k, carry):
        mt_v[pl.ds(k * 16, 16)] = zro
        return carry

    lax.fori_loop(0, NP // 16, zb_flat, 0)

    @pl.when(s == 0)
    def _():
        pltpu.sync_copy(mt_v.at[pl.ds(0, N)], d_s)

    def exf(i, carry):
        for k in range(CB // 16):
            slk = pl.ds(k * 16, 16)
            dstv = dst_v2[i, slk]
            sl = pl.ds(i * CB + k * 16, 16)
            mg = plsc.load_gather(m_v, [dstv])
            ex_v[sl] = jnp.exp(ex_v[sl] - mg)
        return carry

    lax.fori_loop(0, NCH, exf, 0)

    rbase = s * RPT

    def gwait(buf, sem):
        pltpu.make_async_copy(z00_hbm.at[src_v2.at[0]], buf, sem).wait()

    def swait(buf, sem):
        pltpu.make_async_copy(buf, u_s.at[dst_v2.at[0]], sem).wait()

    def dwait(sem):
        pltpu.make_async_copy(ex_v.at[pl.ds(0, CB)], d_s.at[dst_v2.at[0]],
                              sem).wait()

    def scale(i, buf):
        ebase = i * CB

        def sbody(j2, carry):
            for jj in range(4):
                j = j2 * 4 + jj
                spl = plsc.load_gather(
                    ex_v, [jnp.full((16,), ebase + j, jnp.int32)])
                for col in range(DQ // 16):
                    slc = pl.ds(col * 16, 16)
                    buf[j, slc] = buf[j, slc] * spl
            return carry

        lax.fori_loop(0, CB // 4, sbody, 0)

    for q in range(2):
        zc0_hbm = z00_hbm if q == 0 else z01_hbm
        zc1_hbm = z10_hbm if q == 0 else z11_hbm

        def gstart(i, buf, sem):
            @pl.when(c == 0)
            def _():
                pltpu.async_copy(zc0_hbm.at[src_v2.at[i]], buf, sem)

            @pl.when(c == 1)
            def _():
                pltpu.async_copy(zc1_hbm.at[src_v2.at[i]], buf, sem)

        def sstart(i, buf, sem, dsem):
            pltpu.async_copy(buf, u_s.at[dst_v2.at[i]], sem, add=True)
            if q == 0:
                pltpu.async_copy(ex_v.at[pl.ds(i * CB, CB)],
                                 d_s.at[dst_v2.at[i]], dsem, add=True)

        def sdone(buf, sem, dsem):
            swait(buf, sem)
            if q == 0:
                dwait(dsem)

        def zrow(j, carry):
            for k in range(DQ // 16):
                rows_a[j, pl.ds(k * 16, 16)] = zro
            return carry

        lax.fori_loop(0, CB, zrow, 0)

        def zcopy(t, carry):
            row0 = rbase + t * CB

            @pl.when(row0 < N)
            def _():
                pltpu.sync_copy(rows_a, u_s.at[pl.ds(row0, CB), :])
            return carry

        lax.fori_loop(0, RPT // CB, zcopy, 0)
        plsc.subcore_barrier()

        gstart(0, rows_a, gsa)

        def pipe(t, carry):
            i0 = 2 * t
            i1 = 2 * t + 1

            @pl.when(t > 0)
            def _():
                sdone(rows_b, ssb, dsb)

            gstart(i1, rows_b, gsb)
            gwait(rows_a, gsa)
            scale(i0, rows_a)
            sstart(i0, rows_a, ssa, dsa)

            @pl.when(t + 1 < NCH2)
            def _():
                sdone(rows_a, ssa, dsa)
                gstart(i0 + 2, rows_a, gsa)

            gwait(rows_b, gsb)
            scale(i1, rows_b)
            sstart(i1, rows_b, ssb, dsb)

            return carry

        lax.fori_loop(0, NCH2, pipe, 0)
        sdone(rows_a, ssa, dsa)
        sdone(rows_b, ssb, dsb)

        plsc.subcore_barrier()

        def dump(t, carry):
            row0 = rbase + t * CB

            @pl.when(row0 < N)
            def _():
                pltpu.sync_copy(u_s.at[pl.ds(row0, CB), :], rows_a)
                pltpu.sync_copy(d_s.at[pl.ds(row0, CB)], dn_v)
                for k in range(CB // 16):
                    slk = pl.ds(k * 16, 16)
                    dn_v[slk] = 1.0 / (dn_v[slk] + 1e-9)

                def div(j2, carry):
                    for jj in range(4):
                        j = j2 * 4 + jj
                        spl = plsc.load_gather(
                            dn_v, [jnp.full((16,), j, jnp.int32)])
                        for col in range(DQ // 16):
                            slc = pl.ds(col * 16, 16)
                            rows_a[j, slc] = rows_a[j, slc] * spl
                    return carry

                lax.fori_loop(0, CB // 4, div, 0)
                pltpu.sync_copy(rows_a, h_hbm.at[c, q, pl.ds(row0, CB), :])
            return carry

        lax.fori_loop(0, RPT // CB, dump, 0)
        plsc.subcore_barrier()


def kernel(feats_node, feats_edge, edge_index, W_node, W_edge, W_attn):
    src_i = edge_index[0].astype(jnp.int32)
    dst_i = edge_index[1].astype(jnp.int32)
    packed = jnp.left_shift(dst_i, PKS) + src_i

    BN = 1000
    z00, z01, z10, z11, s12 = pl.pallas_call(
        _tc_head_body,
        grid=(N // BN,),
        in_specs=[
            pl.BlockSpec((BN, 128), lambda i: (i, 0)),
            pl.BlockSpec((128, 128), lambda i: (0, 0)),
            pl.BlockSpec((1, 384), lambda i: (0, 0)),
        ],
        out_specs=[
            pl.BlockSpec((BN, 32), lambda i: (i, 0)),
            pl.BlockSpec((BN, 32), lambda i: (i, 0)),
            pl.BlockSpec((BN, 32), lambda i: (i, 0)),
            pl.BlockSpec((BN, 32), lambda i: (i, 0)),
            pl.BlockSpec((BN, 2), lambda i: (i, 0)),
        ],
        out_shape=[
            jax.ShapeDtypeStruct((N, 32), jnp.float32),
            jax.ShapeDtypeStruct((N, 32), jnp.float32),
            jax.ShapeDtypeStruct((N, 32), jnp.float32),
            jax.ShapeDtypeStruct((N, 32), jnp.float32),
            jax.ShapeDtypeStruct((N, 2), jnp.float32),
        ],
    )(feats_node, W_node, W_attn)

    BE = 3200
    se = pl.pallas_call(
        _tc_se_body,
        grid=(E // BE,),
        in_specs=[
            pl.BlockSpec((BE, 16), lambda i: (i, 0)),
            pl.BlockSpec((128, 16), lambda i: (0, 0)),
            pl.BlockSpec((1, 384), lambda i: (0, 0)),
        ],
        out_specs=pl.BlockSpec((BE, 1), lambda i: (i, 0)),
        out_shape=jax.ShapeDtypeStruct((E, 1), jnp.float32),
    )(feats_edge, W_edge, W_attn).reshape(NS, EPT)
    s12t = s12.T
    pk2 = packed.reshape(NS, NCH, CB)

    mesh = plsc.VectorSubcoreMesh(core_axis_name="c", subcore_axis_name="s")

    h2 = pl.kernel(
        _sc_body,
        out_type=jax.ShapeDtypeStruct((NC, 2, N, DQ), jnp.float32),
        mesh=mesh,
        compiler_params=pltpu.CompilerParams(needs_layout_passes=False,
                                             use_tc_tiling_on_sc=False),
        scratch_types=[
            pltpu.VMEM((2 * N,), jnp.float32),
            pltpu.VMEM((NCH, CB), jnp.int32),
            pltpu.VMEM((NCH, CB), jnp.int32),
            pltpu.VMEM((EPT,), jnp.float32),
            pltpu.VMEM((NP,), jnp.float32),
            pltpu.VMEM((NP,), jnp.float32),
            pltpu.VMEM((CB, DQ), jnp.float32),
            pltpu.VMEM((CB, DQ), jnp.float32),
            pltpu.VMEM((CB,), jnp.float32),
            pltpu.VMEM((SR,), jnp.float32),
            pltpu.VMEM((SR,), jnp.float32),
            pltpu.VMEM_SHARED((NS, NPQ), jnp.float32),
            pltpu.VMEM_SHARED((N, DQ), jnp.float32),
            pltpu.VMEM_SHARED((N,), jnp.float32),
            pltpu.SemaphoreType.DMA,
            pltpu.SemaphoreType.DMA,
            pltpu.SemaphoreType.DMA,
            pltpu.SemaphoreType.DMA,
            pltpu.SemaphoreType.DMA,
            pltpu.SemaphoreType.DMA,
        ],
    )(pk2, s12t, se, z00, z01, z10, z11)
    return jnp.moveaxis(h2.reshape(4, N, DQ), 0, 1).reshape(N, D)

# --- scband reference (transcript-rebuilt; emitter-appended) ---
"""Pipeline reference for scband-gatlayer-25271587569842 (READ-ONLY COPY).

The authoritative reference and input builder live on the scoring server;
editing this copy changes nothing except your own understanding.
"""

import jax, jax.numpy as jnp
import numpy as np

N = 10000
E = 320000
D_N = 128
D_E = 16
D_OUT = 128


def setup_inputs(seed: int = 0) -> dict:
    key = jax.random.key(seed)
    k1, k2, k3, k4, k5, k6 = jax.random.split(key, 6)
    feats_node = jax.random.normal(k1, (N, D_N), dtype=jnp.float32)
    feats_edge = jax.random.normal(k2, (E, D_E), dtype=jnp.float32)
    edge_index = jax.random.randint(k3, (2, E), 0, N)
    # learned parameters (torch nn.Linear stores weight as [out, in]); init std=0.5
    W_node = jax.random.normal(k4, (D_OUT, D_N), dtype=jnp.float32) * 0.5
    W_edge = jax.random.normal(k5, (D_OUT, D_E), dtype=jnp.float32) * 0.5
    W_attn = jax.random.normal(k6, (1, 3 * D_OUT), dtype=jnp.float32) * 0.5
    return {
        "feats_node": feats_node,
        "feats_edge": feats_edge,
        "edge_index": edge_index,
        "W_node": W_node,
        "W_edge": W_edge,
        "W_attn": W_attn,
    }


def reference(feats_node, feats_edge, edge_index, W_node, W_edge, W_attn):
    src = edge_index[0]
    dst = edge_index[1]
    # g.ndata['z'] = fc_node(feats_node)
    z = feats_node @ W_node.T
    # g.edata['z'] = fc_edge(feats_edge)
    ze = feats_edge @ W_edge.T
    # edge_attention: cat([src z, dst z, edge z]) -> attn_fc -> leaky_relu
    z3 = jnp.concatenate([z[src], z[dst], ze], axis=1)
    e = z3 @ W_attn.T  # [E, 1]
    e = jnp.where(e > 0, e, 0.2 * e)  # leaky_relu(negative_slope=0.2)
    e = e[:, 0]
    # reduce: softmax of e over incoming edges of each dst node
    m = jax.ops.segment_max(e, dst, num_segments=N)
    m = jnp.where(jnp.isfinite(m), m, 0.0)  # guard isolated nodes
    ex = jnp.exp(e - m[dst])
    denom = jax.ops.segment_sum(ex, dst, num_segments=N)
    alpha = ex / (denom[dst] + 1e-9)
    # h = sum(alpha * z_src) over incoming edges
    h = jax.ops.segment_sum(alpha[:, None] * z[src], dst, num_segments=N)
    return h

if __name__ == "__main__":
    import jax
    _d = setup_inputs()
    print(jax.jit(kernel)(*tuple(_d.values())))

</pallas_src>

<mosaic_0001>
#map = affine_map<(d0, d1) -> (0, 0, 0)>
#map1 = affine_map<(d0, d1) -> (0, 0)>
#map2 = affine_map<(d0, d1) -> (0, 0, 0, 0)>
module attributes {stable_mosaic.version = 14 : i64} {
  func.func @_sc_body(%arg0: i32, %arg1: i32, %arg2: memref<16x250x80xi32, #tpu.memory_space<hbm>>, %arg3: memref<2x10000xf32, #tpu.memory_space<hbm>>, %arg4: memref<16x20000xf32, #tpu.memory_space<hbm>>, %arg5: memref<10000x32xf32, #tpu.memory_space<hbm>>, %arg6: memref<10000x32xf32, #tpu.memory_space<hbm>>, %arg7: memref<10000x32xf32, #tpu.memory_space<hbm>>, %arg8: memref<10000x32xf32, #tpu.memory_space<hbm>>, %arg9: memref<2x2x10000x32xf32, #tpu.memory_space<hbm>>, %arg10: memref<20000xf32, #tpu.memory_space<vmem>>, %arg11: memref<250x80xi32, #tpu.memory_space<vmem>>, %arg12: memref<250x80xi32, #tpu.memory_space<vmem>>, %arg13: memref<20000xf32, #tpu.memory_space<vmem>>, %arg14: memref<10240xf32, #tpu.memory_space<vmem>>, %arg15: memref<10240xf32, #tpu.memory_space<vmem>>, %arg16: memref<80x32xf32, #tpu.memory_space<vmem>>, %arg17: memref<80x32xf32, #tpu.memory_space<vmem>>, %arg18: memref<80xf32, #tpu.memory_space<vmem>>, %arg19: memref<160xf32, #tpu.memory_space<vmem>>, %arg20: memref<160xf32, #tpu.memory_space<vmem>>, %arg21: memref<16x2560xf32, #tpu.memory_space<vmem_shared>>, %arg22: memref<10000x32xf32, #tpu.memory_space<vmem_shared>>, %arg23: memref<10000xf32, #tpu.memory_space<vmem_shared>>, %arg24: memref<!tpu.dma_semaphore, #tpu.memory_space<semaphore_mem>>, %arg25: memref<!tpu.dma_semaphore, #tpu.memory_space<semaphore_mem>>, %arg26: memref<!tpu.dma_semaphore, #tpu.memory_space<semaphore_mem>>, %arg27: memref<!tpu.dma_semaphore, #tpu.memory_space<semaphore_mem>>, %arg28: memref<!tpu.dma_semaphore, #tpu.memory_space<semaphore_mem>>, %arg29: memref<!tpu.dma_semaphore, #tpu.memory_space<semaphore_mem>>) attributes {dimension_semantics = [#tpu.dimension_semantics<core_parallel>, #tpu.dimension_semantics<subcore_parallel>], iteration_bounds = array<i64: 2, 16>, scalar_prefetch = 0 : i64, scratch_operands = 20 : i64, tpu.core_type = #tpu.core_type<sc_vector_subcore>, window_params = [{transform_indices = #map}, {transform_indices = #map1}, {transform_indices = #map1}, {transform_indices = #map1}, {transform_indices = #map1}, {transform_indices = #map1}, {transform_indices = #map1}, {transform_indices = #map2}]} {
    "tpu.region"() ({
      %run_scoped3A_158 = tpu.sem_alloc : memref<!tpu.dma_semaphore, #tpu.memory_space<semaphore_mem>>
      %dma_start3A = arith.constant 0 : i32
      %dma_start3A_159 = arith.constant 0 : i32
      %dma_start3A_160 = tpu.memref_slice %arg2[%arg1, %dma_start3A, %dma_start3A_159] : memref<16x250x80xi32, #tpu.memory_space<hbm>> -> memref<1x250x80xi32, #tpu.memory_space<hbm>>
      %dma_start3A_161 = tpu.memref_squeeze %dma_start3A_160 : memref<1x250x80xi32, #tpu.memory_space<hbm>> -> memref<250x80xi32, #tpu.memory_space<hbm>>
      %dma_start3A_162 = arith.constant 0 : i32
      %dma_start3A_163 = arith.constant 0 : i32
      %dma_start3A_164 = tpu.memref_slice %arg2[%arg1, %dma_start3A_162, %dma_start3A_163] : memref<16x250x80xi32, #tpu.memory_space<hbm>> -> memref<1x250x80xi32, #tpu.memory_space<hbm>>
      %dma_start3A_165 = tpu.memref_squeeze %dma_start3A_164 : memref<1x250x80xi32, #tpu.memory_space<hbm>> -> memref<250x80xi32, #tpu.memory_space<hbm>>
      tpu.enqueue_dma source(%dma_start3A_165 : memref<250x80xi32, #tpu.memory_space<hbm>>) target(%arg11 : memref<250x80xi32, #tpu.memory_space<vmem>>) target_semaphore(%run_scoped3A_158 : memref<!tpu.dma_semaphore, #tpu.memory_space<semaphore_mem>>)
      %dma_wait3A_166 = arith.constant 0 : i32
      %dma_wait3A_167 = arith.constant 0 : i32
      %dma_wait3A_168 = tpu.memref_slice %arg2[%arg1, %dma_wait3A_166, %dma_wait3A_167] : memref<16x250x80xi32, #tpu.memory_space<hbm>> -> memref<1x250x80xi32, #tpu.memory_space<hbm>>
      %dma_wait3A_169 = tpu.memref_squeeze %dma_wait3A_168 : memref<1x250x80xi32, #tpu.memory_space<hbm>> -> memref<250x80xi32, #tpu.memory_space<hbm>>
      %dma_wait3A_170 = arith.constant 0 : i32
      %dma_wait3A_171 = arith.constant 0 : i32
      %dma_wait3A_172 = tpu.memref_slice %arg2[%arg1, %dma_wait3A_170, %dma_wait3A_171] : memref<16x250x80xi32, #tpu.memory_space<hbm>> -> memref<1x250x80xi32, #tpu.memory_space<hbm>>
      %dma_wait3A_173 = tpu.memref_squeeze %dma_wait3A_172 : memref<1x250x80xi32, #tpu.memory_space<hbm>> -> memref<250x80xi32, #tpu.memory_space<hbm>>
      tpu.wait_dma2 semaphore(%run_scoped3A_158 : memref<!tpu.dma_semaphore, #tpu.memory_space<semaphore_mem>>) src(%dma_wait3A_173 : memref<250x80xi32, #tpu.memory_space<hbm>>) dst(%arg11 : memref<250x80xi32, #tpu.memory_space<vmem>>)
      tpu.yield
    }) : () -> ()
    %run_scoped3A = arith.constant 0 : i32
    "tpu.region"() ({
      %run_scoped3A_158 = tpu.sem_alloc : memref<!tpu.dma_semaphore, #tpu.memory_space<semaphore_mem>>
      %dma_start3A = arith.constant 0 : i32
      %dma_start3A_159 = tpu.memref_slice %arg10[%dma_start3A] : memref<20000xf32, #tpu.memory_space<vmem>> -> memref<10000xf32, #tpu.memory_space<vmem>>
      %dma_start3A_160 = arith.constant 0 : i32
      %dma_start3A_161 = tpu.memref_slice %arg3[%run_scoped3A, %dma_start3A_160] : memref<2x10000xf32, #tpu.memory_space<hbm>> -> memref<1x10000xf32, #tpu.memory_space<hbm>>
      %dma_start3A_162 = tpu.memref_squeeze %dma_start3A_161 : memref<1x10000xf32, #tpu.memory_space<hbm>> -> memref<10000xf32, #tpu.memory_space<hbm>>
      %dma_start3A_163 = arith.constant 0 : i32
      %dma_start3A_164 = tpu.memref_slice %arg10[%dma_start3A_163] : memref<20000xf32, #tpu.memory_space<vmem>> -> memref<10000xf32, #tpu.memory_space<vmem>>
      %dma_start3A_165 = arith.constant 0 : i32
      %dma_start3A_166 = tpu.memref_slice %arg3[%run_scoped3A, %dma_start3A_165] : memref<2x10000xf32, #tpu.memory_space<hbm>> -> memref<1x10000xf32, #tpu.memory_space<hbm>>
      %dma_start3A_167 = tpu.memref_squeeze %dma_start3A_166 : memref<1x10000xf32, #tpu.memory_space<hbm>> -> memref<10000xf32, #tpu.memory_space<hbm>>
      tpu.enqueue_dma source(%dma_start3A_167 : memref<10000xf32, #tpu.memory_space<hbm>>) target(%dma_start3A_164 : memref<10000xf32, #tpu.memory_space<vmem>>) target_semaphore(%run_scoped3A_158 : memref<!tpu.dma_semaphore, #tpu.memory_space<semaphore_mem>>)
      %dma_wait3A_168 = arith.constant 0 : i32
      %dma_wait3A_169 = tpu.memref_slice %arg10[%dma_wait3A_168] : memref<20000xf32, #tpu.memory_space<vmem>> -> memref<10000xf32, #tpu.memory_space<vmem>>
      %dma_wait3A_170 = arith.constant 0 : i32
      %dma_wait3A_171 = tpu.memref_slice %arg3[%run_scoped3A, %dma_wait3A_170] : memref<2x10000xf32, #tpu.memory_space<hbm>> -> memref<1x10000xf32, #tpu.memory_space<hbm>>
      %dma_wait3A_172 = tpu.memref_squeeze %dma_wait3A_171 : memref<1x10000xf32, #tpu.memory_space<hbm>> -> memref<10000xf32, #tpu.memory_space<hbm>>
      %dma_wait3A_173 = arith.constant 0 : i32
      %dma_wait3A_174 = tpu.memref_slice %arg10[%dma_wait3A_173] : memref<20000xf32, #tpu.memory_space<vmem>> -> memref<10000xf32, #tpu.memory_space<vmem>>
      %dma_wait3A_175 = arith.constant 0 : i32
      %dma_wait3A_176 = tpu.memref_slice %arg3[%run_scoped3A, %dma_wait3A_175] : memref<2x10000xf32, #tpu.memory_space<hbm>> -> memref<1x10000xf32, #tpu.memory_space<hbm>>
      %dma_wait3A_177 = tpu.memref_squeeze %dma_wait3A_176 : memref<1x10000xf32, #tpu.memory_space<hbm>> -> memref<10000xf32, #tpu.memory_space<hbm>>
      tpu.wait_dma2 semaphore(%run_scoped3A_158 : memref<!tpu.dma_semaphore, #tpu.memory_space<semaphore_mem>>) src(%dma_wait3A_177 : memref<10000xf32, #tpu.memory_space<hbm>>) dst(%dma_wait3A_174 : memref<10000xf32, #tpu.memory_space<vmem>>)
      tpu.yield
    }) : () -> ()
    %run_scoped3A_0 = arith.constant 1 : i32
    "tpu.region"() ({
      %run_scoped3A_158 = tpu.sem_alloc : memref<!tpu.dma_semaphore, #tpu.memory_space<semaphore_mem>>
      %dma_start3A = arith.constant 10000 : i32
      %dma_start3A_159 = tpu.memref_slice %arg10[%dma_start3A] : memref<20000xf32, #tpu.memory_space<vmem>> -> memref<10000xf32, #tpu.memory_space<vmem>>
      %dma_start3A_160 = arith.constant 0 : i32
      %dma_start3A_161 = tpu.memref_slice %arg3[%run_scoped3A_0, %dma_start3A_160] : memref<2x10000xf32, #tpu.memory_space<hbm>> -> memref<1x10000xf32, #tpu.memory_space<hbm>>
      %dma_start3A_162 = tpu.memref_squeeze %dma_start3A_161 : memref<1x10000xf32, #tpu.memory_space<hbm>> -> memref<10000xf32, #tpu.memory_space<hbm>>
      %dma_start3A_163 = arith.constant 10000 : i32
      %dma_start3A_164 = tpu.memref_slice %arg10[%dma_start3A_163] : memref<20000xf32, #tpu.memory_space<vmem>> -> memref<10000xf32, #tpu.memory_space<vmem>>
      %dma_start3A_165 = arith.constant 0 : i32
      %dma_start3A_166 = tpu.memref_slice %arg3[%run_scoped3A_0, %dma_start3A_165] : memref<2x10000xf32, #tpu.memory_space<hbm>> -> memref<1x10000xf32, #tpu.memory_space<hbm>>
      %dma_start3A_167 = tpu.memref_squeeze %dma_start3A_166 : memref<1x10000xf32, #tpu.memory_space<hbm>> -> memref<10000xf32, #tpu.memory_space<hbm>>
      tpu.enqueue_dma source(%dma_start3A_167 : memref<10000xf32, #tpu.memory_space<hbm>>) target(%dma_start3A_164 : memref<10000xf32, #tpu.memory_space<vmem>>) target_semaphore(%run_scoped3A_158 : memref<!tpu.dma_semaphore, #tpu.memory_space<semaphore_mem>>)
      %dma_wait3A_168 = arith.constant 10000 : i32
      %dma_wait3A_169 = tpu.memref_slice %arg10[%dma_wait3A_168] : memref<20000xf32, #tpu.memory_space<vmem>> -> memref<10000xf32, #tpu.memory_space<vmem>>
      %dma_wait3A_170 = arith.constant 0 : i32
      %dma_wait3A_171 = tpu.memref_slice %arg3[%run_scoped3A_0, %dma_wait3A_170] : memref<2x10000xf32, #tpu.memory_space<hbm>> -> memref<1x10000xf32, #tpu.memory_space<hbm>>
      %dma_wait3A_172 = tpu.memref_squeeze %dma_wait3A_171 : memref<1x10000xf32, #tpu.memory_space<hbm>> -> memref<10000xf32, #tpu.memory_space<hbm>>
      %dma_wait3A_173 = arith.constant 10000 : i32
      %dma_wait3A_174 = tpu.memref_slice %arg10[%dma_wait3A_173] : memref<20000xf32, #tpu.memory_space<vmem>> -> memref<10000xf32, #tpu.memory_space<vmem>>
      %dma_wait3A_175 = arith.constant 0 : i32
      %dma_wait3A_176 = tpu.memref_slice %arg3[%run_scoped3A_0, %dma_wait3A_175] : memref<2x10000xf32, #tpu.memory_space<hbm>> -> memref<1x10000xf32, #tpu.memory_space<hbm>>
      %dma_wait3A_177 = tpu.memref_squeeze %dma_wait3A_176 : memref<1x10000xf32, #tpu.memory_space<hbm>> -> memref<10000xf32, #tpu.memory_space<hbm>>
      tpu.wait_dma2 semaphore(%run_scoped3A_158 : memref<!tpu.dma_semaphore, #tpu.memory_space<semaphore_mem>>) src(%dma_wait3A_177 : memref<10000xf32, #tpu.memory_space<hbm>>) dst(%dma_wait3A_174 : memref<10000xf32, #tpu.memory_space<vmem>>)
      tpu.yield
    }) : () -> ()
    "tpu.region"() ({
      %run_scoped3A_158 = tpu.sem_alloc : memref<!tpu.dma_semaphore, #tpu.memory_space<semaphore_mem>>
      %dma_start3A = arith.constant 0 : i32
      %dma_start3A_159 = tpu.memref_slice %arg4[%arg1, %dma_start3A] : memref<16x20000xf32, #tpu.memory_space<hbm>> -> memref<1x20000xf32, #tpu.memory_space<hbm>>
      %dma_start3A_160 = tpu.memref_squeeze %dma_start3A_159 : memref<1x20000xf32, #tpu.memory_space<hbm>> -> memref<20000xf32, #tpu.memory_space<hbm>>
      %dma_start3A_161 = arith.constant 0 : i32
      %dma_start3A_162 = tpu.memref_slice %arg4[%arg1, %dma_start3A_161] : memref<16x20000xf32, #tpu.memory_space<hbm>> -> memref<1x20000xf32, #tpu.memory_space<hbm>>
      %dma_start3A_163 = tpu.memref_squeeze %dma_start3A_162 : memref<1x20000xf32, #tpu.memory_space<hbm>> -> memref<20000xf32, #tpu.memory_space<hbm>>
      tpu.enqueue_dma source(%dma_start3A_163 : memref<20000xf32, #tpu.memory_space<hbm>>) target(%arg13 : memref<20000xf32, #tpu.memory_space<vmem>>) target_semaphore(%run_scoped3A_158 : memref<!tpu.dma_semaphore, #tpu.memory_space<semaphore_mem>>)
      %dma_wait3A_164 = arith.constant 0 : i32
      %dma_wait3A_165 = tpu.memref_slice %arg4[%arg1, %dma_wait3A_164] : memref<16x20000xf32, #tpu.memory_space<hbm>> -> memref<1x20000xf32, #tpu.memory_space<hbm>>
      %dma_wait3A_166 = tpu.memref_squeeze %dma_wait3A_165 : memref<1x20000xf32, #tpu.memory_space<hbm>> -> memref<20000xf32, #tpu.memory_space<hbm>>
      %dma_wait3A_167 = arith.constant 0 : i32
      %dma_wait3A_168 = tpu.memref_slice %arg4[%arg1, %dma_wait3A_167] : memref<16x20000xf32, #tpu.memory_space<hbm>> -> memref<1x20000xf32, #tpu.memory_space<hbm>>
      %dma_wait3A_169 = tpu.memref_squeeze %dma_wait3A_168 : memref<1x20000xf32, #tpu.memory_space<hbm>> -> memref<20000xf32, #tpu.memory_space<hbm>>
      tpu.wait_dma2 semaphore(%run_scoped3A_158 : memref<!tpu.dma_semaphore, #tpu.memory_space<semaphore_mem>>) src(%dma_wait3A_169 : memref<20000xf32, #tpu.memory_space<hbm>>) dst(%arg13 : memref<20000xf32, #tpu.memory_space<vmem>>)
      tpu.yield
    }) : () -> ()
    %scan3A = arith.constant 0 : i32
    %scan3A_1 = arith.constant 0 : i32
    %scan3A_2 = arith.constant 250 : i32
    %scan3A_3 = arith.addi %scan3A_1, %scan3A_2 : i32
    %scan3A_4 = arith.constant 1 : i32
    scf.for %scan3A_158 = %scan3A_1 to %scan3A_3 step %scan3A_4  : i32 {
      %get3A = arith.index_cast %scan3A_158 : i32 to index
      %get3A_159 = arith.constant 0 : index
      %get3A_160 = tpu.vector_load %arg11[%get3A, %get3A_159] {strides = array<i32>} : memref<250x80xi32, #tpu.memory_space<vmem>>, vector<16xi32>,
      %shift_right_logical3A = arith.constant 14 : i32
      %shift_right_logical3A_161 = vector.broadcast %shift_right_logical3A : i32 to vector<16xi32>
      %shift_right_logical3A_162 = arith.shrui %get3A_160, %shift_right_logical3A_161 : vector<16xi32>
      %swap3A = arith.index_cast %scan3A_158 : i32 to index
      %swap3A_163 = arith.constant 0 : index
      %swap3A_164 = tpu.vector_load %arg12[%swap3A, %swap3A_163] {strides = array<i32>} : memref<250x80xi32, #tpu.memory_space<vmem>>, vector<16xi32>,
      tpu.vector_store %arg12[%swap3A, %swap3A_163], %shift_right_logical3A_162 {strides = array<i32>} : memref<250x80xi32, #tpu.memory_space<vmem>>, vector<16xi32>,
      %and3A = arith.constant 16383 : i32
      %and3A_165 = vector.broadcast %and3A : i32 to vector<16xi32>
      %and3A_166 = arith.andi %get3A_160, %and3A_165 : vector<16xi32>
      %swap3A_167 = arith.index_cast %scan3A_158 : i32 to index
      %swap3A_168 = arith.constant 0 : index
      %swap3A_169 = tpu.vector_load %arg11[%swap3A_167, %swap3A_168] {strides = array<i32>} : memref<250x80xi32, #tpu.memory_space<vmem>>, vector<16xi32>,
      tpu.vector_store %arg11[%swap3A_167, %swap3A_168], %and3A_166 {strides = array<i32>} : memref<250x80xi32, #tpu.memory_space<vmem>>, vector<16xi32>,
      %get3A_170 = arith.index_cast %scan3A_158 : i32 to index
      %get3A_171 = arith.constant 16 : index
      %get3A_172 = tpu.vector_load %arg11[%get3A_170, %get3A_171] {strides = array<i32>} : memref<250x80xi32, #tpu.memory_space<vmem>>, vector<16xi32>,
      %shift_right_logical3A_173 = arith.constant 14 : i32
      %shift_right_logical3A_174 = vector.broadcast %shift_right_logical3A_173 : i32 to vector<16xi32>
      %shift_right_logical3A_175 = arith.shrui %get3A_172, %shift_right_logical3A_174 : vector<16xi32>
      %swap3A_176 = arith.index_cast %scan3A_158 : i32 to index
      %swap3A_177 = arith.constant 16 : index
      %swap3A_178 = tpu.vector_load %arg12[%swap3A_176, %swap3A_177] {strides = array<i32>} : memref<250x80xi32, #tpu.memory_space<vmem>>, vector<16xi32>,
      tpu.vector_store %arg12[%swap3A_176, %swap3A_177], %shift_right_logical3A_175 {strides = array<i32>} : memref<250x80xi32, #tpu.memory_space<vmem>>, vector<16xi32>,
      %and3A_179 = arith.constant 16383 : i32
      %and3A_180 = vector.broadcast %and3A_179 : i32 to vector<16xi32>
      %and3A_181 = arith.andi %get3A_172, %and3A_180 : vector<16xi32>
      %swap3A_182 = arith.index_cast %scan3A_158 : i32 to index
      %swap3A_183 = arith.constant 16 : index
      %swap3A_184 = tpu.vector_load %arg11[%swap3A_182, %swap3A_183] {strides = array<i32>} : memref<250x80xi32, #tpu.memory_space<vmem>>, vector<16xi32>,
      tpu.vector_store %arg11[%swap3A_182, %swap3A_183], %and3A_181 {strides = array<i32>} : memref<250x80xi32, #tpu.memory_space<vmem>>, vector<16xi32>,
      %get3A_185 = arith.index_cast %scan3A_158 : i32 to index
      %get3A_186 = arith.constant 32 : index
      %get3A_187 = tpu.vector_load %arg11[%get3A_185, %get3A_186] {strides = array<i32>} : memref<250x80xi32, #tpu.memory_space<vmem>>, vector<16xi32>,
      %shift_right_logical3A_188 = arith.constant 14 : i32
      %shift_right_logical3A_189 = vector.broadcast %shift_right_logical3A_188 : i32 to vector<16xi32>
      %shift_right_logical3A_190 = arith.shrui %get3A_187, %shift_right_logical3A_189 : vector<16xi32>
      %swap3A_191 = arith.index_cast %scan3A_158 : i32 to index
      %swap3A_192 = arith.constant 32 : index
      %swap3A_193 = tpu.vector_load %arg12[%swap3A_191, %swap3A_192] {strides = array<i32>} : memref<250x80xi32, #tpu.memory_space<vmem>>, vector<16xi32>,
      tpu.vector_store %arg12[%swap3A_191, %swap3A_192], %shift_right_logical3A_190 {strides = array<i32>} : memref<250x80xi32, #tpu.memory_space<vmem>>, vector<16xi32>,
      %and3A_194 = arith.constant 16383 : i32
      %and3A_195 = vector.broadcast %and3A_194 : i32 to vector<16xi32>
      %and3A_196 = arith.andi %get3A_187, %and3A_195 : vector<16xi32>
      %swap3A_197 = arith.index_cast %scan3A_158 : i32 to index
      %swap3A_198 = arith.constant 32 : index
      %swap3A_199 = tpu.vector_load %arg11[%swap3A_197, %swap3A_198] {strides = array<i32>} : memref<250x80xi32, #tpu.memory_space<vmem>>, vector<16xi32>,
      tpu.vector_store %arg11[%swap3A_197, %swap3A_198], %and3A_196 {strides = array<i32>} : memref<250x80xi32, #tpu.memory_space<vmem>>, vector<16xi32>,
      %get3A_200 = arith.index_cast %scan3A_158 : i32 to index
      %get3A_201 = arith.constant 48 : index
      %get3A_202 = tpu.vector_load %arg11[%get3A_200, %get3A_201] {strides = array<i32>} : memref<250x80xi32, #tpu.memory_space<vmem>>, vector<16xi32>,
      %shift_right_logical3A_203 = arith.constant 14 : i32
      %shift_right_logical3A_204 = vector.broadcast %shift_right_logical3A_203 : i32 to vector<16xi32>
      %shift_right_logical3A_205 = arith.shrui %get3A_202, %shift_right_logical3A_204 : vector<16xi32>
      %swap3A_206 = arith.index_cast %scan3A_158 : i32 to index
      %swap3A_207 = arith.constant 48 : index
      %swap3A_208 = tpu.vector_load %arg12[%swap3A_206, %swap3A_207] {strides = array<i32>} : memref<250x80xi32, #tpu.memory_space<vmem>>, vector<16xi32>,
      tpu.vector_store %arg12[%swap3A_206, %swap3A_207], %shift_right_logical3A_205 {strides = array<i32>} : memref<250x80xi32, #tpu.memory_space<vmem>>, vector<16xi32>,
      %and3A_209 = arith.constant 16383 : i32
      %and3A_210 = vector.broadcast %and3A_209 : i32 to vector<16xi32>
      %and3A_211 = arith.andi %get3A_202, %and3A_210 : vector<16xi32>
      %swap3A_212 = arith.index_cast %scan3A_158 : i32 to index
      %swap3A_213 = arith.constant 48 : index
      %swap3A_214 = tpu.vector_load %arg11[%swap3A_212, %swap3A_213] {strides = array<i32>} : memref<250x80xi32, #tpu.memory_space<vmem>>, vector<16xi32>,
      tpu.vector_store %arg11[%swap3A_212, %swap3A_213], %and3A_211 {strides = array<i32>} : memref<250x80xi32, #tpu.memory_space<vmem>>, vector<16xi32>,
      %get3A_215 = arith.index_cast %scan3A_158 : i32 to index
      %get3A_216 = arith.constant 64 : index
      %get3A_217 = tpu.vector_load %arg11[%get3A_215, %get3A_216] {strides = array<i32>} : memref<250x80xi32, #tpu.memory_space<vmem>>, vector<16xi32>,
      %shift_right_logical3A_218 = arith.constant 14 : i32
      %shift_right_logical3A_219 = vector.broadcast %shift_right_logical3A_218 : i32 to vector<16xi32>
      %shift_right_logical3A_220 = arith.shrui %get3A_217, %shift_right_logical3A_219 : vector<16xi32>
      %swap3A_221 = arith.index_cast %scan3A_158 : i32 to index
      %swap3A_222 = arith.constant 64 : index
      %swap3A_223 = tpu.vector_load %arg12[%swap3A_221, %swap3A_222] {strides = array<i32>} : memref<250x80xi32, #tpu.memory_space<vmem>>, vector<16xi32>,
      tpu.vector_store %arg12[%swap3A_221, %swap3A_222], %shift_right_logical3A_220 {strides = array<i32>} : memref<250x80xi32, #tpu.memory_space<vmem>>, vector<16xi32>,
      %and3A_224 = arith.constant 16383 : i32
      %and3A_225 = vector.broadcast %and3A_224 : i32 to vector<16xi32>
      %and3A_226 = arith.andi %get3A_217, %and3A_225 : vector<16xi32>
      %swap3A_227 = arith.index_cast %scan3A_158 : i32 to index
      %swap3A_228 = arith.constant 64 : index
      %swap3A_229 = tpu.vector_load %arg11[%swap3A_227, %swap3A_228] {strides = array<i32>} : memref<250x80xi32, #tpu.memory_space<vmem>>, vector<16xi32>,
      tpu.vector_store %arg11[%swap3A_227, %swap3A_228], %and3A_226 {strides = array<i32>} : memref<250x80xi32, #tpu.memory_space<vmem>>, vector<16xi32>,
    }
    %scan3A_5 = arith.constant 250 : i32
    %broadcast_in_dim3A = arith.constant -3.000000e+38 : f32
    %broadcast_in_dim3A_6 = vector.broadcast %broadcast_in_dim3A : f32 to vector<16xf32>
    %scan3A_7 = arith.constant 0 : i32
    %scan3A_8 = arith.constant 0 : i32
    %scan3A_9 = arith.constant 640 : i32
    %scan3A_10 = arith.addi %scan3A_8, %scan3A_9 : i32
    %scan3A_11 = arith.constant 1 : i32
    scf.for %scan3A_158 = %scan3A_8 to %scan3A_10 step %scan3A_11  : i32 {
      %mul3A_159 = arith.constant 16 : i32
      %mul3A_160 = arith.muli %scan3A_158, %mul3A_159 : i32
      %swap3A = arith.index_cast %mul3A_160 : i32 to index
      %swap3A_161 = tpu.vector_load %arg14[%swap3A] {strides = array<i32>} : memref<10240xf32, #tpu.memory_space<vmem>>, vector<16xf32>,
      tpu.vector_store %arg14[%swap3A], %broadcast_in_dim3A_6 {strides = array<i32>} : memref<10240xf32, #tpu.memory_space<vmem>>, vector<16xf32>,
    }
    %scan3A_12 = arith.constant 640 : i32
    %scan3A_13 = arith.constant 0 : i32
    %scan3A_14 = arith.constant 0 : i32
    %scan3A_15 = arith.constant 250 : i32
    %scan3A_16 = arith.addi %scan3A_14, %scan3A_15 : i32
    %scan3A_17 = arith.constant 1 : i32
    scf.for %scan3A_158 = %scan3A_14 to %scan3A_16 step %scan3A_17  : i32 {
      %mul3A_159 = arith.constant 80 : i32
      %mul3A_160 = arith.muli %scan3A_158, %mul3A_159 : i32
      %add3A = arith.constant 0 : i32
      %add3A_161 = arith.addi %mul3A_160, %add3A : i32
      %get3A = arith.index_cast %scan3A_158 : i32 to index
      %get3A_162 = arith.constant 0 : index
      %get3A_163 = tpu.vector_load %arg11[%get3A, %get3A_162] {strides = array<i32>} : memref<250x80xi32, #tpu.memory_space<vmem>>, vector<16xi32>,
      %get3A_164 = arith.index_cast %scan3A_158 : i32 to index
      %get3A_165 = arith.constant 0 : index
      %get3A_166 = tpu.vector_load %arg12[%get3A_164, %get3A_165] {strides = array<i32>} : memref<250x80xi32, #tpu.memory_space<vmem>>, vector<16xi32>,
      %gather3A = tpu.vector_load_idx %arg10[%get3A_163] : memref<20000xf32, #tpu.memory_space<vmem>>[vector<16xi32>], vector<16xf32>,
      %add3A_167 = arith.constant 10000 : i32
      %add3A_168 = vector.broadcast %add3A_167 : i32 to vector<16xi32>
      %add3A_169 = arith.addi %get3A_166, %add3A_168 : vector<16xi32>
      %gather3A_170 = tpu.vector_load_idx %arg10[%add3A_169] : memref<20000xf32, #tpu.memory_space<vmem>>[vector<16xi32>], vector<16xf32>,
      %add3A_171 = arith.addf %gather3A, %gather3A_170 : vector<16xf32>
      %get3A_172 = arith.index_cast %add3A_161 : i32 to index
      %get3A_173 = tpu.vector_load %arg13[%get3A_172] {strides = array<i32>} : memref<20000xf32, #tpu.memory_space<vmem>>, vector<16xf32>,
      %add3A_174 = arith.addf %add3A_171, %get3A_173 : vector<16xf32>
      %gt3A = arith.constant 0.000000e+00 : f32
      %gt3A_175 = vector.broadcast %gt3A : f32 to vector<16xf32>
      %gt3A_176 = arith.cmpf ogt, %add3A_174, %gt3A_175 : vector<16xf32>
      %mul3A_177 = arith.constant 2.000000e-01 : f32
      %mul3A_178 = vector.broadcast %mul3A_177 : f32 to vector<16xf32>
      %mul3A_179 = arith.mulf %mul3A_178, %add3A_174 : vector<16xf32>
      %select_n3A = arith.select %gt3A_176, %add3A_174, %mul3A_179 : vector<16xi1>, vector<16xf32>
      %swap3A = arith.index_cast %add3A_161 : i32 to index
      %swap3A_180 = tpu.vector_load %arg13[%swap3A] {strides = array<i32>} : memref<20000xf32, #tpu.memory_space<vmem>>, vector<16xf32>,
      tpu.vector_store %arg13[%swap3A], %select_n3A {strides = array<i32>} : memref<20000xf32, #tpu.memory_space<vmem>>, vector<16xf32>,
      %gather3A_181 = tpu.vector_load_idx %arg14[%get3A_166] : memref<10240xf32, #tpu.memory_space<vmem>>[vector<16xi32>], vector<16xf32>,
      %gt3A_182 = arith.cmpf ogt, %select_n3A, %gather3A_181 : vector<16xf32>
      %reduce_or3A = arith.constant 1.000000e+00 : f32
      %reduce_or3A_183 = arith.constant 0.000000e+00 : f32
      %reduce_or3A_184 = vector.broadcast %reduce_or3A : f32 to vector<16xf32>
      %reduce_or3A_185 = vector.broadcast %reduce_or3A_183 : f32 to vector<16xf32>
      %reduce_or3A_186 = arith.select %gt3A_182, %reduce_or3A_184, %reduce_or3A_185 : vector<16xi1>, vector<16xf32>
      %reduce_or3A_187 = arith.constant true
      %reduce_or3A_188 = vector.broadcast %reduce_or3A_187 : i1 to vector<16xi1>
      %reduce_or3A_189 = tpu.scan <max>, %reduce_or3A_186 masked %reduce_or3A_188 : vector<16xf32>, vector<16xi1> -> vector<16xf32>
      %reduce_or3A_190 = vector.extract %reduce_or3A_189[15] : f32 from vector<16xf32>
      %reduce_or3A_191 = arith.constant 0.000000e+00 : f32
      %reduce_or3A_192 = arith.cmpf ogt, %reduce_or3A_190, %reduce_or3A_191 : f32
      %while3A = scf.while (%while3A_361 = %reduce_or3A_192) : (i1) -> i1 {
        scf.condition(%while3A_361) %while3A_361 : i1
      } do {
      ^bb0(%while3A_361: i1):
        %gather3A_362 = tpu.vector_load_idx %arg14[%get3A_166] : memref<10240xf32, #tpu.memory_space<vmem>>[vector<16xi32>], vector<16xf32>,
        %gt3A_363 = arith.cmpf ogt, %select_n3A, %gather3A_362 : vector<16xf32>
        tpu.vector_store_idx %arg14[%get3A_166], %select_n3A masked %gt3A_363 : memref<10240xf32, #tpu.memory_space<vmem>>[vector<16xi32>], vector<16xf32>, vector<16xi1>
        %gather3A_364 = tpu.vector_load_idx %arg14[%get3A_166] : memref<10240xf32, #tpu.memory_space<vmem>>[vector<16xi32>], vector<16xf32>,
        %gt3A_365 = arith.cmpf ogt, %select_n3A, %gather3A_364 : vector<16xf32>
        %reduce_or3A_366 = arith.constant 1.000000e+00 : f32
        %reduce_or3A_367 = arith.constant 0.000000e+00 : f32
        %reduce_or3A_368 = vector.broadcast %reduce_or3A_366 : f32 to vector<16xf32>
        %reduce_or3A_369 = vector.broadcast %reduce_or3A_367 : f32 to vector<16xf32>
        %reduce_or3A_370 = arith.select %gt3A_365, %reduce_or3A_368, %reduce_or3A_369 : vector<16xi1>, vector<16xf32>
        %reduce_or3A_371 = arith.constant true
        %reduce_or3A_372 = vector.broadcast %reduce_or3A_371 : i1 to vector<16xi1>
        %reduce_or3A_373 = tpu.scan <max>, %reduce_or3A_370 masked %reduce_or3A_372 : vector<16xf32>, vector<16xi1> -> vector<16xf32>
        %reduce_or3A_374 = vector.extract %reduce_or3A_373[15] : f32 from vector<16xf32>
        %reduce_or3A_375 = arith.constant 0.000000e+00 : f32
        %reduce_or3A_376 = arith.cmpf ogt, %reduce_or3A_374, %reduce_or3A_375 : f32
        scf.yield %reduce_or3A_376 : i1
      }
      %mul3A_193 = arith.constant 80 : i32
      %mul3A_194 = arith.muli %scan3A_158, %mul3A_193 : i32
      %add3A_195 = arith.constant 16 : i32
      %add3A_196 = arith.addi %mul3A_194, %add3A_195 : i32
      %get3A_197 = arith.index_cast %scan3A_158 : i32 to index
      %get3A_198 = arith.constant 16 : index
      %get3A_199 = tpu.vector_load %arg11[%get3A_197, %get3A_198] {strides = array<i32>} : memref<250x80xi32, #tpu.memory_space<vmem>>, vector<16xi32>,
      %get3A_200 = arith.index_cast %scan3A_158 : i32 to index
      %get3A_201 = arith.constant 16 : index
      %get3A_202 = tpu.vector_load %arg12[%get3A_200, %get3A_201] {strides = array<i32>} : memref<250x80xi32, #tpu.memory_space<vmem>>, vector<16xi32>,
      %gather3A_203 = tpu.vector_load_idx %arg10[%get3A_199] : memref<20000xf32, #tpu.memory_space<vmem>>[vector<16xi32>], vector<16xf32>,
      %add3A_204 = arith.constant 10000 : i32
      %add3A_205 = vector.broadcast %add3A_204 : i32 to vector<16xi32>
      %add3A_206 = arith.addi %get3A_202, %add3A_205 : vector<16xi32>
      %gather3A_207 = tpu.vector_load_idx %arg10[%add3A_206] : memref<20000xf32, #tpu.memory_space<vmem>>[vector<16xi32>], vector<16xf32>,
      %add3A_208 = arith.addf %gather3A_203, %gather3A_207 : vector<16xf32>
      %get3A_209 = arith.index_cast %add3A_196 : i32 to index
      %get3A_210 = tpu.vector_load %arg13[%get3A_209] {strides = array<i32>} : memref<20000xf32, #tpu.memory_space<vmem>>, vector<16xf32>,
      %add3A_211 = arith.addf %add3A_208, %get3A_210 : vector<16xf32>
      %gt3A_212 = arith.constant 0.000000e+00 : f32
      %gt3A_213 = vector.broadcast %gt3A_212 : f32 to vector<16xf32>
      %gt3A_214 = arith.cmpf ogt, %add3A_211, %gt3A_213 : vector<16xf32>
      %mul3A_215 = arith.constant 2.000000e-01 : f32
      %mul3A_216 = vector.broadcast %mul3A_215 : f32 to vector<16xf32>
      %mul3A_217 = arith.mulf %mul3A_216, %add3A_211 : vector<16xf32>
      %select_n3A_218 = arith.select %gt3A_214, %add3A_211, %mul3A_217 : vector<16xi1>, vector<16xf32>
      %swap3A_219 = arith.index_cast %add3A_196 : i32 to index
      %swap3A_220 = tpu.vector_load %arg13[%swap3A_219] {strides = array<i32>} : memref<20000xf32, #tpu.memory_space<vmem>>, vector<16xf32>,
      tpu.vector_store %arg13[%swap3A_219], %select_n3A_218 {strides = array<i32>} : memref<20000xf32, #tpu.memory_space<vmem>>, vector<16xf32>,
      %gather3A_221 = tpu.vector_load_idx %arg14[%get3A_202] : memref<10240xf32, #tpu.memory_space<vmem>>[vector<16xi32>], vector<16xf32>,
      %gt3A_222 = arith.cmpf ogt, %select_n3A_218, %gather3A_221 : vector<16xf32>
      %reduce_or3A_223 = arith.constant 1.000000e+00 : f32
      %reduce_or3A_224 = arith.constant 0.000000e+00 : f32
      %reduce_or3A_225 = vector.broadcast %reduce_or3A_223 : f32 to vector<16xf32>
      %reduce_or3A_226 = vector.broadcast %reduce_or3A_224 : f32 to vector<16xf32>
      %reduce_or3A_227 = arith.select %gt3A_222, %reduce_or3A_225, %reduce_or3A_226 : vector<16xi1>, vector<16xf32>
      %reduce_or3A_228 = arith.constant true
      %reduce_or3A_229 = vector.broadcast %reduce_or3A_228 : i1 to vector<16xi1>
      %reduce_or3A_230 = tpu.scan <max>, %reduce_or3A_227 masked %reduce_or3A_229 : vector<16xf32>, vector<16xi1> -> vector<16xf32>
      %reduce_or3A_231 = vector.extract %reduce_or3A_230[15] : f32 from vector<16xf32>
      %reduce_or3A_232 = arith.constant 0.000000e+00 : f32
      %reduce_or3A_233 = arith.cmpf ogt, %reduce_or3A_231, %reduce_or3A_232 : f32
      %while3A_234 = scf.while (%while3A_361 = %reduce_or3A_233) : (i1) -> i1 {
        scf.condition(%while3A_361) %while3A_361 : i1
      } do {
      ^bb0(%while3A_361: i1):
        %gather3A_362 = tpu.vector_load_idx %arg14[%get3A_202] : memref<10240xf32, #tpu.memory_space<vmem>>[vector<16xi32>], vector<16xf32>,
        %gt3A_363 = arith.cmpf ogt, %select_n3A_218, %gather3A_362 : vector<16xf32>
        tpu.vector_store_idx %arg14[%get3A_202], %select_n3A_218 masked %gt3A_363 : memref<10240xf32, #tpu.memory_space<vmem>>[vector<16xi32>], vector<16xf32>, vector<16xi1>
        %gather3A_364 = tpu.vector_load_idx %arg14[%get3A_202] : memref<10240xf32, #tpu.memory_space<vmem>>[vector<16xi32>], vector<16xf32>,
        %gt3A_365 = arith.cmpf ogt, %select_n3A_218, %gather3A_364 : vector<16xf32>
        %reduce_or3A_366 = arith.constant 1.000000e+00 : f32
        %reduce_or3A_367 = arith.constant 0.000000e+00 : f32
        %reduce_or3A_368 = vector.broadcast %reduce_or3A_366 : f32 to vector<16xf32>
        %reduce_or3A_369 = vector.broadcast %reduce_or3A_367 : f32 to vector<16xf32>
        %reduce_or3A_370 = arith.select %gt3A_365, %reduce_or3A_368, %reduce_or3A_369 : vector<16xi1>, vector<16xf32>
        %reduce_or3A_371 = arith.constant true
        %reduce_or3A_372 = vector.broadcast %reduce_or3A_371 : i1 to vector<16xi1>
        %reduce_or3A_373 = tpu.scan <max>, %reduce_or3A_370 masked %reduce_or3A_372 : vector<16xf32>, vector<16xi1> -> vector<16xf32>
        %reduce_or3A_374 = vector.extract %reduce_or3A_373[15] : f32 from vector<16xf32>
        %reduce_or3A_375 = arith.constant 0.000000e+00 : f32
        %reduce_or3A_376 = arith.cmpf ogt, %reduce_or3A_374, %reduce_or3A_375 : f32
        scf.yield %reduce_or3A_376 : i1
      }
      %mul3A_235 = arith.constant 80 : i32
      %mul3A_236 = arith.muli %scan3A_158, %mul3A_235 : i32
      %add3A_237 = arith.constant 32 : i32
      %add3A_238 = arith.addi %mul3A_236, %add3A_237 : i32
      %get3A_239 = arith.index_cast %scan3A_158 : i32 to index
      %get3A_240 = arith.constant 32 : index
      %get3A_241 = tpu.vector_load %arg11[%get3A_239, %get3A_240] {strides = array<i32>} : memref<250x80xi32, #tpu.memory_space<vmem>>, vector<16xi32>,
      %get3A_242 = arith.index_cast %scan3A_158 : i32 to index
      %get3A_243 = arith.constant 32 : index
      %get3A_244 = tpu.vector_load %arg12[%get3A_242, %get3A_243] {strides = array<i32>} : memref<250x80xi32, #tpu.memory_space<vmem>>, vector<16xi32>,
      %gather3A_245 = tpu.vector_load_idx %arg10[%get3A_241] : memref<20000xf32, #tpu.memory_space<vmem>>[vector<16xi32>], vector<16xf32>,
      %add3A_246 = arith.constant 10000 : i32
      %add3A_247 = vector.broadcast %add3A_246 : i32 to vector<16xi32>
      %add3A_248 = arith.addi %get3A_244, %add3A_247 : vector<16xi32>
      %gather3A_249 = tpu.vector_load_idx %arg10[%add3A_248] : memref<20000xf32, #tpu.memory_space<vmem>>[vector<16xi32>], vector<16xf32>,
      %add3A_250 = arith.addf %gather3A_245, %gather3A_249 : vector<16xf32>
      %get3A_251 = arith.index_cast %add3A_238 : i32 to index
      %get3A_252 = tpu.vector_load %arg13[%get3A_251] {strides = array<i32>} : memref<20000xf32, #tpu.memory_space<vmem>>, vector<16xf32>,
      %add3A_253 = arith.addf %add3A_250, %get3A_252 : vector<16xf32>
      %gt3A_254 = arith.constant 0.000000e+00 : f32
      %gt3A_255 = vector.broadcast %gt3A_254 : f32 to vector<16xf32>
      %gt3A_256 = arith.cmpf ogt, %add3A_253, %gt3A_255 : vector<16xf32>
      %mul3A_257 = arith.constant 2.000000e-01 : f32
      %mul3A_258 = vector.broadcast %mul3A_257 : f32 to vector<16xf32>
      %mul3A_259 = arith.mulf %mul3A_258, %add3A_253 : vector<16xf32>
      %select_n3A_260 = arith.select %gt3A_256, %add3A_253, %mul3A_259 : vector<16xi1>, vector<16xf32>
      %swap3A_261 = arith.index_cast %add3A_238 : i32 to index
      %swap3A_262 = tpu.vector_load %arg13[%swap3A_261] {strides = array<i32>} : memref<20000xf32, #tpu.memory_space<vmem>>, vector<16xf32>,
      tpu.vector_store %arg13[%swap3A_261], %select_n3A_260 {strides = array<i32>} : memref<20000xf32, #tpu.memory_space<vmem>>, vector<16xf32>,
      %gather3A_263 = tpu.vector_load_idx %arg14[%get3A_244] : memref<10240xf32, #tpu.memory_space<vmem>>[vector<16xi32>], vector<16xf32>,
      %gt3A_264 = arith.cmpf ogt, %select_n3A_260, %gather3A_263 : vector<16xf32>
      %reduce_or3A_265 = arith.constant 1.000000e+00 : f32
      %reduce_or3A_266 = arith.constant 0.000000e+00 : f32
      %reduce_or3A_267 = vector.broadcast %reduce_or3A_265 : f32 to vector<16xf32>
      %reduce_or3A_268 = vector.broadcast %reduce_or3A_266 : f32 to vector<16xf32>
      %reduce_or3A_269 = arith.select %gt3A_264, %reduce_or3A_267, %reduce_or3A_268 : vector<16xi1>, vector<16xf32>
      %reduce_or3A_270 = arith.constant true
      %reduce_or3A_271 = vector.broadcast %reduce_or3A_270 : i1 to vector<16xi1>
      %reduce_or3A_272 = tpu.scan <max>, %reduce_or3A_269 masked %reduce_or3A_271 : vector<16xf32>, vector<16xi1> -> vector<16xf32>
      %reduce_or3A_273 = vector.extract %reduce_or3A_272[15] : f32 from vector<16xf32>
      %reduce_or3A_274 = arith.constant 0.000000e+00 : f32
      %reduce_or3A_275 = arith.cmpf ogt, %reduce_or3A_273, %reduce_or3A_274 : f32
      %while3A_276 = scf.while (%while3A_361 = %reduce_or3A_275) : (i1) -> i1 {
        scf.condition(%while3A_361) %while3A_361 : i1
      } do {
      ^bb0(%while3A_361: i1):
        %gather3A_362 = tpu.vector_load_idx %arg14[%get3A_244] : memref<10240xf32, #tpu.memory_space<vmem>>[vector<16xi32>], vector<16xf32>,
        %gt3A_363 = arith.cmpf ogt, %select_n3A_260, %gather3A_362 : vector<16xf32>
        tpu.vector_store_idx %arg14[%get3A_244], %select_n3A_260 masked %gt3A_363 : memref<10240xf32, #tpu.memory_space<vmem>>[vector<16xi32>], vector<16xf32>, vector<16xi1>
        %gather3A_364 = tpu.vector_load_idx %arg14[%get3A_244] : memref<10240xf32, #tpu.memory_space<vmem>>[vector<16xi32>], vector<16xf32>,
        %gt3A_365 = arith.cmpf ogt, %select_n3A_260, %gather3A_364 : vector<16xf32>
        %reduce_or3A_366 = arith.constant 1.000000e+00 : f32
        %reduce_or3A_367 = arith.constant 0.000000e+00 : f32
        %reduce_or3A_368 = vector.broadcast %reduce_or3A_366 : f32 to vector<16xf32>
        %reduce_or3A_369 = vector.broadcast %reduce_or3A_367 : f32 to vector<16xf32>
        %reduce_or3A_370 = arith.select %gt3A_365, %reduce_or3A_368, %reduce_or3A_369 : vector<16xi1>, vector<16xf32>
        %reduce_or3A_371 = arith.constant true
        %reduce_or3A_372 = vector.broadcast %reduce_or3A_371 : i1 to vector<16xi1>
        %reduce_or3A_373 = tpu.scan <max>, %reduce_or3A_370 masked %reduce_or3A_372 : vector<16xf32>, vector<16xi1> -> vector<16xf32>
        %reduce_or3A_374 = vector.extract %reduce_or3A_373[15] : f32 from vector<16xf32>
        %reduce_or3A_375 = arith.constant 0.000000e+00 : f32
        %reduce_or3A_376 = arith.cmpf ogt, %reduce_or3A_374, %reduce_or3A_375 : f32
        scf.yield %reduce_or3A_376 : i1
      }
      %mul3A_277 = arith.constant 80 : i32
      %mul3A_278 = arith.muli %scan3A_158, %mul3A_277 : i32
      %add3A_279 = arith.constant 48 : i32
      %add3A_280 = arith.addi %mul3A_278, %add3A_279 : i32
      %get3A_281 = arith.index_cast %scan3A_158 : i32 to index
      %get3A_282 = arith.constant 48 : index
      %get3A_283 = tpu.vector_load %arg11[%get3A_281, %get3A_282] {strides = array<i32>} : memref<250x80xi32, #tpu.memory_space<vmem>>, vector<16xi32>,
      %get3A_284 = arith.index_cast %scan3A_158 : i32 to index
      %get3A_285 = arith.constant 48 : index
      %get3A_286 = tpu.vector_load %arg12[%get3A_284, %get3A_285] {strides = array<i32>} : memref<250x80xi32, #tpu.memory_space<vmem>>, vector<16xi32>,
      %gather3A_287 = tpu.vector_load_idx %arg10[%get3A_283] : memref<20000xf32, #tpu.memory_space<vmem>>[vector<16xi32>], vector<16xf32>,
      %add3A_288 = arith.constant 10000 : i32
      %add3A_289 = vector.broadcast %add3A_288 : i32 to vector<16xi32>
      %add3A_290 = arith.addi %get3A_286, %add3A_289 : vector<16xi32>
      %gather3A_291 = tpu.vector_load_idx %arg10[%add3A_290] : memref<20000xf32, #tpu.memory_space<vmem>>[vector<16xi32>], vector<16xf32>,
      %add3A_292 = arith.addf %gather3A_287, %gather3A_291 : vector<16xf32>
      %get3A_293 = arith.index_cast %add3A_280 : i32 to index
      %get3A_294 = tpu.vector_load %arg13[%get3A_293] {strides = array<i32>} : memref<20000xf32, #tpu.memory_space<vmem>>, vector<16xf32>,
      %add3A_295 = arith.addf %add3A_292, %get3A_294 : vector<16xf32>
      %gt3A_296 = arith.constant 0.000000e+00 : f32
      %gt3A_297 = vector.broadcast %gt3A_296 : f32 to vector<16xf32>
      %gt3A_298 = arith.cmpf ogt, %add3A_295, %gt3A_297 : vector<16xf32>
      %mul3A_299 = arith.constant 2.000000e-01 : f32
      %mul3A_300 = vector.broadcast %mul3A_299 : f32 to vector<16xf32>
      %mul3A_301 = arith.mulf %mul3A_300, %add3A_295 : vector<16xf32>
      %select_n3A_302 = arith.select %gt3A_298, %add3A_295, %mul3A_301 : vector<16xi1>, vector<16xf32>
      %swap3A_303 = arith.index_cast %add3A_280 : i32 to index
      %swap3A_304 = tpu.vector_load %arg13[%swap3A_303] {strides = array<i32>} : memref<20000xf32, #tpu.memory_space<vmem>>, vector<16xf32>,
      tpu.vector_store %arg13[%swap3A_303], %select_n3A_302 {strides = array<i32>} : memref<20000xf32, #tpu.memory_space<vmem>>, vector<16xf32>,
      %gather3A_305 = tpu.vector_load_idx %arg14[%get3A_286] : memref<10240xf32, #tpu.memory_space<vmem>>[vector<16xi32>], vector<16xf32>,
      %gt3A_306 = arith.cmpf ogt, %select_n3A_302, %gather3A_305 : vector<16xf32>
      %reduce_or3A_307 = arith.constant 1.000000e+00 : f32
      %reduce_or3A_308 = arith.constant 0.000000e+00 : f32
      %reduce_or3A_309 = vector.broadcast %reduce_or3A_307 : f32 to vector<16xf32>
      %reduce_or3A_310 = vector.broadcast %reduce_or3A_308 : f32 to vector<16xf32>
      %reduce_or3A_311 = arith.select %gt3A_306, %reduce_or3A_309, %reduce_or3A_310 : vector<16xi1>, vector<16xf32>
      %reduce_or3A_312 = arith.constant true
      %reduce_or3A_313 = vector.broadcast %reduce_or3A_312 : i1 to vector<16xi1>
      %reduce_or3A_314 = tpu.scan <max>, %reduce_or3A_311 masked %reduce_or3A_313 : vector<16xf32>, vector<16xi1> -> vector<16xf32>
      %reduce_or3A_315 = vector.extract %reduce_or3A_314[15] : f32 from vector<16xf32>
      %reduce_or3A_316 = arith.constant 0.000000e+00 : f32
      %reduce_or3A_317 = arith.cmpf ogt, %reduce_or3A_315, %reduce_or3A_316 : f32
      %while3A_318 = scf.while (%while3A_361 = %reduce_or3A_317) : (i1) -> i1 {
        scf.condition(%while3A_361) %while3A_361 : i1
      } do {
      ^bb0(%while3A_361: i1):
        %gather3A_362 = tpu.vector_load_idx %arg14[%get3A_286] : memref<10240xf32, #tpu.memory_space<vmem>>[vector<16xi32>], vector<16xf32>,
        %gt3A_363 = arith.cmpf ogt, %select_n3A_302, %gather3A_362 : vector<16xf32>
        tpu.vector_store_idx %arg14[%get3A_286], %select_n3A_302 masked %gt3A_363 : memref<10240xf32, #tpu.memory_space<vmem>>[vector<16xi32>], vector<16xf32>, vector<16xi1>
        %gather3A_364 = tpu.vector_load_idx %arg14[%get3A_286] : memref<10240xf32, #tpu.memory_space<vmem>>[vector<16xi32>], vector<16xf32>,
        %gt3A_365 = arith.cmpf ogt, %select_n3A_302, %gather3A_364 : vector<16xf32>
        %reduce_or3A_366 = arith.constant 1.000000e+00 : f32
        %reduce_or3A_367 = arith.constant 0.000000e+00 : f32
        %reduce_or3A_368 = vector.broadcast %reduce_or3A_366 : f32 to vector<16xf32>
        %reduce_or3A_369 = vector.broadcast %reduce_or3A_367 : f32 to vector<16xf32>
        %reduce_or3A_370 = arith.select %gt3A_365, %reduce_or3A_368, %reduce_or3A_369 : vector<16xi1>, vector<16xf32>
        %reduce_or3A_371 = arith.constant true
        %reduce_or3A_372 = vector.broadcast %reduce_or3A_371 : i1 to vector<16xi1>
        %reduce_or3A_373 = tpu.scan <max>, %reduce_or3A_370 masked %reduce_or3A_372 : vector<16xf32>, vector<16xi1> -> vector<16xf32>
        %reduce_or3A_374 = vector.extract %reduce_or3A_373[15] : f32 from vector<16xf32>
        %reduce_or3A_375 = arith.constant 0.000000e+00 : f32
        %reduce_or3A_376 = arith.cmpf ogt, %reduce_or3A_374, %reduce_or3A_375 : f32
        scf.yield %reduce_or3A_376 : i1
      }
      %mul3A_319 = arith.constant 80 : i32
      %mul3A_320 = arith.muli %scan3A_158, %mul3A_319 : i32
      %add3A_321 = arith.constant 64 : i32
      %add3A_322 = arith.addi %mul3A_320, %add3A_321 : i32
      %get3A_323 = arith.index_cast %scan3A_158 : i32 to index
      %get3A_324 = arith.constant 64 : index
      %get3A_325 = tpu.vector_load %arg11[%get3A_323, %get3A_324] {strides = array<i32>} : memref<250x80xi32, #tpu.memory_space<vmem>>, vector<16xi32>,
      %get3A_326 = arith.index_cast %scan3A_158 : i32 to index
      %get3A_327 = arith.constant 64 : index
      %get3A_328 = tpu.vector_load %arg12[%get3A_326, %get3A_327] {strides = array<i32>} : memref<250x80xi32, #tpu.memory_space<vmem>>, vector<16xi32>,
      %gather3A_329 = tpu.vector_load_idx %arg10[%get3A_325] : memref<20000xf32, #tpu.memory_space<vmem>>[vector<16xi32>], vector<16xf32>,
      %add3A_330 = arith.constant 10000 : i32
      %add3A_331 = vector.broadcast %add3A_330 : i32 to vector<16xi32>
      %add3A_332 = arith.addi %get3A_328, %add3A_331 : vector<16xi32>
      %gather3A_333 = tpu.vector_load_idx %arg10[%add3A_332] : memref<20000xf32, #tpu.memory_space<vmem>>[vector<16xi32>], vector<16xf32>,
      %add3A_334 = arith.addf %gather3A_329, %gather3A_333 : vector<16xf32>
      %get3A_335 = arith.index_cast %add3A_322 : i32 to index
      %get3A_336 = tpu.vector_load %arg13[%get3A_335] {strides = array<i32>} : memref<20000xf32, #tpu.memory_space<vmem>>, vector<16xf32>,
      %add3A_337 = arith.addf %add3A_334, %get3A_336 : vector<16xf32>
      %gt3A_338 = arith.constant 0.000000e+00 : f32
      %gt3A_339 = vector.broadcast %gt3A_338 : f32 to vector<16xf32>
      %gt3A_340 = arith.cmpf ogt, %add3A_337, %gt3A_339 : vector<16xf32>
      %mul3A_341 = arith.constant 2.000000e-01 : f32
      %mul3A_342 = vector.broadcast %mul3A_341 : f32 to vector<16xf32>
      %mul3A_343 = arith.mulf %mul3A_342, %add3A_337 : vector<16xf32>
      %select_n3A_344 = arith.select %gt3A_340, %add3A_337, %mul3A_343 : vector<16xi1>, vector<16xf32>
      %swap3A_345 = arith.index_cast %add3A_322 : i32 to index
      %swap3A_346 = tpu.vector_load %arg13[%swap3A_345] {strides = array<i32>} : memref<20000xf32, #tpu.memory_space<vmem>>, vector<16xf32>,
      tpu.vector_store %arg13[%swap3A_345], %select_n3A_344 {strides = array<i32>} : memref<20000xf32, #tpu.memory_space<vmem>>, vector<16xf32>,
      %gather3A_347 = tpu.vector_load_idx %arg14[%get3A_328] : memref<10240xf32, #tpu.memory_space<vmem>>[vector<16xi32>], vector<16xf32>,
      %gt3A_348 = arith.cmpf ogt, %select_n3A_344, %gather3A_347 : vector<16xf32>
      %reduce_or3A_349 = arith.constant 1.000000e+00 : f32
      %reduce_or3A_350 = arith.constant 0.000000e+00 : f32
      %reduce_or3A_351 = vector.broadcast %reduce_or3A_349 : f32 to vector<16xf32>
      %reduce_or3A_352 = vector.broadcast %reduce_or3A_350 : f32 to vector<16xf32>
      %reduce_or3A_353 = arith.select %gt3A_348, %reduce_or3A_351, %reduce_or3A_352 : vector<16xi1>, vector<16xf32>
      %reduce_or3A_354 = arith.constant true
      %reduce_or3A_355 = vector.broadcast %reduce_or3A_354 : i1 to vector<16xi1>
      %reduce_or3A_356 = tpu.scan <max>, %reduce_or3A_353 masked %reduce_or3A_355 : vector<16xf32>, vector<16xi1> -> vector<16xf32>
      %reduce_or3A_357 = vector.extract %reduce_or3A_356[15] : f32 from vector<16xf32>
      %reduce_or3A_358 = arith.constant 0.000000e+00 : f32
      %reduce_or3A_359 = arith.cmpf ogt, %reduce_or3A_357, %reduce_or3A_358 : f32
      %while3A_360 = scf.while (%while3A_361 = %reduce_or3A_359) : (i1) -> i1 {
        scf.condition(%while3A_361) %while3A_361 : i1
      } do {
      ^bb0(%while3A_361: i1):
        %gather3A_362 = tpu.vector_load_idx %arg14[%get3A_328] : memref<10240xf32, #tpu.memory_space<vmem>>[vector<16xi32>], vector<16xf32>,
        %gt3A_363 = arith.cmpf ogt, %select_n3A_344, %gather3A_362 : vector<16xf32>
        tpu.vector_store_idx %arg14[%get3A_328], %select_n3A_344 masked %gt3A_363 : memref<10240xf32, #tpu.memory_space<vmem>>[vector<16xi32>], vector<16xf32>, vector<16xi1>
        %gather3A_364 = tpu.vector_load_idx %arg14[%get3A_328] : memref<10240xf32, #tpu.memory_space<vmem>>[vector<16xi32>], vector<16xf32>,
        %gt3A_365 = arith.cmpf ogt, %select_n3A_344, %gather3A_364 : vector<16xf32>
        %reduce_or3A_366 = arith.constant 1.000000e+00 : f32
        %reduce_or3A_367 = arith.constant 0.000000e+00 : f32
        %reduce_or3A_368 = vector.broadcast %reduce_or3A_366 : f32 to vector<16xf32>
        %reduce_or3A_369 = vector.broadcast %reduce_or3A_367 : f32 to vector<16xf32>
        %reduce_or3A_370 = arith.select %gt3A_365, %reduce_or3A_368, %reduce_or3A_369 : vector<16xi1>, vector<16xf32>
        %reduce_or3A_371 = arith.constant true
        %reduce_or3A_372 = vector.broadcast %reduce_or3A_371 : i1 to vector<16xi1>
        %reduce_or3A_373 = tpu.scan <max>, %reduce_or3A_370 masked %reduce_or3A_372 : vector<16xf32>, vector<16xi1> -> vector<16xf32>
        %reduce_or3A_374 = vector.extract %reduce_or3A_373[15] : f32 from vector<16xf32>
        %reduce_or3A_375 = arith.constant 0.000000e+00 : f32
        %reduce_or3A_376 = arith.cmpf ogt, %reduce_or3A_374, %reduce_or3A_375 : f32
        scf.yield %reduce_or3A_376 : i1
      }
    }
    %scan3A_18 = arith.constant 250 : i32
    %scan3A_19 = arith.constant 0 : i32
    %scan3A_20 = arith.constant 0 : i32
    %scan3A_21 = arith.constant 4 : i32
    %scan3A_22 = arith.addi %scan3A_20, %scan3A_21 : i32
    %scan3A_23 = arith.constant 1 : i32
    scf.for %scan3A_158 = %scan3A_20 to %scan3A_22 step %scan3A_23  : i32 {
      %mul3A_159 = arith.constant 2560 : i32
      %mul3A_160 = arith.muli %scan3A_158, %mul3A_159 : i32
      "tpu.region"() ({
        %run_scoped3A_177 = tpu.sem_alloc : memref<!tpu.dma_semaphore, #tpu.memory_space<semaphore_mem>>
        %dma_start3A = tpu.memref_slice %arg14[%mul3A_160] : memref<10240xf32, #tpu.memory_space<vmem>> -> memref<2560xf32, #tpu.memory_space<vmem>>
        %dma_start3A_178 = arith.constant 0 : i32
        %dma_start3A_179 = tpu.memref_slice %arg21[%arg1, %dma_start3A_178] : memref<16x2560xf32, #tpu.memory_space<vmem_shared>> -> memref<1x2560xf32, #tpu.memory_space<vmem_shared>>
        %dma_start3A_180 = tpu.memref_squeeze %dma_start3A_179 : memref<1x2560xf32, #tpu.memory_space<vmem_shared>> -> memref<2560xf32, #tpu.memory_space<vmem_shared>>
        %dma_start3A_181 = arith.constant 0 : i32
        %dma_start3A_182 = tpu.memref_slice %arg21[%arg1, %dma_start3A_181] : memref<16x2560xf32, #tpu.memory_space<vmem_shared>> -> memref<1x2560xf32, #tpu.memory_space<vmem_shared>>
        %dma_start3A_183 = tpu.memref_squeeze %dma_start3A_182 : memref<1x2560xf32, #tpu.memory_space<vmem_shared>> -> memref<2560xf32, #tpu.memory_space<vmem_shared>>
        %dma_start3A_184 = tpu.memref_slice %arg14[%mul3A_160] : memref<10240xf32, #tpu.memory_space<vmem>> -> memref<2560xf32, #tpu.memory_space<vmem>>
        tpu.enqueue_dma source(%dma_start3A_184 : memref<2560xf32, #tpu.memory_space<vmem>>) target(%dma_start3A_183 : memref<2560xf32, #tpu.memory_space<vmem_shared>>) target_semaphore(%run_scoped3A_177 : memref<!tpu.dma_semaphore, #tpu.memory_space<semaphore_mem>>)
        %dma_wait3A_185 = tpu.memref_slice %arg14[%mul3A_160] : memref<10240xf32, #tpu.memory_space<vmem>> -> memref<2560xf32, #tpu.memory_space<vmem>>
        %dma_wait3A_186 = arith.constant 0 : i32
        %dma_wait3A_187 = tpu.memref_slice %arg21[%arg1, %dma_wait3A_186] : memref<16x2560xf32, #tpu.memory_space<vmem_shared>> -> memref<1x2560xf32, #tpu.memory_space<vmem_shared>>
        %dma_wait3A_188 = tpu.memref_squeeze %dma_wait3A_187 : memref<1x2560xf32, #tpu.memory_space<vmem_shared>> -> memref<2560xf32, #tpu.memory_space<vmem_shared>>
        %dma_wait3A_189 = arith.constant 0 : i32
        %dma_wait3A_190 = tpu.memref_slice %arg21[%arg1, %dma_wait3A_189] : memref<16x2560xf32, #tpu.memory_space<vmem_shared>> -> memref<1x2560xf32, #tpu.memory_space<vmem_shared>>
        %dma_wait3A_191 = tpu.memref_squeeze %dma_wait3A_190 : memref<1x2560xf32, #tpu.memory_space<vmem_shared>> -> memref<2560xf32, #tpu.memory_space<vmem_shared>>
        %dma_wait3A_192 = tpu.memref_slice %arg14[%mul3A_160] : memref<10240xf32, #tpu.memory_space<vmem>> -> memref<2560xf32, #tpu.memory_space<vmem>>
        tpu.wait_dma2 semaphore(%run_scoped3A_177 : memref<!tpu.dma_semaphore, #tpu.memory_space<semaphore_mem>>) src(%dma_wait3A_192 : memref<2560xf32, #tpu.memory_space<vmem>>) dst(%dma_wait3A_191 : memref<2560xf32, #tpu.memory_space<vmem_shared>>)
        tpu.yield
      }) : () -> ()
      %barrier3A_161 = arith.constant 0 : index
      tpu.barrier barrier_id(%barrier3A_161)
      %mul3A_162 = arith.constant 160 : i32
      %mul3A_163 = arith.muli %arg1, %mul3A_162 : i32
      %run_scoped3A_164 = arith.constant 0 : i32
      "tpu.region"() ({
        %run_scoped3A_177 = tpu.sem_alloc : memref<!tpu.dma_semaphore, #tpu.memory_space<semaphore_mem>>
        %dma_start3A = tpu.memref_slice %arg21[%run_scoped3A_164, %mul3A_163] : memref<16x2560xf32, #tpu.memory_space<vmem_shared>> -> memref<1x160xf32, #tpu.memory_space<vmem_shared>>
        %dma_start3A_178 = tpu.memref_squeeze %dma_start3A : memref<1x160xf32, #tpu.memory_space<vmem_shared>> -> memref<160xf32, #tpu.memory_space<vmem_shared>>
        %dma_start3A_179 = tpu.memref_slice %arg21[%run_scoped3A_164, %mul3A_163] : memref<16x2560xf32, #tpu.memory_space<vmem_shared>> -> memref<1x160xf32, #tpu.memory_space<vmem_shared>>
        %dma_start3A_180 = tpu.memref_squeeze %dma_start3A_179 : memref<1x160xf32, #tpu.memory_space<vmem_shared>> -> memref<160xf32, #tpu.memory_space<vmem_shared>>
        tpu.enqueue_dma source(%dma_start3A_180 : memref<160xf32, #tpu.memory_space<vmem_shared>>) target(%arg19 : memref<160xf32, #tpu.memory_space<vmem>>) target_semaphore(%run_scoped3A_177 : memref<!tpu.dma_semaphore, #tpu.memory_space<semaphore_mem>>)
        %dma_wait3A_181 = tpu.memref_slice %arg21[%run_scoped3A_164, %mul3A_163] : memref<16x2560xf32, #tpu.memory_space<vmem_shared>> -> memref<1x160xf32, #tpu.memory_space<vmem_shared>>
        %dma_wait3A_182 = tpu.memref_squeeze %dma_wait3A_181 : memref<1x160xf32, #tpu.memory_space<vmem_shared>> -> memref<160xf32, #tpu.memory_space<vmem_shared>>
        %dma_wait3A_183 = tpu.memref_slice %arg21[%run_scoped3A_164, %mul3A_163] : memref<16x2560xf32, #tpu.memory_space<vmem_shared>> -> memref<1x160xf32, #tpu.memory_space<vmem_shared>>
        %dma_wait3A_184 = tpu.memref_squeeze %dma_wait3A_183 : memref<1x160xf32, #tpu.memory_space<vmem_shared>> -> memref<160xf32, #tpu.memory_space<vmem_shared>>
        tpu.wait_dma2 semaphore(%run_scoped3A_177 : memref<!tpu.dma_semaphore, #tpu.memory_space<semaphore_mem>>) src(%dma_wait3A_184 : memref<160xf32, #tpu.memory_space<vmem_shared>>) dst(%arg19 : memref<160xf32, #tpu.memory_space<vmem>>)
        tpu.yield
      }) : () -> ()
      %scan3A_165 = arith.constant 0 : i32
      %scan3A_166 = arith.constant 1 : i32
      %scan3A_167 = arith.constant 15 : i32
      %scan3A_168 = arith.addi %scan3A_166, %scan3A_167 : i32
      %scan3A_169 = arith.constant 1 : i32
      scf.for %scan3A_177 = %scan3A_166 to %scan3A_168 step %scan3A_169  : i32 {
        "tpu.region"() ({
          %run_scoped3A_184 = tpu.sem_alloc : memref<!tpu.dma_semaphore, #tpu.memory_space<semaphore_mem>>
          %dma_start3A = tpu.memref_slice %arg21[%scan3A_177, %mul3A_163] : memref<16x2560xf32, #tpu.memory_space<vmem_shared>> -> memref<1x160xf32, #tpu.memory_space<vmem_shared>>
          %dma_start3A_185 = tpu.memref_squeeze %dma_start3A : memref<1x160xf32, #tpu.memory_space<vmem_shared>> -> memref<160xf32, #tpu.memory_space<vmem_shared>>
          %dma_start3A_186 = tpu.memref_slice %arg21[%scan3A_177, %mul3A_163] : memref<16x2560xf32, #tpu.memory_space<vmem_shared>> -> memref<1x160xf32, #tpu.memory_space<vmem_shared>>
          %dma_start3A_187 = tpu.memref_squeeze %dma_start3A_186 : memref<1x160xf32, #tpu.memory_space<vmem_shared>> -> memref<160xf32, #tpu.memory_space<vmem_shared>>
          tpu.enqueue_dma source(%dma_start3A_187 : memref<160xf32, #tpu.memory_space<vmem_shared>>) target(%arg20 : memref<160xf32, #tpu.memory_space<vmem>>) target_semaphore(%run_scoped3A_184 : memref<!tpu.dma_semaphore, #tpu.memory_space<semaphore_mem>>)
          %dma_wait3A_188 = tpu.memref_slice %arg21[%scan3A_177, %mul3A_163] : memref<16x2560xf32, #tpu.memory_space<vmem_shared>> -> memref<1x160xf32, #tpu.memory_space<vmem_shared>>
          %dma_wait3A_189 = tpu.memref_squeeze %dma_wait3A_188 : memref<1x160xf32, #tpu.memory_space<vmem_shared>> -> memref<160xf32, #tpu.memory_space<vmem_shared>>
          %dma_wait3A_190 = tpu.memref_slice %arg21[%scan3A_177, %mul3A_163] : memref<16x2560xf32, #tpu.memory_space<vmem_shared>> -> memref<1x160xf32, #tpu.memory_space<vmem_shared>>
          %dma_wait3A_191 = tpu.memref_squeeze %dma_wait3A_190 : memref<1x160xf32, #tpu.memory_space<vmem_shared>> -> memref<160xf32, #tpu.memory_space<vmem_shared>>
          tpu.wait_dma2 semaphore(%run_scoped3A_184 : memref<!tpu.dma_semaphore, #tpu.memory_space<semaphore_mem>>) src(%dma_wait3A_191 : memref<160xf32, #tpu.memory_space<vmem_shared>>) dst(%arg20 : memref<160xf32, #tpu.memory_space<vmem>>)
          tpu.yield
        }) : () -> ()
        %scan3A_178 = arith.constant 0 : i32
        %scan3A_179 = arith.constant 0 : i32
        %scan3A_180 = arith.constant 10 : i32
        %scan3A_181 = arith.addi %scan3A_179, %scan3A_180 : i32
        %scan3A_182 = arith.constant 1 : i32
        scf.for %scan3A_184 = %scan3A_179 to %scan3A_181 step %scan3A_182  : i32 {
          %mul3A_185 = arith.constant 16 : i32
          %mul3A_186 = arith.muli %scan3A_184, %mul3A_185 : i32
          %get3A = arith.index_cast %mul3A_186 : i32 to index
          %get3A_187 = tpu.vector_load %arg19[%get3A] {strides = array<i32>} : memref<160xf32, #tpu.memory_space<vmem>>, vector<16xf32>,
          %get3A_188 = arith.index_cast %mul3A_186 : i32 to index
          %get3A_189 = tpu.vector_load %arg20[%get3A_188] {strides = array<i32>} : memref<160xf32, #tpu.memory_space<vmem>>, vector<16xf32>,
          %max3A = arith.maximumf %get3A_187, %get3A_189 : vector<16xf32>
          %swap3A = arith.index_cast %mul3A_186 : i32 to index
          %swap3A_190 = tpu.vector_load %arg19[%swap3A] {strides = array<i32>} : memref<160xf32, #tpu.memory_space<vmem>>, vector<16xf32>,
          tpu.vector_store %arg19[%swap3A], %max3A {strides = array<i32>} : memref<160xf32, #tpu.memory_space<vmem>>, vector<16xf32>,
        }
        %scan3A_183 = arith.constant 10 : i32
      }
      %scan3A_170 = arith.constant 15 : i32
      %run_scoped3A_171 = arith.constant 0 : i32
      "tpu.region"() ({
        %run_scoped3A_177 = tpu.sem_alloc : memref<!tpu.dma_semaphore, #tpu.memory_space<semaphore_mem>>
        %dma_start3A = tpu.memref_slice %arg21[%run_scoped3A_171, %mul3A_163] : memref<16x2560xf32, #tpu.memory_space<vmem_shared>> -> memref<1x160xf32, #tpu.memory_space<vmem_shared>>
        %dma_start3A_178 = tpu.memref_squeeze %dma_start3A : memref<1x160xf32, #tpu.memory_space<vmem_shared>> -> memref<160xf32, #tpu.memory_space<vmem_shared>>
        %dma_start3A_179 = tpu.memref_slice %arg21[%run_scoped3A_171, %mul3A_163] : memref<16x2560xf32, #tpu.memory_space<vmem_shared>> -> memref<1x160xf32, #tpu.memory_space<vmem_shared>>
        %dma_start3A_180 = tpu.memref_squeeze %dma_start3A_179 : memref<1x160xf32, #tpu.memory_space<vmem_shared>> -> memref<160xf32, #tpu.memory_space<vmem_shared>>
        tpu.enqueue_dma source(%arg19 : memref<160xf32, #tpu.memory_space<vmem>>) target(%dma_start3A_180 : memref<160xf32, #tpu.memory_space<vmem_shared>>) target_semaphore(%run_scoped3A_177 : memref<!tpu.dma_semaphore, #tpu.memory_space<semaphore_mem>>)
        %dma_wait3A_181 = tpu.memref_slice %arg21[%run_scoped3A_171, %mul3A_163] : memref<16x2560xf32, #tpu.memory_space<vmem_shared>> -> memref<1x160xf32, #tpu.memory_space<vmem_shared>>
        %dma_wait3A_182 = tpu.memref_squeeze %dma_wait3A_181 : memref<1x160xf32, #tpu.memory_space<vmem_shared>> -> memref<160xf32, #tpu.memory_space<vmem_shared>>
        %dma_wait3A_183 = tpu.memref_slice %arg21[%run_scoped3A_171, %mul3A_163] : memref<16x2560xf32, #tpu.memory_space<vmem_shared>> -> memref<1x160xf32, #tpu.memory_space<vmem_shared>>
        %dma_wait3A_184 = tpu.memref_squeeze %dma_wait3A_183 : memref<1x160xf32, #tpu.memory_space<vmem_shared>> -> memref<160xf32, #tpu.memory_space<vmem_shared>>
        tpu.wait_dma2 semaphore(%run_scoped3A_177 : memref<!tpu.dma_semaphore, #tpu.memory_space<semaphore_mem>>) src(%arg19 : memref<160xf32, #tpu.memory_space<vmem>>) dst(%dma_wait3A_184 : memref<160xf32, #tpu.memory_space<vmem_shared>>)
        tpu.yield
      }) : () -> ()
      %barrier3A_172 = arith.constant 0 : index
      tpu.barrier barrier_id(%barrier3A_172)
      %mul3A_173 = arith.constant 2560 : i32
      %mul3A_174 = arith.muli %scan3A_158, %mul3A_173 : i32
      %run_scoped3A_175 = arith.constant 0 : i32
      "tpu.region"() ({
        %run_scoped3A_177 = tpu.sem_alloc : memref<!tpu.dma_semaphore, #tpu.memory_space<semaphore_mem>>
        %dma_start3A = tpu.memref_slice %arg14[%mul3A_174] : memref<10240xf32, #tpu.memory_space<vmem>> -> memref<2560xf32, #tpu.memory_space<vmem>>
        %dma_start3A_178 = arith.constant 0 : i32
        %dma_start3A_179 = tpu.memref_slice %arg21[%run_scoped3A_175, %dma_start3A_178] : memref<16x2560xf32, #tpu.memory_space<vmem_shared>> -> memref<1x2560xf32, #tpu.memory_space<vmem_shared>>
        %dma_start3A_180 = tpu.memref_squeeze %dma_start3A_179 : memref<1x2560xf32, #tpu.memory_space<vmem_shared>> -> memref<2560xf32, #tpu.memory_space<vmem_shared>>
        %dma_start3A_181 = tpu.memref_slice %arg14[%mul3A_174] : memref<10240xf32, #tpu.memory_space<vmem>> -> memref<2560xf32, #tpu.memory_space<vmem>>
        %dma_start3A_182 = arith.constant 0 : i32
        %dma_start3A_183 = tpu.memref_slice %arg21[%run_scoped3A_175, %dma_start3A_182] : memref<16x2560xf32, #tpu.memory_space<vmem_shared>> -> memref<1x2560xf32, #tpu.memory_space<vmem_shared>>
        %dma_start3A_184 = tpu.memref_squeeze %dma_start3A_183 : memref<1x2560xf32, #tpu.memory_space<vmem_shared>> -> memref<2560xf32, #tpu.memory_space<vmem_shared>>
        tpu.enqueue_dma source(%dma_start3A_184 : memref<2560xf32, #tpu.memory_space<vmem_shared>>) target(%dma_start3A_181 : memref<2560xf32, #tpu.memory_space<vmem>>) target_semaphore(%run_scoped3A_177 : memref<!tpu.dma_semaphore, #tpu.memory_space<semaphore_mem>>)
        %dma_wait3A_185 = tpu.memref_slice %arg14[%mul3A_174] : memref<10240xf32, #tpu.memory_space<vmem>> -> memref<2560xf32, #tpu.memory_space<vmem>>
        %dma_wait3A_186 = arith.constant 0 : i32
        %dma_wait3A_187 = tpu.memref_slice %arg21[%run_scoped3A_175, %dma_wait3A_186] : memref<16x2560xf32, #tpu.memory_space<vmem_shared>> -> memref<1x2560xf32, #tpu.memory_space<vmem_shared>>
        %dma_wait3A_188 = tpu.memref_squeeze %dma_wait3A_187 : memref<1x2560xf32, #tpu.memory_space<vmem_shared>> -> memref<2560xf32, #tpu.memory_space<vmem_shared>>
        %dma_wait3A_189 = tpu.memref_slice %arg14[%mul3A_174] : memref<10240xf32, #tpu.memory_space<vmem>> -> memref<2560xf32, #tpu.memory_space<vmem>>
        %dma_wait3A_190 = arith.constant 0 : i32
        %dma_wait3A_191 = tpu.memref_slice %arg21[%run_scoped3A_175, %dma_wait3A_190] : memref<16x2560xf32, #tpu.memory_space<vmem_shared>> -> memref<1x2560xf32, #tpu.memory_space<vmem_shared>>
        %dma_wait3A_192 = tpu.memref_squeeze %dma_wait3A_191 : memref<1x2560xf32, #tpu.memory_space<vmem_shared>> -> memref<2560xf32, #tpu.memory_space<vmem_shared>>
        tpu.wait_dma2 semaphore(%run_scoped3A_177 : memref<!tpu.dma_semaphore, #tpu.memory_space<semaphore_mem>>) src(%dma_wait3A_192 : memref<2560xf32, #tpu.memory_space<vmem_shared>>) dst(%dma_wait3A_189 : memref<2560xf32, #tpu.memory_space<vmem>>)
        tpu.yield
      }) : () -> ()
      %barrier3A_176 = arith.constant 0 : index
      tpu.barrier barrier_id(%barrier3A_176)
    }
    %scan3A_24 = arith.constant 4 : i32
    %broadcast_in_dim3A_25 = arith.constant 0.000000e+00 : f32
    %broadcast_in_dim3A_26 = vector.broadcast %broadcast_in_dim3A_25 : f32 to vector<16xf32>
    %scan3A_27 = arith.constant 0 : i32
    %scan3A_28 = arith.constant 0 : i32
    %scan3A_29 = arith.constant 640 : i32
    %scan3A_30 = arith.addi %scan3A_28, %scan3A_29 : i32
    %scan3A_31 = arith.constant 1 : i32
    scf.for %scan3A_158 = %scan3A_28 to %scan3A_30 step %scan3A_31  : i32 {
      %mul3A_159 = arith.constant 16 : i32
      %mul3A_160 = arith.muli %scan3A_158, %mul3A_159 : i32
      %swap3A = arith.index_cast %mul3A_160 : i32 to index
      %swap3A_161 = tpu.vector_load %arg15[%swap3A] {strides = array<i32>} : memref<10240xf32, #tpu.memory_space<vmem>>, vector<16xf32>,
      tpu.vector_store %arg15[%swap3A], %broadcast_in_dim3A_26 {strides = array<i32>} : memref<10240xf32, #tpu.memory_space<vmem>>, vector<16xf32>,
    }
    %scan3A_32 = arith.constant 640 : i32
    %eq3A = arith.constant 0 : i32
    %eq3A_33 = arith.cmpi eq, %arg1, %eq3A : i32
    %convert_element_type3A = arith.extui %eq3A_33 : i1 to i32
    %cond3A = arith.constant 0 : i32
    %cond3A_34 = arith.cmpi ne, %convert_element_type3A, %cond3A : i32
    scf.if %cond3A_34 {
      "tpu.region"() ({
        %run_scoped3A_158 = tpu.sem_alloc : memref<!tpu.dma_semaphore, #tpu.memory_space<semaphore_mem>>
        %dma_start3A = arith.constant 0 : i32
        %dma_start3A_159 = tpu.memref_slice %arg15[%dma_start3A] : memref<10240xf32, #tpu.memory_space<vmem>> -> memref<10000xf32, #tpu.memory_space<vmem>>
        %dma_start3A_160 = arith.constant 0 : i32
        %dma_start3A_161 = tpu.memref_slice %arg15[%dma_start3A_160] : memref<10240xf32, #tpu.memory_space<vmem>> -> memref<10000xf32, #tpu.memory_space<vmem>>
        tpu.enqueue_dma source(%dma_start3A_161 : memref<10000xf32, #tpu.memory_space<vmem>>) target(%arg23 : memref<10000xf32, #tpu.memory_space<vmem_shared>>) target_semaphore(%run_scoped3A_158 : memref<!tpu.dma_semaphore, #tpu.memory_space<semaphore_mem>>)
        %dma_wait3A_162 = arith.constant 0 : i32
        %dma_wait3A_163 = tpu.memref_slice %arg15[%dma_wait3A_162] : memref<10240xf32, #tpu.memory_space<vmem>> -> memref<10000xf32, #tpu.memory_space<vmem>>
        %dma_wait3A_164 = arith.constant 0 : i32
        %dma_wait3A_165 = tpu.memref_slice %arg15[%dma_wait3A_164] : memref<10240xf32, #tpu.memory_space<vmem>> -> memref<10000xf32, #tpu.memory_space<vmem>>
        tpu.wait_dma2 semaphore(%run_scoped3A_158 : memref<!tpu.dma_semaphore, #tpu.memory_space<semaphore_mem>>) src(%dma_wait3A_165 : memref<10000xf32, #tpu.memory_space<vmem>>) dst(%arg23 : memref<10000xf32, #tpu.memory_space<vmem_shared>>)
        tpu.yield
      }) : () -> ()
    } else {
    }
    %scan3A_35 = arith.constant 0 : i32
    %scan3A_36 = arith.constant 0 : i32
    %scan3A_37 = arith.constant 250 : i32
    %scan3A_38 = arith.addi %scan3A_36, %scan3A_37 : i32
    %scan3A_39 = arith.constant 1 : i32
    scf.for %scan3A_158 = %scan3A_36 to %scan3A_38 step %scan3A_39  : i32 {
      %get3A = arith.index_cast %scan3A_158 : i32 to index
      %get3A_159 = arith.constant 0 : index
      %get3A_160 = tpu.vector_load %arg12[%get3A, %get3A_159] {strides = array<i32>} : memref<250x80xi32, #tpu.memory_space<vmem>>, vector<16xi32>,
      %mul3A_161 = arith.constant 80 : i32
      %mul3A_162 = arith.muli %scan3A_158, %mul3A_161 : i32
      %add3A = arith.constant 0 : i32
      %add3A_163 = arith.addi %mul3A_162, %add3A : i32
      %gather3A = tpu.vector_load_idx %arg14[%get3A_160] : memref<10240xf32, #tpu.memory_space<vmem>>[vector<16xi32>], vector<16xf32>,
      %get3A_164 = arith.index_cast %add3A_163 : i32 to index
      %get3A_165 = tpu.vector_load %arg13[%get3A_164] {strides = array<i32>} : memref<20000xf32, #tpu.memory_space<vmem>>, vector<16xf32>,
      %sub3A = arith.subf %get3A_165, %gather3A : vector<16xf32>
      %exp3A = math.exp %sub3A : vector<16xf32>
      %swap3A = arith.index_cast %add3A_163 : i32 to index
      %swap3A_166 = tpu.vector_load %arg13[%swap3A] {strides = array<i32>} : memref<20000xf32, #tpu.memory_space<vmem>>, vector<16xf32>,
      tpu.vector_store %arg13[%swap3A], %exp3A {strides = array<i32>} : memref<20000xf32, #tpu.memory_space<vmem>>, vector<16xf32>,
      %get3A_167 = arith.index_cast %scan3A_158 : i32 to index
      %get3A_168 = arith.constant 16 : index
      %get3A_169 = tpu.vector_load %arg12[%get3A_167, %get3A_168] {strides = array<i32>} : memref<250x80xi32, #tpu.memory_space<vmem>>, vector<16xi32>,
      %mul3A_170 = arith.constant 80 : i32
      %mul3A_171 = arith.muli %scan3A_158, %mul3A_170 : i32
      %add3A_172 = arith.constant 16 : i32
      %add3A_173 = arith.addi %mul3A_171, %add3A_172 : i32
      %gather3A_174 = tpu.vector_load_idx %arg14[%get3A_169] : memref<10240xf32, #tpu.memory_space<vmem>>[vector<16xi32>], vector<16xf32>,
      %get3A_175 = arith.index_cast %add3A_173 : i32 to index
      %get3A_176 = tpu.vector_load %arg13[%get3A_175] {strides = array<i32>} : memref<20000xf32, #tpu.memory_space<vmem>>, vector<16xf32>,
      %sub3A_177 = arith.subf %get3A_176, %gather3A_174 : vector<16xf32>
      %exp3A_178 = math.exp %sub3A_177 : vector<16xf32>
      %swap3A_179 = arith.index_cast %add3A_173 : i32 to index
      %swap3A_180 = tpu.vector_load %arg13[%swap3A_179] {strides = array<i32>} : memref<20000xf32, #tpu.memory_space<vmem>>, vector<16xf32>,
      tpu.vector_store %arg13[%swap3A_179], %exp3A_178 {strides = array<i32>} : memref<20000xf32, #tpu.memory_space<vmem>>, vector<16xf32>,
      %get3A_181 = arith.index_cast %scan3A_158 : i32 to index
      %get3A_182 = arith.constant 32 : index
      %get3A_183 = tpu.vector_load %arg12[%get3A_181, %get3A_182] {strides = array<i32>} : memref<250x80xi32, #tpu.memory_space<vmem>>, vector<16xi32>,
      %mul3A_184 = arith.constant 80 : i32
      %mul3A_185 = arith.muli %scan3A_158, %mul3A_184 : i32
      %add3A_186 = arith.constant 32 : i32
      %add3A_187 = arith.addi %mul3A_185, %add3A_186 : i32
      %gather3A_188 = tpu.vector_load_idx %arg14[%get3A_183] : memref<10240xf32, #tpu.memory_space<vmem>>[vector<16xi32>], vector<16xf32>,
      %get3A_189 = arith.index_cast %add3A_187 : i32 to index
      %get3A_190 = tpu.vector_load %arg13[%get3A_189] {strides = array<i32>} : memref<20000xf32, #tpu.memory_space<vmem>>, vector<16xf32>,
      %sub3A_191 = arith.subf %get3A_190, %gather3A_188 : vector<16xf32>
      %exp3A_192 = math.exp %sub3A_191 : vector<16xf32>
      %swap3A_193 = arith.index_cast %add3A_187 : i32 to index
      %swap3A_194 = tpu.vector_load %arg13[%swap3A_193] {strides = array<i32>} : memref<20000xf32, #tpu.memory_space<vmem>>, vector<16xf32>,
      tpu.vector_store %arg13[%swap3A_193], %exp3A_192 {strides = array<i32>} : memref<20000xf32, #tpu.memory_space<vmem>>, vector<16xf32>,
      %get3A_195 = arith.index_cast %scan3A_158 : i32 to index
      %get3A_196 = arith.constant 48 : index
      %get3A_197 = tpu.vector_load %arg12[%get3A_195, %get3A_196] {strides = array<i32>} : memref<250x80xi32, #tpu.memory_space<vmem>>, vector<16xi32>,
      %mul3A_198 = arith.constant 80 : i32
      %mul3A_199 = arith.muli %scan3A_158, %mul3A_198 : i32
      %add3A_200 = arith.constant 48 : i32
      %add3A_201 = arith.addi %mul3A_199, %add3A_200 : i32
      %gather3A_202 = tpu.vector_load_idx %arg14[%get3A_197] : memref<10240xf32, #tpu.memory_space<vmem>>[vector<16xi32>], vector<16xf32>,
      %get3A_203 = arith.index_cast %add3A_201 : i32 to index
      %get3A_204 = tpu.vector_load %arg13[%get3A_203] {strides = array<i32>} : memref<20000xf32, #tpu.memory_space<vmem>>, vector<16xf32>,
      %sub3A_205 = arith.subf %get3A_204, %gather3A_202 : vector<16xf32>
      %exp3A_206 = math.exp %sub3A_205 : vector<16xf32>
      %swap3A_207 = arith.index_cast %add3A_201 : i32 to index
      %swap3A_208 = tpu.vector_load %arg13[%swap3A_207] {strides = array<i32>} : memref<20000xf32, #tpu.memory_space<vmem>>, vector<16xf32>,
      tpu.vector_store %arg13[%swap3A_207], %exp3A_206 {strides = array<i32>} : memref<20000xf32, #tpu.memory_space<vmem>>, vector<16xf32>,
      %get3A_209 = arith.index_cast %scan3A_158 : i32 to index
      %get3A_210 = arith.constant 64 : index
      %get3A_211 = tpu.vector_load %arg12[%get3A_209, %get3A_210] {strides = array<i32>} : memref<250x80xi32, #tpu.memory_space<vmem>>, vector<16xi32>,
      %mul3A_212 = arith.constant 80 : i32
      %mul3A_213 = arith.muli %scan3A_158, %mul3A_212 : i32
      %add3A_214 = arith.constant 64 : i32
      %add3A_215 = arith.addi %mul3A_213, %add3A_214 : i32
      %gather3A_216 = tpu.vector_load_idx %arg14[%get3A_211] : memref<10240xf32, #tpu.memory_space<vmem>>[vector<16xi32>], vector<16xf32>,
      %get3A_217 = arith.index_cast %add3A_215 : i32 to index
      %get3A_218 = tpu.vector_load %arg13[%get3A_217] {strides = array<i32>} : memref<20000xf32, #tpu.memory_space<vmem>>, vector<16xf32>,
      %sub3A_219 = arith.subf %get3A_218, %gather3A_216 : vector<16xf32>
      %exp3A_220 = math.exp %sub3A_219 : vector<16xf32>
      %swap3A_221 = arith.index_cast %add3A_215 : i32 to index
      %swap3A_222 = tpu.vector_load %arg13[%swap3A_221] {strides = array<i32>} : memref<20000xf32, #tpu.memory_space<vmem>>, vector<16xf32>,
      tpu.vector_store %arg13[%swap3A_221], %exp3A_220 {strides = array<i32>} : memref<20000xf32, #tpu.memory_space<vmem>>, vector<16xf32>,
    }
    %scan3A_40 = arith.constant 250 : i32
    %mul3A = arith.constant 640 : i32
    %mul3A_41 = arith.muli %arg1, %mul3A : i32
    %scan3A_42 = arith.constant 0 : i32
    %scan3A_43 = arith.constant 0 : i32
    %scan3A_44 = arith.constant 80 : i32
    %scan3A_45 = arith.addi %scan3A_43, %scan3A_44 : i32
    %scan3A_46 = arith.constant 1 : i32
    scf.for %scan3A_158 = %scan3A_43 to %scan3A_45 step %scan3A_46  : i32 {
      %swap3A = arith.index_cast %scan3A_158 : i32 to index
      %swap3A_159 = arith.constant 0 : index
      %swap3A_160 = tpu.vector_load %arg16[%swap3A, %swap3A_159] {strides = array<i32>} : memref<80x32xf32, #tpu.memory_space<vmem>>, vector<16xf32>,
      tpu.vector_store %arg16[%swap3A, %swap3A_159], %broadcast_in_dim3A_26 {strides = array<i32>} : memref<80x32xf32, #tpu.memory_space<vmem>>, vector<16xf32>,
      %swap3A_161 = arith.index_cast %scan3A_158 : i32 to index
      %swap3A_162 = arith.constant 16 : index
      %swap3A_163 = tpu.vector_load %arg16[%swap3A_161, %swap3A_162] {strides = array<i32>} : memref<80x32xf32, #tpu.memory_space<vmem>>, vector<16xf32>,
      tpu.vector_store %arg16[%swap3A_161, %swap3A_162], %broadcast_in_dim3A_26 {strides = array<i32>} : memref<80x32xf32, #tpu.memory_space<vmem>>, vector<16xf32>,
    }
    %scan3A_47 = arith.constant 80 : i32
    %scan3A_48 = arith.constant 0 : i32
    %scan3A_49 = arith.constant 0 : i32
    %scan3A_50 = arith.constant 8 : i32
    %scan3A_51 = arith.addi %scan3A_49, %scan3A_50 : i32
    %scan3A_52 = arith.constant 1 : i32
    scf.for %scan3A_158 = %scan3A_49 to %scan3A_51 step %scan3A_52  : i32 {
      %mul3A_159 = arith.constant 80 : i32
      %mul3A_160 = arith.muli %scan3A_158, %mul3A_159 : i32
      %add3A = arith.addi %mul3A_41, %mul3A_160 : i32
      %lt3A = arith.constant 10000 : i32
      %lt3A_161 = arith.cmpi slt, %add3A, %lt3A : i32
      %convert_element_type3A_162 = arith.extui %lt3A_161 : i1 to i32
      %cond3A_163 = arith.constant 0 : i32
      %cond3A_164 = arith.cmpi ne, %convert_element_type3A_162, %cond3A_163 : i32
      scf.if %cond3A_164 {
        "tpu.region"() ({
          %run_scoped3A_165 = tpu.sem_alloc : memref<!tpu.dma_semaphore, #tpu.memory_space<semaphore_mem>>
          %dma_start3A = arith.constant 0 : i32
          %dma_start3A_166 = tpu.memref_slice %arg22[%add3A, %dma_start3A] : memref<10000x32xf32, #tpu.memory_space<vmem_shared>> -> memref<80x32xf32, #tpu.memory_space<vmem_shared>>
          %dma_start3A_167 = arith.constant 0 : i32
          %dma_start3A_168 = tpu.memref_slice %arg22[%add3A, %dma_start3A_167] : memref<10000x32xf32, #tpu.memory_space<vmem_shared>> -> memref<80x32xf32, #tpu.memory_space<vmem_shared>>
          tpu.enqueue_dma source(%arg16 : memref<80x32xf32, #tpu.memory_space<vmem>>) target(%dma_start3A_168 : memref<80x32xf32, #tpu.memory_space<vmem_shared>>) target_semaphore(%run_scoped3A_165 : memref<!tpu.dma_semaphore, #tpu.memory_space<semaphore_mem>>)
          %dma_wait3A_169 = arith.constant 0 : i32
          %dma_wait3A_170 = tpu.memref_slice %arg22[%add3A, %dma_wait3A_169] : memref<10000x32xf32, #tpu.memory_space<vmem_shared>> -> memref<80x32xf32, #tpu.memory_space<vmem_shared>>
          %dma_wait3A_171 = arith.constant 0 : i32
          %dma_wait3A_172 = tpu.memref_slice %arg22[%add3A, %dma_wait3A_171] : memref<10000x32xf32, #tpu.memory_space<vmem_shared>> -> memref<80x32xf32, #tpu.memory_space<vmem_shared>>
          tpu.wait_dma2 semaphore(%run_scoped3A_165 : memref<!tpu.dma_semaphore, #tpu.memory_space<semaphore_mem>>) src(%arg16 : memref<80x32xf32, #tpu.memory_space<vmem>>) dst(%dma_wait3A_172 : memref<80x32xf32, #tpu.memory_space<vmem_shared>>)
          tpu.yield
        }) : () -> ()
      } else {
      }
    }
    %scan3A_53 = arith.constant 8 : i32
    %barrier3A = arith.constant 0 : index
    tpu.barrier barrier_id(%barrier3A)
    %eq3A_54 = arith.constant 0 : i32
    %eq3A_55 = arith.cmpi eq, %arg0, %eq3A_54 : i32
    %convert_element_type3A_56 = arith.extui %eq3A_55 : i1 to i32
    %cond3A_57 = arith.constant 0 : i32
    %cond3A_58 = arith.cmpi ne, %convert_element_type3A_56, %cond3A_57 : i32
    scf.if %cond3A_58 {
      %dma_start3A = arith.constant 0 : i32
      %dma_start3A_158 = arith.constant 0 : i32
      %dma_start3A_159 = tpu.memref_slice %arg11[%dma_start3A, %dma_start3A_158] : memref<250x80xi32, #tpu.memory_space<vmem>> -> memref<1x80xi32, #tpu.memory_space<vmem>>
      %dma_start3A_160 = tpu.memref_squeeze %dma_start3A_159 : memref<1x80xi32, #tpu.memory_space<vmem>> -> memref<80xi32, #tpu.memory_space<vmem>>
      %dma_start3A_161 = arith.constant 0 : i32
      %dma_start3A_162 = arith.constant 0 : i32
      %dma_start3A_163 = tpu.memref_slice %arg5[%dma_start3A_161, %dma_start3A_162] : memref<10000x32xf32, #tpu.memory_space<hbm>> -> memref<10000x32xf32, #tpu.memory_space<hbm>>
      tpu.enqueue_indirect_dma source(%dma_start3A_163 : memref<10000x32xf32, #tpu.memory_space<hbm>>) target(%arg16 : memref<80x32xf32, #tpu.memory_space<vmem>>) offsets(%dma_start3A_160 : memref<80xi32, #tpu.memory_space<vmem>>) semaphore(%arg24 : memref<!tpu.dma_semaphore, #tpu.memory_space<semaphore_mem>>)
    } else {
    }
    %eq3A_59 = arith.constant 1 : i32
    %eq3A_60 = arith.cmpi eq, %arg0, %eq3A_59 : i32
    %convert_element_type3A_61 = arith.extui %eq3A_60 : i1 to i32
    %cond3A_62 = arith.constant 0 : i32
    %cond3A_63 = arith.cmpi ne, %convert_element_type3A_61, %cond3A_62 : i32
    scf.if %cond3A_63 {
      %dma_start3A = arith.constant 0 : i32
      %dma_start3A_158 = arith.constant 0 : i32
      %dma_start3A_159 = tpu.memref_slice %arg11[%dma_start3A, %dma_start3A_158] : memref<250x80xi32, #tpu.memory_space<vmem>> -> memref<1x80xi32, #tpu.memory_space<vmem>>
      %dma_start3A_160 = tpu.memref_squeeze %dma_start3A_159 : memref<1x80xi32, #tpu.memory_space<vmem>> -> memref<80xi32, #tpu.memory_space<vmem>>
      %dma_start3A_161 = arith.constant 0 : i32
      %dma_start3A_162 = arith.constant 0 : i32
      %dma_start3A_163 = tpu.memref_slice %arg7[%dma_start3A_161, %dma_start3A_162] : memref<10000x32xf32, #tpu.memory_space<hbm>> -> memref<10000x32xf32, #tpu.memory_space<hbm>>
      tpu.enqueue_indirect_dma source(%dma_start3A_163 : memref<10000x32xf32, #tpu.memory_space<hbm>>) target(%arg16 : memref<80x32xf32, #tpu.memory_space<vmem>>) offsets(%dma_start3A_160 : memref<80xi32, #tpu.memory_space<vmem>>) semaphore(%arg24 : memref<!tpu.dma_semaphore, #tpu.memory_space<semaphore_mem>>)
    } else {
    }
    %scan3A_64 = arith.constant 0 : i32
    %scan3A_65 = arith.constant 0 : i32
    %scan3A_66 = arith.constant 125 : i32
    %scan3A_67 = arith.addi %scan3A_65, %scan3A_66 : i32
    %scan3A_68 = arith.constant 1 : i32
    scf.for %scan3A_158 = %scan3A_65 to %scan3A_67 step %scan3A_68  : i32 {
      %mul3A_159 = arith.constant 2 : i32
      %mul3A_160 = arith.muli %mul3A_159, %scan3A_158 : i32
      %mul3A_161 = arith.constant 2 : i32
      %mul3A_162 = arith.muli %mul3A_161, %scan3A_158 : i32
      %add3A = arith.constant 1 : i32
      %add3A_163 = arith.addi %mul3A_162, %add3A : i32
      %gt3A = arith.constant 0 : i32
      %gt3A_164 = arith.cmpi sgt, %scan3A_158, %gt3A : i32
      %convert_element_type3A_165 = arith.extui %gt3A_164 : i1 to i32
      %cond3A_166 = arith.constant 0 : i32
      %cond3A_167 = arith.cmpi ne, %convert_element_type3A_165, %cond3A_166 : i32
      scf.if %cond3A_167 {
        %dma_wait3A_241 = arith.constant 0 : i32
        %dma_wait3A_242 = arith.constant 0 : i32
        %dma_wait3A_243 = tpu.memref_slice %arg12[%dma_wait3A_241, %dma_wait3A_242] : memref<250x80xi32, #tpu.memory_space<vmem>> -> memref<1x80xi32, #tpu.memory_space<vmem>>
        %dma_wait3A_244 = tpu.memref_squeeze %dma_wait3A_243 : memref<1x80xi32, #tpu.memory_space<vmem>> -> memref<80xi32, #tpu.memory_space<vmem>>
        %dma_wait3A_245 = arith.constant 0 : i32
        %dma_wait3A_246 = arith.constant 0 : i32
        %dma_wait3A_247 = tpu.memref_slice %arg22[%dma_wait3A_245, %dma_wait3A_246] : memref<10000x32xf32, #tpu.memory_space<vmem_shared>> -> memref<10000x32xf32, #tpu.memory_space<vmem_shared>>
        tpu.wait_indirect_dma semaphore(%arg27 : memref<!tpu.dma_semaphore, #tpu.memory_space<semaphore_mem>>) src(%arg17 : memref<80x32xf32, #tpu.memory_space<vmem>>) dst(%dma_wait3A_247 : memref<10000x32xf32, #tpu.memory_space<vmem_shared>>)
        %dma_wait3A_248 = arith.constant 0 : i32
        %dma_wait3A_249 = arith.constant 0 : i32
        %dma_wait3A_250 = tpu.memref_slice %arg13[%dma_wait3A_249] : memref<20000xf32, #tpu.memory_space<vmem>> -> memref<80xf32, #tpu.memory_space<vmem>>
        %dma_wait3A_251 = arith.constant 0 : i32
        %dma_wait3A_252 = tpu.memref_slice %arg12[%dma_wait3A_248, %dma_wait3A_251] : memref<250x80xi32, #tpu.memory_space<vmem>> -> memref<1x80xi32, #tpu.memory_space<vmem>>
        %dma_wait3A_253 = tpu.memref_squeeze %dma_wait3A_252 : memref<1x80xi32, #tpu.memory_space<vmem>> -> memref<80xi32, #tpu.memory_space<vmem>>
        %dma_wait3A_254 = arith.constant 0 : i32
        %dma_wait3A_255 = tpu.memref_slice %arg23[%dma_wait3A_254] : memref<10000xf32, #tpu.memory_space<vmem_shared>> -> memref<10000xf32, #tpu.memory_space<vmem_shared>>
        tpu.wait_indirect_dma semaphore(%arg29 : memref<!tpu.dma_semaphore, #tpu.memory_space<semaphore_mem>>) src(%dma_wait3A_250 : memref<80xf32, #tpu.memory_space<vmem>>) dst(%dma_wait3A_255 : memref<10000xf32, #tpu.memory_space<vmem_shared>>)
      } else {
      }
      %eq3A_168 = arith.constant 0 : i32
      %eq3A_169 = arith.cmpi eq, %arg0, %eq3A_168 : i32
      %convert_element_type3A_170 = arith.extui %eq3A_169 : i1 to i32
      %cond3A_171 = arith.constant 0 : i32
      %cond3A_172 = arith.cmpi ne, %convert_element_type3A_170, %cond3A_171 : i32
      scf.if %cond3A_172 {
        %dma_start3A_241 = arith.constant 0 : i32
        %dma_start3A_242 = tpu.memref_slice %arg11[%add3A_163, %dma_start3A_241] : memref<250x80xi32, #tpu.memory_space<vmem>> -> memref<1x80xi32, #tpu.memory_space<vmem>>
        %dma_start3A_243 = tpu.memref_squeeze %dma_start3A_242 : memref<1x80xi32, #tpu.memory_space<vmem>> -> memref<80xi32, #tpu.memory_space<vmem>>
        %dma_start3A_244 = arith.constant 0 : i32
        %dma_start3A_245 = arith.constant 0 : i32
        %dma_start3A_246 = tpu.memref_slice %arg5[%dma_start3A_244, %dma_start3A_245] : memref<10000x32xf32, #tpu.memory_space<hbm>> -> memref<10000x32xf32, #tpu.memory_space<hbm>>
        tpu.enqueue_indirect_dma source(%dma_start3A_246 : memref<10000x32xf32, #tpu.memory_space<hbm>>) target(%arg17 : memref<80x32xf32, #tpu.memory_space<vmem>>) offsets(%dma_start3A_243 : memref<80xi32, #tpu.memory_space<vmem>>) semaphore(%arg25 : memref<!tpu.dma_semaphore, #tpu.memory_space<semaphore_mem>>)
      } else {
      }
      %eq3A_173 = arith.constant 1 : i32
      %eq3A_174 = arith.cmpi eq, %arg0, %eq3A_173 : i32
      %convert_element_type3A_175 = arith.extui %eq3A_174 : i1 to i32
      %cond3A_176 = arith.constant 0 : i32
      %cond3A_177 = arith.cmpi ne, %convert_element_type3A_175, %cond3A_176 : i32
      scf.if %cond3A_177 {
        %dma_start3A_241 = arith.constant 0 : i32
        %dma_start3A_242 = tpu.memref_slice %arg11[%add3A_163, %dma_start3A_241] : memref<250x80xi32, #tpu.memory_space<vmem>> -> memref<1x80xi32, #tpu.memory_space<vmem>>
        %dma_start3A_243 = tpu.memref_squeeze %dma_start3A_242 : memref<1x80xi32, #tpu.memory_space<vmem>> -> memref<80xi32, #tpu.memory_space<vmem>>
        %dma_start3A_244 = arith.constant 0 : i32
        %dma_start3A_245 = arith.constant 0 : i32
        %dma_start3A_246 = tpu.memref_slice %arg7[%dma_start3A_244, %dma_start3A_245] : memref<10000x32xf32, #tpu.memory_space<hbm>> -> memref<10000x32xf32, #tpu.memory_space<hbm>>
        tpu.enqueue_indirect_dma source(%dma_start3A_246 : memref<10000x32xf32, #tpu.memory_space<hbm>>) target(%arg17 : memref<80x32xf32, #tpu.memory_space<vmem>>) offsets(%dma_start3A_243 : memref<80xi32, #tpu.memory_space<vmem>>) semaphore(%arg25 : memref<!tpu.dma_semaphore, #tpu.memory_space<semaphore_mem>>)
      } else {
      }
      %dma_wait3A_178 = arith.constant 0 : i32
      %dma_wait3A_179 = arith.constant 0 : i32
      %dma_wait3A_180 = tpu.memref_slice %arg11[%dma_wait3A_178, %dma_wait3A_179] : memref<250x80xi32, #tpu.memory_space<vmem>> -> memref<1x80xi32, #tpu.memory_space<vmem>>
      %dma_wait3A_181 = tpu.memref_squeeze %dma_wait3A_180 : memref<1x80xi32, #tpu.memory_space<vmem>> -> memref<80xi32, #tpu.memory_space<vmem>>
      %dma_wait3A_182 = arith.constant 0 : i32
      %dma_wait3A_183 = arith.constant 0 : i32
      %dma_wait3A_184 = tpu.memref_slice %arg5[%dma_wait3A_182, %dma_wait3A_183] : memref<10000x32xf32, #tpu.memory_space<hbm>> -> memref<10000x32xf32, #tpu.memory_space<hbm>>
      tpu.wait_indirect_dma semaphore(%arg24 : memref<!tpu.dma_semaphore, #tpu.memory_space<semaphore_mem>>) src(%dma_wait3A_184 : memref<10000x32xf32, #tpu.memory_space<hbm>>) dst(%arg16 : memref<80x32xf32, #tpu.memory_space<vmem>>)
      %mul3A_185 = arith.constant 80 : i32
      %mul3A_186 = arith.muli %mul3A_160, %mul3A_185 : i32
      %scan3A_187 = arith.constant 0 : i32
      %scan3A_188 = arith.constant 0 : i32
      %scan3A_189 = arith.constant 20 : i32
      %scan3A_190 = arith.addi %scan3A_188, %scan3A_189 : i32
      %scan3A_191 = arith.constant 1 : i32
      scf.for %scan3A_241 = %scan3A_188 to %scan3A_190 step %scan3A_191  : i32 {
        %mul3A_242 = arith.constant 4 : i32
        %mul3A_243 = arith.muli %scan3A_241, %mul3A_242 : i32
        %add3A_244 = arith.constant 0 : i32
        %add3A_245 = arith.addi %mul3A_243, %add3A_244 : i32
        %add3A_246 = arith.addi %mul3A_186, %add3A_245 : i32
        %broadcast_in_dim3A_247 = vector.broadcast %add3A_246 : i32 to vector<16xi32>
        %gather3A = tpu.vector_load_idx %arg13[%broadcast_in_dim3A_247] : memref<20000xf32, #tpu.memory_space<vmem>>[vector<16xi32>], vector<16xf32>,
        %get3A = arith.index_cast %add3A_245 : i32 to index
        %get3A_248 = arith.constant 0 : index
        %get3A_249 = tpu.vector_load %arg16[%get3A, %get3A_248] {strides = array<i32>} : memref<80x32xf32, #tpu.memory_space<vmem>>, vector<16xf32>,
        %mul3A_250 = arith.mulf %get3A_249, %gather3A : vector<16xf32>
        %swap3A = arith.index_cast %add3A_245 : i32 to index
        %swap3A_251 = arith.constant 0 : index
        %swap3A_252 = tpu.vector_load %arg16[%swap3A, %swap3A_251] {strides = array<i32>} : memref<80x32xf32, #tpu.memory_space<vmem>>, vector<16xf32>,
        tpu.vector_store %arg16[%swap3A, %swap3A_251], %mul3A_250 {strides = array<i32>} : memref<80x32xf32, #tpu.memory_space<vmem>>, vector<16xf32>,
        %get3A_253 = arith.index_cast %add3A_245 : i32 to index
        %get3A_254 = arith.constant 16 : index
        %get3A_255 = tpu.vector_load %arg16[%get3A_253, %get3A_254] {strides = array<i32>} : memref<80x32xf32, #tpu.memory_space<vmem>>, vector<16xf32>,
        %mul3A_256 = arith.mulf %get3A_255, %gather3A : vector<16xf32>
        %swap3A_257 = arith.index_cast %add3A_245 : i32 to index
        %swap3A_258 = arith.constant 16 : index
        %swap3A_259 = tpu.vector_load %arg16[%swap3A_257, %swap3A_258] {strides = array<i32>} : memref<80x32xf32, #tpu.memory_space<vmem>>, vector<16xf32>,
        tpu.vector_store %arg16[%swap3A_257, %swap3A_258], %mul3A_256 {strides = array<i32>} : memref<80x32xf32, #tpu.memory_space<vmem>>, vector<16xf32>,
        %mul3A_260 = arith.constant 4 : i32
        %mul3A_261 = arith.muli %scan3A_241, %mul3A_260 : i32
        %add3A_262 = arith.constant 1 : i32
        %add3A_263 = arith.addi %mul3A_261, %add3A_262 : i32
        %add3A_264 = arith.addi %mul3A_186, %add3A_263 : i32
        %broadcast_in_dim3A_265 = vector.broadcast %add3A_264 : i32 to vector<16xi32>
        %gather3A_266 = tpu.vector_load_idx %arg13[%broadcast_in_dim3A_265] : memref<20000xf32, #tpu.memory_space<vmem>>[vector<16xi32>], vector<16xf32>,
        %get3A_267 = arith.index_cast %add3A_263 : i32 to index
        %get3A_268 = arith.constant 0 : index
        %get3A_269 = tpu.vector_load %arg16[%get3A_267, %get3A_268] {strides = array<i32>} : memref<80x32xf32, #tpu.memory_space<vmem>>, vector<16xf32>,
        %mul3A_270 = arith.mulf %get3A_269, %gather3A_266 : vector<16xf32>
        %swap3A_271 = arith.index_cast %add3A_263 : i32 to index
        %swap3A_272 = arith.constant 0 : index
        %swap3A_273 = tpu.vector_load %arg16[%swap3A_271, %swap3A_272] {strides = array<i32>} : memref<80x32xf32, #tpu.memory_space<vmem>>, vector<16xf32>,
        tpu.vector_store %arg16[%swap3A_271, %swap3A_272], %mul3A_270 {strides = array<i32>} : memref<80x32xf32, #tpu.memory_space<vmem>>, vector<16xf32>,
        %get3A_274 = arith.index_cast %add3A_263 : i32 to index
        %get3A_275 = arith.constant 16 : index
        %get3A_276 = tpu.vector_load %arg16[%get3A_274, %get3A_275] {strides = array<i32>} : memref<80x32xf32, #tpu.memory_space<vmem>>, vector<16xf32>,
        %mul3A_277 = arith.mulf %get3A_276, %gather3A_266 : vector<16xf32>
        %swap3A_278 = arith.index_cast %add3A_263 : i32 to index
        %swap3A_279 = arith.constant 16 : index
        %swap3A_280 = tpu.vector_load %arg16[%swap3A_278, %swap3A_279] {strides = array<i32>} : memref<80x32xf32, #tpu.memory_space<vmem>>, vector<16xf32>,
        tpu.vector_store %arg16[%swap3A_278, %swap3A_279], %mul3A_277 {strides = array<i32>} : memref<80x32xf32, #tpu.memory_space<vmem>>, vector<16xf32>,
        %mul3A_281 = arith.constant 4 : i32
        %mul3A_282 = arith.muli %scan3A_241, %mul3A_281 : i32
        %add3A_283 = arith.constant 2 : i32
        %add3A_284 = arith.addi %mul3A_282, %add3A_283 : i32
        %add3A_285 = arith.addi %mul3A_186, %add3A_284 : i32
        %broadcast_in_dim3A_286 = vector.broadcast %add3A_285 : i32 to vector<16xi32>
        %gather3A_287 = tpu.vector_load_idx %arg13[%broadcast_in_dim3A_286] : memref<20000xf32, #tpu.memory_space<vmem>>[vector<16xi32>], vector<16xf32>,
        %get3A_288 = arith.index_cast %add3A_284 : i32 to index
        %get3A_289 = arith.constant 0 : index
        %get3A_290 = tpu.vector_load %arg16[%get3A_288, %get3A_289] {strides = array<i32>} : memref<80x32xf32, #tpu.memory_space<vmem>>, vector<16xf32>,
        %mul3A_291 = arith.mulf %get3A_290, %gather3A_287 : vector<16xf32>
        %swap3A_292 = arith.index_cast %add3A_284 : i32 to index
        %swap3A_293 = arith.constant 0 : index
        %swap3A_294 = tpu.vector_load %arg16[%swap3A_292, %swap3A_293] {strides = array<i32>} : memref<80x32xf32, #tpu.memory_space<vmem>>, vector<16xf32>,
        tpu.vector_store %arg16[%swap3A_292, %swap3A_293], %mul3A_291 {strides = array<i32>} : memref<80x32xf32, #tpu.memory_space<vmem>>, vector<16xf32>,
        %get3A_295 = arith.index_cast %add3A_284 : i32 to index
        %get3A_296 = arith.constant 16 : index
        %get3A_297 = tpu.vector_load %arg16[%get3A_295, %get3A_296] {strides = array<i32>} : memref<80x32xf32, #tpu.memory_space<vmem>>, vector<16xf32>,
        %mul3A_298 = arith.mulf %get3A_297, %gather3A_287 : vector<16xf32>
        %swap3A_299 = arith.index_cast %add3A_284 : i32 to index
        %swap3A_300 = arith.constant 16 : index
        %swap3A_301 = tpu.vector_load %arg16[%swap3A_299, %swap3A_300] {strides = array<i32>} : memref<80x32xf32, #tpu.memory_space<vmem>>, vector<16xf32>,
        tpu.vector_store %arg16[%swap3A_299, %swap3A_300], %mul3A_298 {strides = array<i32>} : memref<80x32xf32, #tpu.memory_space<vmem>>, vector<16xf32>,
        %mul3A_302 = arith.constant 4 : i32
        %mul3A_303 = arith.muli %scan3A_241, %mul3A_302 : i32
        %add3A_304 = arith.constant 3 : i32
        %add3A_305 = arith.addi %mul3A_303, %add3A_304 : i32
        %add3A_306 = arith.addi %mul3A_186, %add3A_305 : i32
        %broadcast_in_dim3A_307 = vector.broadcast %add3A_306 : i32 to vector<16xi32>
        %gather3A_308 = tpu.vector_load_idx %arg13[%broadcast_in_dim3A_307] : memref<20000xf32, #tpu.memory_space<vmem>>[vector<16xi32>], vector<16xf32>,
        %get3A_309 = arith.index_cast %add3A_305 : i32 to index
        %get3A_310 = arith.constant 0 : index
        %get3A_311 = tpu.vector_load %arg16[%get3A_309, %get3A_310] {strides = array<i32>} : memref<80x32xf32, #tpu.memory_space<vmem>>, vector<16xf32>,
        %mul3A_312 = arith.mulf %get3A_311, %gather3A_308 : vector<16xf32>
        %swap3A_313 = arith.index_cast %add3A_305 : i32 to index
        %swap3A_314 = arith.constant 0 : index
        %swap3A_315 = tpu.vector_load %arg16[%swap3A_313, %swap3A_314] {strides = array<i32>} : memref<80x32xf32, #tpu.memory_space<vmem>>, vector<16xf32>,
        tpu.vector_store %arg16[%swap3A_313, %swap3A_314], %mul3A_312 {strides = array<i32>} : memref<80x32xf32, #tpu.memory_space<vmem>>, vector<16xf32>,
        %get3A_316 = arith.index_cast %add3A_305 : i32 to index
        %get3A_317 = arith.constant 16 : index
        %get3A_318 = tpu.vector_load %arg16[%get3A_316, %get3A_317] {strides = array<i32>} : memref<80x32xf32, #tpu.memory_space<vmem>>, vector<16xf32>,
        %mul3A_319 = arith.mulf %get3A_318, %gather3A_308 : vector<16xf32>
        %swap3A_320 = arith.index_cast %add3A_305 : i32 to index
        %swap3A_321 = arith.constant 16 : index
        %swap3A_322 = tpu.vector_load %arg16[%swap3A_320, %swap3A_321] {strides = array<i32>} : memref<80x32xf32, #tpu.memory_space<vmem>>, vector<16xf32>,
        tpu.vector_store %arg16[%swap3A_320, %swap3A_321], %mul3A_319 {strides = array<i32>} : memref<80x32xf32, #tpu.memory_space<vmem>>, vector<16xf32>,
      }
      %scan3A_192 = arith.constant 20 : i32
      %dma_start3A = arith.constant 0 : i32
      %dma_start3A_193 = tpu.memref_slice %arg12[%mul3A_160, %dma_start3A] : memref<250x80xi32, #tpu.memory_space<vmem>> -> memref<1x80xi32, #tpu.memory_space<vmem>>
      %dma_start3A_194 = tpu.memref_squeeze %dma_start3A_193 : memref<1x80xi32, #tpu.memory_space<vmem>> -> memref<80xi32, #tpu.memory_space<vmem>>
      %dma_start3A_195 = arith.constant 0 : i32
      %dma_start3A_196 = arith.constant 0 : i32
      %dma_start3A_197 = tpu.memref_slice %arg22[%dma_start3A_195, %dma_start3A_196] : memref<10000x32xf32, #tpu.memory_space<vmem_shared>> -> memref<10000x32xf32, #tpu.memory_space<vmem_shared>>
      tpu.enqueue_indirect_dma source(%arg16 : memref<80x32xf32, #tpu.memory_space<vmem>>) target(%dma_start3A_197 : memref<10000x32xf32, #tpu.memory_space<vmem_shared>>) offsets(%dma_start3A_194 : memref<80xi32, #tpu.memory_space<vmem>>) semaphore(%arg26 : memref<!tpu.dma_semaphore, #tpu.memory_space<semaphore_mem>>) {add = true}
      %mul3A_198 = arith.constant 80 : i32
      %mul3A_199 = arith.muli %mul3A_160, %mul3A_198 : i32
      %dma_start3A_200 = tpu.memref_slice %arg13[%mul3A_199] : memref<20000xf32, #tpu.memory_space<vmem>> -> memref<80xf32, #tpu.memory_space<vmem>>
      %dma_start3A_201 = arith.constant 0 : i32
      %dma_start3A_202 = tpu.memref_slice %arg12[%mul3A_160, %dma_start3A_201] : memref<250x80xi32, #tpu.memory_space<vmem>> -> memref<1x80xi32, #tpu.memory_space<vmem>>
      %dma_start3A_203 = tpu.memref_squeeze %dma_start3A_202 : memref<1x80xi32, #tpu.memory_space<vmem>> -> memref<80xi32, #tpu.memory_space<vmem>>
      %dma_start3A_204 = arith.constant 0 : i32
      %dma_start3A_205 = tpu.memref_slice %arg23[%dma_start3A_204] : memref<10000xf32, #tpu.memory_space<vmem_shared>> -> memref<10000xf32, #tpu.memory_space<vmem_shared>>
      tpu.enqueue_indirect_dma source(%dma_start3A_200 : memref<80xf32, #tpu.memory_space<vmem>>) target(%dma_start3A_205 : memref<10000xf32, #tpu.memory_space<vmem_shared>>) offsets(%dma_start3A_203 : memref<80xi32, #tpu.memory_space<vmem>>) semaphore(%arg28 : memref<!tpu.dma_semaphore, #tpu.memory_space<semaphore_mem>>) {add = true}
      %add3A_206 = arith.constant 1 : i32
      %add3A_207 = arith.addi %scan3A_158, %add3A_206 : i32
      %lt3A = arith.constant 125 : i32
      %lt3A_208 = arith.cmpi slt, %add3A_207, %lt3A : i32
      %convert_element_type3A_209 = arith.extui %lt3A_208 : i1 to i32
      %cond3A_210 = arith.constant 0 : i32
      %cond3A_211 = arith.cmpi ne, %convert_element_type3A_209, %cond3A_210 : i32
      scf.if %cond3A_211 {
        %dma_wait3A_241 = arith.constant 0 : i32
        %dma_wait3A_242 = arith.constant 0 : i32
        %dma_wait3A_243 = tpu.memref_slice %arg12[%dma_wait3A_241, %dma_wait3A_242] : memref<250x80xi32, #tpu.memory_space<vmem>> -> memref<1x80xi32, #tpu.memory_space<vmem>>
        %dma_wait3A_244 = tpu.memref_squeeze %dma_wait3A_243 : memref<1x80xi32, #tpu.memory_space<vmem>> -> memref<80xi32, #tpu.memory_space<vmem>>
        %dma_wait3A_245 = arith.constant 0 : i32
        %dma_wait3A_246 = arith.constant 0 : i32
        %dma_wait3A_247 = tpu.memref_slice %arg22[%dma_wait3A_245, %dma_wait3A_246] : memref<10000x32xf32, #tpu.memory_space<vmem_shared>> -> memref<10000x32xf32, #tpu.memory_space<vmem_shared>>
        tpu.wait_indirect_dma semaphore(%arg26 : memref<!tpu.dma_semaphore, #tpu.memory_space<semaphore_mem>>) src(%arg16 : memref<80x32xf32, #tpu.memory_space<vmem>>) dst(%dma_wait3A_247 : memref<10000x32xf32, #tpu.memory_space<vmem_shared>>)
        %dma_wait3A_248 = arith.constant 0 : i32
        %dma_wait3A_249 = arith.constant 0 : i32
        %dma_wait3A_250 = tpu.memref_slice %arg13[%dma_wait3A_249] : memref<20000xf32, #tpu.memory_space<vmem>> -> memref<80xf32, #tpu.memory_space<vmem>>
        %dma_wait3A_251 = arith.constant 0 : i32
        %dma_wait3A_252 = tpu.memref_slice %arg12[%dma_wait3A_248, %dma_wait3A_251] : memref<250x80xi32, #tpu.memory_space<vmem>> -> memref<1x80xi32, #tpu.memory_space<vmem>>
        %dma_wait3A_253 = tpu.memref_squeeze %dma_wait3A_252 : memref<1x80xi32, #tpu.memory_space<vmem>> -> memref<80xi32, #tpu.memory_space<vmem>>
        %dma_wait3A_254 = arith.constant 0 : i32
        %dma_wait3A_255 = tpu.memref_slice %arg23[%dma_wait3A_254] : memref<10000xf32, #tpu.memory_space<vmem_shared>> -> memref<10000xf32, #tpu.memory_space<vmem_shared>>
        tpu.wait_indirect_dma semaphore(%arg28 : memref<!tpu.dma_semaphore, #tpu.memory_space<semaphore_mem>>) src(%dma_wait3A_250 : memref<80xf32, #tpu.memory_space<vmem>>) dst(%dma_wait3A_255 : memref<10000xf32, #tpu.memory_space<vmem_shared>>)
        %add3A_256 = arith.constant 2 : i32
        %add3A_257 = arith.addi %mul3A_160, %add3A_256 : i32
        %eq3A_258 = arith.constant 0 : i32
        %eq3A_259 = arith.cmpi eq, %arg0, %eq3A_258 : i32
        %convert_element_type3A_260 = arith.extui %eq3A_259 : i1 to i32
        %cond3A_261 = arith.constant 0 : i32
        %cond3A_262 = arith.cmpi ne, %convert_element_type3A_260, %cond3A_261 : i32
        scf.if %cond3A_262 {
          %dma_start3A_268 = arith.constant 0 : i32
          %dma_start3A_269 = tpu.memref_slice %arg11[%add3A_257, %dma_start3A_268] : memref<250x80xi32, #tpu.memory_space<vmem>> -> memref<1x80xi32, #tpu.memory_space<vmem>>
          %dma_start3A_270 = tpu.memref_squeeze %dma_start3A_269 : memref<1x80xi32, #tpu.memory_space<vmem>> -> memref<80xi32, #tpu.memory_space<vmem>>
          %dma_start3A_271 = arith.constant 0 : i32
          %dma_start3A_272 = arith.constant 0 : i32
          %dma_start3A_273 = tpu.memref_slice %arg5[%dma_start3A_271, %dma_start3A_272] : memref<10000x32xf32, #tpu.memory_space<hbm>> -> memref<10000x32xf32, #tpu.memory_space<hbm>>
          tpu.enqueue_indirect_dma source(%dma_start3A_273 : memref<10000x32xf32, #tpu.memory_space<hbm>>) target(%arg16 : memref<80x32xf32, #tpu.memory_space<vmem>>) offsets(%dma_start3A_270 : memref<80xi32, #tpu.memory_space<vmem>>) semaphore(%arg24 : memref<!tpu.dma_semaphore, #tpu.memory_space<semaphore_mem>>)
        } else {
        }
        %eq3A_263 = arith.constant 1 : i32
        %eq3A_264 = arith.cmpi eq, %arg0, %eq3A_263 : i32
        %convert_element_type3A_265 = arith.extui %eq3A_264 : i1 to i32
        %cond3A_266 = arith.constant 0 : i32
        %cond3A_267 = arith.cmpi ne, %convert_element_type3A_265, %cond3A_266 : i32
        scf.if %cond3A_267 {
          %dma_start3A_268 = arith.constant 0 : i32
          %dma_start3A_269 = tpu.memref_slice %arg11[%add3A_257, %dma_start3A_268] : memref<250x80xi32, #tpu.memory_space<vmem>> -> memref<1x80xi32, #tpu.memory_space<vmem>>
          %dma_start3A_270 = tpu.memref_squeeze %dma_start3A_269 : memref<1x80xi32, #tpu.memory_space<vmem>> -> memref<80xi32, #tpu.memory_space<vmem>>
          %dma_start3A_271 = arith.constant 0 : i32
          %dma_start3A_272 = arith.constant 0 : i32
          %dma_start3A_273 = tpu.memref_slice %arg7[%dma_start3A_271, %dma_start3A_272] : memref<10000x32xf32, #tpu.memory_space<hbm>> -> memref<10000x32xf32, #tpu.memory_space<hbm>>
          tpu.enqueue_indirect_dma source(%dma_start3A_273 : memref<10000x32xf32, #tpu.memory_space<hbm>>) target(%arg16 : memref<80x32xf32, #tpu.memory_space<vmem>>) offsets(%dma_start3A_270 : memref<80xi32, #tpu.memory_space<vmem>>) semaphore(%arg24 : memref<!tpu.dma_semaphore, #tpu.memory_space<semaphore_mem>>)
        } else {
        }
      } else {
      }
      %dma_wait3A_212 = arith.constant 0 : i32
      %dma_wait3A_213 = arith.constant 0 : i32
      %dma_wait3A_214 = tpu.memref_slice %arg11[%dma_wait3A_212, %dma_wait3A_213] : memref<250x80xi32, #tpu.memory_space<vmem>> -> memref<1x80xi32, #tpu.memory_space<vmem>>
      %dma_wait3A_215 = tpu.memref_squeeze %dma_wait3A_214 : memref<1x80xi32, #tpu.memory_space<vmem>> -> memref<80xi32, #tpu.memory_space<vmem>>
      %dma_wait3A_216 = arith.constant 0 : i32
      %dma_wait3A_217 = arith.constant 0 : i32
      %dma_wait3A_218 = tpu.memref_slice %arg5[%dma_wait3A_216, %dma_wait3A_217] : memref<10000x32xf32, #tpu.memory_space<hbm>> -> memref<10000x32xf32, #tpu.memory_space<hbm>>
      tpu.wait_indirect_dma semaphore(%arg25 : memref<!tpu.dma_semaphore, #tpu.memory_space<semaphore_mem>>) src(%dma_wait3A_218 : memref<10000x32xf32, #tpu.memory_space<hbm>>) dst(%arg17 : memref<80x32xf32, #tpu.memory_space<vmem>>)
      %mul3A_219 = arith.constant 80 : i32
      %mul3A_220 = arith.muli %add3A_163, %mul3A_219 : i32
      %scan3A_221 = arith.constant 0 : i32
      %scan3A_222 = arith.constant 0 : i32
      %scan3A_223 = arith.constant 20 : i32
      %scan3A_224 = arith.addi %scan3A_222, %scan3A_223 : i32
      %scan3A_225 = arith.constant 1 : i32
      scf.for %scan3A_241 = %scan3A_222 to %scan3A_224 step %scan3A_225  : i32 {
        %mul3A_242 = arith.constant 4 : i32
        %mul3A_243 = arith.muli %scan3A_241, %mul3A_242 : i32
        %add3A_244 = arith.constant 0 : i32
        %add3A_245 = arith.addi %mul3A_243, %add3A_244 : i32
        %add3A_246 = arith.addi %mul3A_220, %add3A_245 : i32
        %broadcast_in_dim3A_247 = vector.broadcast %add3A_246 : i32 to vector<16xi32>
        %gather3A = tpu.vector_load_idx %arg13[%broadcast_in_dim3A_247] : memref<20000xf32, #tpu.memory_space<vmem>>[vector<16xi32>], vector<16xf32>,
        %get3A = arith.index_cast %add3A_245 : i32 to index
        %get3A_248 = arith.constant 0 : index
        %get3A_249 = tpu.vector_load %arg17[%get3A, %get3A_248] {strides = array<i32>} : memref<80x32xf32, #tpu.memory_space<vmem>>, vector<16xf32>,
        %mul3A_250 = arith.mulf %get3A_249, %gather3A : vector<16xf32>
        %swap3A = arith.index_cast %add3A_245 : i32 to index
        %swap3A_251 = arith.constant 0 : index
        %swap3A_252 = tpu.vector_load %arg17[%swap3A, %swap3A_251] {strides = array<i32>} : memref<80x32xf32, #tpu.memory_space<vmem>>, vector<16xf32>,
        tpu.vector_store %arg17[%swap3A, %swap3A_251], %mul3A_250 {strides = array<i32>} : memref<80x32xf32, #tpu.memory_space<vmem>>, vector<16xf32>,
        %get3A_253 = arith.index_cast %add3A_245 : i32 to index
        %get3A_254 = arith.constant 16 : index
        %get3A_255 = tpu.vector_load %arg17[%get3A_253, %get3A_254] {strides = array<i32>} : memref<80x32xf32, #tpu.memory_space<vmem>>, vector<16xf32>,
        %mul3A_256 = arith.mulf %get3A_255, %gather3A : vector<16xf32>
        %swap3A_257 = arith.index_cast %add3A_245 : i32 to index
        %swap3A_258 = arith.constant 16 : index
        %swap3A_259 = tpu.vector_load %arg17[%swap3A_257, %swap3A_258] {strides = array<i32>} : memref<80x32xf32, #tpu.memory_space<vmem>>, vector<16xf32>,
        tpu.vector_store %arg17[%swap3A_257, %swap3A_258], %mul3A_256 {strides = array<i32>} : memref<80x32xf32, #tpu.memory_space<vmem>>, vector<16xf32>,
        %mul3A_260 = arith.constant 4 : i32
        %mul3A_261 = arith.muli %scan3A_241, %mul3A_260 : i32
        %add3A_262 = arith.constant 1 : i32
        %add3A_263 = arith.addi %mul3A_261, %add3A_262 : i32
        %add3A_264 = arith.addi %mul3A_220, %add3A_263 : i32
        %broadcast_in_dim3A_265 = vector.broadcast %add3A_264 : i32 to vector<16xi32>
        %gather3A_266 = tpu.vector_load_idx %arg13[%broadcast_in_dim3A_265] : memref<20000xf32, #tpu.memory_space<vmem>>[vector<16xi32>], vector<16xf32>,
        %get3A_267 = arith.index_cast %add3A_263 : i32 to index
        %get3A_268 = arith.constant 0 : index
        %get3A_269 = tpu.vector_load %arg17[%get3A_267, %get3A_268] {strides = array<i32>} : memref<80x32xf32, #tpu.memory_space<vmem>>, vector<16xf32>,
        %mul3A_270 = arith.mulf %get3A_269, %gather3A_266 : vector<16xf32>
        %swap3A_271 = arith.index_cast %add3A_263 : i32 to index
        %swap3A_272 = arith.constant 0 : index
        %swap3A_273 = tpu.vector_load %arg17[%swap3A_271, %swap3A_272] {strides = array<i32>} : memref<80x32xf32, #tpu.memory_space<vmem>>, vector<16xf32>,
        tpu.vector_store %arg17[%swap3A_271, %swap3A_272], %mul3A_270 {strides = array<i32>} : memref<80x32xf32, #tpu.memory_space<vmem>>, vector<16xf32>,
        %get3A_274 = arith.index_cast %add3A_263 : i32 to index
        %get3A_275 = arith.constant 16 : index
        %get3A_276 = tpu.vector_load %arg17[%get3A_274, %get3A_275] {strides = array<i32>} : memref<80x32xf32, #tpu.memory_space<vmem>>, vector<16xf32>,
        %mul3A_277 = arith.mulf %get3A_276, %gather3A_266 : vector<16xf32>
        %swap3A_278 = arith.index_cast %add3A_263 : i32 to index
        %swap3A_279 = arith.constant 16 : index
        %swap3A_280 = tpu.vector_load %arg17[%swap3A_278, %swap3A_279] {strides = array<i32>} : memref<80x32xf32, #tpu.memory_space<vmem>>, vector<16xf32>,
        tpu.vector_store %arg17[%swap3A_278, %swap3A_279], %mul3A_277 {strides = array<i32>} : memref<80x32xf32, #tpu.memory_space<vmem>>, vector<16xf32>,
        %mul3A_281 = arith.constant 4 : i32
        %mul3A_282 = arith.muli %scan3A_241, %mul3A_281 : i32
        %add3A_283 = arith.constant 2 : i32
        %add3A_284 = arith.addi %mul3A_282, %add3A_283 : i32
        %add3A_285 = arith.addi %mul3A_220, %add3A_284 : i32
        %broadcast_in_dim3A_286 = vector.broadcast %add3A_285 : i32 to vector<16xi32>
        %gather3A_287 = tpu.vector_load_idx %arg13[%broadcast_in_dim3A_286] : memref<20000xf32, #tpu.memory_space<vmem>>[vector<16xi32>], vector<16xf32>,
        %get3A_288 = arith.index_cast %add3A_284 : i32 to index
        %get3A_289 = arith.constant 0 : index
        %get3A_290 = tpu.vector_load %arg17[%get3A_288, %get3A_289] {strides = array<i32>} : memref<80x32xf32, #tpu.memory_space<vmem>>, vector<16xf32>,
        %mul3A_291 = arith.mulf %get3A_290, %gather3A_287 : vector<16xf32>
        %swap3A_292 = arith.index_cast %add3A_284 : i32 to index
        %swap3A_293 = arith.constant 0 : index
        %swap3A_294 = tpu.vector_load %arg17[%swap3A_292, %swap3A_293] {strides = array<i32>} : memref<80x32xf32, #tpu.memory_space<vmem>>, vector<16xf32>,
        tpu.vector_store %arg17[%swap3A_292, %swap3A_293], %mul3A_291 {strides = array<i32>} : memref<80x32xf32, #tpu.memory_space<vmem>>, vector<16xf32>,
        %get3A_295 = arith.index_cast %add3A_284 : i32 to index
        %get3A_296 = arith.constant 16 : index
        %get3A_297 = tpu.vector_load %arg17[%get3A_295, %get3A_296] {strides = array<i32>} : memref<80x32xf32, #tpu.memory_space<vmem>>, vector<16xf32>,
        %mul3A_298 = arith.mulf %get3A_297, %gather3A_287 : vector<16xf32>
        %swap3A_299 = arith.index_cast %add3A_284 : i32 to index
        %swap3A_300 = arith.constant 16 : index
        %swap3A_301 = tpu.vector_load %arg17[%swap3A_299, %swap3A_300] {strides = array<i32>} : memref<80x32xf32, #tpu.memory_space<vmem>>, vector<16xf32>,
        tpu.vector_store %arg17[%swap3A_299, %swap3A_300], %mul3A_298 {strides = array<i32>} : memref<80x32xf32, #tpu.memory_space<vmem>>, vector<16xf32>,
        %mul3A_302 = arith.constant 4 : i32
        %mul3A_303 = arith.muli %scan3A_241, %mul3A_302 : i32
        %add3A_304 = arith.constant 3 : i32
        %add3A_305 = arith.addi %mul3A_303, %add3A_304 : i32
        %add3A_306 = arith.addi %mul3A_220, %add3A_305 : i32
        %broadcast_in_dim3A_307 = vector.broadcast %add3A_306 : i32 to vector<16xi32>
        %gather3A_308 = tpu.vector_load_idx %arg13[%broadcast_in_dim3A_307] : memref<20000xf32, #tpu.memory_space<vmem>>[vector<16xi32>], vector<16xf32>,
        %get3A_309 = arith.index_cast %add3A_305 : i32 to index
        %get3A_310 = arith.constant 0 : index
        %get3A_311 = tpu.vector_load %arg17[%get3A_309, %get3A_310] {strides = array<i32>} : memref<80x32xf32, #tpu.memory_space<vmem>>, vector<16xf32>,
        %mul3A_312 = arith.mulf %get3A_311, %gather3A_308 : vector<16xf32>
        %swap3A_313 = arith.index_cast %add3A_305 : i32 to index
        %swap3A_314 = arith.constant 0 : index
        %swap3A_315 = tpu.vector_load %arg17[%swap3A_313, %swap3A_314] {strides = array<i32>} : memref<80x32xf32, #tpu.memory_space<vmem>>, vector<16xf32>,
        tpu.vector_store %arg17[%swap3A_313, %swap3A_314], %mul3A_312 {strides = array<i32>} : memref<80x32xf32, #tpu.memory_space<vmem>>, vector<16xf32>,
        %get3A_316 = arith.index_cast %add3A_305 : i32 to index
        %get3A_317 = arith.constant 16 : index
        %get3A_318 = tpu.vector_load %arg17[%get3A_316, %get3A_317] {strides = array<i32>} : memref<80x32xf32, #tpu.memory_space<vmem>>, vector<16xf32>,
        %mul3A_319 = arith.mulf %get3A_318, %gather3A_308 : vector<16xf32>
        %swap3A_320 = arith.index_cast %add3A_305 : i32 to index
        %swap3A_321 = arith.constant 16 : index
        %swap3A_322 = tpu.vector_load %arg17[%swap3A_320, %swap3A_321] {strides = array<i32>} : memref<80x32xf32, #tpu.memory_space<vmem>>, vector<16xf32>,
        tpu.vector_store %arg17[%swap3A_320, %swap3A_321], %mul3A_319 {strides = array<i32>} : memref<80x32xf32, #tpu.memory_space<vmem>>, vector<16xf32>,
      }
      %scan3A_226 = arith.constant 20 : i32
      %dma_start3A_227 = arith.constant 0 : i32
      %dma_start3A_228 = tpu.memref_slice %arg12[%add3A_163, %dma_start3A_227] : memref<250x80xi32, #tpu.memory_space<vmem>> -> memref<1x80xi32, #tpu.memory_space<vmem>>
      %dma_start3A_229 = tpu.memref_squeeze %dma_start3A_228 : memref<1x80xi32, #tpu.memory_space<vmem>> -> memref<80xi32, #tpu.memory_space<vmem>>
      %dma_start3A_230 = arith.constant 0 : i32
      %dma_start3A_231 = arith.constant 0 : i32
      %dma_start3A_232 = tpu.memref_slice %arg22[%dma_start3A_230, %dma_start3A_231] : memref<10000x32xf32, #tpu.memory_space<vmem_shared>> -> memref<10000x32xf32, #tpu.memory_space<vmem_shared>>
      tpu.enqueue_indirect_dma source(%arg17 : memref<80x32xf32, #tpu.memory_space<vmem>>) target(%dma_start3A_232 : memref<10000x32xf32, #tpu.memory_space<vmem_shared>>) offsets(%dma_start3A_229 : memref<80xi32, #tpu.memory_space<vmem>>) semaphore(%arg27 : memref<!tpu.dma_semaphore, #tpu.memory_space<semaphore_mem>>) {add = true}
      %mul3A_233 = arith.constant 80 : i32
      %mul3A_234 = arith.muli %add3A_163, %mul3A_233 : i32
      %dma_start3A_235 = tpu.memref_slice %arg13[%mul3A_234] : memref<20000xf32, #tpu.memory_space<vmem>> -> memref<80xf32, #tpu.memory_space<vmem>>
      %dma_start3A_236 = arith.constant 0 : i32
      %dma_start3A_237 = tpu.memref_slice %arg12[%add3A_163, %dma_start3A_236] : memref<250x80xi32, #tpu.memory_space<vmem>> -> memref<1x80xi32, #tpu.memory_space<vmem>>
      %dma_start3A_238 = tpu.memref_squeeze %dma_start3A_237 : memref<1x80xi32, #tpu.memory_space<vmem>> -> memref<80xi32, #tpu.memory_space<vmem>>
      %dma_start3A_239 = arith.constant 0 : i32
      %dma_start3A_240 = tpu.memref_slice %arg23[%dma_start3A_239] : memref<10000xf32, #tpu.memory_space<vmem_shared>> -> memref<10000xf32, #tpu.memory_space<vmem_shared>>
      tpu.enqueue_indirect_dma source(%dma_start3A_235 : memref<80xf32, #tpu.memory_space<vmem>>) target(%dma_start3A_240 : memref<10000xf32, #tpu.memory_space<vmem_shared>>) offsets(%dma_start3A_238 : memref<80xi32, #tpu.memory_space<vmem>>) semaphore(%arg29 : memref<!tpu.dma_semaphore, #tpu.memory_space<semaphore_mem>>) {add = true}
    }
    %scan3A_69 = arith.constant 125 : i32
    %dma_wait3A = arith.constant 0 : i32
    %dma_wait3A_70 = arith.constant 0 : i32
    %dma_wait3A_71 = tpu.memref_slice %arg12[%dma_wait3A, %dma_wait3A_70] : memref<250x80xi32, #tpu.memory_space<vmem>> -> memref<1x80xi32, #tpu.memory_space<vmem>>
    %dma_wait3A_72 = tpu.memref_squeeze %dma_wait3A_71 : memref<1x80xi32, #tpu.memory_space<vmem>> -> memref<80xi32, #tpu.memory_space<vmem>>
    %dma_wait3A_73 = arith.constant 0 : i32
    %dma_wait3A_74 = arith.constant 0 : i32
    %dma_wait3A_75 = tpu.memref_slice %arg22[%dma_wait3A_73, %dma_wait3A_74] : memref<10000x32xf32, #tpu.memory_space<vmem_shared>> -> memref<10000x32xf32, #tpu.memory_space<vmem_shared>>
    tpu.wait_indirect_dma semaphore(%arg26 : memref<!tpu.dma_semaphore, #tpu.memory_space<semaphore_mem>>) src(%arg16 : memref<80x32xf32, #tpu.memory_space<vmem>>) dst(%dma_wait3A_75 : memref<10000x32xf32, #tpu.memory_space<vmem_shared>>)
    %dma_wait3A_76 = arith.constant 0 : i32
    %dma_wait3A_77 = arith.constant 0 : i32
    %dma_wait3A_78 = tpu.memref_slice %arg13[%dma_wait3A_77] : memref<20000xf32, #tpu.memory_space<vmem>> -> memref<80xf32, #tpu.memory_space<vmem>>
    %dma_wait3A_79 = arith.constant 0 : i32
    %dma_wait3A_80 = tpu.memref_slice %arg12[%dma_wait3A_76, %dma_wait3A_79] : memref<250x80xi32, #tpu.memory_space<vmem>> -> memref<1x80xi32, #tpu.memory_space<vmem>>
    %dma_wait3A_81 = tpu.memref_squeeze %dma_wait3A_80 : memref<1x80xi32, #tpu.memory_space<vmem>> -> memref<80xi32, #tpu.memory_space<vmem>>
    %dma_wait3A_82 = arith.constant 0 : i32
    %dma_wait3A_83 = tpu.memref_slice %arg23[%dma_wait3A_82] : memref<10000xf32, #tpu.memory_space<vmem_shared>> -> memref<10000xf32, #tpu.memory_space<vmem_shared>>
    tpu.wait_indirect_dma semaphore(%arg28 : memref<!tpu.dma_semaphore, #tpu.memory_space<semaphore_mem>>) src(%dma_wait3A_78 : memref<80xf32, #tpu.memory_space<vmem>>) dst(%dma_wait3A_83 : memref<10000xf32, #tpu.memory_space<vmem_shared>>)
    %dma_wait3A_84 = arith.constant 0 : i32
    %dma_wait3A_85 = arith.constant 0 : i32
    %dma_wait3A_86 = tpu.memref_slice %arg12[%dma_wait3A_84, %dma_wait3A_85] : memref<250x80xi32, #tpu.memory_space<vmem>> -> memref<1x80xi32, #tpu.memory_space<vmem>>
    %dma_wait3A_87 = tpu.memref_squeeze %dma_wait3A_86 : memref<1x80xi32, #tpu.memory_space<vmem>> -> memref<80xi32, #tpu.memory_space<vmem>>
    %dma_wait3A_88 = arith.constant 0 : i32
    %dma_wait3A_89 = arith.constant 0 : i32
    %dma_wait3A_90 = tpu.memref_slice %arg22[%dma_wait3A_88, %dma_wait3A_89] : memref<10000x32xf32, #tpu.memory_space<vmem_shared>> -> memref<10000x32xf32, #tpu.memory_space<vmem_shared>>
    tpu.wait_indirect_dma semaphore(%arg27 : memref<!tpu.dma_semaphore, #tpu.memory_space<semaphore_mem>>) src(%arg17 : memref<80x32xf32, #tpu.memory_space<vmem>>) dst(%dma_wait3A_90 : memref<10000x32xf32, #tpu.memory_space<vmem_shared>>)
    %dma_wait3A_91 = arith.constant 0 : i32
    %dma_wait3A_92 = arith.constant 0 : i32
    %dma_wait3A_93 = tpu.memref_slice %arg13[%dma_wait3A_92] : memref<20000xf32, #tpu.memory_space<vmem>> -> memref<80xf32, #tpu.memory_space<vmem>>
    %dma_wait3A_94 = arith.constant 0 : i32
    %dma_wait3A_95 = tpu.memref_slice %arg12[%dma_wait3A_91, %dma_wait3A_94] : memref<250x80xi32, #tpu.memory_space<vmem>> -> memref<1x80xi32, #tpu.memory_space<vmem>>
    %dma_wait3A_96 = tpu.memref_squeeze %dma_wait3A_95 : memref<1x80xi32, #tpu.memory_space<vmem>> -> memref<80xi32, #tpu.memory_space<vmem>>
    %dma_wait3A_97 = arith.constant 0 : i32
    %dma_wait3A_98 = tpu.memref_slice %arg23[%dma_wait3A_97] : memref<10000xf32, #tpu.memory_space<vmem_shared>> -> memref<10000xf32, #tpu.memory_space<vmem_shared>>
    tpu.wait_indirect_dma semaphore(%arg29 : memref<!tpu.dma_semaphore, #tpu.memory_space<semaphore_mem>>) src(%dma_wait3A_93 : memref<80xf32, #tpu.memory_space<vmem>>) dst(%dma_wait3A_98 : memref<10000xf32, #tpu.memory_space<vmem_shared>>)
    %barrier3A_99 = arith.constant 0 : index
    tpu.barrier barrier_id(%barrier3A_99)
    %scan3A_100 = arith.constant 0 : i32
    %scan3A_101 = arith.constant 0 : i32
    %scan3A_102 = arith.constant 8 : i32
    %scan3A_103 = arith.addi %scan3A_101, %scan3A_102 : i32
    %scan3A_104 = arith.constant 1 : i32
    scf.for %scan3A_158 = %scan3A_101 to %scan3A_103 step %scan3A_104  : i32 {
      %mul3A_159 = arith.constant 80 : i32
      %mul3A_160 = arith.muli %scan3A_158, %mul3A_159 : i32
      %add3A = arith.addi %mul3A_41, %mul3A_160 : i32
      %lt3A = arith.constant 10000 : i32
      %lt3A_161 = arith.cmpi slt, %add3A, %lt3A : i32
      %convert_element_type3A_162 = arith.extui %lt3A_161 : i1 to i32
      %cond3A_163 = arith.constant 0 : i32
      %cond3A_164 = arith.cmpi ne, %convert_element_type3A_162, %cond3A_163 : i32
      scf.if %cond3A_164 {
        "tpu.region"() ({
          %run_scoped3A_219 = tpu.sem_alloc : memref<!tpu.dma_semaphore, #tpu.memory_space<semaphore_mem>>
          %dma_start3A = arith.constant 0 : i32
          %dma_start3A_220 = tpu.memref_slice %arg22[%add3A, %dma_start3A] : memref<10000x32xf32, #tpu.memory_space<vmem_shared>> -> memref<80x32xf32, #tpu.memory_space<vmem_shared>>
          %dma_start3A_221 = arith.constant 0 : i32
          %dma_start3A_222 = tpu.memref_slice %arg22[%add3A, %dma_start3A_221] : memref<10000x32xf32, #tpu.memory_space<vmem_shared>> -> memref<80x32xf32, #tpu.memory_space<vmem_shared>>
          tpu.enqueue_dma source(%dma_start3A_222 : memref<80x32xf32, #tpu.memory_space<vmem_shared>>) target(%arg16 : memref<80x32xf32, #tpu.memory_space<vmem>>) target_semaphore(%run_scoped3A_219 : memref<!tpu.dma_semaphore, #tpu.memory_space<semaphore_mem>>)
          %dma_wait3A_223 = arith.constant 0 : i32
          %dma_wait3A_224 = tpu.memref_slice %arg22[%add3A, %dma_wait3A_223] : memref<10000x32xf32, #tpu.memory_space<vmem_shared>> -> memref<80x32xf32, #tpu.memory_space<vmem_shared>>
          %dma_wait3A_225 = arith.constant 0 : i32
          %dma_wait3A_226 = tpu.memref_slice %arg22[%add3A, %dma_wait3A_225] : memref<10000x32xf32, #tpu.memory_space<vmem_shared>> -> memref<80x32xf32, #tpu.memory_space<vmem_shared>>
          tpu.wait_dma2 semaphore(%run_scoped3A_219 : memref<!tpu.dma_semaphore, #tpu.memory_space<semaphore_mem>>) src(%dma_wait3A_226 : memref<80x32xf32, #tpu.memory_space<vmem_shared>>) dst(%arg16 : memref<80x32xf32, #tpu.memory_space<vmem>>)
          tpu.yield
        }) : () -> ()
        "tpu.region"() ({
          %run_scoped3A_219 = tpu.sem_alloc : memref<!tpu.dma_semaphore, #tpu.memory_space<semaphore_mem>>
          %dma_start3A = tpu.memref_slice %arg23[%add3A] : memref<10000xf32, #tpu.memory_space<vmem_shared>> -> memref<80xf32, #tpu.memory_space<vmem_shared>>
          %dma_start3A_220 = tpu.memref_slice %arg23[%add3A] : memref<10000xf32, #tpu.memory_space<vmem_shared>> -> memref<80xf32, #tpu.memory_space<vmem_shared>>
          tpu.enqueue_dma source(%dma_start3A_220 : memref<80xf32, #tpu.memory_space<vmem_shared>>) target(%arg18 : memref<80xf32, #tpu.memory_space<vmem>>) target_semaphore(%run_scoped3A_219 : memref<!tpu.dma_semaphore, #tpu.memory_space<semaphore_mem>>)
          %dma_wait3A_221 = tpu.memref_slice %arg23[%add3A] : memref<10000xf32, #tpu.memory_space<vmem_shared>> -> memref<80xf32, #tpu.memory_space<vmem_shared>>
          %dma_wait3A_222 = tpu.memref_slice %arg23[%add3A] : memref<10000xf32, #tpu.memory_space<vmem_shared>> -> memref<80xf32, #tpu.memory_space<vmem_shared>>
          tpu.wait_dma2 semaphore(%run_scoped3A_219 : memref<!tpu.dma_semaphore, #tpu.memory_space<semaphore_mem>>) src(%dma_wait3A_222 : memref<80xf32, #tpu.memory_space<vmem_shared>>) dst(%arg18 : memref<80xf32, #tpu.memory_space<vmem>>)
          tpu.yield
        }) : () -> ()
        %get3A = arith.constant 0 : index
        %get3A_165 = tpu.vector_load %arg18[%get3A] {strides = array<i32>} : memref<80xf32, #tpu.memory_space<vmem>>, vector<16xf32>,
        %add3A_166 = arith.constant 9.99999971E-10 : f32
        %add3A_167 = vector.broadcast %add3A_166 : f32 to vector<16xf32>
        %add3A_168 = arith.addf %get3A_165, %add3A_167 : vector<16xf32>
        %div3A = arith.constant 1.000000e+00 : f32
        %div3A_169 = vector.broadcast %div3A : f32 to vector<16xf32>
        %div3A_170 = arith.divf %div3A_169, %add3A_168 : vector<16xf32>
        %swap3A = arith.constant 0 : index
        %swap3A_171 = tpu.vector_load %arg18[%swap3A] {strides = array<i32>} : memref<80xf32, #tpu.memory_space<vmem>>, vector<16xf32>,
        tpu.vector_store %arg18[%swap3A], %div3A_170 {strides = array<i32>} : memref<80xf32, #tpu.memory_space<vmem>>, vector<16xf32>,
        %get3A_172 = arith.constant 16 : index
        %get3A_173 = tpu.vector_load %arg18[%get3A_172] {strides = array<i32>} : memref<80xf32, #tpu.memory_space<vmem>>, vector<16xf32>,
        %add3A_174 = arith.constant 9.99999971E-10 : f32
        %add3A_175 = vector.broadcast %add3A_174 : f32 to vector<16xf32>
        %add3A_176 = arith.addf %get3A_173, %add3A_175 : vector<16xf32>
        %div3A_177 = arith.constant 1.000000e+00 : f32
        %div3A_178 = vector.broadcast %div3A_177 : f32 to vector<16xf32>
        %div3A_179 = arith.divf %div3A_178, %add3A_176 : vector<16xf32>
        %swap3A_180 = arith.constant 16 : index
        %swap3A_181 = tpu.vector_load %arg18[%swap3A_180] {strides = array<i32>} : memref<80xf32, #tpu.memory_space<vmem>>, vector<16xf32>,
        tpu.vector_store %arg18[%swap3A_180], %div3A_179 {strides = array<i32>} : memref<80xf32, #tpu.memory_space<vmem>>, vector<16xf32>,
        %get3A_182 = arith.constant 32 : index
        %get3A_183 = tpu.vector_load %arg18[%get3A_182] {strides = array<i32>} : memref<80xf32, #tpu.memory_space<vmem>>, vector<16xf32>,
        %add3A_184 = arith.constant 9.99999971E-10 : f32
        %add3A_185 = vector.broadcast %add3A_184 : f32 to vector<16xf32>
        %add3A_186 = arith.addf %get3A_183, %add3A_185 : vector<16xf32>
        %div3A_187 = arith.constant 1.000000e+00 : f32
        %div3A_188 = vector.broadcast %div3A_187 : f32 to vector<16xf32>
        %div3A_189 = arith.divf %div3A_188, %add3A_186 : vector<16xf32>
        %swap3A_190 = arith.constant 32 : index
        %swap3A_191 = tpu.vector_load %arg18[%swap3A_190] {strides = array<i32>} : memref<80xf32, #tpu.memory_space<vmem>>, vector<16xf32>,
        tpu.vector_store %arg18[%swap3A_190], %div3A_189 {strides = array<i32>} : memref<80xf32, #tpu.memory_space<vmem>>, vector<16xf32>,
        %get3A_192 = arith.constant 48 : index
        %get3A_193 = tpu.vector_load %arg18[%get3A_192] {strides = array<i32>} : memref<80xf32, #tpu.memory_space<vmem>>, vector<16xf32>,
        %add3A_194 = arith.constant 9.99999971E-10 : f32
        %add3A_195 = vector.broadcast %add3A_194 : f32 to vector<16xf32>
        %add3A_196 = arith.addf %get3A_193, %add3A_195 : vector<16xf32>
        %div3A_197 = arith.constant 1.000000e+00 : f32
        %div3A_198 = vector.broadcast %div3A_197 : f32 to vector<16xf32>
        %div3A_199 = arith.divf %div3A_198, %add3A_196 : vector<16xf32>
        %swap3A_200 = arith.constant 48 : index
        %swap3A_201 = tpu.vector_load %arg18[%swap3A_200] {strides = array<i32>} : memref<80xf32, #tpu.memory_space<vmem>>, vector<16xf32>,
        tpu.vector_store %arg18[%swap3A_200], %div3A_199 {strides = array<i32>} : memref<80xf32, #tpu.memory_space<vmem>>, vector<16xf32>,
        %get3A_202 = arith.constant 64 : index
        %get3A_203 = tpu.vector_load %arg18[%get3A_202] {strides = array<i32>} : memref<80xf32, #tpu.memory_space<vmem>>, vector<16xf32>,
        %add3A_204 = arith.constant 9.99999971E-10 : f32
        %add3A_205 = vector.broadcast %add3A_204 : f32 to vector<16xf32>
        %add3A_206 = arith.addf %get3A_203, %add3A_205 : vector<16xf32>
        %div3A_207 = arith.constant 1.000000e+00 : f32
        %div3A_208 = vector.broadcast %div3A_207 : f32 to vector<16xf32>
        %div3A_209 = arith.divf %div3A_208, %add3A_206 : vector<16xf32>
        %swap3A_210 = arith.constant 64 : index
        %swap3A_211 = tpu.vector_load %arg18[%swap3A_210] {strides = array<i32>} : memref<80xf32, #tpu.memory_space<vmem>>, vector<16xf32>,
        tpu.vector_store %arg18[%swap3A_210], %div3A_209 {strides = array<i32>} : memref<80xf32, #tpu.memory_space<vmem>>, vector<16xf32>,
        %scan3A_212 = arith.constant 0 : i32
        %scan3A_213 = arith.constant 0 : i32
        %scan3A_214 = arith.constant 20 : i32
        %scan3A_215 = arith.addi %scan3A_213, %scan3A_214 : i32
        %scan3A_216 = arith.constant 1 : i32
        scf.for %scan3A_219 = %scan3A_213 to %scan3A_215 step %scan3A_216  : i32 {
          %mul3A_220 = arith.constant 4 : i32
          %mul3A_221 = arith.muli %scan3A_219, %mul3A_220 : i32
          %add3A_222 = arith.constant 0 : i32
          %add3A_223 = arith.addi %mul3A_221, %add3A_222 : i32
          %broadcast_in_dim3A_224 = vector.broadcast %add3A_223 : i32 to vector<16xi32>
          %gather3A = tpu.vector_load_idx %arg18[%broadcast_in_dim3A_224] : memref<80xf32, #tpu.memory_space<vmem>>[vector<16xi32>], vector<16xf32>,
          %get3A_225 = arith.index_cast %add3A_223 : i32 to index
          %get3A_226 = arith.constant 0 : index
          %get3A_227 = tpu.vector_load %arg16[%get3A_225, %get3A_226] {strides = array<i32>} : memref<80x32xf32, #tpu.memory_space<vmem>>, vector<16xf32>,
          %mul3A_228 = arith.mulf %get3A_227, %gather3A : vector<16xf32>
          %swap3A_229 = arith.index_cast %add3A_223 : i32 to index
          %swap3A_230 = arith.constant 0 : index
          %swap3A_231 = tpu.vector_load %arg16[%swap3A_229, %swap3A_230] {strides = array<i32>} : memref<80x32xf32, #tpu.memory_space<vmem>>, vector<16xf32>,
          tpu.vector_store %arg16[%swap3A_229, %swap3A_230], %mul3A_228 {strides = array<i32>} : memref<80x32xf32, #tpu.memory_space<vmem>>, vector<16xf32>,
          %get3A_232 = arith.index_cast %add3A_223 : i32 to index
          %get3A_233 = arith.constant 16 : index
          %get3A_234 = tpu.vector_load %arg16[%get3A_232, %get3A_233] {strides = array<i32>} : memref<80x32xf32, #tpu.memory_space<vmem>>, vector<16xf32>,
          %mul3A_235 = arith.mulf %get3A_234, %gather3A : vector<16xf32>
          %swap3A_236 = arith.index_cast %add3A_223 : i32 to index
          %swap3A_237 = arith.constant 16 : index
          %swap3A_238 = tpu.vector_load %arg16[%swap3A_236, %swap3A_237] {strides = array<i32>} : memref<80x32xf32, #tpu.memory_space<vmem>>, vector<16xf32>,
          tpu.vector_store %arg16[%swap3A_236, %swap3A_237], %mul3A_235 {strides = array<i32>} : memref<80x32xf32, #tpu.memory_space<vmem>>, vector<16xf32>,
          %mul3A_239 = arith.constant 4 : i32
          %mul3A_240 = arith.muli %scan3A_219, %mul3A_239 : i32
          %add3A_241 = arith.constant 1 : i32
          %add3A_242 = arith.addi %mul3A_240, %add3A_241 : i32
          %broadcast_in_dim3A_243 = vector.broadcast %add3A_242 : i32 to vector<16xi32>
          %gather3A_244 = tpu.vector_load_idx %arg18[%broadcast_in_dim3A_243] : memref<80xf32, #tpu.memory_space<vmem>>[vector<16xi32>], vector<16xf32>,
          %get3A_245 = arith.index_cast %add3A_242 : i32 to index
          %get3A_246 = arith.constant 0 : index
          %get3A_247 = tpu.vector_load %arg16[%get3A_245, %get3A_246] {strides = array<i32>} : memref<80x32xf32, #tpu.memory_space<vmem>>, vector<16xf32>,
          %mul3A_248 = arith.mulf %get3A_247, %gather3A_244 : vector<16xf32>
          %swap3A_249 = arith.index_cast %add3A_242 : i32 to index
          %swap3A_250 = arith.constant 0 : index
          %swap3A_251 = tpu.vector_load %arg16[%swap3A_249, %swap3A_250] {strides = array<i32>} : memref<80x32xf32, #tpu.memory_space<vmem>>, vector<16xf32>,
          tpu.vector_store %arg16[%swap3A_249, %swap3A_250], %mul3A_248 {strides = array<i32>} : memref<80x32xf32, #tpu.memory_space<vmem>>, vector<16xf32>,
          %get3A_252 = arith.index_cast %add3A_242 : i32 to index
          %get3A_253 = arith.constant 16 : index
          %get3A_254 = tpu.vector_load %arg16[%get3A_252, %get3A_253] {strides = array<i32>} : memref<80x32xf32, #tpu.memory_space<vmem>>, vector<16xf32>,
          %mul3A_255 = arith.mulf %get3A_254, %gather3A_244 : vector<16xf32>
          %swap3A_256 = arith.index_cast %add3A_242 : i32 to index
          %swap3A_257 = arith.constant 16 : index
          %swap3A_258 = tpu.vector_load %arg16[%swap3A_256, %swap3A_257] {strides = array<i32>} : memref<80x32xf32, #tpu.memory_space<vmem>>, vector<16xf32>,
          tpu.vector_store %arg16[%swap3A_256, %swap3A_257], %mul3A_255 {strides = array<i32>} : memref<80x32xf32, #tpu.memory_space<vmem>>, vector<16xf32>,
          %mul3A_259 = arith.constant 4 : i32
          %mul3A_260 = arith.muli %scan3A_219, %mul3A_259 : i32
          %add3A_261 = arith.constant 2 : i32
          %add3A_262 = arith.addi %mul3A_260, %add3A_261 : i32
          %broadcast_in_dim3A_263 = vector.broadcast %add3A_262 : i32 to vector<16xi32>
          %gather3A_264 = tpu.vector_load_idx %arg18[%broadcast_in_dim3A_263] : memref<80xf32, #tpu.memory_space<vmem>>[vector<16xi32>], vector<16xf32>,
          %get3A_265 = arith.index_cast %add3A_262 : i32 to index
          %get3A_266 = arith.constant 0 : index
          %get3A_267 = tpu.vector_load %arg16[%get3A_265, %get3A_266] {strides = array<i32>} : memref<80x32xf32, #tpu.memory_space<vmem>>, vector<16xf32>,
          %mul3A_268 = arith.mulf %get3A_267, %gather3A_264 : vector<16xf32>
          %swap3A_269 = arith.index_cast %add3A_262 : i32 to index
          %swap3A_270 = arith.constant 0 : index
          %swap3A_271 = tpu.vector_load %arg16[%swap3A_269, %swap3A_270] {strides = array<i32>} : memref<80x32xf32, #tpu.memory_space<vmem>>, vector<16xf32>,
          tpu.vector_store %arg16[%swap3A_269, %swap3A_270], %mul3A_268 {strides = array<i32>} : memref<80x32xf32, #tpu.memory_space<vmem>>, vector<16xf32>,
          %get3A_272 = arith.index_cast %add3A_262 : i32 to index
          %get3A_273 = arith.constant 16 : index
          %get3A_274 = tpu.vector_load %arg16[%get3A_272, %get3A_273] {strides = array<i32>} : memref<80x32xf32, #tpu.memory_space<vmem>>, vector<16xf32>,
          %mul3A_275 = arith.mulf %get3A_274, %gather3A_264 : vector<16xf32>
          %swap3A_276 = arith.index_cast %add3A_262 : i32 to index
          %swap3A_277 = arith.constant 16 : index
          %swap3A_278 = tpu.vector_load %arg16[%swap3A_276, %swap3A_277] {strides = array<i32>} : memref<80x32xf32, #tpu.memory_space<vmem>>, vector<16xf32>,
          tpu.vector_store %arg16[%swap3A_276, %swap3A_277], %mul3A_275 {strides = array<i32>} : memref<80x32xf32, #tpu.memory_space<vmem>>, vector<16xf32>,
          %mul3A_279 = arith.constant 4 : i32
          %mul3A_280 = arith.muli %scan3A_219, %mul3A_279 : i32
          %add3A_281 = arith.constant 3 : i32
          %add3A_282 = arith.addi %mul3A_280, %add3A_281 : i32
          %broadcast_in_dim3A_283 = vector.broadcast %add3A_282 : i32 to vector<16xi32>
          %gather3A_284 = tpu.vector_load_idx %arg18[%broadcast_in_dim3A_283] : memref<80xf32, #tpu.memory_space<vmem>>[vector<16xi32>], vector<16xf32>,
          %get3A_285 = arith.index_cast %add3A_282 : i32 to index
          %get3A_286 = arith.constant 0 : index
          %get3A_287 = tpu.vector_load %arg16[%get3A_285, %get3A_286] {strides = array<i32>} : memref<80x32xf32, #tpu.memory_space<vmem>>, vector<16xf32>,
          %mul3A_288 = arith.mulf %get3A_287, %gather3A_284 : vector<16xf32>
          %swap3A_289 = arith.index_cast %add3A_282 : i32 to index
          %swap3A_290 = arith.constant 0 : index
          %swap3A_291 = tpu.vector_load %arg16[%swap3A_289, %swap3A_290] {strides = array<i32>} : memref<80x32xf32, #tpu.memory_space<vmem>>, vector<16xf32>,
          tpu.vector_store %arg16[%swap3A_289, %swap3A_290], %mul3A_288 {strides = array<i32>} : memref<80x32xf32, #tpu.memory_space<vmem>>, vector<16xf32>,
          %get3A_292 = arith.index_cast %add3A_282 : i32 to index
          %get3A_293 = arith.constant 16 : index
          %get3A_294 = tpu.vector_load %arg16[%get3A_292, %get3A_293] {strides = array<i32>} : memref<80x32xf32, #tpu.memory_space<vmem>>, vector<16xf32>,
          %mul3A_295 = arith.mulf %get3A_294, %gather3A_284 : vector<16xf32>
          %swap3A_296 = arith.index_cast %add3A_282 : i32 to index
          %swap3A_297 = arith.constant 16 : index
          %swap3A_298 = tpu.vector_load %arg16[%swap3A_296, %swap3A_297] {strides = array<i32>} : memref<80x32xf32, #tpu.memory_space<vmem>>, vector<16xf32>,
          tpu.vector_store %arg16[%swap3A_296, %swap3A_297], %mul3A_295 {strides = array<i32>} : memref<80x32xf32, #tpu.memory_space<vmem>>, vector<16xf32>,
        }
        %scan3A_217 = arith.constant 20 : i32
        %run_scoped3A_218 = arith.constant 0 : i32
        "tpu.region"() ({
          %run_scoped3A_219 = tpu.sem_alloc : memref<!tpu.dma_semaphore, #tpu.memory_space<semaphore_mem>>
          %dma_start3A = arith.constant 0 : i32
          %dma_start3A_220 = tpu.memref_slice %arg9[%arg0, %run_scoped3A_218, %add3A, %dma_start3A] : memref<2x2x10000x32xf32, #tpu.memory_space<hbm>> -> memref<1x1x80x32xf32, #tpu.memory_space<hbm>>
          %dma_start3A_221 = tpu.memref_squeeze %dma_start3A_220 : memref<1x1x80x32xf32, #tpu.memory_space<hbm>> -> memref<80x32xf32, #tpu.memory_space<hbm>>
          %dma_start3A_222 = arith.constant 0 : i32
          %dma_start3A_223 = tpu.memref_slice %arg9[%arg0, %run_scoped3A_218, %add3A, %dma_start3A_222] : memref<2x2x10000x32xf32, #tpu.memory_space<hbm>> -> memref<1x1x80x32xf32, #tpu.memory_space<hbm>>
          %dma_start3A_224 = tpu.memref_squeeze %dma_start3A_223 : memref<1x1x80x32xf32, #tpu.memory_space<hbm>> -> memref<80x32xf32, #tpu.memory_space<hbm>>
          tpu.enqueue_dma source(%arg16 : memref<80x32xf32, #tpu.memory_space<vmem>>) target(%dma_start3A_224 : memref<80x32xf32, #tpu.memory_space<hbm>>) target_semaphore(%run_scoped3A_219 : memref<!tpu.dma_semaphore, #tpu.memory_space<semaphore_mem>>)
          %dma_wait3A_225 = arith.constant 0 : i32
          %dma_wait3A_226 = tpu.memref_slice %arg9[%arg0, %run_scoped3A_218, %add3A, %dma_wait3A_225] : memref<2x2x10000x32xf32, #tpu.memory_space<hbm>> -> memref<1x1x80x32xf32, #tpu.memory_space<hbm>>
          %dma_wait3A_227 = tpu.memref_squeeze %dma_wait3A_226 : memref<1x1x80x32xf32, #tpu.memory_space<hbm>> -> memref<80x32xf32, #tpu.memory_space<hbm>>
          %dma_wait3A_228 = arith.constant 0 : i32
          %dma_wait3A_229 = tpu.memref_slice %arg9[%arg0, %run_scoped3A_218, %add3A, %dma_wait3A_228] : memref<2x2x10000x32xf32, #tpu.memory_space<hbm>> -> memref<1x1x80x32xf32, #tpu.memory_space<hbm>>
          %dma_wait3A_230 = tpu.memref_squeeze %dma_wait3A_229 : memref<1x1x80x32xf32, #tpu.memory_space<hbm>> -> memref<80x32xf32, #tpu.memory_space<hbm>>
          tpu.wait_dma2 semaphore(%run_scoped3A_219 : memref<!tpu.dma_semaphore, #tpu.memory_space<semaphore_mem>>) src(%arg16 : memref<80x32xf32, #tpu.memory_space<vmem>>) dst(%dma_wait3A_230 : memref<80x32xf32, #tpu.memory_space<hbm>>)
          tpu.yield
        }) : () -> ()
      } else {
      }
    }
    %scan3A_105 = arith.constant 8 : i32
    %barrier3A_106 = arith.constant 0 : index
    tpu.barrier barrier_id(%barrier3A_106)
    %scan3A_107 = arith.constant 0 : i32
    %scan3A_108 = arith.constant 0 : i32
    %scan3A_109 = arith.constant 80 : i32
    %scan3A_110 = arith.addi %scan3A_108, %scan3A_109 : i32
    %scan3A_111 = arith.constant 1 : i32
    scf.for %scan3A_158 = %scan3A_108 to %scan3A_110 step %scan3A_111  : i32 {
      %swap3A = arith.index_cast %scan3A_158 : i32 to index
      %swap3A_159 = arith.constant 0 : index
      %swap3A_160 = tpu.vector_load %arg16[%swap3A, %swap3A_159] {strides = array<i32>} : memref<80x32xf32, #tpu.memory_space<vmem>>, vector<16xf32>,
      tpu.vector_store %arg16[%swap3A, %swap3A_159], %broadcast_in_dim3A_26 {strides = array<i32>} : memref<80x32xf32, #tpu.memory_space<vmem>>, vector<16xf32>,
      %swap3A_161 = arith.index_cast %scan3A_158 : i32 to index
      %swap3A_162 = arith.constant 16 : index
      %swap3A_163 = tpu.vector_load %arg16[%swap3A_161, %swap3A_162] {strides = array<i32>} : memref<80x32xf32, #tpu.memory_space<vmem>>, vector<16xf32>,
      tpu.vector_store %arg16[%swap3A_161, %swap3A_162], %broadcast_in_dim3A_26 {strides = array<i32>} : memref<80x32xf32, #tpu.memory_space<vmem>>, vector<16xf32>,
    }
    %scan3A_112 = arith.constant 80 : i32
    %scan3A_113 = arith.constant 0 : i32
    %scan3A_114 = arith.constant 0 : i32
    %scan3A_115 = arith.constant 8 : i32
    %scan3A_116 = arith.addi %scan3A_114, %scan3A_115 : i32
    %scan3A_117 = arith.constant 1 : i32
    scf.for %scan3A_158 = %scan3A_114 to %scan3A_116 step %scan3A_117  : i32 {
      %mul3A_159 = arith.constant 80 : i32
      %mul3A_160 = arith.muli %scan3A_158, %mul3A_159 : i32
      %add3A = arith.addi %mul3A_41, %mul3A_160 : i32
      %lt3A = arith.constant 10000 : i32
      %lt3A_161 = arith.cmpi slt, %add3A, %lt3A : i32
      %convert_element_type3A_162 = arith.extui %lt3A_161 : i1 to i32
      %cond3A_163 = arith.constant 0 : i32
      %cond3A_164 = arith.cmpi ne, %convert_element_type3A_162, %cond3A_163 : i32
      scf.if %cond3A_164 {
        "tpu.region"() ({
          %run_scoped3A_165 = tpu.sem_alloc : memref<!tpu.dma_semaphore, #tpu.memory_space<semaphore_mem>>
          %dma_start3A = arith.constant 0 : i32
          %dma_start3A_166 = tpu.memref_slice %arg22[%add3A, %dma_start3A] : memref<10000x32xf32, #tpu.memory_space<vmem_shared>> -> memref<80x32xf32, #tpu.memory_space<vmem_shared>>
          %dma_start3A_167 = arith.constant 0 : i32
          %dma_start3A_168 = tpu.memref_slice %arg22[%add3A, %dma_start3A_167] : memref<10000x32xf32, #tpu.memory_space<vmem_shared>> -> memref<80x32xf32, #tpu.memory_space<vmem_shared>>
          tpu.enqueue_dma source(%arg16 : memref<80x32xf32, #tpu.memory_space<vmem>>) target(%dma_start3A_168 : memref<80x32xf32, #tpu.memory_space<vmem_shared>>) target_semaphore(%run_scoped3A_165 : memref<!tpu.dma_semaphore, #tpu.memory_space<semaphore_mem>>)
          %dma_wait3A_169 = arith.constant 0 : i32
          %dma_wait3A_170 = tpu.memref_slice %arg22[%add3A, %dma_wait3A_169] : memref<10000x32xf32, #tpu.memory_space<vmem_shared>> -> memref<80x32xf32, #tpu.memory_space<vmem_shared>>
          %dma_wait3A_171 = arith.constant 0 : i32
          %dma_wait3A_172 = tpu.memref_slice %arg22[%add3A, %dma_wait3A_171] : memref<10000x32xf32, #tpu.memory_space<vmem_shared>> -> memref<80x32xf32, #tpu.memory_space<vmem_shared>>
          tpu.wait_dma2 semaphore(%run_scoped3A_165 : memref<!tpu.dma_semaphore, #tpu.memory_space<semaphore_mem>>) src(%arg16 : memref<80x32xf32, #tpu.memory_space<vmem>>) dst(%dma_wait3A_172 : memref<80x32xf32, #tpu.memory_space<vmem_shared>>)
          tpu.yield
        }) : () -> ()
      } else {
      }
    }
    %scan3A_118 = arith.constant 8 : i32
    %barrier3A_119 = arith.constant 0 : index
    tpu.barrier barrier_id(%barrier3A_119)
    %eq3A_120 = arith.constant 0 : i32
    %eq3A_121 = arith.cmpi eq, %arg0, %eq3A_120 : i32
    %convert_element_type3A_122 = arith.extui %eq3A_121 : i1 to i32
    %cond3A_123 = arith.constant 0 : i32
    %cond3A_124 = arith.cmpi ne, %convert_element_type3A_122, %cond3A_123 : i32
    scf.if %cond3A_124 {
      %dma_start3A = arith.constant 0 : i32
      %dma_start3A_158 = arith.constant 0 : i32
      %dma_start3A_159 = tpu.memref_slice %arg11[%dma_start3A, %dma_start3A_158] : memref<250x80xi32, #tpu.memory_space<vmem>> -> memref<1x80xi32, #tpu.memory_space<vmem>>
      %dma_start3A_160 = tpu.memref_squeeze %dma_start3A_159 : memref<1x80xi32, #tpu.memory_space<vmem>> -> memref<80xi32, #tpu.memory_space<vmem>>
      %dma_start3A_161 = arith.constant 0 : i32
      %dma_start3A_162 = arith.constant 0 : i32
      %dma_start3A_163 = tpu.memref_slice %arg6[%dma_start3A_161, %dma_start3A_162] : memref<10000x32xf32, #tpu.memory_space<hbm>> -> memref<10000x32xf32, #tpu.memory_space<hbm>>
      tpu.enqueue_indirect_dma source(%dma_start3A_163 : memref<10000x32xf32, #tpu.memory_space<hbm>>) target(%arg16 : memref<80x32xf32, #tpu.memory_space<vmem>>) offsets(%dma_start3A_160 : memref<80xi32, #tpu.memory_space<vmem>>) semaphore(%arg24 : memref<!tpu.dma_semaphore, #tpu.memory_space<semaphore_mem>>)
    } else {
    }
    %eq3A_125 = arith.constant 1 : i32
    %eq3A_126 = arith.cmpi eq, %arg0, %eq3A_125 : i32
    %convert_element_type3A_127 = arith.extui %eq3A_126 : i1 to i32
    %cond3A_128 = arith.constant 0 : i32
    %cond3A_129 = arith.cmpi ne, %convert_element_type3A_127, %cond3A_128 : i32
    scf.if %cond3A_129 {
      %dma_start3A = arith.constant 0 : i32
      %dma_start3A_158 = arith.constant 0 : i32
      %dma_start3A_159 = tpu.memref_slice %arg11[%dma_start3A, %dma_start3A_158] : memref<250x80xi32, #tpu.memory_space<vmem>> -> memref<1x80xi32, #tpu.memory_space<vmem>>
      %dma_start3A_160 = tpu.memref_squeeze %dma_start3A_159 : memref<1x80xi32, #tpu.memory_space<vmem>> -> memref<80xi32, #tpu.memory_space<vmem>>
      %dma_start3A_161 = arith.constant 0 : i32
      %dma_start3A_162 = arith.constant 0 : i32
      %dma_start3A_163 = tpu.memref_slice %arg8[%dma_start3A_161, %dma_start3A_162] : memref<10000x32xf32, #tpu.memory_space<hbm>> -> memref<10000x32xf32, #tpu.memory_space<hbm>>
      tpu.enqueue_indirect_dma source(%dma_start3A_163 : memref<10000x32xf32, #tpu.memory_space<hbm>>) target(%arg16 : memref<80x32xf32, #tpu.memory_space<vmem>>) offsets(%dma_start3A_160 : memref<80xi32, #tpu.memory_space<vmem>>) semaphore(%arg24 : memref<!tpu.dma_semaphore, #tpu.memory_space<semaphore_mem>>)
    } else {
    }
    %scan3A_130 = arith.constant 0 : i32
    %scan3A_131 = arith.constant 0 : i32
    %scan3A_132 = arith.constant 125 : i32
    %scan3A_133 = arith.addi %scan3A_131, %scan3A_132 : i32
    %scan3A_134 = arith.constant 1 : i32
    scf.for %scan3A_158 = %scan3A_131 to %scan3A_133 step %scan3A_134  : i32 {
      %mul3A_159 = arith.constant 2 : i32
      %mul3A_160 = arith.muli %mul3A_159, %scan3A_158 : i32
      %mul3A_161 = arith.constant 2 : i32
      %mul3A_162 = arith.muli %mul3A_161, %scan3A_158 : i32
      %add3A = arith.constant 1 : i32
      %add3A_163 = arith.addi %mul3A_162, %add3A : i32
      %gt3A = arith.constant 0 : i32
      %gt3A_164 = arith.cmpi sgt, %scan3A_158, %gt3A : i32
      %convert_element_type3A_165 = arith.extui %gt3A_164 : i1 to i32
      %cond3A_166 = arith.constant 0 : i32
      %cond3A_167 = arith.cmpi ne, %convert_element_type3A_165, %cond3A_166 : i32
      scf.if %cond3A_167 {
        %dma_wait3A_225 = arith.constant 0 : i32
        %dma_wait3A_226 = arith.constant 0 : i32
        %dma_wait3A_227 = tpu.memref_slice %arg12[%dma_wait3A_225, %dma_wait3A_226] : memref<250x80xi32, #tpu.memory_space<vmem>> -> memref<1x80xi32, #tpu.memory_space<vmem>>
        %dma_wait3A_228 = tpu.memref_squeeze %dma_wait3A_227 : memref<1x80xi32, #tpu.memory_space<vmem>> -> memref<80xi32, #tpu.memory_space<vmem>>
        %dma_wait3A_229 = arith.constant 0 : i32
        %dma_wait3A_230 = arith.constant 0 : i32
        %dma_wait3A_231 = tpu.memref_slice %arg22[%dma_wait3A_229, %dma_wait3A_230] : memref<10000x32xf32, #tpu.memory_space<vmem_shared>> -> memref<10000x32xf32, #tpu.memory_space<vmem_shared>>
        tpu.wait_indirect_dma semaphore(%arg27 : memref<!tpu.dma_semaphore, #tpu.memory_space<semaphore_mem>>) src(%arg17 : memref<80x32xf32, #tpu.memory_space<vmem>>) dst(%dma_wait3A_231 : memref<10000x32xf32, #tpu.memory_space<vmem_shared>>)
      } else {
      }
      %eq3A_168 = arith.constant 0 : i32
      %eq3A_169 = arith.cmpi eq, %arg0, %eq3A_168 : i32
      %convert_element_type3A_170 = arith.extui %eq3A_169 : i1 to i32
      %cond3A_171 = arith.constant 0 : i32
      %cond3A_172 = arith.cmpi ne, %convert_element_type3A_170, %cond3A_171 : i32
      scf.if %cond3A_172 {
        %dma_start3A_225 = arith.constant 0 : i32
        %dma_start3A_226 = tpu.memref_slice %arg11[%add3A_163, %dma_start3A_225] : memref<250x80xi32, #tpu.memory_space<vmem>> -> memref<1x80xi32, #tpu.memory_space<vmem>>
        %dma_start3A_227 = tpu.memref_squeeze %dma_start3A_226 : memref<1x80xi32, #tpu.memory_space<vmem>> -> memref<80xi32, #tpu.memory_space<vmem>>
        %dma_start3A_228 = arith.constant 0 : i32
        %dma_start3A_229 = arith.constant 0 : i32
        %dma_start3A_230 = tpu.memref_slice %arg6[%dma_start3A_228, %dma_start3A_229] : memref<10000x32xf32, #tpu.memory_space<hbm>> -> memref<10000x32xf32, #tpu.memory_space<hbm>>
        tpu.enqueue_indirect_dma source(%dma_start3A_230 : memref<10000x32xf32, #tpu.memory_space<hbm>>) target(%arg17 : memref<80x32xf32, #tpu.memory_space<vmem>>) offsets(%dma_start3A_227 : memref<80xi32, #tpu.memory_space<vmem>>) semaphore(%arg25 : memref<!tpu.dma_semaphore, #tpu.memory_space<semaphore_mem>>)
      } else {
      }
      %eq3A_173 = arith.constant 1 : i32
      %eq3A_174 = arith.cmpi eq, %arg0, %eq3A_173 : i32
      %convert_element_type3A_175 = arith.extui %eq3A_174 : i1 to i32
      %cond3A_176 = arith.constant 0 : i32
      %cond3A_177 = arith.cmpi ne, %convert_element_type3A_175, %cond3A_176 : i32
      scf.if %cond3A_177 {
        %dma_start3A_225 = arith.constant 0 : i32
        %dma_start3A_226 = tpu.memref_slice %arg11[%add3A_163, %dma_start3A_225] : memref<250x80xi32, #tpu.memory_space<vmem>> -> memref<1x80xi32, #tpu.memory_space<vmem>>
        %dma_start3A_227 = tpu.memref_squeeze %dma_start3A_226 : memref<1x80xi32, #tpu.memory_space<vmem>> -> memref<80xi32, #tpu.memory_space<vmem>>
        %dma_start3A_228 = arith.constant 0 : i32
        %dma_start3A_229 = arith.constant 0 : i32
        %dma_start3A_230 = tpu.memref_slice %arg8[%dma_start3A_228, %dma_start3A_229] : memref<10000x32xf32, #tpu.memory_space<hbm>> -> memref<10000x32xf32, #tpu.memory_space<hbm>>
        tpu.enqueue_indirect_dma source(%dma_start3A_230 : memref<10000x32xf32, #tpu.memory_space<hbm>>) target(%arg17 : memref<80x32xf32, #tpu.memory_space<vmem>>) offsets(%dma_start3A_227 : memref<80xi32, #tpu.memory_space<vmem>>) semaphore(%arg25 : memref<!tpu.dma_semaphore, #tpu.memory_space<semaphore_mem>>)
      } else {
      }
      %dma_wait3A_178 = arith.constant 0 : i32
      %dma_wait3A_179 = arith.constant 0 : i32
      %dma_wait3A_180 = tpu.memref_slice %arg11[%dma_wait3A_178, %dma_wait3A_179] : memref<250x80xi32, #tpu.memory_space<vmem>> -> memref<1x80xi32, #tpu.memory_space<vmem>>
      %dma_wait3A_181 = tpu.memref_squeeze %dma_wait3A_180 : memref<1x80xi32, #tpu.memory_space<vmem>> -> memref<80xi32, #tpu.memory_space<vmem>>
      %dma_wait3A_182 = arith.constant 0 : i32
      %dma_wait3A_183 = arith.constant 0 : i32
      %dma_wait3A_184 = tpu.memref_slice %arg5[%dma_wait3A_182, %dma_wait3A_183] : memref<10000x32xf32, #tpu.memory_space<hbm>> -> memref<10000x32xf32, #tpu.memory_space<hbm>>
      tpu.wait_indirect_dma semaphore(%arg24 : memref<!tpu.dma_semaphore, #tpu.memory_space<semaphore_mem>>) src(%dma_wait3A_184 : memref<10000x32xf32, #tpu.memory_space<hbm>>) dst(%arg16 : memref<80x32xf32, #tpu.memory_space<vmem>>)
      %mul3A_185 = arith.constant 80 : i32
      %mul3A_186 = arith.muli %mul3A_160, %mul3A_185 : i32
      %scan3A_187 = arith.constant 0 : i32
      %scan3A_188 = arith.constant 0 : i32
      %scan3A_189 = arith.constant 20 : i32
      %scan3A_190 = arith.addi %scan3A_188, %scan3A_189 : i32
      %scan3A_191 = arith.constant 1 : i32
      scf.for %scan3A_225 = %scan3A_188 to %scan3A_190 step %scan3A_191  : i32 {
        %mul3A_226 = arith.constant 4 : i32
        %mul3A_227 = arith.muli %scan3A_225, %mul3A_226 : i32
        %add3A_228 = arith.constant 0 : i32
        %add3A_229 = arith.addi %mul3A_227, %add3A_228 : i32
        %add3A_230 = arith.addi %mul3A_186, %add3A_229 : i32
        %broadcast_in_dim3A_231 = vector.broadcast %add3A_230 : i32 to vector<16xi32>
        %gather3A = tpu.vector_load_idx %arg13[%broadcast_in_dim3A_231] : memref<20000xf32, #tpu.memory_space<vmem>>[vector<16xi32>], vector<16xf32>,
        %get3A = arith.index_cast %add3A_229 : i32 to index
        %get3A_232 = arith.constant 0 : index
        %get3A_233 = tpu.vector_load %arg16[%get3A, %get3A_232] {strides = array<i32>} : memref<80x32xf32, #tpu.memory_space<vmem>>, vector<16xf32>,
        %mul3A_234 = arith.mulf %get3A_233, %gather3A : vector<16xf32>
        %swap3A = arith.index_cast %add3A_229 : i32 to index
        %swap3A_235 = arith.constant 0 : index
        %swap3A_236 = tpu.vector_load %arg16[%swap3A, %swap3A_235] {strides = array<i32>} : memref<80x32xf32, #tpu.memory_space<vmem>>, vector<16xf32>,
        tpu.vector_store %arg16[%swap3A, %swap3A_235], %mul3A_234 {strides = array<i32>} : memref<80x32xf32, #tpu.memory_space<vmem>>, vector<16xf32>,
        %get3A_237 = arith.index_cast %add3A_229 : i32 to index
        %get3A_238 = arith.constant 16 : index
        %get3A_239 = tpu.vector_load %arg16[%get3A_237, %get3A_238] {strides = array<i32>} : memref<80x32xf32, #tpu.memory_space<vmem>>, vector<16xf32>,
        %mul3A_240 = arith.mulf %get3A_239, %gather3A : vector<16xf32>
        %swap3A_241 = arith.index_cast %add3A_229 : i32 to index
        %swap3A_242 = arith.constant 16 : index
        %swap3A_243 = tpu.vector_load %arg16[%swap3A_241, %swap3A_242] {strides = array<i32>} : memref<80x32xf32, #tpu.memory_space<vmem>>, vector<16xf32>,
        tpu.vector_store %arg16[%swap3A_241, %swap3A_242], %mul3A_240 {strides = array<i32>} : memref<80x32xf32, #tpu.memory_space<vmem>>, vector<16xf32>,
        %mul3A_244 = arith.constant 4 : i32
        %mul3A_245 = arith.muli %scan3A_225, %mul3A_244 : i32
        %add3A_246 = arith.constant 1 : i32
        %add3A_247 = arith.addi %mul3A_245, %add3A_246 : i32
        %add3A_248 = arith.addi %mul3A_186, %add3A_247 : i32
        %broadcast_in_dim3A_249 = vector.broadcast %add3A_248 : i32 to vector<16xi32>
        %gather3A_250 = tpu.vector_load_idx %arg13[%broadcast_in_dim3A_249] : memref<20000xf32, #tpu.memory_space<vmem>>[vector<16xi32>], vector<16xf32>,
        %get3A_251 = arith.index_cast %add3A_247 : i32 to index
        %get3A_252 = arith.constant 0 : index
        %get3A_253 = tpu.vector_load %arg16[%get3A_251, %get3A_252] {strides = array<i32>} : memref<80x32xf32, #tpu.memory_space<vmem>>, vector<16xf32>,
        %mul3A_254 = arith.mulf %get3A_253, %gather3A_250 : vector<16xf32>
        %swap3A_255 = arith.index_cast %add3A_247 : i32 to index
        %swap3A_256 = arith.constant 0 : index
        %swap3A_257 = tpu.vector_load %arg16[%swap3A_255, %swap3A_256] {strides = array<i32>} : memref<80x32xf32, #tpu.memory_space<vmem>>, vector<16xf32>,
        tpu.vector_store %arg16[%swap3A_255, %swap3A_256], %mul3A_254 {strides = array<i32>} : memref<80x32xf32, #tpu.memory_space<vmem>>, vector<16xf32>,
        %get3A_258 = arith.index_cast %add3A_247 : i32 to index
        %get3A_259 = arith.constant 16 : index
        %get3A_260 = tpu.vector_load %arg16[%get3A_258, %get3A_259] {strides = array<i32>} : memref<80x32xf32, #tpu.memory_space<vmem>>, vector<16xf32>,
        %mul3A_261 = arith.mulf %get3A_260, %gather3A_250 : vector<16xf32>
        %swap3A_262 = arith.index_cast %add3A_247 : i32 to index
        %swap3A_263 = arith.constant 16 : index
        %swap3A_264 = tpu.vector_load %arg16[%swap3A_262, %swap3A_263] {strides = array<i32>} : memref<80x32xf32, #tpu.memory_space<vmem>>, vector<16xf32>,
        tpu.vector_store %arg16[%swap3A_262, %swap3A_263], %mul3A_261 {strides = array<i32>} : memref<80x32xf32, #tpu.memory_space<vmem>>, vector<16xf32>,
        %mul3A_265 = arith.constant 4 : i32
        %mul3A_266 = arith.muli %scan3A_225, %mul3A_265 : i32
        %add3A_267 = arith.constant 2 : i32
        %add3A_268 = arith.addi %mul3A_266, %add3A_267 : i32
        %add3A_269 = arith.addi %mul3A_186, %add3A_268 : i32
        %broadcast_in_dim3A_270 = vector.broadcast %add3A_269 : i32 to vector<16xi32>
        %gather3A_271 = tpu.vector_load_idx %arg13[%broadcast_in_dim3A_270] : memref<20000xf32, #tpu.memory_space<vmem>>[vector<16xi32>], vector<16xf32>,
        %get3A_272 = arith.index_cast %add3A_268 : i32 to index
        %get3A_273 = arith.constant 0 : index
        %get3A_274 = tpu.vector_load %arg16[%get3A_272, %get3A_273] {strides = array<i32>} : memref<80x32xf32, #tpu.memory_space<vmem>>, vector<16xf32>,
        %mul3A_275 = arith.mulf %get3A_274, %gather3A_271 : vector<16xf32>
        %swap3A_276 = arith.index_cast %add3A_268 : i32 to index
        %swap3A_277 = arith.constant 0 : index
        %swap3A_278 = tpu.vector_load %arg16[%swap3A_276, %swap3A_277] {strides = array<i32>} : memref<80x32xf32, #tpu.memory_space<vmem>>, vector<16xf32>,
        tpu.vector_store %arg16[%swap3A_276, %swap3A_277], %mul3A_275 {strides = array<i32>} : memref<80x32xf32, #tpu.memory_space<vmem>>, vector<16xf32>,
        %get3A_279 = arith.index_cast %add3A_268 : i32 to index
        %get3A_280 = arith.constant 16 : index
        %get3A_281 = tpu.vector_load %arg16[%get3A_279, %get3A_280] {strides = array<i32>} : memref<80x32xf32, #tpu.memory_space<vmem>>, vector<16xf32>,
        %mul3A_282 = arith.mulf %get3A_281, %gather3A_271 : vector<16xf32>
        %swap3A_283 = arith.index_cast %add3A_268 : i32 to index
        %swap3A_284 = arith.constant 16 : index
        %swap3A_285 = tpu.vector_load %arg16[%swap3A_283, %swap3A_284] {strides = array<i32>} : memref<80x32xf32, #tpu.memory_space<vmem>>, vector<16xf32>,
        tpu.vector_store %arg16[%swap3A_283, %swap3A_284], %mul3A_282 {strides = array<i32>} : memref<80x32xf32, #tpu.memory_space<vmem>>, vector<16xf32>,
        %mul3A_286 = arith.constant 4 : i32
        %mul3A_287 = arith.muli %scan3A_225, %mul3A_286 : i32
        %add3A_288 = arith.constant 3 : i32
        %add3A_289 = arith.addi %mul3A_287, %add3A_288 : i32
        %add3A_290 = arith.addi %mul3A_186, %add3A_289 : i32
        %broadcast_in_dim3A_291 = vector.broadcast %add3A_290 : i32 to vector<16xi32>
        %gather3A_292 = tpu.vector_load_idx %arg13[%broadcast_in_dim3A_291] : memref<20000xf32, #tpu.memory_space<vmem>>[vector<16xi32>], vector<16xf32>,
        %get3A_293 = arith.index_cast %add3A_289 : i32 to index
        %get3A_294 = arith.constant 0 : index
        %get3A_295 = tpu.vector_load %arg16[%get3A_293, %get3A_294] {strides = array<i32>} : memref<80x32xf32, #tpu.memory_space<vmem>>, vector<16xf32>,
        %mul3A_296 = arith.mulf %get3A_295, %gather3A_292 : vector<16xf32>
        %swap3A_297 = arith.index_cast %add3A_289 : i32 to index
        %swap3A_298 = arith.constant 0 : index
        %swap3A_299 = tpu.vector_load %arg16[%swap3A_297, %swap3A_298] {strides = array<i32>} : memref<80x32xf32, #tpu.memory_space<vmem>>, vector<16xf32>,
        tpu.vector_store %arg16[%swap3A_297, %swap3A_298], %mul3A_296 {strides = array<i32>} : memref<80x32xf32, #tpu.memory_space<vmem>>, vector<16xf32>,
        %get3A_300 = arith.index_cast %add3A_289 : i32 to index
        %get3A_301 = arith.constant 16 : index
        %get3A_302 = tpu.vector_load %arg16[%get3A_300, %get3A_301] {strides = array<i32>} : memref<80x32xf32, #tpu.memory_space<vmem>>, vector<16xf32>,
        %mul3A_303 = arith.mulf %get3A_302, %gather3A_292 : vector<16xf32>
        %swap3A_304 = arith.index_cast %add3A_289 : i32 to index
        %swap3A_305 = arith.constant 16 : index
        %swap3A_306 = tpu.vector_load %arg16[%swap3A_304, %swap3A_305] {strides = array<i32>} : memref<80x32xf32, #tpu.memory_space<vmem>>, vector<16xf32>,
        tpu.vector_store %arg16[%swap3A_304, %swap3A_305], %mul3A_303 {strides = array<i32>} : memref<80x32xf32, #tpu.memory_space<vmem>>, vector<16xf32>,
      }
      %scan3A_192 = arith.constant 20 : i32
      %dma_start3A = arith.constant 0 : i32
      %dma_start3A_193 = tpu.memref_slice %arg12[%mul3A_160, %dma_start3A] : memref<250x80xi32, #tpu.memory_space<vmem>> -> memref<1x80xi32, #tpu.memory_space<vmem>>
      %dma_start3A_194 = tpu.memref_squeeze %dma_start3A_193 : memref<1x80xi32, #tpu.memory_space<vmem>> -> memref<80xi32, #tpu.memory_space<vmem>>
      %dma_start3A_195 = arith.constant 0 : i32
      %dma_start3A_196 = arith.constant 0 : i32
      %dma_start3A_197 = tpu.memref_slice %arg22[%dma_start3A_195, %dma_start3A_196] : memref<10000x32xf32, #tpu.memory_space<vmem_shared>> -> memref<10000x32xf32, #tpu.memory_space<vmem_shared>>
      tpu.enqueue_indirect_dma source(%arg16 : memref<80x32xf32, #tpu.memory_space<vmem>>) target(%dma_start3A_197 : memref<10000x32xf32, #tpu.memory_space<vmem_shared>>) offsets(%dma_start3A_194 : memref<80xi32, #tpu.memory_space<vmem>>) semaphore(%arg26 : memref<!tpu.dma_semaphore, #tpu.memory_space<semaphore_mem>>) {add = true}
      %add3A_198 = arith.constant 1 : i32
      %add3A_199 = arith.addi %scan3A_158, %add3A_198 : i32
      %lt3A = arith.constant 125 : i32
      %lt3A_200 = arith.cmpi slt, %add3A_199, %lt3A : i32
      %convert_element_type3A_201 = arith.extui %lt3A_200 : i1 to i32
      %cond3A_202 = arith.constant 0 : i32
      %cond3A_203 = arith.cmpi ne, %convert_element_type3A_201, %cond3A_202 : i32
      scf.if %cond3A_203 {
        %dma_wait3A_225 = arith.constant 0 : i32
        %dma_wait3A_226 = arith.constant 0 : i32
        %dma_wait3A_227 = tpu.memref_slice %arg12[%dma_wait3A_225, %dma_wait3A_226] : memref<250x80xi32, #tpu.memory_space<vmem>> -> memref<1x80xi32, #tpu.memory_space<vmem>>
        %dma_wait3A_228 = tpu.memref_squeeze %dma_wait3A_227 : memref<1x80xi32, #tpu.memory_space<vmem>> -> memref<80xi32, #tpu.memory_space<vmem>>
        %dma_wait3A_229 = arith.constant 0 : i32
        %dma_wait3A_230 = arith.constant 0 : i32
        %dma_wait3A_231 = tpu.memref_slice %arg22[%dma_wait3A_229, %dma_wait3A_230] : memref<10000x32xf32, #tpu.memory_space<vmem_shared>> -> memref<10000x32xf32, #tpu.memory_space<vmem_shared>>
        tpu.wait_indirect_dma semaphore(%arg26 : memref<!tpu.dma_semaphore, #tpu.memory_space<semaphore_mem>>) src(%arg16 : memref<80x32xf32, #tpu.memory_space<vmem>>) dst(%dma_wait3A_231 : memref<10000x32xf32, #tpu.memory_space<vmem_shared>>)
        %add3A_232 = arith.constant 2 : i32
        %add3A_233 = arith.addi %mul3A_160, %add3A_232 : i32
        %eq3A_234 = arith.constant 0 : i32
        %eq3A_235 = arith.cmpi eq, %arg0, %eq3A_234 : i32
        %convert_element_type3A_236 = arith.extui %eq3A_235 : i1 to i32
        %cond3A_237 = arith.constant 0 : i32
        %cond3A_238 = arith.cmpi ne, %convert_element_type3A_236, %cond3A_237 : i32
        scf.if %cond3A_238 {
          %dma_start3A_244 = arith.constant 0 : i32
          %dma_start3A_245 = tpu.memref_slice %arg11[%add3A_233, %dma_start3A_244] : memref<250x80xi32, #tpu.memory_space<vmem>> -> memref<1x80xi32, #tpu.memory_space<vmem>>
          %dma_start3A_246 = tpu.memref_squeeze %dma_start3A_245 : memref<1x80xi32, #tpu.memory_space<vmem>> -> memref<80xi32, #tpu.memory_space<vmem>>
          %dma_start3A_247 = arith.constant 0 : i32
          %dma_start3A_248 = arith.constant 0 : i32
          %dma_start3A_249 = tpu.memref_slice %arg6[%dma_start3A_247, %dma_start3A_248] : memref<10000x32xf32, #tpu.memory_space<hbm>> -> memref<10000x32xf32, #tpu.memory_space<hbm>>
          tpu.enqueue_indirect_dma source(%dma_start3A_249 : memref<10000x32xf32, #tpu.memory_space<hbm>>) target(%arg16 : memref<80x32xf32, #tpu.memory_space<vmem>>) offsets(%dma_start3A_246 : memref<80xi32, #tpu.memory_space<vmem>>) semaphore(%arg24 : memref<!tpu.dma_semaphore, #tpu.memory_space<semaphore_mem>>)
        } else {
        }
        %eq3A_239 = arith.constant 1 : i32
        %eq3A_240 = arith.cmpi eq, %arg0, %eq3A_239 : i32
        %convert_element_type3A_241 = arith.extui %eq3A_240 : i1 to i32
        %cond3A_242 = arith.constant 0 : i32
        %cond3A_243 = arith.cmpi ne, %convert_element_type3A_241, %cond3A_242 : i32
        scf.if %cond3A_243 {
          %dma_start3A_244 = arith.constant 0 : i32
          %dma_start3A_245 = tpu.memref_slice %arg11[%add3A_233, %dma_start3A_244] : memref<250x80xi32, #tpu.memory_space<vmem>> -> memref<1x80xi32, #tpu.memory_space<vmem>>
          %dma_start3A_246 = tpu.memref_squeeze %dma_start3A_245 : memref<1x80xi32, #tpu.memory_space<vmem>> -> memref<80xi32, #tpu.memory_space<vmem>>
          %dma_start3A_247 = arith.constant 0 : i32
          %dma_start3A_248 = arith.constant 0 : i32
          %dma_start3A_249 = tpu.memref_slice %arg8[%dma_start3A_247, %dma_start3A_248] : memref<10000x32xf32, #tpu.memory_space<hbm>> -> memref<10000x32xf32, #tpu.memory_space<hbm>>
          tpu.enqueue_indirect_dma source(%dma_start3A_249 : memref<10000x32xf32, #tpu.memory_space<hbm>>) target(%arg16 : memref<80x32xf32, #tpu.memory_space<vmem>>) offsets(%dma_start3A_246 : memref<80xi32, #tpu.memory_space<vmem>>) semaphore(%arg24 : memref<!tpu.dma_semaphore, #tpu.memory_space<semaphore_mem>>)
        } else {
        }
      } else {
      }
      %dma_wait3A_204 = arith.constant 0 : i32
      %dma_wait3A_205 = arith.constant 0 : i32
      %dma_wait3A_206 = tpu.memref_slice %arg11[%dma_wait3A_204, %dma_wait3A_205] : memref<250x80xi32, #tpu.memory_space<vmem>> -> memref<1x80xi32, #tpu.memory_space<vmem>>
      %dma_wait3A_207 = tpu.memref_squeeze %dma_wait3A_206 : memref<1x80xi32, #tpu.memory_space<vmem>> -> memref<80xi32, #tpu.memory_space<vmem>>
      %dma_wait3A_208 = arith.constant 0 : i32
      %dma_wait3A_209 = arith.constant 0 : i32
      %dma_wait3A_210 = tpu.memref_slice %arg5[%dma_wait3A_208, %dma_wait3A_209] : memref<10000x32xf32, #tpu.memory_space<hbm>> -> memref<10000x32xf32, #tpu.memory_space<hbm>>
      tpu.wait_indirect_dma semaphore(%arg25 : memref<!tpu.dma_semaphore, #tpu.memory_space<semaphore_mem>>) src(%dma_wait3A_210 : memref<10000x32xf32, #tpu.memory_space<hbm>>) dst(%arg17 : memref<80x32xf32, #tpu.memory_space<vmem>>)
      %mul3A_211 = arith.constant 80 : i32
      %mul3A_212 = arith.muli %add3A_163, %mul3A_211 : i32
      %scan3A_213 = arith.constant 0 : i32
      %scan3A_214 = arith.constant 0 : i32
      %scan3A_215 = arith.constant 20 : i32
      %scan3A_216 = arith.addi %scan3A_214, %scan3A_215 : i32
      %scan3A_217 = arith.constant 1 : i32
      scf.for %scan3A_225 = %scan3A_214 to %scan3A_216 step %scan3A_217  : i32 {
        %mul3A_226 = arith.constant 4 : i32
        %mul3A_227 = arith.muli %scan3A_225, %mul3A_226 : i32
        %add3A_228 = arith.constant 0 : i32
        %add3A_229 = arith.addi %mul3A_227, %add3A_228 : i32
        %add3A_230 = arith.addi %mul3A_212, %add3A_229 : i32
        %broadcast_in_dim3A_231 = vector.broadcast %add3A_230 : i32 to vector<16xi32>
        %gather3A = tpu.vector_load_idx %arg13[%broadcast_in_dim3A_231] : memref<20000xf32, #tpu.memory_space<vmem>>[vector<16xi32>], vector<16xf32>,
        %get3A = arith.index_cast %add3A_229 : i32 to index
        %get3A_232 = arith.constant 0 : index
        %get3A_233 = tpu.vector_load %arg17[%get3A, %get3A_232] {strides = array<i32>} : memref<80x32xf32, #tpu.memory_space<vmem>>, vector<16xf32>,
        %mul3A_234 = arith.mulf %get3A_233, %gather3A : vector<16xf32>
        %swap3A = arith.index_cast %add3A_229 : i32 to index
        %swap3A_235 = arith.constant 0 : index
        %swap3A_236 = tpu.vector_load %arg17[%swap3A, %swap3A_235] {strides = array<i32>} : memref<80x32xf32, #tpu.memory_space<vmem>>, vector<16xf32>,
        tpu.vector_store %arg17[%swap3A, %swap3A_235], %mul3A_234 {strides = array<i32>} : memref<80x32xf32, #tpu.memory_space<vmem>>, vector<16xf32>,
        %get3A_237 = arith.index_cast %add3A_229 : i32 to index
        %get3A_238 = arith.constant 16 : index
        %get3A_239 = tpu.vector_load %arg17[%get3A_237, %get3A_238] {strides = array<i32>} : memref<80x32xf32, #tpu.memory_space<vmem>>, vector<16xf32>,
        %mul3A_240 = arith.mulf %get3A_239, %gather3A : vector<16xf32>
        %swap3A_241 = arith.index_cast %add3A_229 : i32 to index
        %swap3A_242 = arith.constant 16 : index
        %swap3A_243 = tpu.vector_load %arg17[%swap3A_241, %swap3A_242] {strides = array<i32>} : memref<80x32xf32, #tpu.memory_space<vmem>>, vector<16xf32>,
        tpu.vector_store %arg17[%swap3A_241, %swap3A_242], %mul3A_240 {strides = array<i32>} : memref<80x32xf32, #tpu.memory_space<vmem>>, vector<16xf32>,
        %mul3A_244 = arith.constant 4 : i32
        %mul3A_245 = arith.muli %scan3A_225, %mul3A_244 : i32
        %add3A_246 = arith.constant 1 : i32
        %add3A_247 = arith.addi %mul3A_245, %add3A_246 : i32
        %add3A_248 = arith.addi %mul3A_212, %add3A_247 : i32
        %broadcast_in_dim3A_249 = vector.broadcast %add3A_248 : i32 to vector<16xi32>
        %gather3A_250 = tpu.vector_load_idx %arg13[%broadcast_in_dim3A_249] : memref<20000xf32, #tpu.memory_space<vmem>>[vector<16xi32>], vector<16xf32>,
        %get3A_251 = arith.index_cast %add3A_247 : i32 to index
        %get3A_252 = arith.constant 0 : index
        %get3A_253 = tpu.vector_load %arg17[%get3A_251, %get3A_252] {strides = array<i32>} : memref<80x32xf32, #tpu.memory_space<vmem>>, vector<16xf32>,
        %mul3A_254 = arith.mulf %get3A_253, %gather3A_250 : vector<16xf32>
        %swap3A_255 = arith.index_cast %add3A_247 : i32 to index
        %swap3A_256 = arith.constant 0 : index
        %swap3A_257 = tpu.vector_load %arg17[%swap3A_255, %swap3A_256] {strides = array<i32>} : memref<80x32xf32, #tpu.memory_space<vmem>>, vector<16xf32>,
        tpu.vector_store %arg17[%swap3A_255, %swap3A_256], %mul3A_254 {strides = array<i32>} : memref<80x32xf32, #tpu.memory_space<vmem>>, vector<16xf32>,
        %get3A_258 = arith.index_cast %add3A_247 : i32 to index
        %get3A_259 = arith.constant 16 : index
        %get3A_260 = tpu.vector_load %arg17[%get3A_258, %get3A_259] {strides = array<i32>} : memref<80x32xf32, #tpu.memory_space<vmem>>, vector<16xf32>,
        %mul3A_261 = arith.mulf %get3A_260, %gather3A_250 : vector<16xf32>
        %swap3A_262 = arith.index_cast %add3A_247 : i32 to index
        %swap3A_263 = arith.constant 16 : index
        %swap3A_264 = tpu.vector_load %arg17[%swap3A_262, %swap3A_263] {strides = array<i32>} : memref<80x32xf32, #tpu.memory_space<vmem>>, vector<16xf32>,
        tpu.vector_store %arg17[%swap3A_262, %swap3A_263], %mul3A_261 {strides = array<i32>} : memref<80x32xf32, #tpu.memory_space<vmem>>, vector<16xf32>,
        %mul3A_265 = arith.constant 4 : i32
        %mul3A_266 = arith.muli %scan3A_225, %mul3A_265 : i32
        %add3A_267 = arith.constant 2 : i32
        %add3A_268 = arith.addi %mul3A_266, %add3A_267 : i32
        %add3A_269 = arith.addi %mul3A_212, %add3A_268 : i32
        %broadcast_in_dim3A_270 = vector.broadcast %add3A_269 : i32 to vector<16xi32>
        %gather3A_271 = tpu.vector_load_idx %arg13[%broadcast_in_dim3A_270] : memref<20000xf32, #tpu.memory_space<vmem>>[vector<16xi32>], vector<16xf32>,
        %get3A_272 = arith.index_cast %add3A_268 : i32 to index
        %get3A_273 = arith.constant 0 : index
        %get3A_274 = tpu.vector_load %arg17[%get3A_272, %get3A_273] {strides = array<i32>} : memref<80x32xf32, #tpu.memory_space<vmem>>, vector<16xf32>,
        %mul3A_275 = arith.mulf %get3A_274, %gather3A_271 : vector<16xf32>
        %swap3A_276 = arith.index_cast %add3A_268 : i32 to index
        %swap3A_277 = arith.constant 0 : index
        %swap3A_278 = tpu.vector_load %arg17[%swap3A_276, %swap3A_277] {strides = array<i32>} : memref<80x32xf32, #tpu.memory_space<vmem>>, vector<16xf32>,
        tpu.vector_store %arg17[%swap3A_276, %swap3A_277], %mul3A_275 {strides = array<i32>} : memref<80x32xf32, #tpu.memory_space<vmem>>, vector<16xf32>,
        %get3A_279 = arith.index_cast %add3A_268 : i32 to index
        %get3A_280 = arith.constant 16 : index
        %get3A_281 = tpu.vector_load %arg17[%get3A_279, %get3A_280] {strides = array<i32>} : memref<80x32xf32, #tpu.memory_space<vmem>>, vector<16xf32>,
        %mul3A_282 = arith.mulf %get3A_281, %gather3A_271 : vector<16xf32>
        %swap3A_283 = arith.index_cast %add3A_268 : i32 to index
        %swap3A_284 = arith.constant 16 : index
        %swap3A_285 = tpu.vector_load %arg17[%swap3A_283, %swap3A_284] {strides = array<i32>} : memref<80x32xf32, #tpu.memory_space<vmem>>, vector<16xf32>,
        tpu.vector_store %arg17[%swap3A_283, %swap3A_284], %mul3A_282 {strides = array<i32>} : memref<80x32xf32, #tpu.memory_space<vmem>>, vector<16xf32>,
        %mul3A_286 = arith.constant 4 : i32
        %mul3A_287 = arith.muli %scan3A_225, %mul3A_286 : i32
        %add3A_288 = arith.constant 3 : i32
        %add3A_289 = arith.addi %mul3A_287, %add3A_288 : i32
        %add3A_290 = arith.addi %mul3A_212, %add3A_289 : i32
        %broadcast_in_dim3A_291 = vector.broadcast %add3A_290 : i32 to vector<16xi32>
        %gather3A_292 = tpu.vector_load_idx %arg13[%broadcast_in_dim3A_291] : memref<20000xf32, #tpu.memory_space<vmem>>[vector<16xi32>], vector<16xf32>,
        %get3A_293 = arith.index_cast %add3A_289 : i32 to index
        %get3A_294 = arith.constant 0 : index
        %get3A_295 = tpu.vector_load %arg17[%get3A_293, %get3A_294] {strides = array<i32>} : memref<80x32xf32, #tpu.memory_space<vmem>>, vector<16xf32>,
        %mul3A_296 = arith.mulf %get3A_295, %gather3A_292 : vector<16xf32>
        %swap3A_297 = arith.index_cast %add3A_289 : i32 to index
        %swap3A_298 = arith.constant 0 : index
        %swap3A_299 = tpu.vector_load %arg17[%swap3A_297, %swap3A_298] {strides = array<i32>} : memref<80x32xf32, #tpu.memory_space<vmem>>, vector<16xf32>,
        tpu.vector_store %arg17[%swap3A_297, %swap3A_298], %mul3A_296 {strides = array<i32>} : memref<80x32xf32, #tpu.memory_space<vmem>>, vector<16xf32>,
        %get3A_300 = arith.index_cast %add3A_289 : i32 to index
        %get3A_301 = arith.constant 16 : index
        %get3A_302 = tpu.vector_load %arg17[%get3A_300, %get3A_301] {strides = array<i32>} : memref<80x32xf32, #tpu.memory_space<vmem>>, vector<16xf32>,
        %mul3A_303 = arith.mulf %get3A_302, %gather3A_292 : vector<16xf32>
        %swap3A_304 = arith.index_cast %add3A_289 : i32 to index
        %swap3A_305 = arith.constant 16 : index
        %swap3A_306 = tpu.vector_load %arg17[%swap3A_304, %swap3A_305] {strides = array<i32>} : memref<80x32xf32, #tpu.memory_space<vmem>>, vector<16xf32>,
        tpu.vector_store %arg17[%swap3A_304, %swap3A_305], %mul3A_303 {strides = array<i32>} : memref<80x32xf32, #tpu.memory_space<vmem>>, vector<16xf32>,
      }
      %scan3A_218 = arith.constant 20 : i32
      %dma_start3A_219 = arith.constant 0 : i32
      %dma_start3A_220 = tpu.memref_slice %arg12[%add3A_163, %dma_start3A_219] : memref<250x80xi32, #tpu.memory_space<vmem>> -> memref<1x80xi32, #tpu.memory_space<vmem>>
      %dma_start3A_221 = tpu.memref_squeeze %dma_start3A_220 : memref<1x80xi32, #tpu.memory_space<vmem>> -> memref<80xi32, #tpu.memory_space<vmem>>
      %dma_start3A_222 = arith.constant 0 : i32
      %dma_start3A_223 = arith.constant 0 : i32
      %dma_start3A_224 = tpu.memref_slice %arg22[%dma_start3A_222, %dma_start3A_223] : memref<10000x32xf32, #tpu.memory_space<vmem_shared>> -> memref<10000x32xf32, #tpu.memory_space<vmem_shared>>
      tpu.enqueue_indirect_dma source(%arg17 : memref<80x32xf32, #tpu.memory_space<vmem>>) target(%dma_start3A_224 : memref<10000x32xf32, #tpu.memory_space<vmem_shared>>) offsets(%dma_start3A_221 : memref<80xi32, #tpu.memory_space<vmem>>) semaphore(%arg27 : memref<!tpu.dma_semaphore, #tpu.memory_space<semaphore_mem>>) {add = true}
    }
    %scan3A_135 = arith.constant 125 : i32
    %dma_wait3A_136 = arith.constant 0 : i32
    %dma_wait3A_137 = arith.constant 0 : i32
    %dma_wait3A_138 = tpu.memref_slice %arg12[%dma_wait3A_136, %dma_wait3A_137] : memref<250x80xi32, #tpu.memory_space<vmem>> -> memref<1x80xi32, #tpu.memory_space<vmem>>
    %dma_wait3A_139 = tpu.memref_squeeze %dma_wait3A_138 : memref<1x80xi32, #tpu.memory_space<vmem>> -> memref<80xi32, #tpu.memory_space<vmem>>
    %dma_wait3A_140 = arith.constant 0 : i32
    %dma_wait3A_141 = arith.constant 0 : i32
    %dma_wait3A_142 = tpu.memref_slice %arg22[%dma_wait3A_140, %dma_wait3A_141] : memref<10000x32xf32, #tpu.memory_space<vmem_shared>> -> memref<10000x32xf32, #tpu.memory_space<vmem_shared>>
    tpu.wait_indirect_dma semaphore(%arg26 : memref<!tpu.dma_semaphore, #tpu.memory_space<semaphore_mem>>) src(%arg16 : memref<80x32xf32, #tpu.memory_space<vmem>>) dst(%dma_wait3A_142 : memref<10000x32xf32, #tpu.memory_space<vmem_shared>>)
    %dma_wait3A_143 = arith.constant 0 : i32
    %dma_wait3A_144 = arith.constant 0 : i32
    %dma_wait3A_145 = tpu.memref_slice %arg12[%dma_wait3A_143, %dma_wait3A_144] : memref<250x80xi32, #tpu.memory_space<vmem>> -> memref<1x80xi32, #tpu.memory_space<vmem>>
    %dma_wait3A_146 = tpu.memref_squeeze %dma_wait3A_145 : memref<1x80xi32, #tpu.memory_space<vmem>> -> memref<80xi32, #tpu.memory_space<vmem>>
    %dma_wait3A_147 = arith.constant 0 : i32
    %dma_wait3A_148 = arith.constant 0 : i32
    %dma_wait3A_149 = tpu.memref_slice %arg22[%dma_wait3A_147, %dma_wait3A_148] : memref<10000x32xf32, #tpu.memory_space<vmem_shared>> -> memref<10000x32xf32, #tpu.memory_space<vmem_shared>>
    tpu.wait_indirect_dma semaphore(%arg27 : memref<!tpu.dma_semaphore, #tpu.memory_space<semaphore_mem>>) src(%arg17 : memref<80x32xf32, #tpu.memory_space<vmem>>) dst(%dma_wait3A_149 : memref<10000x32xf32, #tpu.memory_space<vmem_shared>>)
    %barrier3A_150 = arith.constant 0 : index
    tpu.barrier barrier_id(%barrier3A_150)
    %scan3A_151 = arith.constant 0 : i32
    %scan3A_152 = arith.constant 0 : i32
    %scan3A_153 = arith.constant 8 : i32
    %scan3A_154 = arith.addi %scan3A_152, %scan3A_153 : i32
    %scan3A_155 = arith.constant 1 : i32
    scf.for %scan3A_158 = %scan3A_152 to %scan3A_154 step %scan3A_155  : i32 {
      %mul3A_159 = arith.constant 80 : i32
      %mul3A_160 = arith.muli %scan3A_158, %mul3A_159 : i32
      %add3A = arith.addi %mul3A_41, %mul3A_160 : i32
      %lt3A = arith.constant 10000 : i32
      %lt3A_161 = arith.cmpi slt, %add3A, %lt3A : i32
      %convert_element_type3A_162 = arith.extui %lt3A_161 : i1 to i32
      %cond3A_163 = arith.constant 0 : i32
      %cond3A_164 = arith.cmpi ne, %convert_element_type3A_162, %cond3A_163 : i32
      scf.if %cond3A_164 {
        "tpu.region"() ({
          %run_scoped3A_219 = tpu.sem_alloc : memref<!tpu.dma_semaphore, #tpu.memory_space<semaphore_mem>>
          %dma_start3A = arith.constant 0 : i32
          %dma_start3A_220 = tpu.memref_slice %arg22[%add3A, %dma_start3A] : memref<10000x32xf32, #tpu.memory_space<vmem_shared>> -> memref<80x32xf32, #tpu.memory_space<vmem_shared>>
          %dma_start3A_221 = arith.constant 0 : i32
          %dma_start3A_222 = tpu.memref_slice %arg22[%add3A, %dma_start3A_221] : memref<10000x32xf32, #tpu.memory_space<vmem_shared>> -> memref<80x32xf32, #tpu.memory_space<vmem_shared>>
          tpu.enqueue_dma source(%dma_start3A_222 : memref<80x32xf32, #tpu.memory_space<vmem_shared>>) target(%arg16 : memref<80x32xf32, #tpu.memory_space<vmem>>) target_semaphore(%run_scoped3A_219 : memref<!tpu.dma_semaphore, #tpu.memory_space<semaphore_mem>>)
          %dma_wait3A_223 = arith.constant 0 : i32
          %dma_wait3A_224 = tpu.memref_slice %arg22[%add3A, %dma_wait3A_223] : memref<10000x32xf32, #tpu.memory_space<vmem_shared>> -> memref<80x32xf32, #tpu.memory_space<vmem_shared>>
          %dma_wait3A_225 = arith.constant 0 : i32
          %dma_wait3A_226 = tpu.memref_slice %arg22[%add3A, %dma_wait3A_225] : memref<10000x32xf32, #tpu.memory_space<vmem_shared>> -> memref<80x32xf32, #tpu.memory_space<vmem_shared>>
          tpu.wait_dma2 semaphore(%run_scoped3A_219 : memref<!tpu.dma_semaphore, #tpu.memory_space<semaphore_mem>>) src(%dma_wait3A_226 : memref<80x32xf32, #tpu.memory_space<vmem_shared>>) dst(%arg16 : memref<80x32xf32, #tpu.memory_space<vmem>>)
          tpu.yield
        }) : () -> ()
        "tpu.region"() ({
          %run_scoped3A_219 = tpu.sem_alloc : memref<!tpu.dma_semaphore, #tpu.memory_space<semaphore_mem>>
          %dma_start3A = tpu.memref_slice %arg23[%add3A] : memref<10000xf32, #tpu.memory_space<vmem_shared>> -> memref<80xf32, #tpu.memory_space<vmem_shared>>
          %dma_start3A_220 = tpu.memref_slice %arg23[%add3A] : memref<10000xf32, #tpu.memory_space<vmem_shared>> -> memref<80xf32, #tpu.memory_space<vmem_shared>>
          tpu.enqueue_dma source(%dma_start3A_220 : memref<80xf32, #tpu.memory_space<vmem_shared>>) target(%arg18 : memref<80xf32, #tpu.memory_space<vmem>>) target_semaphore(%run_scoped3A_219 : memref<!tpu.dma_semaphore, #tpu.memory_space<semaphore_mem>>)
          %dma_wait3A_221 = tpu.memref_slice %arg23[%add3A] : memref<10000xf32, #tpu.memory_space<vmem_shared>> -> memref<80xf32, #tpu.memory_space<vmem_shared>>
          %dma_wait3A_222 = tpu.memref_slice %arg23[%add3A] : memref<10000xf32, #tpu.memory_space<vmem_shared>> -> memref<80xf32, #tpu.memory_space<vmem_shared>>
          tpu.wait_dma2 semaphore(%run_scoped3A_219 : memref<!tpu.dma_semaphore, #tpu.memory_space<semaphore_mem>>) src(%dma_wait3A_222 : memref<80xf32, #tpu.memory_space<vmem_shared>>) dst(%arg18 : memref<80xf32, #tpu.memory_space<vmem>>)
          tpu.yield
        }) : () -> ()
        %get3A = arith.constant 0 : index
        %get3A_165 = tpu.vector_load %arg18[%get3A] {strides = array<i32>} : memref<80xf32, #tpu.memory_space<vmem>>, vector<16xf32>,
        %add3A_166 = arith.constant 9.99999971E-10 : f32
        %add3A_167 = vector.broadcast %add3A_166 : f32 to vector<16xf32>
        %add3A_168 = arith.addf %get3A_165, %add3A_167 : vector<16xf32>
        %div3A = arith.constant 1.000000e+00 : f32
        %div3A_169 = vector.broadcast %div3A : f32 to vector<16xf32>
        %div3A_170 = arith.divf %div3A_169, %add3A_168 : vector<16xf32>
        %swap3A = arith.constant 0 : index
        %swap3A_171 = tpu.vector_load %arg18[%swap3A] {strides = array<i32>} : memref<80xf32, #tpu.memory_space<vmem>>, vector<16xf32>,
        tpu.vector_store %arg18[%swap3A], %div3A_170 {strides = array<i32>} : memref<80xf32, #tpu.memory_space<vmem>>, vector<16xf32>,
        %get3A_172 = arith.constant 16 : index
        %get3A_173 = tpu.vector_load %arg18[%get3A_172] {strides = array<i32>} : memref<80xf32, #tpu.memory_space<vmem>>, vector<16xf32>,
        %add3A_174 = arith.constant 9.99999971E-10 : f32
        %add3A_175 = vector.broadcast %add3A_174 : f32 to vector<16xf32>
        %add3A_176 = arith.addf %get3A_173, %add3A_175 : vector<16xf32>
        %div3A_177 = arith.constant 1.000000e+00 : f32
        %div3A_178 = vector.broadcast %div3A_177 : f32 to vector<16xf32>
        %div3A_179 = arith.divf %div3A_178, %add3A_176 : vector<16xf32>
        %swap3A_180 = arith.constant 16 : index
        %swap3A_181 = tpu.vector_load %arg18[%swap3A_180] {strides = array<i32>} : memref<80xf32, #tpu.memory_space<vmem>>, vector<16xf32>,
        tpu.vector_store %arg18[%swap3A_180], %div3A_179 {strides = array<i32>} : memref<80xf32, #tpu.memory_space<vmem>>, vector<16xf32>,
        %get3A_182 = arith.constant 32 : index
        %get3A_183 = tpu.vector_load %arg18[%get3A_182] {strides = array<i32>} : memref<80xf32, #tpu.memory_space<vmem>>, vector<16xf32>,
        %add3A_184 = arith.constant 9.99999971E-10 : f32
        %add3A_185 = vector.broadcast %add3A_184 : f32 to vector<16xf32>
        %add3A_186 = arith.addf %get3A_183, %add3A_185 : vector<16xf32>
        %div3A_187 = arith.constant 1.000000e+00 : f32
        %div3A_188 = vector.broadcast %div3A_187 : f32 to vector<16xf32>
        %div3A_189 = arith.divf %div3A_188, %add3A_186 : vector<16xf32>
        %swap3A_190 = arith.constant 32 : index
        %swap3A_191 = tpu.vector_load %arg18[%swap3A_190] {strides = array<i32>} : memref<80xf32, #tpu.memory_space<vmem>>, vector<16xf32>,
        tpu.vector_store %arg18[%swap3A_190], %div3A_189 {strides = array<i32>} : memref<80xf32, #tpu.memory_space<vmem>>, vector<16xf32>,
        %get3A_192 = arith.constant 48 : index
        %get3A_193 = tpu.vector_load %arg18[%get3A_192] {strides = array<i32>} : memref<80xf32, #tpu.memory_space<vmem>>, vector<16xf32>,
        %add3A_194 = arith.constant 9.99999971E-10 : f32
        %add3A_195 = vector.broadcast %add3A_194 : f32 to vector<16xf32>
        %add3A_196 = arith.addf %get3A_193, %add3A_195 : vector<16xf32>
        %div3A_197 = arith.constant 1.000000e+00 : f32
        %div3A_198 = vector.broadcast %div3A_197 : f32 to vector<16xf32>
        %div3A_199 = arith.divf %div3A_198, %add3A_196 : vector<16xf32>
        %swap3A_200 = arith.constant 48 : index
        %swap3A_201 = tpu.vector_load %arg18[%swap3A_200] {strides = array<i32>} : memref<80xf32, #tpu.memory_space<vmem>>, vector<16xf32>,
        tpu.vector_store %arg18[%swap3A_200], %div3A_199 {strides = array<i32>} : memref<80xf32, #tpu.memory_space<vmem>>, vector<16xf32>,
        %get3A_202 = arith.constant 64 : index
        %get3A_203 = tpu.vector_load %arg18[%get3A_202] {strides = array<i32>} : memref<80xf32, #tpu.memory_space<vmem>>, vector<16xf32>,
        %add3A_204 = arith.constant 9.99999971E-10 : f32
        %add3A_205 = vector.broadcast %add3A_204 : f32 to vector<16xf32>
        %add3A_206 = arith.addf %get3A_203, %add3A_205 : vector<16xf32>
        %div3A_207 = arith.constant 1.000000e+00 : f32
        %div3A_208 = vector.broadcast %div3A_207 : f32 to vector<16xf32>
        %div3A_209 = arith.divf %div3A_208, %add3A_206 : vector<16xf32>
        %swap3A_210 = arith.constant 64 : index
        %swap3A_211 = tpu.vector_load %arg18[%swap3A_210] {strides = array<i32>} : memref<80xf32, #tpu.memory_space<vmem>>, vector<16xf32>,
        tpu.vector_store %arg18[%swap3A_210], %div3A_209 {strides = array<i32>} : memref<80xf32, #tpu.memory_space<vmem>>, vector<16xf32>,
        %scan3A_212 = arith.constant 0 : i32
        %scan3A_213 = arith.constant 0 : i32
        %scan3A_214 = arith.constant 20 : i32
        %scan3A_215 = arith.addi %scan3A_213, %scan3A_214 : i32
        %scan3A_216 = arith.constant 1 : i32
        scf.for %scan3A_219 = %scan3A_213 to %scan3A_215 step %scan3A_216  : i32 {
          %mul3A_220 = arith.constant 4 : i32
          %mul3A_221 = arith.muli %scan3A_219, %mul3A_220 : i32
          %add3A_222 = arith.constant 0 : i32
          %add3A_223 = arith.addi %mul3A_221, %add3A_222 : i32
          %broadcast_in_dim3A_224 = vector.broadcast %add3A_223 : i32 to vector<16xi32>
          %gather3A = tpu.vector_load_idx %arg18[%broadcast_in_dim3A_224] : memref<80xf32, #tpu.memory_space<vmem>>[vector<16xi32>], vector<16xf32>,
          %get3A_225 = arith.index_cast %add3A_223 : i32 to index
          %get3A_226 = arith.constant 0 : index
          %get3A_227 = tpu.vector_load %arg16[%get3A_225, %get3A_226] {strides = array<i32>} : memref<80x32xf32, #tpu.memory_space<vmem>>, vector<16xf32>,
          %mul3A_228 = arith.mulf %get3A_227, %gather3A : vector<16xf32>
          %swap3A_229 = arith.index_cast %add3A_223 : i32 to index
          %swap3A_230 = arith.constant 0 : index
          %swap3A_231 = tpu.vector_load %arg16[%swap3A_229, %swap3A_230] {strides = array<i32>} : memref<80x32xf32, #tpu.memory_space<vmem>>, vector<16xf32>,
          tpu.vector_store %arg16[%swap3A_229, %swap3A_230], %mul3A_228 {strides = array<i32>} : memref<80x32xf32, #tpu.memory_space<vmem>>, vector<16xf32>,
          %get3A_232 = arith.index_cast %add3A_223 : i32 to index
          %get3A_233 = arith.constant 16 : index
          %get3A_234 = tpu.vector_load %arg16[%get3A_232, %get3A_233] {strides = array<i32>} : memref<80x32xf32, #tpu.memory_space<vmem>>, vector<16xf32>,
          %mul3A_235 = arith.mulf %get3A_234, %gather3A : vector<16xf32>
          %swap3A_236 = arith.index_cast %add3A_223 : i32 to index
          %swap3A_237 = arith.constant 16 : index
          %swap3A_238 = tpu.vector_load %arg16[%swap3A_236, %swap3A_237] {strides = array<i32>} : memref<80x32xf32, #tpu.memory_space<vmem>>, vector<16xf32>,
          tpu.vector_store %arg16[%swap3A_236, %swap3A_237], %mul3A_235 {strides = array<i32>} : memref<80x32xf32, #tpu.memory_space<vmem>>, vector<16xf32>,
          %mul3A_239 = arith.constant 4 : i32
          %mul3A_240 = arith.muli %scan3A_219, %mul3A_239 : i32
          %add3A_241 = arith.constant 1 : i32
          %add3A_242 = arith.addi %mul3A_240, %add3A_241 : i32
          %broadcast_in_dim3A_243 = vector.broadcast %add3A_242 : i32 to vector<16xi32>
          %gather3A_244 = tpu.vector_load_idx %arg18[%broadcast_in_dim3A_243] : memref<80xf32, #tpu.memory_space<vmem>>[vector<16xi32>], vector<16xf32>,
          %get3A_245 = arith.index_cast %add3A_242 : i32 to index
          %get3A_246 = arith.constant 0 : index
          %get3A_247 = tpu.vector_load %arg16[%get3A_245, %get3A_246] {strides = array<i32>} : memref<80x32xf32, #tpu.memory_space<vmem>>, vector<16xf32>,
          %mul3A_248 = arith.mulf %get3A_247, %gather3A_244 : vector<16xf32>
          %swap3A_249 = arith.index_cast %add3A_242 : i32 to index
          %swap3A_250 = arith.constant 0 : index
          %swap3A_251 = tpu.vector_load %arg16[%swap3A_249, %swap3A_250] {strides = array<i32>} : memref<80x32xf32, #tpu.memory_space<vmem>>, vector<16xf32>,
          tpu.vector_store %arg16[%swap3A_249, %swap3A_250], %mul3A_248 {strides = array<i32>} : memref<80x32xf32, #tpu.memory_space<vmem>>, vector<16xf32>,
          %get3A_252 = arith.index_cast %add3A_242 : i32 to index
          %get3A_253 = arith.constant 16 : index
          %get3A_254 = tpu.vector_load %arg16[%get3A_252, %get3A_253] {strides = array<i32>} : memref<80x32xf32, #tpu.memory_space<vmem>>, vector<16xf32>,
          %mul3A_255 = arith.mulf %get3A_254, %gather3A_244 : vector<16xf32>
          %swap3A_256 = arith.index_cast %add3A_242 : i32 to index
          %swap3A_257 = arith.constant 16 : index
          %swap3A_258 = tpu.vector_load %arg16[%swap3A_256, %swap3A_257] {strides = array<i32>} : memref<80x32xf32, #tpu.memory_space<vmem>>, vector<16xf32>,
          tpu.vector_store %arg16[%swap3A_256, %swap3A_257], %mul3A_255 {strides = array<i32>} : memref<80x32xf32, #tpu.memory_space<vmem>>, vector<16xf32>,
          %mul3A_259 = arith.constant 4 : i32
          %mul3A_260 = arith.muli %scan3A_219, %mul3A_259 : i32
          %add3A_261 = arith.constant 2 : i32
          %add3A_262 = arith.addi %mul3A_260, %add3A_261 : i32
          %broadcast_in_dim3A_263 = vector.broadcast %add3A_262 : i32 to vector<16xi32>
          %gather3A_264 = tpu.vector_load_idx %arg18[%broadcast_in_dim3A_263] : memref<80xf32, #tpu.memory_space<vmem>>[vector<16xi32>], vector<16xf32>,
          %get3A_265 = arith.index_cast %add3A_262 : i32 to index
          %get3A_266 = arith.constant 0 : index
          %get3A_267 = tpu.vector_load %arg16[%get3A_265, %get3A_266] {strides = array<i32>} : memref<80x32xf32, #tpu.memory_space<vmem>>, vector<16xf32>,
          %mul3A_268 = arith.mulf %get3A_267, %gather3A_264 : vector<16xf32>
          %swap3A_269 = arith.index_cast %add3A_262 : i32 to index
          %swap3A_270 = arith.constant 0 : index
          %swap3A_271 = tpu.vector_load %arg16[%swap3A_269, %swap3A_270] {strides = array<i32>} : memref<80x32xf32, #tpu.memory_space<vmem>>, vector<16xf32>,
          tpu.vector_store %arg16[%swap3A_269, %swap3A_270], %mul3A_268 {strides = array<i32>} : memref<80x32xf32, #tpu.memory_space<vmem>>, vector<16xf32>,
          %get3A_272 = arith.index_cast %add3A_262 : i32 to index
          %get3A_273 = arith.constant 16 : index
          %get3A_274 = tpu.vector_load %arg16[%get3A_272, %get3A_273] {strides = array<i32>} : memref<80x32xf32, #tpu.memory_space<vmem>>, vector<16xf32>,
          %mul3A_275 = arith.mulf %get3A_274, %gather3A_264 : vector<16xf32>
          %swap3A_276 = arith.index_cast %add3A_262 : i32 to index
          %swap3A_277 = arith.constant 16 : index
          %swap3A_278 = tpu.vector_load %arg16[%swap3A_276, %swap3A_277] {strides = array<i32>} : memref<80x32xf32, #tpu.memory_space<vmem>>, vector<16xf32>,
          tpu.vector_store %arg16[%swap3A_276, %swap3A_277], %mul3A_275 {strides = array<i32>} : memref<80x32xf32, #tpu.memory_space<vmem>>, vector<16xf32>,
          %mul3A_279 = arith.constant 4 : i32
          %mul3A_280 = arith.muli %scan3A_219, %mul3A_279 : i32
          %add3A_281 = arith.constant 3 : i32
          %add3A_282 = arith.addi %mul3A_280, %add3A_281 : i32
          %broadcast_in_dim3A_283 = vector.broadcast %add3A_282 : i32 to vector<16xi32>
          %gather3A_284 = tpu.vector_load_idx %arg18[%broadcast_in_dim3A_283] : memref<80xf32, #tpu.memory_space<vmem>>[vector<16xi32>], vector<16xf32>,
          %get3A_285 = arith.index_cast %add3A_282 : i32 to index
          %get3A_286 = arith.constant 0 : index
          %get3A_287 = tpu.vector_load %arg16[%get3A_285, %get3A_286] {strides = array<i32>} : memref<80x32xf32, #tpu.memory_space<vmem>>, vector<16xf32>,
          %mul3A_288 = arith.mulf %get3A_287, %gather3A_284 : vector<16xf32>
          %swap3A_289 = arith.index_cast %add3A_282 : i32 to index
          %swap3A_290 = arith.constant 0 : index
          %swap3A_291 = tpu.vector_load %arg16[%swap3A_289, %swap3A_290] {strides = array<i32>} : memref<80x32xf32, #tpu.memory_space<vmem>>, vector<16xf32>,
          tpu.vector_store %arg16[%swap3A_289, %swap3A_290], %mul3A_288 {strides = array<i32>} : memref<80x32xf32, #tpu.memory_space<vmem>>, vector<16xf32>,
          %get3A_292 = arith.index_cast %add3A_282 : i32 to index
          %get3A_293 = arith.constant 16 : index
          %get3A_294 = tpu.vector_load %arg16[%get3A_292, %get3A_293] {strides = array<i32>} : memref<80x32xf32, #tpu.memory_space<vmem>>, vector<16xf32>,
          %mul3A_295 = arith.mulf %get3A_294, %gather3A_284 : vector<16xf32>
          %swap3A_296 = arith.index_cast %add3A_282 : i32 to index
          %swap3A_297 = arith.constant 16 : index
          %swap3A_298 = tpu.vector_load %arg16[%swap3A_296, %swap3A_297] {strides = array<i32>} : memref<80x32xf32, #tpu.memory_space<vmem>>, vector<16xf32>,
          tpu.vector_store %arg16[%swap3A_296, %swap3A_297], %mul3A_295 {strides = array<i32>} : memref<80x32xf32, #tpu.memory_space<vmem>>, vector<16xf32>,
        }
        %scan3A_217 = arith.constant 20 : i32
        %run_scoped3A_218 = arith.constant 1 : i32
        "tpu.region"() ({
          %run_scoped3A_219 = tpu.sem_alloc : memref<!tpu.dma_semaphore, #tpu.memory_space<semaphore_mem>>
          %dma_start3A = arith.constant 0 : i32
          %dma_start3A_220 = tpu.memref_slice %arg9[%arg0, %run_scoped3A_218, %add3A, %dma_start3A] : memref<2x2x10000x32xf32, #tpu.memory_space<hbm>> -> memref<1x1x80x32xf32, #tpu.memory_space<hbm>>
          %dma_start3A_221 = tpu.memref_squeeze %dma_start3A_220 : memref<1x1x80x32xf32, #tpu.memory_space<hbm>> -> memref<80x32xf32, #tpu.memory_space<hbm>>
          %dma_start3A_222 = arith.constant 0 : i32
          %dma_start3A_223 = tpu.memref_slice %arg9[%arg0, %run_scoped3A_218, %add3A, %dma_start3A_222] : memref<2x2x10000x32xf32, #tpu.memory_space<hbm>> -> memref<1x1x80x32xf32, #tpu.memory_space<hbm>>
          %dma_start3A_224 = tpu.memref_squeeze %dma_start3A_223 : memref<1x1x80x32xf32, #tpu.memory_space<hbm>> -> memref<80x32xf32, #tpu.memory_space<hbm>>
          tpu.enqueue_dma source(%arg16 : memref<80x32xf32, #tpu.memory_space<vmem>>) target(%dma_start3A_224 : memref<80x32xf32, #tpu.memory_space<hbm>>) target_semaphore(%run_scoped3A_219 : memref<!tpu.dma_semaphore, #tpu.memory_space<semaphore_mem>>)
          %dma_wait3A_225 = arith.constant 0 : i32
          %dma_wait3A_226 = tpu.memref_slice %arg9[%arg0, %run_scoped3A_218, %add3A, %dma_wait3A_225] : memref<2x2x10000x32xf32, #tpu.memory_space<hbm>> -> memref<1x1x80x32xf32, #tpu.memory_space<hbm>>
          %dma_wait3A_227 = tpu.memref_squeeze %dma_wait3A_226 : memref<1x1x80x32xf32, #tpu.memory_space<hbm>> -> memref<80x32xf32, #tpu.memory_space<hbm>>
          %dma_wait3A_228 = arith.constant 0 : i32
          %dma_wait3A_229 = tpu.memref_slice %arg9[%arg0, %run_scoped3A_218, %add3A, %dma_wait3A_228] : memref<2x2x10000x32xf32, #tpu.memory_space<hbm>> -> memref<1x1x80x32xf32, #tpu.memory_space<hbm>>
          %dma_wait3A_230 = tpu.memref_squeeze %dma_wait3A_229 : memref<1x1x80x32xf32, #tpu.memory_space<hbm>> -> memref<80x32xf32, #tpu.memory_space<hbm>>
          tpu.wait_dma2 semaphore(%run_scoped3A_219 : memref<!tpu.dma_semaphore, #tpu.memory_space<semaphore_mem>>) src(%arg16 : memref<80x32xf32, #tpu.memory_space<vmem>>) dst(%dma_wait3A_230 : memref<80x32xf32, #tpu.memory_space<hbm>>)
          tpu.yield
        }) : () -> ()
      } else {
      }
    }
    %scan3A_156 = arith.constant 8 : i32
    %barrier3A_157 = arith.constant 0 : index
    tpu.barrier barrier_id(%barrier3A_157)
    return
  }
}

module attributes {stable_mosaic.version = 14 : i64} {
  func.func @_tc_head_body(%arg0: i32, %arg1: memref<1000x128xf32, #tpu.memory_space<vmem>>, %arg2: memref<128x128xf32, #tpu.memory_space<vmem>>, %arg3: memref<1x384xf32, #tpu.memory_space<vmem>>, %arg4: memref<1000x32xf32, #tpu.memory_space<vmem>>, %arg5: memref<1000x32xf32, #tpu.memory_space<vmem>>, %arg6: memref<1000x32xf32, #tpu.memory_space<vmem>>, %arg7: memref<1000x32xf32, #tpu.memory_space<vmem>>, %arg8: memref<1000x2xf32, #tpu.memory_space<vmem>>) attributes {dimension_semantics = [#tpu.dimension_semantics<arbitrary>], iteration_bounds = array<i64: 10>, scalar_prefetch = 0 : i64, scratch_operands = 0 : i64, tpu.core_type = #tpu.core_type<tc>, window_params = [{transform_indices = @transform_0, window_bounds = array<i64: 1000, 128>}, {pipeline_mode = #tpu.pipeline_mode<synchronous>, transform_indices = @transform_1, window_bounds = array<i64: 128, 128>}, {pipeline_mode = #tpu.pipeline_mode<synchronous>, transform_indices = @transform_2, window_bounds = array<i64: 1, 384>}, {transform_indices = @transform_3, window_bounds = array<i64: 1000, 32>}, {transform_indices = @transform_4, window_bounds = array<i64: 1000, 32>}, {transform_indices = @transform_5, window_bounds = array<i64: 1000, 32>}, {transform_indices = @transform_6, window_bounds = array<i64: 1000, 32>}, {transform_indices = @transform_7, window_bounds = array<i64: 1000, 2>}]} {
    %get3A = arith.constant 0 : index
    %get3A_0 = arith.constant 0 : index
    %get3A_1 = vector.load %arg1[%get3A, %get3A_0] : memref<1000x128xf32, #tpu.memory_space<vmem>>, vector<1000x128xf32>
    %get3A_2 = arith.constant 0 : index
    %get3A_3 = arith.constant 0 : index
    %get3A_4 = vector.load %arg2[%get3A_2, %get3A_3] : memref<128x128xf32, #tpu.memory_space<vmem>>, vector<128x128xf32>
    %dot_general3A = arith.constant dense<0.000000e+00> : vector<1000x128xf32>
    %dot_general3A_5 = tpu.matmul %get3A_1, %get3A_4, %dot_general3A {dimension_numbers = #tpu.dot_dimension_numbers<[1], [1], [0], [0], [0, 0, 1, 0], [], []>, transpose_lhs_hint = false} : vector<1000x128xf32>, vector<128x128xf32>, vector<1000x128xf32> -> vector<1000x128xf32>
    %slice3A = vector.extract_strided_slice %dot_general3A_5 {offsets = [0, 0], sizes = [1000, 32], strides = [1, 1]} : vector<1000x128xf32> to vector<1000x32xf32>
    %swap3A = arith.constant 0 : index
    %swap3A_6 = arith.constant 0 : index
    %swap3A_7 = vector.load %arg4[%swap3A, %swap3A_6] : memref<1000x32xf32, #tpu.memory_space<vmem>>, vector<1000x32xf32>
    tpu.vector_store %arg4[%swap3A, %swap3A_6], %slice3A {strides = array<i32>} : memref<1000x32xf32, #tpu.memory_space<vmem>>, vector<1000x32xf32>,
    %slice3A_8 = vector.extract_strided_slice %dot_general3A_5 {offsets = [0, 32], sizes = [1000, 32], strides = [1, 1]} : vector<1000x128xf32> to vector<1000x32xf32>
    %swap3A_9 = arith.constant 0 : index
    %swap3A_10 = arith.constant 0 : index
    %swap3A_11 = vector.load %arg5[%swap3A_9, %swap3A_10] : memref<1000x32xf32, #tpu.memory_space<vmem>>, vector<1000x32xf32>
    tpu.vector_store %arg5[%swap3A_9, %swap3A_10], %slice3A_8 {strides = array<i32>} : memref<1000x32xf32, #tpu.memory_space<vmem>>, vector<1000x32xf32>,
    %slice3A_12 = vector.extract_strided_slice %dot_general3A_5 {offsets = [0, 64], sizes = [1000, 32], strides = [1, 1]} : vector<1000x128xf32> to vector<1000x32xf32>
    %swap3A_13 = arith.constant 0 : index
    %swap3A_14 = arith.constant 0 : index
    %swap3A_15 = vector.load %arg6[%swap3A_13, %swap3A_14] : memref<1000x32xf32, #tpu.memory_space<vmem>>, vector<1000x32xf32>
    tpu.vector_store %arg6[%swap3A_13, %swap3A_14], %slice3A_12 {strides = array<i32>} : memref<1000x32xf32, #tpu.memory_space<vmem>>, vector<1000x32xf32>,
    %slice3A_16 = vector.extract_strided_slice %dot_general3A_5 {offsets = [0, 96], sizes = [1000, 32], strides = [1, 1]} : vector<1000x128xf32> to vector<1000x32xf32>
    %swap3A_17 = arith.constant 0 : index
    %swap3A_18 = arith.constant 0 : index
    %swap3A_19 = vector.load %arg7[%swap3A_17, %swap3A_18] : memref<1000x32xf32, #tpu.memory_space<vmem>>, vector<1000x32xf32>
    tpu.vector_store %arg7[%swap3A_17, %swap3A_18], %slice3A_16 {strides = array<i32>} : memref<1000x32xf32, #tpu.memory_space<vmem>>, vector<1000x32xf32>,
    %get3A_20 = arith.constant 0 : index
    %get3A_21 = arith.constant 0 : index
    %get3A_22 = vector.load %arg3[%get3A_20, %get3A_21] : memref<1x384xf32, #tpu.memory_space<vmem>>, vector<1x128xf32>
    %get3A_23 = vector.shape_cast %get3A_22 : vector<1x128xf32> to vector<128xf32>
    %get3A_24 = arith.constant 0 : index
    %get3A_25 = arith.constant 128 : index
    %get3A_26 = vector.load %arg3[%get3A_24, %get3A_25] : memref<1x384xf32, #tpu.memory_space<vmem>>, vector<1x128xf32>
    %get3A_27 = vector.shape_cast %get3A_26 : vector<1x128xf32> to vector<128xf32>
    %stack3A = vector.shape_cast %get3A_23 : vector<128xf32> to vector<128x1xf32>
    %stack3A_28 = vector.shape_cast %get3A_27 : vector<128xf32> to vector<128x1xf32>
    %stack3A_29 = tpu.concatenate %stack3A, %stack3A_28 in 1 : vector<128x1xf32>, vector<128x1xf32> -> vector<128x2xf32>
    %dot_general3A_30 = arith.constant dense<0.000000e+00> : vector<1000x2xf32>
    %dot_general3A_31 = tpu.matmul %dot_general3A_5, %stack3A_29, %dot_general3A_30 {dimension_numbers = #tpu.dot_dimension_numbers<[1], [0], [0], [1], [0, 0, 1, 1], [], []>, transpose_lhs_hint = false} : vector<1000x128xf32>, vector<128x2xf32>, vector<1000x2xf32> -> vector<1000x2xf32>
    %swap3A_32 = arith.constant 0 : index
    %swap3A_33 = arith.constant 0 : index
    %swap3A_34 = vector.load %arg8[%swap3A_32, %swap3A_33] : memref<1000x2xf32, #tpu.memory_space<vmem>>, vector<1000x2xf32>
    tpu.vector_store %arg8[%swap3A_32, %swap3A_33], %dot_general3A_31 {strides = array<i32>} : memref<1000x2xf32, #tpu.memory_space<vmem>>, vector<1000x2xf32>,
    return
  }
  func.func @transform_0(%arg0: i32) -> (i32, i32) {
    %c0_i32 = arith.constant 0 : i32
    %c0_i32_0 = arith.constant 0 : i32
    return %arg0, %c0_i32 : i32, i32
  }
  func.func @transform_1(%arg0: i32) -> (i32, i32) {
    %c0_i32 = arith.constant 0 : i32
    %c0_i32_0 = arith.constant 0 : i32
    %c0_i32_1 = arith.constant 0 : i32
    return %c0_i32, %c0_i32_0 : i32, i32
  }
  func.func @transform_2(%arg0: i32) -> (i32, i32) {
    %c0_i32 = arith.constant 0 : i32
    %c0_i32_0 = arith.constant 0 : i32
    %c0_i32_1 = arith.constant 0 : i32
    return %c0_i32, %c0_i32_0 : i32, i32
  }
  func.func @transform_3(%arg0: i32) -> (i32, i32) {
    %c0_i32 = arith.constant 0 : i32
    %c0_i32_0 = arith.constant 0 : i32
    return %arg0, %c0_i32 : i32, i32
  }
  func.func @transform_4(%arg0: i32) -> (i32, i32) {
    %c0_i32 = arith.constant 0 : i32
    %c0_i32_0 = arith.constant 0 : i32
    return %arg0, %c0_i32 : i32, i32
  }
  func.func @transform_5(%arg0: i32) -> (i32, i32) {
    %c0_i32 = arith.constant 0 : i32
    %c0_i32_0 = arith.constant 0 : i32
    return %arg0, %c0_i32 : i32, i32
  }
  func.func @transform_6(%arg0: i32) -> (i32, i32) {
    %c0_i32 = arith.constant 0 : i32
    %c0_i32_0 = arith.constant 0 : i32
    return %arg0, %c0_i32 : i32, i32
  }
  func.func @transform_7(%arg0: i32) -> (i32, i32) {
    %c0_i32 = arith.constant 0 : i32
    %c0_i32_0 = arith.constant 0 : i32
    return %arg0, %c0_i32 : i32, i32
  }
}

module attributes {stable_mosaic.version = 14 : i64} {
  func.func @_tc_se_body(%arg0: i32, %arg1: memref<3200x16xf32, #tpu.memory_space<vmem>>, %arg2: memref<128x16xf32, #tpu.memory_space<vmem>>, %arg3: memref<1x384xf32, #tpu.memory_space<vmem>>, %arg4: memref<3200x1xf32, #tpu.memory_space<vmem>>) attributes {dimension_semantics = [#tpu.dimension_semantics<arbitrary>], iteration_bounds = array<i64: 100>, scalar_prefetch = 0 : i64, scratch_operands = 0 : i64, tpu.core_type = #tpu.core_type<tc>, window_params = [{transform_indices = @transform_0, window_bounds = array<i64: 3200, 16>}, {pipeline_mode = #tpu.pipeline_mode<synchronous>, transform_indices = @transform_1, window_bounds = array<i64: 128, 16>}, {pipeline_mode = #tpu.pipeline_mode<synchronous>, transform_indices = @transform_2, window_bounds = array<i64: 1, 384>}, {transform_indices = @transform_3, window_bounds = array<i64: 3200, 1>}]} {
    %get3A = arith.constant 0 : index
    %get3A_0 = arith.constant 256 : index
    %get3A_1 = vector.load %arg3[%get3A, %get3A_0] : memref<1x384xf32, #tpu.memory_space<vmem>>, vector<1x128xf32>
    %get3A_2 = vector.shape_cast %get3A_1 : vector<1x128xf32> to vector<128xf32>
    %get3A_3 = arith.constant 0 : index
    %get3A_4 = arith.constant 0 : index
    %get3A_5 = vector.load %arg2[%get3A_3, %get3A_4] : memref<128x16xf32, #tpu.memory_space<vmem>>, vector<128x16xf32>
    %dot_general3A = arith.constant dense<0.000000e+00> : vector<16xf32>
    %dot_general3A_6 = tpu.matmul %get3A_2, %get3A_5, %dot_general3A {dimension_numbers = #tpu.dot_dimension_numbers<[0], [0], [], [1], [1, 1], [], []>, transpose_lhs_hint = false} : vector<128xf32>, vector<128x16xf32>, vector<16xf32> -> vector<16xf32>
    %get3A_7 = arith.constant 0 : index
    %get3A_8 = arith.constant 0 : index
    %get3A_9 = vector.load %arg1[%get3A_7, %get3A_8] : memref<3200x16xf32, #tpu.memory_space<vmem>>, vector<3200x16xf32>
    %broadcast_in_dim3A = vector.shape_cast %dot_general3A_6 : vector<16xf32> to vector<1x16xf32>
    %mul3A = vector.broadcast %broadcast_in_dim3A : vector<1x16xf32> to vector<3200x16xf32>
    %mul3A_10 = arith.mulf %get3A_9, %mul3A : vector<3200x16xf32>
    %reduce_sum3A = arith.constant dense<0.000000e+00> : vector<3200xf32>
    %reduce_sum3A_11 = vector.multi_reduction <add>, %mul3A_10, %reduce_sum3A [1] : vector<3200x16xf32> to vector<3200xf32>
    %broadcast_in_dim3A_12 = vector.shape_cast %reduce_sum3A_11 : vector<3200xf32> to vector<3200x1xf32>
    %swap3A = arith.constant 0 : index
    %swap3A_13 = arith.constant 0 : index
    %swap3A_14 = vector.load %arg4[%swap3A, %swap3A_13] : memref<3200x1xf32, #tpu.memory_space<vmem>>, vector<3200x1xf32>
    tpu.vector_store %arg4[%swap3A, %swap3A_13], %broadcast_in_dim3A_12 {strides = array<i32>} : memref<3200x1xf32, #tpu.memory_space<vmem>>, vector<3200x1xf32>,
    return
  }
  func.func @transform_0(%arg0: i32) -> (i32, i32) {
    %c0_i32 = arith.constant 0 : i32
    %c0_i32_0 = arith.constant 0 : i32
    return %arg0, %c0_i32 : i32, i32
  }
  func.func @transform_1(%arg0: i32) -> (i32, i32) {
    %c0_i32 = arith.constant 0 : i32
    %c0_i32_0 = arith.constant 0 : i32
    %c0_i32_1 = arith.constant 0 : i32
    return %c0_i32, %c0_i32_0 : i32, i32
  }
  func.func @transform_2(%arg0: i32) -> (i32, i32) {
    %c0_i32 = arith.constant 0 : i32
    %c0_i32_0 = arith.constant 0 : i32
    %c0_i32_1 = arith.constant 0 : i32
    return %c0_i32, %c0_i32_0 : i32, i32
  }
  func.func @transform_3(%arg0: i32) -> (i32, i32) {
    %c0_i32 = arith.constant 0 : i32
    %c0_i32_0 = arith.constant 0 : i32
    return %arg0, %c0_i32 : i32, i32
  }
}

</mosaic_0001>

<sc_bundles>
// kernel: kernel.5.cloned.1.call-start
scs
__scs_entry_jumppad:
0x0: {  	(pc) =	sbr.rel $0x88, $3  }
0x1: {  	(tag) =	ssettag $0x0;
	lr =	simm.s32 $0x1  }
0x2: {  	[smem:$0x3F9B] =	sst lr;
	_ =	strace $0xD0000000  }
0x3: {  	_ = 	snop  }
0x4: {  	_ = 	snop  }
0x5: {  	_ = 	snop  }
0x6: {  	_ = 	snop  }
0x7: {  	_ = 	snop  }
__scs_overlays_trampoline_lowered:
0x8: {  	[smem:$0x3FAA] =	sst s0  }
0x9: {  	[smem:$0x3FAB] =	sst s1  }
0xa: {  	[smem:$0x3FAC] =	sst s2  }
0xb: {  	[smem:$0x3FAD] =	sst s3  }
0xc: {  	[smem:$0x3FAE] =	sst s4  }
0xd: {  	[smem:$0x3FAF] =	sst s5  }
0xe: {  	[smem:$0x3FB0] =	sst s6  }
0xf: {  	[smem:$0x3FB1] =	sst s7  }
0x10: {  	[smem:$0x3FB2] =	sst s8  }
0x11: {  	[smem:$0x3FB3] =	sst s9;
	s0 =	simm.s32 @!p0 $0x0  }
0x12: {  	s1 =	sld [smem:$0x3F99];
	s0 =	simm.s32 @p0 $0x1  }
0x13: {  	[smem:$0x3FB4] =	sst s0;
	s0 =	simm.s32 @!p1 $0x0  }
0x14: {  	s2 =	sld [smem:$0x3F98];
	s0 =	simm.s32 @p1 $0x1  }
0x15: {  	[smem:$0x3FB5] =	sst s0;
	s0 =	simm.s32 @!p2 $0x0  }
0x16: {  	s3 =	sld [smem:$0x3FDB];
	s0 =	simm.s32 @p2 $0x1  }
0x17: {  	s4 =	simm.s32 $0x1BF5;
	[smem:$0x3FB7] =	sst s0  }
0x18: {  	s0 =	sld [smem:$0x3F9A];
	_ =	swait.ge [sflag:s4], $0x0  }
0x19: {  	s7 =	sld [smem:$0x3F9B]  }
0x1a: {  	s8 =	sadd.s32 $0xFFFFE003, lr  }
0x1b: {  	s9 =	sadd.s32 $0xFFFFFEF7, lr;
	s5 =	simm.s32 $0xFFFFFFFF;
	p2 =	slt.u32 s8, $0xFFFFF086  }
0x1c: {  	p1 =	slt.u32 s9, $0xF7A;
	s5 =	simm.s32 @!p2 $0x0  }
0x1d: {  	s5 =	simm.s32 @p1 $0x1;
	p0 =	seq.s32 s7, s2  }
0x1e: {  	s7 =	smul.u32 @!p0 $0xF7A, s2;
	p2 =	seq.s32 @!p0 s5, $0x0  }
0x1f: {  	s9 =	smul.u32 $0xF7A, s1;
	s8 =	simm.s32 @!p0 $0x1BF5;
	p2 =	por !p2, p0  }
0x20: {  	[sflag:s8] =	ssyncset.s32 @!p0 $0xFFFFF086;
	s6 =	sadd.s32 @!p0 s3, s7;
	s7 =	simm.s32 @!p0 $0x108  }
0x21: {  	s3 =	sadd.s32 s3, s9;
	s6 =	sadd.s32 @!p0 $0x88, s6;
	s7 =	simm.s32 @p2 $0x1082  }
0x22: {  	[simem:s7], [sflag:s8] =	dma.local @!p0 [hbm:s6], $0xF7A  }
0x23: {  	s9 =	sor.u32 $0xD0000000, s2;
	s6 =	simm.s32 $0x108;
	_ =	swait.ge @!p0 [sflag:s8], $0x0  }
0x24: {  	s3 =	sadd.s32 $0x88, s3;
	s6 =	simm.s32 @!p1 $0x1082;
	[sflag:s4] =	ssyncset.s32 $0xFFFFF086  }
0x25: {  	[simem:s6], [sflag:s4] =	dma.local [hbm:s3], $0xF7A  }
0x26: {  	[smem:$0x3F9B] =	sst s1;
	(tag) =	ssettag s2;
	_ =	strace s9  }
0x27: {  	s1 =	sld [smem:$0x3FAB]  }
0x28: {  	s2 =	sld [smem:$0x3FAC]  }
0x29: {  	s4 =	sld [smem:$0x3FAE]  }
0x2a: {  	p0 =	seq.s32 s5, $0x0;
	s5 =	sld [smem:$0x3FAF]  }
0x2b: {  	s6 =	sld [smem:$0x3FB0]  }
0x2c: {  	s7 =	sld [smem:$0x3FB1]  }
0x2d: {  	s3 =	simm.s32 $0x108;
	s8 =	sld [smem:$0x3FB2]  }
0x2e: {  	s3 =	simm.s32 @!p0 $0x1082;
	s9 =	sld [smem:$0x3FB3]  }
0x2f: {  	lr =	sadd.s32 s0, s3;
	s0 =	sld [smem:$0x3FAA]  }
0x30: {  	s3 =	sld [smem:$0x3FAD]  }
0x31: {  	[smem:$0x3FB6] =	sst s10  }
0x32: {  	s10 =	sld [smem:$0x3FB4];
	_ =	sdelay $0x3  }
0x33: {  	p0 =	seq.s32 s10, $0x1;
	s10 =	sld [smem:$0x3FB6];
	_ =	sdelay $0x3  }
0x34: {  	[smem:$0x3FB6] =	sst s10  }
0x35: {  	s10 =	sld [smem:$0x3FB5];
	_ =	sdelay $0x3  }
0x36: {  	p1 =	seq.s32 s10, $0x1;
	s10 =	sld [smem:$0x3FB6];
	_ =	sdelay $0x3  }
0x37: {  	[smem:$0x3FB6] =	sst s10  }
0x38: {  	s10 =	sld [smem:$0x3FB7]  }
0x39: {  	_ = 	snop;
	(pc) =	sbr.ind lr, $3  }
0x3a: {  	_ = 	snop  }
0x3b: {  	_ = 	snop  }
0x3c: {  	p2 =	seq.s32 s10, $0x1;
	s10 =	sld [smem:$0x3FB6]  }
0x3d: {  	_ =	shalt  }
0x3e: {  	_ =	shalt  }
0x3f: {  	_ =	shalt  }
0x40: {  	_ =	shalt  }
0x41: {  	_ =	shalt  }
0x42: {  	_ =	shalt  }
0x43: {  	_ =	shalt  }
0x44: {  	_ =	shalt  }
0x45: {  	_ =	shalt  }
0x46: {  	_ =	shalt  }
0x47: {  	_ =	shalt  }
0x48: {  	_ =	shalt  }
0x49: {  	_ =	shalt  }
0x4a: {  	_ =	shalt  }
0x4b: {  	_ =	shalt  }
0x4c: {  	_ =	shalt  }
0x4d: {  	_ =	shalt  }
0x4e: {  	_ =	shalt  }
0x4f: {  	_ =	shalt  }
0x50: {  	_ =	shalt  }
0x51: {  	_ =	shalt  }
0x52: {  	_ =	shalt  }
0x53: {  	_ =	shalt  }
0x54: {  	_ =	shalt  }
0x55: {  	_ =	shalt  }
0x56: {  	_ =	shalt  }
0x57: {  	_ =	shalt  }
0x58: {  	_ =	shalt  }
0x59: {  	_ =	shalt  }
0x5a: {  	_ =	shalt  }
0x5b: {  	_ =	shalt  }
0x5c: {  	_ =	shalt  }
0x5d: {  	_ =	shalt  }
0x5e: {  	_ =	shalt  }
0x5f: {  	_ =	shalt  }
0x60: {  	_ =	shalt  }
0x61: {  	_ =	shalt  }
0x62: {  	_ =	shalt  }
0x63: {  	_ =	shalt  }
0x64: {  	_ =	shalt  }
0x65: {  	_ =	shalt  }
0x66: {  	_ =	shalt  }
0x67: {  	_ =	shalt  }
0x68: {  	_ =	shalt  }
0x69: {  	_ =	shalt  }
0x6a: {  	_ =	shalt  }
0x6b: {  	_ =	shalt  }
0x6c: {  	_ =	shalt  }
0x6d: {  	_ =	shalt  }
0x6e: {  	_ =	shalt  }
0x6f: {  	_ =	shalt  }
0x70: {  	_ =	shalt  }
0x71: {  	_ =	shalt  }
0x72: {  	_ =	shalt  }
0x73: {  	_ =	shalt  }
0x74: {  	_ =	shalt  }
0x75: {  	_ =	shalt  }
0x76: {  	_ =	shalt  }
0x77: {  	_ =	shalt  }
0x78: {  	_ =	shalt  }
0x79: {  	_ =	shalt  }
0x7a: {  	_ =	shalt  }
0x7b: {  	_ =	shalt  }
0x7c: {  	_ =	shalt  }
0x7d: {  	_ =	shalt  }
0x7e: {  	_ =	shalt  }
0x7f: {  	_ =	shalt  }
0x80: {  	_ =	shalt  }
0x81: {  	_ =	shalt  }
0x82: {  	_ =	shalt  }
0x83: {  	_ =	shalt  }
0x84: {  	_ =	shalt  }
0x85: {  	_ =	shalt  }
0x86: {  	_ =	shalt  }
0x87: {  	_ =	shalt  }
.Lfunc_end0:
.L_simem_size_0:
called_computation_lowered:
.L_overlay_start_0:
0x88: {  	s2 =	sld [smem:$0x3FD9]  }
0x89: {  	s3 =	sld [smem:$0x3FFE];
	_ =	sdelay $0x1  }
0x8a: {  	s1 =	srdreg.scid  }
0x8b: {  	s0 =	sand.u32 $0x1, s1  }
0x8c: {  	s17 =	sshll.u32 s0, $0xA;
	s2 =	sadd.s32 s3, s2  }
0x8d: {  	s2 =	sadd.s32 s2, s17  }
0x8e: {  	[smem:$0x3FC2] =	sst s2  }
0x8f: {  	_ = 	snop  }
0x90: {  	s2 =	sld [smem:$0x3FD0];
	(tm) =	ssettm $0x1  }
0x91: {  	s18 =	sld [smem:$0x3FFB];
	_ =	sdelay $0x3  }
0x92: {  	_ =	strace s18  }
0x93: {  	s3 =	sld [smem:$0x3FFC];
	_ =	sdelay $0x3  }
0x94: {  	_ =	strace s3  }
0x95: {  	s3 =	sld [smem:$0x3FFD];
	_ =	sdelay $0x3  }
0x96: {  	_ =	strace s3  }
0x97: {  	_ =	strace $0x8FFFFFFF  }
0x98: {  	s19 =	sld [smem:$0x3FDB];
	_ =	sdelay $0x1  }
0x99: {  	s4 =	simm.s32 $_scs_section_size  }
0x9a: {  	s5 =	simm.s32 $_size__tile_overlayer_lowered;
	s6 =	simm.s32 $_tile_overlayer_lowered  }
0x9b: {  	s22 =	simm.s32 $0x1BFF;
	s21 =	sshll.u32 s6, $0x1;
	s3 =	sadd.s32 s4, s19  }
0x9c: {  	s7 =	simm.s32 $0x0;
	s20 =	sshll.u32 s5, $0x1;
	s5 =	sadd.s32 s21, s3  }
0x9d: {  	[timem:s7], [sflag:s22] =	dma.local [hbm:s5], s20  }
0x9e: {  	_ =	swait.ge [sflag:s22], s20  }
0x9f: {  	s4 =	ssub.s32 $0x0, s20;
	[sflag:s22] =	ssyncset.done $0x0  }
0xa0: {  	[sflag:s22] =	ssyncadd.s32 s4;
	_ =	sdelay $0x1  }
0xa1: {  	s23 =	simm.s32 $0x1B8B  }
0xa2: {  	_ =	swait.ge [sflag:s23], $0x1  }
0xa3: {  	[sflag:s23] =	ssyncset.done $0x0  }
0xa4: {  	s25 =	simm.s32 $0x1B8E;
	s24 =	sld [smem:$0x3FFE];
	[sflag:s23] =	ssyncadd.s32 $0xFFFFFFFF  }
0xa5: {  	s26 =	simm.s32 $execute0_lowered;
	[smem:$0x3FD2] =	sst s25  }
0xa6: {  	s5 =	sshll.u32 s26, $0x1;
	_ =	strace $0x80000046;
	[dreg:$0x1] =	wrdreg $0xFFFFFFFF  }
0xa7: {  	s28 =	simm.s32 $_size_execute0_lowered;
	s3 =	sadd.s32 s3, s5;
	[dreg:$0x0] =	wrdreg $0x0  }
0xa8: {  	s5 =	sshll.u32 s28, $0x1;
	[dreg:$0x2] =	wrdreg s3  }
0xa9: {  	[dreg:$0x3] =	wrdreg s5  }
0xaa: {  	[dreg:$0x4] =	wrdreg $0xC0  }
0xab: {  	_ =	task [dreg:s7], $0x5FFFF  }
0xac: {  	[dreg:$0x1] =	wrdreg $0xFFFFFFFF  }
0xad: {  	[dreg:$0x0] =	wrdreg $0x60  }
0xae: {  	[dreg:$0x2] =	wrdreg s24  }
0xaf: {  	[dreg:$0x3] =	wrdreg s2  }
0xb0: {  	[dreg:$0x4] =	wrdreg $0x19E100  }
0xb1: {  	[dreg:$0x5] =	wrdreg $0x1F6300  }
0xb2: {  	[dreg:$0x6] =	wrdreg $0x1A8100  }
0xb3: {  	[dreg:$0x7] =	wrdreg $0x9  }
0xb4: {  	_ =	task.clear_ibuf [dreg:s7], $0x8FFFF;
	_ =	strace $0x90000046  }
0xb5: {  	s29 =	simm.s32 $0x9;
	_ =	strace $0x80000048  }
0xb6: {  	_ =	swait.ge [sflag:s29], $0x1  }
0xb7: {  	[sflag:s29] =	ssyncadd.s32 $0xFFFFFFFF  }
0xb8: {  	_ =	strace $0x90000048  }
0xb9: {  	_ =	sfence  }
0xba: {  	s30 =	sld [smem:$0x0];
	_ =	sdelay $0x2  }
0xbb: {  	s31 =	sshll.u32 s1, $0xD;
	s1 =	sshrl.u32 s1, $0x2  }
0xbc: {  	s3 =	sand.u32 $0x4000, s31;
	s1 =	sadd.s32 s1, s30  }
0xbd: {  	s0 =	sor.u32 s3, s0;
	s1 =	sshll.u32 s1, $0x11  }
0xbe: {  	s0 =	sor.u32 s1, s0  }
0xbf: {  	s0 =	sadd.s32 $0x8F2B, s0  }
0xc0: {  	[sflag:s0] =	ssyncadd.remote.s32 $0x1  }
0xc1: {  	_ =	sfence.sel $0xFFFF  }
0xc2: {  	[dreg:$0x0] =	wrdreg $0xFFFFFFFF;
	(pc) =	sbr.abs _section_cstart, $3  }
0xc3: {  	[dreg:$0x1] =	wrdreg $0xFFFFFFFF  }
0xc4: {  	_ =	task.clear_ibuf [dreg:s7], $0x2FFFF;
	_ =	strace $0x9FFFFFFF  }
0xc5: {  	(tm) =	ssettm $0x7FFFFFFF  }
tec
execute0_lowered:
.L_overlay_start_1:
0x0: {  	(tag) =	ssettag $0x1  }
0x1: {  	s0 =	rddreg [dreg:$0x0]  }
0x2: {  	s2 =	rddreg [dreg:$0x2]  }
0x3: {  	s3 =	rddreg [dreg:$0x3]  }
0x4: {  	s4 =	rddreg [dreg:$0x4];
	s5 =	simm.s32 $0x0  }
0x5: {  	s6 =	stileid.u32;
	s8 =	srdreg.scid;
	s30 =	simm.s32 $0x7  }
0x6: {  	s31 =	simm.s32 $0x13880;
	[smem:$0x7FF] =	sst s5;
	s7 =	smul.u32 $0x9C4, s6  }
0x7: {  	s1 =	sadd.s32 $0x28600, s0;
	s11 =	sand.u32 $0x1, s8;
	s12 =	sadd.s32 $0x1E800, s0  }
0x8: {  	s16 =	sadd.s32 $0x14A00, s0;
	s14 =	smul.u32 $0x2800, s6;
	s8 =	sadd.s32 $0xE00, s0  }
0x9: {  	s19 =	smul.u32 $0x14000, s6;
	p1 =	seq.s32 s6, $0xF;
	_ =	strace $0x80000047  }
0xa: {  	[dreg:$0x6] =	wrdreg s1;
	s9 =	ssub.s32 $0x2, s11;
	p0 =	seq.s32 s11, $0x0  }
0xb: {  	s10 =	sadd.s32 s7, s0;
	s7 =	sadd.s32 $0xAC00, s0;
	s13 =	sshrl.u32 s9, $0x1  }
0xc: {  	s24 =	sshrl.u32 s14, $0x2;
	s0 =	sadd.s32 $0x28AE2, s0;
	s14 =	smul.u32 $0x9C400, s11  }
0xd: {  	s28 =	sshrl.u32 s19, $0x2;
	s11 =	sadd.s32 $0x11800, s19;
	s8 =	smov.u32 @p0 s16  }
0xe: {  	s16 =	simm.s32 $0x0;
	s18 =	ssub.s32 s9, s13;
	s9 =	smul.u32 $0x280, s6  }
0xf: {  	s23 =	sadd.s32 $0x50B000, s10;
	[dreg:$0x8] =	wrdreg s0;
	s25 =	sadd.s32 $0x29000, s10  }
0x10: {  	s13 =	sadd.s32 s24, s2;
	s29 =	sadd.s32 s28, s4;
	s0 =	sadd.s32 $0xF000, s19  }
0x11: {  	s7 =	smov.u32 @p0 s12;
	p0 =	sne.s32 s6, $0x0;
	s10 =	simm.s32 $0x19D70  }
0x12: {  	s12 =	simm.s32 $0x50;
	s19 =	simm.s32 $0x19C80;
	[dreg:$0x7] =	wrdreg s23  }
0x13: {  	[dreg:$0x9] =	wrdreg s25;
	s17 =	sadd.s32 $0x4E200, s14;
	s18 =	smax.u32 s18, $0x1  }
0x14: {  	s20 =	sadd.s32 $0xA00, s29;
	s21 =	sadd.s32 $0x1400, s29;
	[dreg:$0xa] =	wrdreg s29  }
0x15: {  	s22 =	sshrl.u32 s0, $0x2;
	s23 =	sshrl.u32 s11, $0x2;
	[dreg:$0xb] =	wrdreg s18  }
0x16: {  	s24 =	sadd.s32 $0x1E00, s29;
	s11 =	simm.s32 @p1 $0x13D800;
	[dreg:$0xc] =	wrdreg s20  }
0x17: {  	s0 =	simm.s32 @p1 $0x13B000;
	s28 =	sadd.s32 $0x2800, s29;
	[dreg:$0xd] =	wrdreg s21  }
0x18: {  	s29 =	sadd.s32 $0x3200, s29;
	s26 =	sshrl.u32 s9, $0x2;
	[dreg:$0xe] =	wrdreg s24  }
0x19: {  	s25 =	sadd.s32 s22, s4;
	s0 =	sshrl.u32 @!p1 s0, $0x2;
	[dreg:$0x13] =	wrdreg s28  }
0x1a: {  	s6 =	sshrl.u32 @!p1 s11, $0x2;
	[dreg:$0x14] =	wrdreg s29;
	s11 =	simm.s32 $0x18880  }
.Ltmp0:
0x1b: {  	s18 =	simm.s32 $0x19280;
	s22 =	simm.s32 $0x1;
	(pc) =	sbr.rel .LBB2_1-.Ltmp0, $4  }
0x1c: {  	s15 =	sadd.s32 s26, s2;
	[dreg:$0xf] =	wrdreg s25;
	s26 =	sadd.s32 s23, s4  }
0x1d: {  	s0 =	sadd.s32 @!p1 s0, s4;
	s23 =	simm.s32 $0x2;
	[dreg:$0x10] =	wrdreg s26  }
0x1e: {  	s25 =	simm.s32 $0x8;
	[dreg:$0x11] =	wrdreg s0;
	s0 =	sadd.s32 @!p1 s6, s4  }
0x1f: {  	v0 =	vimm.f32 $-3.000000010e+38;
	v1 =	vimm.f32 $0.0e+00;
	s6 =	simm.s32 $0x19CD0;
	[dreg:$0x12] =	wrdreg s0;
	s0 =	simm.s32 $0xEA60  }
.LBB2_53:
0x20: {  	s16 =	rddreg [dreg:$0x15]  }
0x21: {  	s1 =	rddreg [dreg:$0xb];
	s16 =	sadd.s32 $0x1, s16  }
0x22: {  	p2 =	sne.s32 s16, s1  }
.Ltmp1:
0x23: {  	_ = 	snop;
	(pc) =	sbr.rel @!p2 .LBB2_54-.Ltmp1, $2  }
0x24: {  	_ =	sdelay $0x1  }
0x25: {  	[bflag:$0x0] =	sbarrier.arrive $0xFFFF;
	_ =	sdelay $0x1  }
.LBB2_1:
0x26: {  	[dreg:$0x15] =	wrdreg s16  }
0x27: {  	s1 =	rddreg [dreg:$0x7];
	s21 =	simm.s32 $0x4E20  }
0x28: {  	[tilespmem:s21], [sflag:$0x7] =	stream.linear.gather [hbm4b:s1+s5], $0x4E20, $0x38;
	[tilespmem:$0x1F8A8] =	vst v63  }
0x29: {  	_ =	swait.ge [sflag:s30], $0x4E20  }
0x2a: {  	[sflag:s30] =	ssyncset.done $0x0  }
0x2b: {  	s24 =	rddreg [dreg:$0x6];
	[sflag:s30] =	ssyncadd.s32 $0xFFFFB1E0  }
0x2c: {  	[tilespmem:s5], [sflag:$0x7] =	stream.linear.gather [hbm4b:s24+s5], $0x2710, $0x38;
	[tilespmem:$0x1F8A8] =	vst v63  }
0x2d: {  	_ =	swait.ge [sflag:s30], $0x2710  }
0x2e: {  	[sflag:s30] =	ssyncset.done $0x0  }
0x2f: {  	s28 =	simm.s32 $0x2710;
	s26 =	rddreg [dreg:$0x8];
	[sflag:s30] =	ssyncadd.s32 $0xFFFFD8F0  }
0x30: {  	[tilespmem:s28], [sflag:$0x7] =	stream.linear.gather [hbm4b:s26+s5], $0x2710, $0x38;
	[tilespmem:$0x1F8A8] =	vst v63  }
0x31: {  	_ =	swait.ge [sflag:s30], $0x2710  }
0x32: {  	[sflag:s30] =	ssyncset.done $0x0  }
0x33: {  	s29 =	rddreg [dreg:$0x9];
	[sflag:s30] =	ssyncadd.s32 $0xFFFFD8F0  }
0x34: {  	[tilespmem:s0], [sflag:$0x7] =	stream.linear.gather [hbm4b:s29+s5], $0x4E20, $0x38;
	[tilespmem:$0x1F8A8] =	vst v63  }
0x35: {  	_ =	swait.ge [sflag:s30], $0x4E20  }
0x36: {  	[sflag:s30] =	ssyncset.done $0x0  }
0x37: {  	s16 =	simm.s32 $0x0;
	[sflag:s30] =	ssyncadd.s32 $0xFFFFB1E0  }
0x38: {  	v2 =	vld [tilespmem:s16+$0x4E20]  }
0x39: {  	v3 =	vld [tilespmem:s16+$0x4E30]  }
0x3a: {  	v4 =	vld [tilespmem:s16+$0x4E40]  }
0x3b: {  	v6 =	vld [tilespmem:s16+$0x4E50]  }
0x3c: {  	v7 =	vld [tilespmem:s16+$0x4E60]  }
0x3d: {  	v5 =	vand.u32 $0x3FFF, v2  }
0x3e: {  	[tilespmem:s16+$0x4E20] =	vst v5;
	v5 =	vand.u32 $0x3FFF, v3  }
0x3f: {  	[tilespmem:s16+$0x4E30] =	vst v5;
	v5 =	vand.u32 $0x3FFF, v4  }
0x40: {  	[tilespmem:s16+$0x4E40] =	vst v5;
	v5 =	vand.u32 $0x3FFF, v6  }
0x41: {  	s20 =	simm.s32 $0x50;
	v8 =	vand.u32 $0x3FFF, v7;
	[tilespmem:s16+$0x4E50] =	vst v5  }
0x42: {  	v5 =	vld [tilespmem:s20+$0x4E20];
	[tilespmem:s16+$0x4E60] =	vst v8;
	v8 =	vshrl.u32 v2, $0xE  }
0x43: {  	v2 =	vld [tilespmem:s20+$0x4E30];
	[tilespmem:s16+$0x9C40] =	vst v8;
	v8 =	vshrl.u32 v3, $0xE  }
0x44: {  	v3 =	vld [tilespmem:s20+$0x4E40];
	[tilespmem:s16+$0x9C50] =	vst v8;
	v8 =	vshrl.u32 v4, $0xE  }
0x45: {  	s21 =	simm.s32 $0x280;
	v7 =	vshrl.u32 v7, $0xE;
	v6 =	vshrl.u32 v6, $0xE;
	v4 =	vld [tilespmem:s20+$0x4E50];
	[tilespmem:s16+$0x9C60] =	vst v8  }
.LBB2_2:
0x46: {  	p2 =	sne.s32 s21, $0x13740;
	v8 =	vld [tilespmem:s20+$0x4E60];
	[tilespmem:s16+$0x9C70] =	vst v6  }
0x47: {  	v9 =	vshrl.u32 v5, $0xE;
	v5 =	vand.u32 $0x3FFF, v5;
	[tilespmem:s16+$0x9C80] =	vst v7;
	s16 =	smov.u32 s20  }
0x48: {  	[tilespmem:s16+$0x4E20] =	vst v5;
	v10 =	vshrl.u32 v2, $0xE;
	v2 =	vand.u32 $0x3FFF, v2  }
0x49: {  	[tilespmem:s16+$0x4E30] =	vst v2;
	v11 =	vshrl.u32 v3, $0xE;
	v2 =	vand.u32 $0x3FFF, v3  }
0x4a: {  	[tilespmem:s16+$0x4E40] =	vst v2;
	v6 =	vshrl.u32 v4, $0xE;
	v2 =	vand.u32 $0x3FFF, v4  }
.Ltmp2:
0x4b: {  	s20 =	sshra.s32 s21, $0x2;
	[tilespmem:s16+$0x4E50] =	vst v2;
	v7 =	vshrl.u32 v8, $0xE;
	v2 =	vand.u32 $0x3FFF, v8;
	(pc) =	sbr.rel @p2 .LBB2_2-.Ltmp2, $4  }
0x4c: {  	v5 =	vld [tilespmem:s20+$0x4E20];
	[tilespmem:s16+$0x4E60] =	vst v2  }
0x4d: {  	v2 =	vld [tilespmem:s20+$0x4E30];
	[tilespmem:s16+$0x9C40] =	vst v9  }
0x4e: {  	v3 =	vld [tilespmem:s20+$0x4E40];
	[tilespmem:s16+$0x9C50] =	vst v10  }
0x4f: {  	s21 =	sadd.s32 $0x140, s21;
	v4 =	vld [tilespmem:s20+$0x4E50];
	[tilespmem:s16+$0x9C60] =	vst v11  }
0x50: {  	v8 =	vld [tilespmem:s20+$0x4E60];
	[tilespmem:s16+$0x9C70] =	vst v6  }
0x51: {  	[tilespmem:s16+$0x9C80] =	vst v7;
	v58 =	vand.u32 $0x3FFF, v5  }
0x52: {  	v63 =	vshrl.u32 v5, $0xE;
	[tilespmem:s20+$0x4E20] =	vst v58  }
0x53: {  	v59 =	vand.u32 $0x3FFF, v2;
	[tilespmem:s20+$0x9C40] =	vst v63  }
0x54: {  	v2 =	vshrl.u32 v2, $0xE;
	[tilespmem:s20+$0x4E30] =	vst v59  }
0x55: {  	v60 =	vand.u32 $0x3FFF, v3;
	[tilespmem:s20+$0x9C50] =	vst v2  }
0x56: {  	p2 =	por $0x1, $0x1;
	v3 =	vshrl.u32 v3, $0xE;
	[tilespmem:s20+$0x4E40] =	vst v60  }
.Ltmp3:
0x57: {  	v61 =	vand.u32 $0x3FFF, v4;
	[tilespmem:s20+$0x9C60] =	vst v3;
	(pc) =	sbr.rel @!p2 .LBB2_5-.Ltmp3, $4  }
0x58: {  	v2 =	vshrl.u32 v4, $0xE;
	[tilespmem:s20+$0x4E50] =	vst v61  }
0x59: {  	v62 =	vand.u32 $0x3FFF, v8;
	[tilespmem:s20+$0x9C70] =	vst v2  }
0x5a: {  	v3 =	vshrl.u32 v8, $0xE;
	[tilespmem:s20+$0x4E60] =	vst v62  }
0x5b: {  	s21 =	simm.s32 $0x0;
	s16 =	simm.s32 $0x40;
	[tilespmem:s20+$0x9C80] =	vst v3;
	s20 =	simm.s32 $0x0  }
.LBB2_4:
0x5c: {  	p2 =	sne.s32 s16, $0x9FC0;
	[tilespmem:s20+$0x13880] =	vst v0;
	s20 =	smov.u32 s16;
	s16 =	sadd.s32 $0x40, s16  }
.Ltmp4:
0x5d: {  	(pc) =	sbr.rel @p2 .LBB2_4-.Ltmp4, $2  }
0x5e: {  	_ =	sdelay $0x2  }
0x5f: {  	s20 =	sshra.s32 s20, $0x2  }
.LBB2_5:
.Ltmp5:
0x60: {  	(pc) =	sbr.rel .LBB2_6-.Ltmp5, $2  }
0x61: {  	_ =	sdelay $0x2  }
0x62: {  	[tilespmem:s20+$0x13880] =	vst v0  }
.LBB2_16:
0x63: {  	s21 =	sadd.s32 $0x1, s21  }
0x64: {  	p2 =	sne.s32 s21, $0xFA  }
.Ltmp6:
0x65: {  	_ = 	snop;
	(pc) =	sbr.rel @!p2 .LBB2_17-.Ltmp6, $1  }
0x66: {  	_ =	sdelay $0x3  }
.LBB2_6:
0x67: {  	s26 =	smul.u32 $0x50, s21;
	_ =	sdelay $0x1  }
0x68: {  	v2 =	vld [tilespmem:s26+$0x9C40]  }
0x69: {  	v3 =	vld [tilespmem:s26+$0x4E20];
	_ =	sdelay $0x3  }
0x6a: {  	v4 =	vadd.s32 $0x2710, v2;
	_ =	sdelay $0x3  }
0x6b: {  	v3 =	vld.idx.msk [tilespmem:v3+s5+$0x0], $0xffff  }
0x6c: {  	v4 =	vld.idx.msk [tilespmem:v4+s5+$0x0], $0xffff;
	_ =	sdelay $0x1  }
0x6d: {  	v5 =	vld [tilespmem:s26+$0xEA60];
	_ =	sdelay $0x2  }
0x6e: {  	v3 =	vadd.f32 v4, v3;
	_ =	sdelay $0x1  }
0x6f: {  	v3 =	vadd.f32 v5, v3;
	_ =	sdelay $0x1  }
0x70: {  	v4 =	vmul.f32 $2.000000030e-01, v3  }
0x71: {  	vm0 =	vgt.f32 v3, $0.0e+00  }
0x72: {  	v3 =	vsel vm0, v3, v4  }
0x73: {  	[tilespmem:s26+$0xEA60] =	vst v3  }
0x74: {  	v4 =	vld.idx.msk [tilespmem:v2+s31+$0x0], $0xffff;
	_ =	sdelay $0x4  }
0x75: {  	vm0 =	vgt.f32 v3, v4  }
0x76: {  	v4 =	vsel vm0, $0x3F800000, v1  }
0x77: {  	(xrf0) =	vmax.scan.msk.f32 $0xffff, v4;
	_ =	sdelay $0x5  }
0x78: {  	v4, _, _ =	vpop (xrf0)  }
0x79: {  	(v2sf) =	vpush v4, $0xF;
	_ =	sdelay $0xe  }
0x7a: {  	s16 =	spop (v2sf)  }
0x7b: {  	p2 =	sgt.f32 s16, $0.0e+00  }
.Ltmp7:
0x7c: {  	_ = 	snop;
	(pc) =	sbr.rel @!p2 .LBB2_8-.Ltmp7, $1  }
0x7d: {  	_ =	sdelay $0x3  }
.LBB2_7:
0x7e: {  	v4 =	vld.idx.msk [tilespmem:v2+s31+$0x0], $0xffff;
	_ =	sdelay $0x4  }
0x7f: {  	vm0 =	vgt.f32 v3, v4;
	_ =	sdelay $0x5  }
0x80: {  	[tilespmem:v2+s31+$0x0] =	vst.idx.msk vm0, v3  }
0x81: {  	v4 =	vld.idx.msk [tilespmem:v2+s31+$0x0], $0xffff;
	_ =	sdelay $0x4  }
0x82: {  	vm15 =	vgt.f32 v3, v4  }
0x83: {  	v4 =	vsel vm15, $0x3F800000, v1  }
0x84: {  	(xrf0) =	vmax.scan.msk.f32 $0xffff, v4;
	_ =	sdelay $0x5  }
0x85: {  	v4, _, _ =	vpop (xrf0)  }
0x86: {  	(v2sf) =	vpush v4, $0xF;
	_ =	sdelay $0xe  }
0x87: {  	s16 =	spop (v2sf)  }
0x88: {  	p2 =	sgt.f32 s16, $0.0e+00  }
.Ltmp8:
0x89: {  	_ = 	snop;
	(pc) =	sbr.rel @p2 .LBB2_7-.Ltmp8, $1  }
0x8a: {  	_ =	sdelay $0x3  }
.LBB2_8:
0x8b: {  	v2 =	vld [tilespmem:s26+$0x9C50]  }
0x8c: {  	v3 =	vld [tilespmem:s26+$0x4E30];
	_ =	sdelay $0x3  }
0x8d: {  	v4 =	vadd.s32 $0x2710, v2;
	_ =	sdelay $0x3  }
0x8e: {  	v3 =	vld.idx.msk [tilespmem:v3+s5+$0x0], $0xffff  }
0x8f: {  	v4 =	vld.idx.msk [tilespmem:v4+s5+$0x0], $0xffff;
	_ =	sdelay $0x1  }
0x90: {  	v5 =	vld [tilespmem:s26+$0xEA70];
	_ =	sdelay $0x2  }
0x91: {  	v3 =	vadd.f32 v4, v3;
	_ =	sdelay $0x1  }
0x92: {  	v3 =	vadd.f32 v5, v3;
	_ =	sdelay $0x1  }
0x93: {  	v4 =	vmul.f32 $2.000000030e-01, v3  }
0x94: {  	vm0 =	vgt.f32 v3, $0.0e+00  }
0x95: {  	v3 =	vsel vm0, v3, v4  }
0x96: {  	[tilespmem:s26+$0xEA70] =	vst v3  }
0x97: {  	v4 =	vld.idx.msk [tilespmem:v2+s31+$0x0], $0xffff;
	_ =	sdelay $0x4  }
0x98: {  	vm0 =	vgt.f32 v3, v4  }
0x99: {  	v4 =	vsel vm0, $0x3F800000, v1  }
0x9a: {  	(xrf0) =	vmax.scan.msk.f32 $0xffff, v4;
	_ =	sdelay $0x5  }
0x9b: {  	v4, _, _ =	vpop (xrf0)  }
0x9c: {  	(v2sf) =	vpush v4, $0xF;
	_ =	sdelay $0xe  }
0x9d: {  	s16 =	spop (v2sf)  }
0x9e: {  	p2 =	sgt.f32 s16, $0.0e+00  }
.Ltmp9:
0x9f: {  	_ = 	snop;
	(pc) =	sbr.rel @!p2 .LBB2_10-.Ltmp9, $1  }
0xa0: {  	_ =	sdelay $0x3  }
.LBB2_9:
0xa1: {  	v4 =	vld.idx.msk [tilespmem:v2+s31+$0x0], $0xffff;
	_ =	sdelay $0x4  }
0xa2: {  	vm0 =	vgt.f32 v3, v4;
	_ =	sdelay $0x5  }
0xa3: {  	[tilespmem:v2+s31+$0x0] =	vst.idx.msk vm0, v3  }
0xa4: {  	v4 =	vld.idx.msk [tilespmem:v2+s31+$0x0], $0xffff;
	_ =	sdelay $0x4  }
0xa5: {  	vm15 =	vgt.f32 v3, v4  }
0xa6: {  	v4 =	vsel vm15, $0x3F800000, v1  }
0xa7: {  	(xrf0) =	vmax.scan.msk.f32 $0xffff, v4;
	_ =	sdelay $0x5  }
0xa8: {  	v4, _, _ =	vpop (xrf0)  }
0xa9: {  	(v2sf) =	vpush v4, $0xF;
	_ =	sdelay $0xe  }
0xaa: {  	s16 =	spop (v2sf)  }
0xab: {  	p2 =	sgt.f32 s16, $0.0e+00  }
.Ltmp10:
0xac: {  	_ = 	snop;
	(pc) =	sbr.rel @p2 .LBB2_9-.Ltmp10, $1  }
0xad: {  	_ =	sdelay $0x3  }
.LBB2_10:
0xae: {  	v2 =	vld [tilespmem:s26+$0x9C60]  }
0xaf: {  	v3 =	vld [tilespmem:s26+$0x4E40];
	_ =	sdelay $0x3  }
0xb0: {  	v4 =	vadd.s32 $0x2710, v2;
	_ =	sdelay $0x3  }
0xb1: {  	v3 =	vld.idx.msk [tilespmem:v3+s5+$0x0], $0xffff  }
0xb2: {  	v4 =	vld.idx.msk [tilespmem:v4+s5+$0x0], $0xffff;
	_ =	sdelay $0x1  }
0xb3: {  	v5 =	vld [tilespmem:s26+$0xEA80];
	_ =	sdelay $0x2  }
0xb4: {  	v3 =	vadd.f32 v4, v3;
	_ =	sdelay $0x1  }
0xb5: {  	v3 =	vadd.f32 v5, v3;
	_ =	sdelay $0x1  }
0xb6: {  	v4 =	vmul.f32 $2.000000030e-01, v3  }
0xb7: {  	vm0 =	vgt.f32 v3, $0.0e+00  }
0xb8: {  	v3 =	vsel vm0, v3, v4  }
0xb9: {  	[tilespmem:s26+$0xEA80] =	vst v3  }
0xba: {  	v4 =	vld.idx.msk [tilespmem:v2+s31+$0x0], $0xffff;
	_ =	sdelay $0x4  }
0xbb: {  	vm0 =	vgt.f32 v3, v4  }
0xbc: {  	v4 =	vsel vm0, $0x3F800000, v1  }
0xbd: {  	(xrf0) =	vmax.scan.msk.f32 $0xffff, v4;
	_ =	sdelay $0x5  }
0xbe: {  	v4, _, _ =	vpop (xrf0)  }
0xbf: {  	(v2sf) =	vpush v4, $0xF;
	_ =	sdelay $0xe  }
0xc0: {  	s16 =	spop (v2sf)  }
0xc1: {  	p2 =	sgt.f32 s16, $0.0e+00  }
.Ltmp11:
0xc2: {  	_ = 	snop;
	(pc) =	sbr.rel @!p2 .LBB2_12-.Ltmp11, $1  }
0xc3: {  	_ =	sdelay $0x3  }
.LBB2_11:
0xc4: {  	v4 =	vld.idx.msk [tilespmem:v2+s31+$0x0], $0xffff;
	_ =	sdelay $0x4  }
0xc5: {  	vm0 =	vgt.f32 v3, v4;
	_ =	sdelay $0x5  }
0xc6: {  	[tilespmem:v2+s31+$0x0] =	vst.idx.msk vm0, v3  }
0xc7: {  	v4 =	vld.idx.msk [tilespmem:v2+s31+$0x0], $0xffff;
	_ =	sdelay $0x4  }
0xc8: {  	vm15 =	vgt.f32 v3, v4  }
0xc9: {  	v4 =	vsel vm15, $0x3F800000, v1  }
0xca: {  	(xrf0) =	vmax.scan.msk.f32 $0xffff, v4;
	_ =	sdelay $0x5  }
0xcb: {  	v4, _, _ =	vpop (xrf0)  }
0xcc: {  	(v2sf) =	vpush v4, $0xF;
	_ =	sdelay $0xe  }
0xcd: {  	s16 =	spop (v2sf)  }
0xce: {  	p2 =	sgt.f32 s16, $0.0e+00  }
.Ltmp12:
0xcf: {  	_ = 	snop;
	(pc) =	sbr.rel @p2 .LBB2_11-.Ltmp12, $1  }
0xd0: {  	_ =	sdelay $0x3  }
.LBB2_12:
0xd1: {  	v2 =	vld [tilespmem:s26+$0x9C70]  }
0xd2: {  	v3 =	vld [tilespmem:s26+$0x4E50];
	_ =	sdelay $0x3  }
0xd3: {  	v4 =	vadd.s32 $0x2710, v2;
	_ =	sdelay $0x3  }
0xd4: {  	v3 =	vld.idx.msk [tilespmem:v3+s5+$0x0], $0xffff  }
0xd5: {  	v4 =	vld.idx.msk [tilespmem:v4+s5+$0x0], $0xffff;
	_ =	sdelay $0x1  }
0xd6: {  	v5 =	vld [tilespmem:s26+$0xEA90];
	_ =	sdelay $0x2  }
0xd7: {  	v3 =	vadd.f32 v4, v3;
	_ =	sdelay $0x1  }
0xd8: {  	v3 =	vadd.f32 v5, v3;
	_ =	sdelay $0x1  }
0xd9: {  	v4 =	vmul.f32 $2.000000030e-01, v3  }
0xda: {  	vm0 =	vgt.f32 v3, $0.0e+00  }
0xdb: {  	v3 =	vsel vm0, v3, v4  }
0xdc: {  	[tilespmem:s26+$0xEA90] =	vst v3  }
0xdd: {  	v4 =	vld.idx.msk [tilespmem:v2+s31+$0x0], $0xffff;
	_ =	sdelay $0x4  }
0xde: {  	vm0 =	vgt.f32 v3, v4  }
0xdf: {  	v4 =	vsel vm0, $0x3F800000, v1  }
0xe0: {  	(xrf0) =	vmax.scan.msk.f32 $0xffff, v4;
	_ =	sdelay $0x5  }
0xe1: {  	v4, _, _ =	vpop (xrf0)  }
0xe2: {  	(v2sf) =	vpush v4, $0xF;
	_ =	sdelay $0xe  }
0xe3: {  	s16 =	spop (v2sf)  }
0xe4: {  	p2 =	sgt.f32 s16, $0.0e+00  }
.Ltmp13:
0xe5: {  	_ = 	snop;
	(pc) =	sbr.rel @!p2 .LBB2_14-.Ltmp13, $1  }
0xe6: {  	_ =	sdelay $0x3  }
.LBB2_13:
0xe7: {  	v4 =	vld.idx.msk [tilespmem:v2+s31+$0x0], $0xffff;
	_ =	sdelay $0x4  }
0xe8: {  	vm0 =	vgt.f32 v3, v4;
	_ =	sdelay $0x5  }
0xe9: {  	[tilespmem:v2+s31+$0x0] =	vst.idx.msk vm0, v3  }
0xea: {  	v4 =	vld.idx.msk [tilespmem:v2+s31+$0x0], $0xffff;
	_ =	sdelay $0x4  }
0xeb: {  	vm15 =	vgt.f32 v3, v4  }
0xec: {  	v4 =	vsel vm15, $0x3F800000, v1  }
0xed: {  	(xrf0) =	vmax.scan.msk.f32 $0xffff, v4;
	_ =	sdelay $0x5  }
0xee: {  	v4, _, _ =	vpop (xrf0)  }
0xef: {  	(v2sf) =	vpush v4, $0xF;
	_ =	sdelay $0xe  }
0xf0: {  	s16 =	spop (v2sf)  }
0xf1: {  	p2 =	sgt.f32 s16, $0.0e+00  }
.Ltmp14:
0xf2: {  	_ = 	snop;
	(pc) =	sbr.rel @p2 .LBB2_13-.Ltmp14, $1  }
0xf3: {  	_ =	sdelay $0x3  }
.LBB2_14:
0xf4: {  	v2 =	vld [tilespmem:s26+$0x9C80]  }
0xf5: {  	v3 =	vld [tilespmem:s26+$0x4E60];
	_ =	sdelay $0x3  }
0xf6: {  	v4 =	vadd.s32 $0x2710, v2;
	_ =	sdelay $0x3  }
0xf7: {  	v3 =	vld.idx.msk [tilespmem:v3+s5+$0x0], $0xffff  }
0xf8: {  	v4 =	vld.idx.msk [tilespmem:v4+s5+$0x0], $0xffff;
	_ =	sdelay $0x1  }
0xf9: {  	v5 =	vld [tilespmem:s26+$0xEAA0];
	_ =	sdelay $0x2  }
0xfa: {  	v3 =	vadd.f32 v4, v3;
	_ =	sdelay $0x1  }
0xfb: {  	v3 =	vadd.f32 v5, v3;
	_ =	sdelay $0x1  }
0xfc: {  	v4 =	vmul.f32 $2.000000030e-01, v3  }
0xfd: {  	vm0 =	vgt.f32 v3, $0.0e+00  }
0xfe: {  	v3 =	vsel vm0, v3, v4  }
0xff: {  	[tilespmem:s26+$0xEAA0] =	vst v3  }
0x100: {  	v4 =	vld.idx.msk [tilespmem:v2+s31+$0x0], $0xffff;
	_ =	sdelay $0x4  }
0x101: {  	vm0 =	vgt.f32 v3, v4  }
0x102: {  	v4 =	vsel vm0, $0x3F800000, v1  }
0x103: {  	(xrf0) =	vmax.scan.msk.f32 $0xffff, v4;
	_ =	sdelay $0x5  }
0x104: {  	v4, _, _ =	vpop (xrf0)  }
0x105: {  	(v2sf) =	vpush v4, $0xF;
	_ =	sdelay $0xe  }
0x106: {  	s16 =	spop (v2sf)  }
0x107: {  	p2 =	sgt.f32 s16, $0.0e+00  }
.Ltmp15:
0x108: {  	_ = 	snop;
	(pc) =	sbr.rel @!p2 .LBB2_16-.Ltmp15, $1  }
0x109: {  	_ =	sdelay $0x3  }
.LBB2_15:
0x10a: {  	v4 =	vld.idx.msk [tilespmem:v2+s31+$0x0], $0xffff;
	_ =	sdelay $0x4  }
0x10b: {  	vm0 =	vgt.f32 v3, v4;
	_ =	sdelay $0x5  }
0x10c: {  	[tilespmem:v2+s31+$0x0] =	vst.idx.msk vm0, v3  }
0x10d: {  	v4 =	vld.idx.msk [tilespmem:v2+s31+$0x0], $0xffff;
	_ =	sdelay $0x4  }
0x10e: {  	vm15 =	vgt.f32 v3, v4  }
0x10f: {  	v4 =	vsel vm15, $0x3F800000, v1  }
0x110: {  	(xrf0) =	vmax.scan.msk.f32 $0xffff, v4;
	_ =	sdelay $0x5  }
0x111: {  	v4, _, _ =	vpop (xrf0)  }
0x112: {  	(v2sf) =	vpush v4, $0xF;
	_ =	sdelay $0xe  }
0x113: {  	s16 =	spop (v2sf)  }
0x114: {  	p2 =	sgt.f32 s16, $0.0e+00  }
.Ltmp16:
0x115: {  	_ = 	snop;
	(pc) =	sbr.rel @p2 .LBB2_15-.Ltmp16, $1  }
0x116: {  	_ =	sdelay $0x3  }
.Ltmp17:
0x117: {  	_ = 	snop;
	(pc) =	sbr.rel .LBB2_16-.Ltmp17, $1  }
0x118: {  	_ =	sdelay $0x3  }
.LBB2_17:
0x119: {  	s21 =	simm.s32 $0x0  }
.LBB2_18:
0x11a: {  	s16 =	smul.u32 $0x2800, s21;
	_ =	sdelay $0x1  }
0x11b: {  	s16 =	sshra.s32 s16, $0x2  }
0x11c: {  	s26 =	sadd.s32 $0x13880, s16  }
0x11d: {  	[spmem:s13] =	stream.linear.scatter [tilespmem:s26], [sflag:$0x7], $0xA00, $0x38;
	[tilespmem:$0x1F8A8] =	vst v63  }
0x11e: {  	_ =	swait.ge [sflag:s30], $0xA00  }
0x11f: {  	[sflag:s30] =	ssyncset.done $0x0  }
0x120: {  	[sflag:s30] =	ssyncadd.s32 $0xFFFFF600  }
0x121: {  	[bflag:$0x0] =	sbarrier.arrive $0xFFFF  }
0x122: {  	[tilespmem:s6], [sflag:$0x7] =	stream.linear.gather [spmem:s15], $0xA0, $0x38;
	[tilespmem:$0x1F8A8] =	vst v63  }
0x123: {  	_ =	swait.ge [sflag:s30], $0xA0  }
0x124: {  	[sflag:s30] =	ssyncset.done $0x0  }
0x125: {  	s29 =	sadd.s32 $0xA00, s15;
	[sflag:s30] =	ssyncadd.s32 $0xFFFFFF60  }
0x126: {  	[tilespmem:s10], [sflag:$0x7] =	stream.linear.gather [spmem:s29], $0xA0, $0x38;
	[tilespmem:$0x1F8A8] =	vst v63  }
0x127: {  	_ =	swait.ge [sflag:s30], $0xA0  }
0x128: {  	[sflag:s30] =	ssyncset.done $0x0  }
0x129: {  	[sflag:s30] =	ssyncadd.s32 $0xFFFFFF60  }
0x12a: {  	v3 =	vld [tilespmem:$0x19E00]  }
0x12b: {  	v2 =	vld [tilespmem:$0x19DE0]  }
0x12c: {  	v5 =	vld [tilespmem:$0x19DF0]  }
0x12d: {  	v4 =	vld [tilespmem:$0x19D80]  }
0x12e: {  	v7 =	vld [tilespmem:$0x19DB0]  }
0x12f: {  	s16 =	simm.s32 $0x5000;
	v6 =	vld [tilespmem:$0x19DA0]  }
.LBB2_19:
0x130: {  	p2 =	sne.s32 s16, $0x25800;
	v8 =	vld [tilespmem:$0x19DC0];
	s20 =	smov.u32 s16;
	s16 =	sadd.s32 $0x2800, s16  }
0x131: {  	v9 =	vld [tilespmem:$0x19D90]  }
0x132: {  	v10 =	vld [tilespmem:$0x19D10]  }
0x133: {  	v11 =	vld [tilespmem:$0x19DD0]  }
0x134: {  	v12 =	vld [tilespmem:$0x19D00]  }
0x135: {  	v13 =	vld [tilespmem:$0x19D20]  }
0x136: {  	v14 =	vld [tilespmem:$0x19CD0]  }
0x137: {  	v7 =	vmax.f32 v10, v7;
	v10 =	vld [tilespmem:$0x19D50]  }
0x138: {  	v15 =	vld [tilespmem:$0x19CF0];
	[tilespmem:$0x19D10] =	vst v7  }
0x139: {  	v7 =	vld [tilespmem:$0x19CE0];
	v6 =	vmax.f32 v12, v6  }
0x13a: {  	[tilespmem:$0x19D00] =	vst v6;
	v6 =	vmax.f32 v13, v8;
	v8 =	vld [tilespmem:$0x19D60]  }
0x13b: {  	[tilespmem:$0x19D20] =	vst v6;
	v6 =	vld [tilespmem:$0x19D30]  }
0x13c: {  	v12 =	vld [tilespmem:$0x19D40];
	v5 =	vmax.f32 v10, v5  }
0x13d: {  	v10 =	vld [tilespmem:$0x19D70];
	v9 =	vmax.f32 v15, v9;
	[tilespmem:$0x19D50] =	vst v5  }
0x13e: {  	v4 =	vmax.f32 v7, v4;
	[tilespmem:$0x19CF0] =	vst v9  }
0x13f: {  	[tilespmem:$0x19CE0] =	vst v4;
	v3 =	vmax.f32 v8, v3  }
0x140: {  	v4 =	vmax.f32 v6, v11;
	[tilespmem:$0x19D60] =	vst v3  }
0x141: {  	[tilespmem:$0x19D30] =	vst v4;
	v2 =	vmax.f32 v12, v2  }
0x142: {  	s20 =	sshra.s32 s20, $0x2;
	v3 =	vmax.f32 v14, v10;
	[tilespmem:$0x19D40] =	vst v2  }
0x143: {  	s20 =	sadd.s32 s20, s15;
	[tilespmem:$0x19CD0] =	vst v3  }
0x144: {  	[tilespmem:s10], [sflag:$0x7] =	stream.linear.gather [spmem:s20], $0xA0, $0x38;
	[tilespmem:$0x1F8A8] =	vst v63  }
0x145: {  	_ =	swait.ge [sflag:s30], $0xA0  }
0x146: {  	[sflag:s30] =	ssyncset.done $0x0  }
0x147: {  	[sflag:s30] =	ssyncadd.s32 $0xFFFFFF60  }
0x148: {  	v3 =	vld [tilespmem:$0x19E00]  }
.Ltmp18:
0x149: {  	v2 =	vld [tilespmem:$0x19DE0];
	(pc) =	sbr.rel @p2 .LBB2_19-.Ltmp18, $4  }
0x14a: {  	v5 =	vld [tilespmem:$0x19DF0]  }
0x14b: {  	v4 =	vld [tilespmem:$0x19D80]  }
0x14c: {  	v7 =	vld [tilespmem:$0x19DB0]  }
0x14d: {  	v6 =	vld [tilespmem:$0x19DA0]  }
0x14e: {  	v8 =	vld [tilespmem:$0x19DC0]  }
0x14f: {  	v9 =	vld [tilespmem:$0x19D90]  }
0x150: {  	v10 =	vld [tilespmem:$0x19D10]  }
0x151: {  	v11 =	vld [tilespmem:$0x19DD0]  }
0x152: {  	v12 =	vld [tilespmem:$0x19D00]  }
0x153: {  	v13 =	vld [tilespmem:$0x19D20]  }
0x154: {  	v14 =	vld [tilespmem:$0x19CD0]  }
0x155: {  	v15 =	vld [tilespmem:$0x19D50]  }
0x156: {  	v16 =	vld [tilespmem:$0x19CF0]  }
0x157: {  	v57 =	vld [tilespmem:$0x19CE0];
	v7 =	vmax.f32 v10, v7  }
0x158: {  	v58 =	vld [tilespmem:$0x19D60];
	v6 =	vmax.f32 v12, v6;
	[tilespmem:$0x19D10] =	vst v7  }
0x159: {  	v60 =	vld [tilespmem:$0x19D30];
	v59 =	vmax.f32 v13, v8;
	[tilespmem:$0x19D00] =	vst v6  }
0x15a: {  	v61 =	vld [tilespmem:$0x19D40];
	v5 =	vmax.f32 v15, v5;
	[tilespmem:$0x19D20] =	vst v59  }
0x15b: {  	v62 =	vld [tilespmem:$0x19D70];
	v9 =	vmax.f32 v16, v9;
	[tilespmem:$0x19D50] =	vst v5  }
0x15c: {  	v4 =	vmax.f32 v57, v4;
	[tilespmem:$0x19CF0] =	vst v9  }
0x15d: {  	v3 =	vmax.f32 v58, v3;
	[tilespmem:$0x19CE0] =	vst v4  }
0x15e: {  	v63 =	vmax.f32 v60, v11;
	[tilespmem:$0x19D60] =	vst v3  }
0x15f: {  	v2 =	vmax.f32 v61, v2;
	[tilespmem:$0x19D30] =	vst v63  }
0x160: {  	v3 =	vmax.f32 v14, v62;
	[tilespmem:$0x19D40] =	vst v2  }
0x161: {  	[tilespmem:$0x19CD0] =	vst v3  }
0x162: {  	[spmem:s15] =	stream.linear.scatter [tilespmem:s6], [sflag:$0x7], $0xA0, $0x38;
	[tilespmem:$0x1F8A8] =	vst v63  }
0x163: {  	_ =	swait.ge [sflag:s30], $0xA0  }
0x164: {  	[sflag:s30] =	ssyncset.done $0x0  }
0x165: {  	s21 =	sadd.s32 $0x1, s21;
	[sflag:s30] =	ssyncadd.s32 $0xFFFFFF60  }
0x166: {  	p2 =	sne.s32 s21, $0x4;
	[bflag:$0x0] =	sbarrier.arrive $0xFFFF  }
0x167: {  	[tilespmem:s26], [sflag:$0x7] =	stream.linear.gather [spmem:s2], $0xA00, $0x38;
	[tilespmem:$0x1F8A8] =	vst v63  }
.Ltmp19:
0x168: {  	_ =	swait.ge [sflag:s30], $0xA00;
	(pc) =	sbr.rel @p2 .LBB2_18-.Ltmp19, $3  }
0x169: {  	[sflag:s30] =	ssyncset.done $0x0  }
0x16a: {  	[sflag:s30] =	ssyncadd.s32 $0xFFFFF600  }
0x16b: {  	[bflag:$0x0] =	sbarrier.arrive $0xFFFF;
	_ =	sdelay $0x1  }
0x16c: {  	s16 =	simm.s32 $0x40;
	s20 =	simm.s32 $0x0  }
.LBB2_22:
0x16d: {  	p2 =	sne.s32 s16, $0x9FC0;
	[tilespmem:s20+$0x16080] =	vst v1;
	s20 =	smov.u32 s16;
	s16 =	sadd.s32 $0x40, s16  }
.Ltmp20:
0x16e: {  	(pc) =	sbr.rel @p2 .LBB2_22-.Ltmp20, $2  }
0x16f: {  	_ =	sdelay $0x2  }
0x170: {  	s20 =	sshra.s32 s20, $0x2  }
0x171: {  	[tilespmem:s20+$0x16080] =	vst v1;
	s16 =	simm.s32 @!p0 $0x16080  }
0x172: {  	[spmem:s3] =	stream.linear.scatter @!p0 [tilespmem:s16], [sflag:$0x7], $0x2710, $0x38;
	[tilespmem:$0x1F8A8] =	vst v63  }
0x173: {  	s16 =	simm.s32 @!p0 $0x7  }
0x174: {  	_ =	swait.ge @!p0 [sflag:s16], $0x2710  }
0x175: {  	[sflag:s16] =	ssyncset.done @!p0 $0x0  }
0x176: {  	s21 =	simm.s32 $0x40;
	[sflag:s16] =	ssyncadd.s32 @!p0 $0xFFFFD8F0  }
0x177: {  	v2 =	vld [tilespmem:s21+$0x9C00];
	_ =	sdelay $0x6  }
0x178: {  	v3 =	vld [tilespmem:s21+$0xEA20]  }
0x179: {  	v2 =	vld.idx.msk [tilespmem:v2+s31+$0x0], $0xffff;
	_ =	sdelay $0x4  }
0x17a: {  	v2 =	vsub.f32 v3, v2;
	_ =	sdelay $0x1  }
0x17b: {  	v2 =	vmul.f32 $1.442695020e+00, v2;
	_ =	sdelay $0x1  }
0x17c: {  	(erf) = vpow2.f32 v2;
	_ =	sdelay $0x2  }
0x17d: {  	v2 =	vld [tilespmem:s21+$0x9C10];
	_ =	sdelay $0x5  }
0x17e: {  	v3 =	vpop (erf)  }
0x17f: {  	[tilespmem:s21+$0xEA20] =	vst v3;
	v3 =	vld [tilespmem:s21+$0xEA30]  }
0x180: {  	v2 =	vld.idx.msk [tilespmem:v2+s31+$0x0], $0xffff;
	_ =	sdelay $0x4  }
0x181: {  	v2 =	vsub.f32 v3, v2;
	_ =	sdelay $0x1  }
0x182: {  	v2 =	vmul.f32 $1.442695020e+00, v2;
	_ =	sdelay $0x1  }
0x183: {  	(erf) = vpow2.f32 v2;
	_ =	sdelay $0x2  }
0x184: {  	v2 =	vld [tilespmem:s21+$0x9C20];
	_ =	sdelay $0x5  }
0x185: {  	v3 =	vpop (erf)  }
0x186: {  	[tilespmem:s21+$0xEA30] =	vst v3;
	v3 =	vld [tilespmem:s21+$0xEA40]  }
0x187: {  	v2 =	vld.idx.msk [tilespmem:v2+s31+$0x0], $0xffff;
	_ =	sdelay $0x4  }
0x188: {  	v2 =	vsub.f32 v3, v2;
	_ =	sdelay $0x1  }
0x189: {  	v2 =	vmul.f32 $1.442695020e+00, v2;
	_ =	sdelay $0x1  }
0x18a: {  	(erf) = vpow2.f32 v2;
	_ =	sdelay $0x2  }
0x18b: {  	v2 =	vld [tilespmem:s21+$0x9C30];
	_ =	sdelay $0x5  }
0x18c: {  	v3 =	vpop (erf)  }
0x18d: {  	[tilespmem:s21+$0xEA40] =	vst v3;
	v3 =	vld [tilespmem:s21+$0xEA50]  }
0x18e: {  	v2 =	vld.idx.msk [tilespmem:v2+s31+$0x0], $0xffff;
	_ =	sdelay $0x4  }
0x18f: {  	v2 =	vsub.f32 v3, v2;
	_ =	sdelay $0x1  }
0x190: {  	v2 =	vmul.f32 $1.442695020e+00, v2;
	_ =	sdelay $0x1  }
0x191: {  	(erf) = vpow2.f32 v2;
	_ =	sdelay $0x2  }
0x192: {  	v2 =	vld [tilespmem:s21+$0x9C40];
	_ =	sdelay $0x5  }
0x193: {  	v3 =	vpop (erf)  }
0x194: {  	[tilespmem:s21+$0xEA50] =	vst v3;
	v3 =	vld [tilespmem:s21+$0xEA60]  }
0x195: {  	v2 =	vld.idx.msk [tilespmem:v2+s31+$0x0], $0xffff;
	_ =	sdelay $0x4  }
0x196: {  	v2 =	vsub.f32 v3, v2;
	_ =	sdelay $0x1  }
0x197: {  	v2 =	vmul.f32 $1.442695020e+00, v2;
	_ =	sdelay $0x1  }
0x198: {  	(erf) = vpow2.f32 v2;
	_ =	sdelay $0x1  }
0x199: {  	s26 =	simm.s32 $0x380;
	s16 =	simm.s32 $0x90  }
.LBB2_24:
0x19a: {  	p2 =	sne.s32 s26, $0x13840;
	v2 =	vld [tilespmem:s16+$0x9C00];
	_ =	sdelay $0x5  }
0x19b: {  	v3 =	vpop (erf)  }
0x19c: {  	[tilespmem:s21+$0xEA60] =	vst v3;
	s21 =	smov.u32 s16  }
0x19d: {  	v2 =	vld.idx.msk [tilespmem:v2+s31+$0x0], $0xffff  }
0x19e: {  	v3 =	vld [tilespmem:s21+$0xEA20];
	_ =	sdelay $0x4  }
0x19f: {  	v2 =	vsub.f32 v3, v2;
	_ =	sdelay $0x1  }
0x1a0: {  	v2 =	vmul.f32 $1.442695020e+00, v2;
	_ =	sdelay $0x1  }
0x1a1: {  	(erf) = vpow2.f32 v2;
	_ =	sdelay $0x2  }
0x1a2: {  	v2 =	vld [tilespmem:s21+$0x9C10];
	_ =	sdelay $0x5  }
0x1a3: {  	v3 =	vpop (erf)  }
0x1a4: {  	[tilespmem:s21+$0xEA20] =	vst v3  }
0x1a5: {  	v2 =	vld.idx.msk [tilespmem:v2+s31+$0x0], $0xffff  }
0x1a6: {  	v3 =	vld [tilespmem:s21+$0xEA30];
	_ =	sdelay $0x4  }
0x1a7: {  	v2 =	vsub.f32 v3, v2;
	_ =	sdelay $0x1  }
0x1a8: {  	v2 =	vmul.f32 $1.442695020e+00, v2;
	_ =	sdelay $0x1  }
0x1a9: {  	(erf) = vpow2.f32 v2;
	_ =	sdelay $0x2  }
0x1aa: {  	v2 =	vld [tilespmem:s21+$0x9C20];
	_ =	sdelay $0x5  }
0x1ab: {  	v3 =	vpop (erf)  }
0x1ac: {  	[tilespmem:s21+$0xEA30] =	vst v3  }
0x1ad: {  	v2 =	vld.idx.msk [tilespmem:v2+s31+$0x0], $0xffff  }
0x1ae: {  	v3 =	vld [tilespmem:s21+$0xEA40];
	_ =	sdelay $0x4  }
0x1af: {  	v2 =	vsub.f32 v3, v2;
	_ =	sdelay $0x1  }
0x1b0: {  	v2 =	vmul.f32 $1.442695020e+00, v2;
	_ =	sdelay $0x1  }
0x1b1: {  	(erf) = vpow2.f32 v2;
	_ =	sdelay $0x2  }
0x1b2: {  	v2 =	vld [tilespmem:s21+$0x9C30];
	_ =	sdelay $0x5  }
0x1b3: {  	v3 =	vpop (erf)  }
0x1b4: {  	[tilespmem:s21+$0xEA40] =	vst v3  }
0x1b5: {  	v2 =	vld.idx.msk [tilespmem:v2+s31+$0x0], $0xffff  }
0x1b6: {  	v3 =	vld [tilespmem:s21+$0xEA50];
	_ =	sdelay $0x4  }
0x1b7: {  	v2 =	vsub.f32 v3, v2;
	_ =	sdelay $0x1  }
0x1b8: {  	v2 =	vmul.f32 $1.442695020e+00, v2;
	_ =	sdelay $0x1  }
0x1b9: {  	(erf) = vpow2.f32 v2;
	_ =	sdelay $0x2  }
0x1ba: {  	v2 =	vld [tilespmem:s21+$0x9C40];
	_ =	sdelay $0x5  }
0x1bb: {  	v3 =	vpop (erf)  }
0x1bc: {  	[tilespmem:s21+$0xEA50] =	vst v3  }
0x1bd: {  	v2 =	vld.idx.msk [tilespmem:v2+s31+$0x0], $0xffff  }
0x1be: {  	v3 =	vld [tilespmem:s21+$0xEA60];
	_ =	sdelay $0x4  }
0x1bf: {  	v2 =	vsub.f32 v3, v2;
	_ =	sdelay $0x1  }
.Ltmp21:
0x1c0: {  	v2 =	vmul.f32 $1.442695020e+00, v2;
	(pc) =	sbr.rel @p2 .LBB2_24-.Ltmp21, $3  }
0x1c1: {  	_ = 	snop  }
0x1c2: {  	(erf) = vpow2.f32 v2;
	_ =	sdelay $0x1  }
0x1c3: {  	s16 =	sshra.s32 s26, $0x2;
	s26 =	sadd.s32 $0x140, s26  }
0x1c4: {  	v2 =	vld [tilespmem:s16+$0x9C00];
	_ =	sdelay $0x5  }
0x1c5: {  	v3 =	vpop (erf)  }
0x1c6: {  	[tilespmem:s21+$0xEA60] =	vst v3  }
0x1c7: {  	v2 =	vld.idx.msk [tilespmem:v2+s31+$0x0], $0xffff  }
0x1c8: {  	v3 =	vld [tilespmem:s16+$0xEA20];
	_ =	sdelay $0x4  }
0x1c9: {  	v2 =	vsub.f32 v3, v2;
	_ =	sdelay $0x1  }
0x1ca: {  	v2 =	vmul.f32 $1.442695020e+00, v2;
	_ =	sdelay $0x1  }
0x1cb: {  	(erf) = vpow2.f32 v2;
	_ =	sdelay $0x2  }
0x1cc: {  	v2 =	vld [tilespmem:s16+$0x9C10];
	_ =	sdelay $0x5  }
0x1cd: {  	v3 =	vpop (erf)  }
0x1ce: {  	[tilespmem:s16+$0xEA20] =	vst v3;
	v3 =	vld [tilespmem:s16+$0xEA30]  }
0x1cf: {  	v2 =	vld.idx.msk [tilespmem:v2+s31+$0x0], $0xffff;
	_ =	sdelay $0x4  }
0x1d0: {  	v2 =	vsub.f32 v3, v2;
	_ =	sdelay $0x1  }
0x1d1: {  	v2 =	vmul.f32 $1.442695020e+00, v2;
	_ =	sdelay $0x1  }
0x1d2: {  	(erf) = vpow2.f32 v2;
	_ =	sdelay $0x2  }
0x1d3: {  	v2 =	vld [tilespmem:s16+$0x9C20];
	_ =	sdelay $0x5  }
0x1d4: {  	v3 =	vpop (erf)  }
0x1d5: {  	[tilespmem:s16+$0xEA30] =	vst v3;
	v3 =	vld [tilespmem:s16+$0xEA40]  }
0x1d6: {  	v2 =	vld.idx.msk [tilespmem:v2+s31+$0x0], $0xffff;
	_ =	sdelay $0x4  }
0x1d7: {  	v2 =	vsub.f32 v3, v2;
	_ =	sdelay $0x1  }
0x1d8: {  	v2 =	vmul.f32 $1.442695020e+00, v2;
	_ =	sdelay $0x1  }
0x1d9: {  	(erf) = vpow2.f32 v2;
	_ =	sdelay $0x2  }
0x1da: {  	v2 =	vld [tilespmem:s16+$0x9C30];
	_ =	sdelay $0x5  }
0x1db: {  	v3 =	vpop (erf)  }
0x1dc: {  	[tilespmem:s16+$0xEA40] =	vst v3;
	v3 =	vld [tilespmem:s16+$0xEA50]  }
0x1dd: {  	v2 =	vld.idx.msk [tilespmem:v2+s31+$0x0], $0xffff;
	_ =	sdelay $0x4  }
0x1de: {  	v2 =	vsub.f32 v3, v2;
	_ =	sdelay $0x1  }
0x1df: {  	v2 =	vmul.f32 $1.442695020e+00, v2;
	_ =	sdelay $0x1  }
0x1e0: {  	(erf) = vpow2.f32 v2;
	_ =	sdelay $0x2  }
0x1e1: {  	v2 =	vld [tilespmem:s16+$0x9C40];
	_ =	sdelay $0x5  }
0x1e2: {  	v3 =	vpop (erf)  }
0x1e3: {  	[tilespmem:s16+$0xEA50] =	vst v3;
	v3 =	vld [tilespmem:s16+$0xEA60]  }
0x1e4: {  	v2 =	vld.idx.msk [tilespmem:v2+s31+$0x0], $0xffff;
	_ =	sdelay $0x4  }
0x1e5: {  	v2 =	vsub.f32 v3, v2;
	_ =	sdelay $0x1  }
0x1e6: {  	v2 =	vmul.f32 $1.442695020e+00, v2;
	_ =	sdelay $0x1  }
0x1e7: {  	(erf) = vpow2.f32 v2;
	_ =	sdelay $0x8  }
0x1e8: {  	v2 =	vpop (erf)  }
0x1e9: {  	s20 =	simm.s32 $0x0;
	[tilespmem:s16+$0xEA60] =	vst v2;
	s16 =	simm.s32 $0x80  }
.LBB2_26:
0x1ea: {  	p2 =	sne.s32 s16, $0x2780;
	[tilespmem:s20+$0x18880] =	vst v1;
	s21 =	smov.u32 s16;
	s16 =	sadd.s32 $0x80, s16  }
.Ltmp22:
0x1eb: {  	[tilespmem:s20+$0x18890] =	vst v1;
	(pc) =	sbr.rel @p2 .LBB2_26-.Ltmp22, $2  }
0x1ec: {  	_ =	sdelay $0x2  }
0x1ed: {  	s20 =	sshra.s32 s21, $0x2  }
0x1ee: {  	[tilespmem:s20+$0x18880] =	vst v1  }
0x1ef: {  	[tilespmem:s20+$0x18890] =	vst v1;
	s1 =	rddreg [dreg:$0xa]  }
0x1f0: {  	[spmem:s1] =	stream.linear.scatter [tilespmem:s11], [sflag:$0x7], $0xA00, $0x38;
	[tilespmem:$0x1F8A8] =	vst v63  }
0x1f1: {  	_ =	swait.ge [sflag:s30], $0xA00  }
0x1f2: {  	[sflag:s30] =	ssyncset.done $0x0  }
0x1f3: {  	s21 =	rddreg [dreg:$0xc];
	[sflag:s30] =	ssyncadd.s32 $0xFFFFF600  }
0x1f4: {  	[spmem:s21] =	stream.linear.scatter [tilespmem:s11], [sflag:$0x7], $0xA00, $0x38;
	[tilespmem:$0x1F8A8] =	vst v63  }
0x1f5: {  	_ =	swait.ge [sflag:s30], $0xA00  }
0x1f6: {  	[sflag:s30] =	ssyncset.done $0x0  }
0x1f7: {  	s24 =	rddreg [dreg:$0xd];
	[sflag:s30] =	ssyncadd.s32 $0xFFFFF600  }
0x1f8: {  	[spmem:s24] =	stream.linear.scatter [tilespmem:s11], [sflag:$0x7], $0xA00, $0x38;
	[tilespmem:$0x1F8A8] =	vst v63  }
0x1f9: {  	_ =	swait.ge [sflag:s30], $0xA00  }
0x1fa: {  	[sflag:s30] =	ssyncset.done $0x0  }
0x1fb: {  	s26 =	rddreg [dreg:$0xe];
	[sflag:s30] =	ssyncadd.s32 $0xFFFFF600  }
0x1fc: {  	[spmem:s26] =	stream.linear.scatter [tilespmem:s11], [sflag:$0x7], $0xA00, $0x38;
	[tilespmem:$0x1F8A8] =	vst v63  }
0x1fd: {  	_ =	swait.ge [sflag:s30], $0xA00  }
0x1fe: {  	[sflag:s30] =	ssyncset.done $0x0  }
0x1ff: {  	s28 =	rddreg [dreg:$0x13];
	[sflag:s30] =	ssyncadd.s32 $0xFFFFF600  }
0x200: {  	[spmem:s28] =	stream.linear.scatter [tilespmem:s11], [sflag:$0x7], $0xA00, $0x38;
	[tilespmem:$0x1F8A8] =	vst v63  }
0x201: {  	_ =	swait.ge [sflag:s30], $0xA00  }
0x202: {  	s16 =	simm.s32 @!p1 $0x18880;
	[sflag:s30] =	ssyncset.done $0x0  }
0x203: {  	s20 =	simm.s32 @!p1 $0x7;
	s1 =	rddreg [dreg:$0x14];
	[sflag:s30] =	ssyncadd.s32 $0xFFFFF600  }
0x204: {  	[spmem:s1] =	stream.linear.scatter @!p1 [tilespmem:s16], [sflag:$0x7], $0xA00, $0x38;
	[tilespmem:$0x1F8A8] =	vst v63  }
0x205: {  	_ =	swait.ge @!p1 [sflag:s20], $0xA00  }
0x206: {  	[sflag:s20] =	ssyncset.done @!p1 $0x0  }
0x207: {  	s1 =	rddreg [dreg:$0xf];
	[sflag:s20] =	ssyncadd.s32 @!p1 $0xFFFFF600  }
0x208: {  	[spmem:s1] =	stream.linear.scatter @!p1 [tilespmem:s16], [sflag:$0x7], $0xA00, $0x38;
	[tilespmem:$0x1F8A8] =	vst v63  }
0x209: {  	_ =	swait.ge @!p1 [sflag:s20], $0xA00  }
0x20a: {  	[sflag:s20] =	ssyncset.done @!p1 $0x0  }
0x20b: {  	s1 =	rddreg [dreg:$0x10];
	[sflag:s20] =	ssyncadd.s32 @!p1 $0xFFFFF600  }
0x20c: {  	[spmem:s1] =	stream.linear.scatter @!p1 [tilespmem:s16], [sflag:$0x7], $0xA00, $0x38;
	[tilespmem:$0x1F8A8] =	vst v63  }
0x20d: {  	_ =	swait.ge @!p1 [sflag:s20], $0xA00  }
0x20e: {  	[sflag:s20] =	ssyncset.done @!p1 $0x0  }
0x20f: {  	s29 =	simm.s32 $0x4E20;
	[sflag:s20] =	ssyncadd.s32 @!p1 $0xFFFFF600  }
0x210: {  	s21 =	simm.s32 $0x0;
	s26 =	simm.s32 $0x0;
	[bflag:$0x0] =	sbarrier.arrive $0xFFFF  }
0x211: {  	[tilespmem:s11], [sflag:$0x1] =	stream.indirect.gather [hbm4b:s7+s12], $0x20, s29, s12, $0xb8;
	[tilespmem:$0x1F8A8] =	vst v63  }
.LBB2_28:
0x212: {  	p2 =	seq.s32 s26, $0x0  }
0x213: {  	s16 =	simm.s32 @!p2 $0x4  }
0x214: {  	_ =	swait.ge @!p2 [sflag:s16], $0xA00  }
0x215: {  	s28 =	sshllo.u32 s26, $0x1;
	s20 =	sadd.s32 $0x0, s21;
	[sflag:s16] =	ssyncset.done @!p2 $0x0  }
0x216: {  	s24 =	smul.u32 $0x140, s28;
	v2 =	vmov s20;
	[sflag:s16] =	ssyncadd.s32 @!p2 $0xFFFFF600;
	s16 =	simm.s32 @!p2 $0x6  }
0x217: {  	v2 =	vand.u32 $0xFFFFFFFC, v2;
	_ =	swait.ge @!p2 [sflag:s16], $0x50  }
0x218: {  	s24 =	sshra.s32 s24, $0x2;
	v2 =	vbroadcast v2, $0x0;
	[sflag:s16] =	ssyncset.done @!p2 $0x0  }
0x219: {  	s24 =	sadd.s32 $0x4E20, s24;
	[sflag:s16] =	ssyncadd.s32 @!p2 $0xFFFFFFB0  }
0x21a: {  	[tilespmem:s18], [sflag:$0x2] =	stream.indirect.gather [hbm4b:s7+s12], $0x20, s24, s12, $0xb8;
	[tilespmem:$0x1F8A8] =	vst v63  }
0x21b: {  	_ =	swait.ge [sflag:s22], $0xA00  }
0x21c: {  	[sflag:s22] =	ssyncset.done $0x0  }
0x21d: {  	[sflag:s22] =	ssyncadd.s32 $0xFFFFF600  }
0x21e: {  	s24 =	simm.s32 $0x188C0;
	v2 =	vld.idx.msk [tilespmem:v2+s0+$0x0], $0xffff  }
0x21f: {  	s1 =	sadd.s32 $0x1, s20;
	v3 =	vld [tilespmem:s24+$0xFFFFFFC0]  }
0x220: {  	v5 =	vmov s1;
	v4 =	vld [tilespmem:s24+$0xFFFFFFD0]  }
0x221: {  	v5 =	vand.u32 $0xFFFFFFFD, v5  }
0x222: {  	v5 =	vbroadcast v5, $0x0;
	_ =	sdelay $0x1  }
0x223: {  	v3 =	vmul.f32 v3, v2  }
0x224: {  	v2 =	vmul.f32 v4, v2  }
0x225: {  	[tilespmem:s24+$0xFFFFFFC0] =	vst v3  }
0x226: {  	[tilespmem:s24+$0xFFFFFFD0] =	vst v2;
	v3 =	vld [tilespmem:s24+$0xFFFFFFE0]  }
0x227: {  	s1 =	sadd.s32 $0x2, s20;
	v2 =	vld.idx.msk [tilespmem:v5+s0+$0x0], $0xffff  }
0x228: {  	v4 =	vld [tilespmem:s24+$0xFFFFFFF0];
	v5 =	vmov s1  }
0x229: {  	v5 =	vand.u32 $0xFFFFFFFE, v5  }
0x22a: {  	v5 =	vbroadcast v5, $0x0;
	_ =	sdelay $0x1  }
0x22b: {  	v3 =	vmul.f32 v3, v2  }
0x22c: {  	v2 =	vmul.f32 v4, v2  }
0x22d: {  	[tilespmem:s24+$0xFFFFFFE0] =	vst v3  }
0x22e: {  	[tilespmem:s24+$0xFFFFFFF0] =	vst v2;
	v2 =	vld [tilespmem:s24+$0x10]  }
0x22f: {  	v3 =	vld.idx.msk [tilespmem:v5+s0+$0x0], $0xffff  }
0x230: {  	v4 =	vld [tilespmem:s24+$0x0];
	_ =	sdelay $0x1  }
0x231: {  	s20 =	sadd.s32 $0x3, s20  }
0x232: {  	v5 =	vmov s20  }
0x233: {  	v2 =	vmul.f32 v2, v3  }
0x234: {  	v3 =	vmul.f32 v4, v3  }
0x235: {  	v4 =	vld [tilespmem:s24+$0x20];
	[tilespmem:s24+$0x10] =	vst v2  }
0x236: {  	[tilespmem:s24+$0x0] =	vst v3;
	v2 =	vld [tilespmem:s24+$0x30]  }
0x237: {  	s29 =	sadd.s32 $0x4, s21;
	v3 =	vld.idx.msk [tilespmem:v5+s0+$0x0], $0xffff  }
0x238: {  	v5 =	vmov s29  }
0x239: {  	s16 =	smul.u32 $0xA0, s26;
	s20 =	simm.s32 $0x8;
	v5 =	vand.u32 $0xFFFFFFFC, v5  }
.LBB2_29:
0x23a: {  	p2 =	sne.s32 s20, $0x4C;
	v5 =	vbroadcast v5, $0x0;
	_ =	sdelay $0x1  }
0x23b: {  	v2 =	vmul.f32 v2, v3;
	v4 =	vmul.f32 v4, v3;
	_ =	sdelay $0x1  }
0x23c: {  	[tilespmem:s24+$0x20] =	vst v4  }
0x23d: {  	[tilespmem:s24+$0x30] =	vst v2  }
0x23e: {  	s24 =	sadd.s32 $0x80, s24;
	v2 =	vld.idx.msk [tilespmem:v5+s0+$0x0], $0xffff  }
0x23f: {  	s1 =	sadd.s32 $0x1, s29;
	v3 =	vld [tilespmem:s24+$0xFFFFFFC0]  }
0x240: {  	v5 =	vmov s1;
	v4 =	vld [tilespmem:s24+$0xFFFFFFD0]  }
0x241: {  	v5 =	vand.u32 $0xFFFFFFFD, v5  }
0x242: {  	v5 =	vbroadcast v5, $0x0;
	_ =	sdelay $0x1  }
0x243: {  	v3 =	vmul.f32 v3, v2  }
0x244: {  	v2 =	vmul.f32 v4, v2  }
0x245: {  	[tilespmem:s24+$0xFFFFFFC0] =	vst v3  }
0x246: {  	[tilespmem:s24+$0xFFFFFFD0] =	vst v2  }
0x247: {  	v2 =	vld.idx.msk [tilespmem:v5+s0+$0x0], $0xffff  }
0x248: {  	s1 =	sadd.s32 $0x2, s29;
	v3 =	vld [tilespmem:s24+$0xFFFFFFE0]  }
0x249: {  	v5 =	vmov s1;
	v4 =	vld [tilespmem:s24+$0xFFFFFFF0]  }
0x24a: {  	v5 =	vand.u32 $0xFFFFFFFE, v5  }
0x24b: {  	v5 =	vbroadcast v5, $0x0;
	_ =	sdelay $0x1  }
0x24c: {  	v3 =	vmul.f32 v3, v2  }
0x24d: {  	v2 =	vmul.f32 v4, v2  }
0x24e: {  	[tilespmem:s24+$0xFFFFFFE0] =	vst v3  }
0x24f: {  	[tilespmem:s24+$0xFFFFFFF0] =	vst v2;
	v2 =	vld [tilespmem:s24+$0x10]  }
0x250: {  	v3 =	vld.idx.msk [tilespmem:v5+s0+$0x0], $0xffff  }
0x251: {  	v4 =	vld [tilespmem:s24+$0x0];
	_ =	sdelay $0x2  }
0x252: {  	s1 =	sadd.s32 $0x3, s29  }
0x253: {  	v5 =	vmov s1  }
0x254: {  	v2 =	vmul.f32 v2, v3;
	v4 =	vmul.f32 v4, v3;
	_ =	sdelay $0x1  }
0x255: {  	[tilespmem:s24+$0x10] =	vst v2  }
.Ltmp23:
0x256: {  	[tilespmem:s24+$0x0] =	vst v4;
	v2 =	vld [tilespmem:s24+$0x30];
	(pc) =	sbr.rel @p2 .LBB2_29-.Ltmp23, $4  }
0x257: {  	v3 =	vld.idx.msk [tilespmem:v5+s0+$0x0], $0xffff  }
0x258: {  	s29 =	sadd.s32 s20, s21;
	v4 =	vld [tilespmem:s24+$0x20]  }
0x259: {  	v5 =	vmov s29  }
0x25a: {  	s20 =	sadd.s32 $0x4, s20;
	v5 =	vand.u32 $0xFFFFFFFC, v5  }
0x25b: {  	v5 =	vbroadcast v5, $0x0;
	_ =	sdelay $0x1  }
0x25c: {  	v2 =	vmul.f32 v2, v3  }
0x25d: {  	v4 =	vmul.f32 v4, v3  }
0x25e: {  	s1 =	sadd.s32 $0x80, s24;
	[tilespmem:s24+$0x30] =	vst v2  }
0x25f: {  	v3 =	vld [tilespmem:s1+$0xFFFFFFC0];
	[tilespmem:s24+$0x20] =	vst v4  }
0x260: {  	s20 =	sadd.s32 $0x1, s29;
	v2 =	vld.idx.msk [tilespmem:v5+s0+$0x0], $0xffff  }
0x261: {  	v4 =	vld [tilespmem:s1+$0xFFFFFFD0];
	v5 =	vmov s20  }
0x262: {  	v5 =	vand.u32 $0xFFFFFFFD, v5  }
0x263: {  	v5 =	vbroadcast v5, $0x0;
	_ =	sdelay $0x1  }
0x264: {  	v3 =	vmul.f32 v3, v2  }
0x265: {  	v2 =	vmul.f32 v4, v2  }
0x266: {  	[tilespmem:s1+$0xFFFFFFC0] =	vst v3  }
0x267: {  	[tilespmem:s1+$0xFFFFFFD0] =	vst v2;
	v3 =	vld [tilespmem:s1+$0xFFFFFFE0]  }
0x268: {  	s24 =	sadd.s32 $0x2, s29;
	v2 =	vld.idx.msk [tilespmem:v5+s0+$0x0], $0xffff  }
0x269: {  	v4 =	vld [tilespmem:s1+$0xFFFFFFF0];
	v5 =	vmov s24  }
0x26a: {  	v5 =	vand.u32 $0xFFFFFFFE, v5  }
0x26b: {  	v5 =	vbroadcast v5, $0x0;
	_ =	sdelay $0x1  }
0x26c: {  	v3 =	vmul.f32 v3, v2  }
0x26d: {  	v2 =	vmul.f32 v4, v2  }
0x26e: {  	[tilespmem:s1+$0xFFFFFFE0] =	vst v3  }
0x26f: {  	[tilespmem:s1+$0xFFFFFFF0] =	vst v2;
	v2 =	vld [tilespmem:s1+$0x10]  }
0x270: {  	v3 =	vld.idx.msk [tilespmem:v5+s0+$0x0], $0xffff  }
0x271: {  	v4 =	vld [tilespmem:s1+$0x0];
	_ =	sdelay $0x1  }
0x272: {  	s24 =	sadd.s32 $0x3, s29  }
0x273: {  	v5 =	vmov s24  }
0x274: {  	v2 =	vmul.f32 v2, v3  }
0x275: {  	v3 =	vmul.f32 v4, v3  }
0x276: {  	[tilespmem:s1+$0x10] =	vst v2  }
0x277: {  	[tilespmem:s1+$0x0] =	vst v3;
	v3 =	vld [tilespmem:s1+$0x20]  }
0x278: {  	v2 =	vld.idx.msk [tilespmem:v5+s0+$0x0], $0xffff  }
0x279: {  	v4 =	vld [tilespmem:s1+$0x30];
	_ =	sdelay $0x3  }
0x27a: {  	s20 =	smul.u32 $0x280, s26;
	v3 =	vmul.f32 v3, v2  }
0x27b: {  	v2 =	vmul.f32 v4, v2  }
0x27c: {  	s24 =	sshra.s32 s20, $0x2;
	[tilespmem:s1+$0x20] =	vst v3  }
0x27d: {  	p2 =	seq.s32 s26, $0x7C;
	s24 =	sadd.s32 $0x9C40, s24;
	[tilespmem:s1+$0x30] =	vst v2  }
0x27e: {  	[spmem:s4] =	stream.indirect.scatter.add.f32 [tilespmem:s11], [sflag:$0x3], $0x20, s24, s12, $0xb8;
	[tilespmem:$0x1F8A8] =	vst v63  }
0x27f: {  	s16 =	sadd.s32 $0xEA60, s16;
	s1 =	simm.s32 @!p2 $0x3  }
0x280: {  	[spmem:s3] =	stream.indirect.scatter.add.f32 [tilespmem:s16], [sflag:$0x5], $0x1, s24, s12, $0xb8;
	[tilespmem:$0x1F8A8] =	vst v63  }
0x281: {  	_ =	swait.ge @!p2 [sflag:s1], $0xA00  }
0x282: {  	s16 =	sadd.s32 $0xFFFFFFB0, s21;
	[sflag:s1] =	ssyncset.done @!p2 $0x0  }
0x283: {  	s24 =	sadd.s32 $0xA0, s16;
	[sflag:s1] =	ssyncadd.s32 @!p2 $0xFFFFF600;
	s1 =	simm.s32 @!p2 $0x5  }
0x284: {  	v2 =	vmov s24;
	_ =	swait.ge @!p2 [sflag:s1], $0x50  }
0x285: {  	v2 =	vand.u32 $0xFFFFFFFC, v2;
	[sflag:s1] =	ssyncset.done @!p2 $0x0  }
0x286: {  	v2 =	vbroadcast v2, $0x0;
	[sflag:s1] =	ssyncadd.s32 @!p2 $0xFFFFFFB0;
	s1 =	sshra.s32 @!p2 s20, $0x2  }
0x287: {  	s24 =	simm.s32 @!p2 $0x18880;
	s20 =	simm.s32 @!p2 $0x50;
	s1 =	sadd.s32 @!p2 $0x4EC0, s1  }
0x288: {  	[tilespmem:s24], [sflag:$0x1] =	stream.indirect.gather @!p2 [hbm4b:s7+s20], $0x20, s1, s20, $0xb8;
	[tilespmem:$0x1F8A8] =	vst v63  }
0x289: {  	_ =	swait.ge [sflag:s23], $0xA00  }
0x28a: {  	[sflag:s23] =	ssyncset.done $0x0  }
0x28b: {  	[sflag:s23] =	ssyncadd.s32 $0xFFFFF600  }
0x28c: {  	s24 =	simm.s32 $0x192C0;
	v2 =	vld.idx.msk [tilespmem:v2+s0+$0x0], $0xffff  }
0x28d: {  	s20 =	sadd.s32 $0xA1, s16;
	v3 =	vld [tilespmem:s24+$0xFFFFFFC0]  }
0x28e: {  	v5 =	vmov s20;
	v4 =	vld [tilespmem:s24+$0xFFFFFFD0]  }
0x28f: {  	v5 =	vand.u32 $0xFFFFFFFD, v5  }
0x290: {  	v5 =	vbroadcast v5, $0x0;
	_ =	sdelay $0x1  }
0x291: {  	v3 =	vmul.f32 v3, v2  }
0x292: {  	v2 =	vmul.f32 v4, v2  }
0x293: {  	[tilespmem:s24+$0xFFFFFFC0] =	vst v3  }
0x294: {  	[tilespmem:s24+$0xFFFFFFD0] =	vst v2;
	v3 =	vld [tilespmem:s24+$0xFFFFFFE0]  }
0x295: {  	s20 =	sadd.s32 $0xA2, s16;
	v2 =	vld.idx.msk [tilespmem:v5+s0+$0x0], $0xffff  }
0x296: {  	v4 =	vld [tilespmem:s24+$0xFFFFFFF0];
	v5 =	vmov s20  }
0x297: {  	v5 =	vand.u32 $0xFFFFFFFE, v5  }
0x298: {  	v5 =	vbroadcast v5, $0x0;
	_ =	sdelay $0x1  }
0x299: {  	v3 =	vmul.f32 v3, v2  }
0x29a: {  	v2 =	vmul.f32 v4, v2  }
0x29b: {  	[tilespmem:s24+$0xFFFFFFE0] =	vst v3  }
0x29c: {  	[tilespmem:s24+$0xFFFFFFF0] =	vst v2;
	v2 =	vld [tilespmem:s24+$0x10]  }
0x29d: {  	v3 =	vld.idx.msk [tilespmem:v5+s0+$0x0], $0xffff  }
0x29e: {  	v4 =	vld [tilespmem:s24+$0x0];
	_ =	sdelay $0x1  }
0x29f: {  	s16 =	sadd.s32 $0xA3, s16  }
0x2a0: {  	v5 =	vmov s16  }
0x2a1: {  	v2 =	vmul.f32 v2, v3  }
0x2a2: {  	v3 =	vmul.f32 v4, v3  }
0x2a3: {  	v4 =	vld [tilespmem:s24+$0x20];
	[tilespmem:s24+$0x10] =	vst v2  }
0x2a4: {  	s29 =	sadd.s32 $0xFFFFFFB4, s21;
	[tilespmem:s24+$0x0] =	vst v3;
	v2 =	vld [tilespmem:s24+$0x30]  }
0x2a5: {  	s20 =	sadd.s32 $0xA0, s29;
	v3 =	vld.idx.msk [tilespmem:v5+s0+$0x0], $0xffff  }
0x2a6: {  	s26 =	sadd.s32 $0x1, s26;
	s16 =	smul.u32 $0x50, s28;
	s28 =	simm.s32 $0xFFFFFFB8;
	v5 =	vmov s20  }
.LBB2_31:
0x2a7: {  	p2 =	sne.s32 s28, $0xFFFFFFFC;
	v5 =	vand.u32 $0xFFFFFFFC, v5  }
0x2a8: {  	v5 =	vbroadcast v5, $0x0;
	_ =	sdelay $0x1  }
0x2a9: {  	v2 =	vmul.f32 v2, v3;
	v4 =	vmul.f32 v4, v3;
	_ =	sdelay $0x1  }
0x2aa: {  	[tilespmem:s24+$0x20] =	vst v4  }
0x2ab: {  	[tilespmem:s24+$0x30] =	vst v2  }
0x2ac: {  	s24 =	sadd.s32 $0x80, s24;
	v2 =	vld.idx.msk [tilespmem:v5+s0+$0x0], $0xffff  }
0x2ad: {  	s1 =	sadd.s32 $0xA1, s29;
	v3 =	vld [tilespmem:s24+$0xFFFFFFC0]  }
0x2ae: {  	v5 =	vmov s1;
	v4 =	vld [tilespmem:s24+$0xFFFFFFD0]  }
0x2af: {  	v5 =	vand.u32 $0xFFFFFFFD, v5  }
0x2b0: {  	v5 =	vbroadcast v5, $0x0;
	_ =	sdelay $0x1  }
0x2b1: {  	v3 =	vmul.f32 v3, v2  }
0x2b2: {  	v2 =	vmul.f32 v4, v2  }
0x2b3: {  	[tilespmem:s24+$0xFFFFFFC0] =	vst v3  }
0x2b4: {  	[tilespmem:s24+$0xFFFFFFD0] =	vst v2  }
0x2b5: {  	v2 =	vld.idx.msk [tilespmem:v5+s0+$0x0], $0xffff  }
0x2b6: {  	s1 =	sadd.s32 $0xA2, s29;
	v3 =	vld [tilespmem:s24+$0xFFFFFFE0]  }
0x2b7: {  	v5 =	vmov s1;
	v4 =	vld [tilespmem:s24+$0xFFFFFFF0]  }
0x2b8: {  	v5 =	vand.u32 $0xFFFFFFFE, v5  }
0x2b9: {  	v5 =	vbroadcast v5, $0x0;
	_ =	sdelay $0x1  }
0x2ba: {  	v3 =	vmul.f32 v3, v2  }
0x2bb: {  	v2 =	vmul.f32 v4, v2  }
0x2bc: {  	[tilespmem:s24+$0xFFFFFFE0] =	vst v3  }
0x2bd: {  	[tilespmem:s24+$0xFFFFFFF0] =	vst v2;
	v2 =	vld [tilespmem:s24+$0x10]  }
0x2be: {  	v3 =	vld.idx.msk [tilespmem:v5+s0+$0x0], $0xffff  }
0x2bf: {  	v4 =	vld [tilespmem:s24+$0x0];
	_ =	sdelay $0x2  }
0x2c0: {  	s1 =	sadd.s32 $0xA3, s29  }
0x2c1: {  	v5 =	vmov s1  }
0x2c2: {  	v2 =	vmul.f32 v2, v3;
	v4 =	vmul.f32 v4, v3;
	_ =	sdelay $0x1  }
.Ltmp24:
0x2c3: {  	[tilespmem:s24+$0x10] =	vst v2;
	(pc) =	sbr.rel @p2 .LBB2_31-.Ltmp24, $4  }
0x2c4: {  	[tilespmem:s24+$0x0] =	vst v4;
	v2 =	vld [tilespmem:s24+$0x30]  }
0x2c5: {  	s29 =	sadd.s32 s28, s21;
	v3 =	vld.idx.msk [tilespmem:v5+s0+$0x0], $0xffff  }
0x2c6: {  	s1 =	sadd.s32 $0xA0, s29;
	v4 =	vld [tilespmem:s24+$0x20]  }
0x2c7: {  	s28 =	sadd.s32 $0x4, s28;
	v5 =	vmov s1  }
0x2c8: {  	v5 =	vand.u32 $0xFFFFFFFC, v5  }
0x2c9: {  	v5 =	vbroadcast v5, $0x0;
	_ =	sdelay $0x1  }
0x2ca: {  	v2 =	vmul.f32 v2, v3  }
0x2cb: {  	v4 =	vmul.f32 v4, v3  }
0x2cc: {  	s1 =	sadd.s32 $0x80, s24;
	[tilespmem:s24+$0x30] =	vst v2  }
0x2cd: {  	v3 =	vld [tilespmem:s1+$0xFFFFFFC0];
	[tilespmem:s24+$0x20] =	vst v4  }
0x2ce: {  	s20 =	sadd.s32 $0xA1, s29;
	v2 =	vld.idx.msk [tilespmem:v5+s0+$0x0], $0xffff  }
0x2cf: {  	v57 =	vld [tilespmem:s1+$0xFFFFFFD0];
	v58 =	vmov s20  }
0x2d0: {  	v5 =	vand.u32 $0xFFFFFFFD, v58  }
0x2d1: {  	v5 =	vbroadcast v5, $0x0;
	_ =	sdelay $0x1  }
0x2d2: {  	v3 =	vmul.f32 v3, v2  }
0x2d3: {  	v2 =	vmul.f32 v57, v2  }
0x2d4: {  	[tilespmem:s1+$0xFFFFFFC0] =	vst v3  }
0x2d5: {  	[tilespmem:s1+$0xFFFFFFD0] =	vst v2;
	v3 =	vld [tilespmem:s1+$0xFFFFFFE0]  }
0x2d6: {  	s28 =	sadd.s32 $0xA2, s29;
	v2 =	vld.idx.msk [tilespmem:v5+s0+$0x0], $0xffff  }
0x2d7: {  	v60 =	vmov s28;
	v59 =	vld [tilespmem:s1+$0xFFFFFFF0]  }
0x2d8: {  	v5 =	vand.u32 $0xFFFFFFFE, v60  }
0x2d9: {  	v5 =	vbroadcast v5, $0x0;
	_ =	sdelay $0x1  }
0x2da: {  	v3 =	vmul.f32 v3, v2  }
0x2db: {  	v2 =	vmul.f32 v59, v2  }
0x2dc: {  	[tilespmem:s1+$0xFFFFFFE0] =	vst v3  }
0x2dd: {  	[tilespmem:s1+$0xFFFFFFF0] =	vst v2;
	v2 =	vld [tilespmem:s1+$0x10]  }
0x2de: {  	v3 =	vld.idx.msk [tilespmem:v5+s0+$0x0], $0xffff  }
0x2df: {  	v61 =	vld [tilespmem:s1+$0x0];
	_ =	sdelay $0x1  }
0x2e0: {  	s24 =	sadd.s32 $0xA3, s29  }
0x2e1: {  	v62 =	vmov s24  }
0x2e2: {  	v2 =	vmul.f32 v2, v3  }
0x2e3: {  	v3 =	vmul.f32 v61, v3  }
0x2e4: {  	[tilespmem:s1+$0x10] =	vst v2  }
0x2e5: {  	[tilespmem:s1+$0x0] =	vst v3;
	v3 =	vld [tilespmem:s1+$0x20]  }
0x2e6: {  	v2 =	vld.idx.msk [tilespmem:v62+s0+$0x0], $0xffff  }
0x2e7: {  	v63 =	vld [tilespmem:s1+$0x30];
	_ =	sdelay $0x3  }
0x2e8: {  	v3 =	vmul.f32 v3, v2  }
0x2e9: {  	p2 =	sne.s32 s26, $0x7D;
	v2 =	vmul.f32 v63, v2  }
.Ltmp25:
0x2ea: {  	[tilespmem:s1+$0x20] =	vst v3;
	(pc) =	sbr.rel @p2 .LBB2_28-.Ltmp25, $4  }
0x2eb: {  	s28 =	sadd.s32 $0x9C40, s16;
	[tilespmem:s1+$0x30] =	vst v2  }
0x2ec: {  	[spmem:s4] =	stream.indirect.scatter.add.f32 [tilespmem:s18], [sflag:$0x4], $0x20, s28, s12, $0xb8;
	[tilespmem:$0x1F8A8] =	vst v63  }
0x2ed: {  	s21 =	sadd.s32 $0xA0, s21;
	s29 =	sadd.s32 $0xEA60, s16  }
0x2ee: {  	[spmem:s3] =	stream.indirect.scatter.add.f32 [tilespmem:s29], [sflag:$0x6], $0x1, s28, s12, $0xb8;
	[tilespmem:$0x1F8A8] =	vst v63  }
0x2ef: {  	s1 =	simm.s32 $0x3  }
0x2f0: {  	_ =	swait.ge [sflag:s1], $0xA00  }
0x2f1: {  	[sflag:s1] =	ssyncset.done $0x0  }
0x2f2: {  	s24 =	simm.s32 $0x5;
	[sflag:s1] =	ssyncadd.s32 $0xFFFFF600  }
0x2f3: {  	_ =	swait.ge [sflag:s24], $0x50  }
0x2f4: {  	[sflag:s24] =	ssyncset.done $0x0  }
0x2f5: {  	s26 =	simm.s32 $0x4;
	[sflag:s24] =	ssyncadd.s32 $0xFFFFFFB0  }
0x2f6: {  	_ =	swait.ge [sflag:s26], $0xA00  }
0x2f7: {  	[sflag:s26] =	ssyncset.done $0x0  }
0x2f8: {  	s29 =	simm.s32 $0x6;
	[sflag:s26] =	ssyncadd.s32 $0xFFFFF600  }
.Ltmp26:
0x2f9: {  	_ =	swait.ge [sflag:s29], $0x50;
	(pc) =	sbr.rel .LBB2_34-.Ltmp26, $4  }
0x2fa: {  	[sflag:s29] =	ssyncset.done $0x0  }
0x2fb: {  	[sflag:s29] =	ssyncadd.s32 $0xFFFFFFB0  }
0x2fc: {  	[bflag:$0x0] =	sbarrier.arrive $0xFFFF  }
0x2fd: {  	s21 =	simm.s32 $0x0;
	s28 =	rddreg [dreg:$0x1]  }
.LBB2_38:
0x2fe: {  	s21 =	sadd.s32 $0x1, s21  }
0x2ff: {  	p2 =	sne.s32 s21, $0x8  }
.Ltmp27:
0x300: {  	_ = 	snop;
	(pc) =	sbr.rel @!p2 .LBB2_39-.Ltmp27, $1  }
0x301: {  	_ =	sdelay $0x3  }
.LBB2_34:
0x302: {  	s1 =	smul.u32 $0x50, s21;
	_ =	sdelay $0x1  }
0x303: {  	s16 =	sadd.s32 s9, s1  }
0x304: {  	p2 =	sgt.u32 s16, $0x270F  }
.Ltmp28:
0x305: {  	_ = 	snop;
	(pc) =	sbr.rel @p2 .LBB2_38-.Ltmp28, $1  }
0x306: {  	_ =	sdelay $0x3  }
0x307: {  	s26 =	sshll.u32 s16, $0x5  }
0x308: {  	s1 =	sadd.s32 s26, s4  }
0x309: {  	[tilespmem:s11], [sflag:$0x8] =	stream.linear.gather [spmem:s1], $0xA00, $0x38;
	[tilespmem:$0x1F8A8] =	vst v63  }
0x30a: {  	_ =	swait.ge [sflag:s25], $0xA00  }
0x30b: {  	[sflag:s25] =	ssyncset.done $0x0  }
0x30c: {  	s20 =	sadd.s32 s16, s3;
	[sflag:s25] =	ssyncadd.s32 $0xFFFFF600  }
0x30d: {  	[tilespmem:s19], [sflag:$0x8] =	stream.linear.gather [spmem:s20], $0x50, $0x38;
	[tilespmem:$0x1F8A8] =	vst v63  }
0x30e: {  	_ =	swait.ge [sflag:s25], $0x50  }
0x30f: {  	[sflag:s25] =	ssyncset.done $0x0  }
0x310: {  	[sflag:s25] =	ssyncadd.s32 $0xFFFFFFB0  }
0x311: {  	v2 =	vld [tilespmem:$0x19C80]  }
0x312: {  	v3 =	vld [tilespmem:$0x19C90]  }
0x313: {  	v4 =	vld [tilespmem:$0x19CA0]  }
0x314: {  	v5 =	vld [tilespmem:$0x19CB0]  }
0x315: {  	v6 =	vld [tilespmem:$0x19CC0]  }
0x316: {  	v2 =	vadd.f32 $9.999999710e-10, v2  }
0x317: {  	v3 =	vadd.f32 $9.999999710e-10, v3  }
0x318: {  	(erf) = vrcp.f32 v2;
	v2 =	vadd.f32 $9.999999710e-10, v4  }
0x319: {  	(erf) = vrcp.f32 v3;
	v3 =	vadd.f32 $9.999999710e-10, v5  }
0x31a: {  	(erf) = vrcp.f32 v2;
	v2 =	vadd.f32 $9.999999710e-10, v6  }
0x31b: {  	(erf) = vrcp.f32 v3  }
0x31c: {  	(erf) = vrcp.f32 v2;
	_ =	sdelay $0x1  }
0x31d: {  	s24 =	simm.s32 $0x0  }
0x31e: {  	v2 =	vmov s24  }
0x31f: {  	v2 =	vand.u32 $0xFFFFFFFC, v2  }
0x320: {  	v2 =	vbroadcast v2, $0x0;
	v3 =	vpop (erf)  }
0x321: {  	v4 =	vpop (erf);
	[tilespmem:$0x19C80] =	vst v3  }
0x322: {  	v3 =	vpop (erf);
	[tilespmem:$0x19C90] =	vst v4  }
0x323: {  	v4 =	vpop (erf);
	[tilespmem:$0x19CA0] =	vst v3  }
0x324: {  	[tilespmem:$0x19CB0] =	vst v4;
	v3 =	vpop (erf)  }
0x325: {  	[tilespmem:$0x19CC0] =	vst v3  }
0x326: {  	s16 =	simm.s32 $0x188C0;
	v2 =	vld.idx.msk [tilespmem:v2+s19+$0x0], $0xffff  }
0x327: {  	s29 =	simm.s32 $0x1;
	v3 =	vld [tilespmem:s16+$0xFFFFFFC0]  }
0x328: {  	v5 =	vmov s29;
	v4 =	vld [tilespmem:s16+$0xFFFFFFD0]  }
0x329: {  	v5 =	vand.u32 $0xFFFFFFFD, v5  }
0x32a: {  	v5 =	vbroadcast v5, $0x0;
	_ =	sdelay $0x1  }
0x32b: {  	v3 =	vmul.f32 v3, v2  }
0x32c: {  	v2 =	vmul.f32 v4, v2  }
0x32d: {  	[tilespmem:s16+$0xFFFFFFC0] =	vst v3  }
0x32e: {  	[tilespmem:s16+$0xFFFFFFD0] =	vst v2;
	v3 =	vld [tilespmem:s16+$0xFFFFFFE0]  }
0x32f: {  	s20 =	simm.s32 $0x2;
	v2 =	vld.idx.msk [tilespmem:v5+s19+$0x0], $0xffff  }
0x330: {  	v4 =	vld [tilespmem:s16+$0xFFFFFFF0];
	v5 =	vmov s20  }
0x331: {  	v5 =	vand.u32 $0xFFFFFFFE, v5  }
0x332: {  	v5 =	vbroadcast v5, $0x0;
	_ =	sdelay $0x1  }
0x333: {  	v3 =	vmul.f32 v3, v2  }
0x334: {  	v2 =	vmul.f32 v4, v2  }
0x335: {  	[tilespmem:s16+$0xFFFFFFE0] =	vst v3  }
0x336: {  	[tilespmem:s16+$0xFFFFFFF0] =	vst v2;
	v2 =	vld [tilespmem:s16+$0x10]  }
0x337: {  	v3 =	vld.idx.msk [tilespmem:v5+s19+$0x0], $0xffff  }
0x338: {  	v4 =	vld [tilespmem:s16+$0x0];
	_ =	sdelay $0x1  }
0x339: {  	s24 =	simm.s32 $0x3  }
0x33a: {  	v5 =	vmov s24  }
0x33b: {  	v2 =	vmul.f32 v2, v3  }
0x33c: {  	v3 =	vmul.f32 v4, v3  }
0x33d: {  	v4 =	vld [tilespmem:s16+$0x20];
	[tilespmem:s16+$0x10] =	vst v2  }
0x33e: {  	[tilespmem:s16+$0x0] =	vst v3;
	v2 =	vld [tilespmem:s16+$0x30]  }
0x33f: {  	s29 =	simm.s32 $0x4;
	v3 =	vld.idx.msk [tilespmem:v5+s19+$0x0], $0xffff  }
0x340: {  	v5 =	vmov s29  }
0x341: {  	s20 =	simm.s32 $0xB;
	s24 =	simm.s32 $0x7;
	v5 =	vand.u32 $0xFFFFFFFC, v5  }
.LBB2_36:
0x342: {  	p2 =	sne.s32 s20, $0x4F;
	v5 =	vbroadcast v5, $0x0;
	_ =	sdelay $0x1  }
0x343: {  	v2 =	vmul.f32 v2, v3;
	v4 =	vmul.f32 v4, v3;
	_ =	sdelay $0x1  }
0x344: {  	[tilespmem:s16+$0x20] =	vst v4  }
0x345: {  	[tilespmem:s16+$0x30] =	vst v2  }
0x346: {  	s16 =	sadd.s32 $0x80, s16;
	v2 =	vld.idx.msk [tilespmem:v5+s19+$0x0], $0xffff  }
0x347: {  	s1 =	sadd.s32 $0xFFFFFFFE, s24;
	v3 =	vld [tilespmem:s16+$0xFFFFFFC0]  }
0x348: {  	v5 =	vmov s1;
	v4 =	vld [tilespmem:s16+$0xFFFFFFD0]  }
0x349: {  	v5 =	vand.u32 $0xFFFFFFFD, v5  }
0x34a: {  	v5 =	vbroadcast v5, $0x0;
	_ =	sdelay $0x1  }
0x34b: {  	v3 =	vmul.f32 v3, v2  }
0x34c: {  	v2 =	vmul.f32 v4, v2  }
0x34d: {  	[tilespmem:s16+$0xFFFFFFC0] =	vst v3  }
0x34e: {  	[tilespmem:s16+$0xFFFFFFD0] =	vst v2  }
0x34f: {  	v2 =	vld.idx.msk [tilespmem:v5+s19+$0x0], $0xffff  }
0x350: {  	s1 =	sadd.s32 $0xFFFFFFFF, s24;
	v3 =	vld [tilespmem:s16+$0xFFFFFFE0]  }
0x351: {  	v5 =	vmov s1;
	v4 =	vld [tilespmem:s16+$0xFFFFFFF0]  }
0x352: {  	v5 =	vand.u32 $0xFFFFFFFE, v5  }
0x353: {  	v5 =	vbroadcast v5, $0x0;
	_ =	sdelay $0x1  }
0x354: {  	v3 =	vmul.f32 v3, v2  }
0x355: {  	v2 =	vmul.f32 v4, v2  }
0x356: {  	[tilespmem:s16+$0xFFFFFFE0] =	vst v3  }
0x357: {  	[tilespmem:s16+$0xFFFFFFF0] =	vst v2;
	v2 =	vld [tilespmem:s16+$0x10]  }
0x358: {  	v3 =	vld.idx.msk [tilespmem:v5+s19+$0x0], $0xffff  }
0x359: {  	v4 =	vld [tilespmem:s16+$0x0];
	_ =	sdelay $0x3  }
0x35a: {  	v5 =	vmov s24;
	s24 =	smov.u32 s20  }
0x35b: {  	v2 =	vmul.f32 v2, v3;
	v4 =	vmul.f32 v4, v3;
	_ =	sdelay $0x1  }
0x35c: {  	[tilespmem:s16+$0x10] =	vst v2  }
.Ltmp29:
0x35d: {  	[tilespmem:s16+$0x0] =	vst v4;
	v2 =	vld [tilespmem:s16+$0x30];
	(pc) =	sbr.rel @p2 .LBB2_36-.Ltmp29, $4  }
0x35e: {  	v3 =	vld.idx.msk [tilespmem:v5+s19+$0x0], $0xffff  }
0x35f: {  	s1 =	sadd.s32 $0xFFFFFFFD, s20;
	v4 =	vld [tilespmem:s16+$0x20]  }
0x360: {  	v5 =	vmov s1  }
0x361: {  	s20 =	sadd.s32 $0x4, s20;
	v5 =	vand.u32 $0xFFFFFFFC, v5  }
0x362: {  	v5 =	vbroadcast v5, $0x0;
	_ =	sdelay $0x1  }
0x363: {  	v2 =	vmul.f32 v2, v3  }
0x364: {  	v4 =	vmul.f32 v4, v3  }
0x365: {  	s1 =	sadd.s32 $0x80, s16;
	[tilespmem:s16+$0x30] =	vst v2  }
0x366: {  	v3 =	vld [tilespmem:s1+$0xFFFFFFC0];
	[tilespmem:s16+$0x20] =	vst v4  }
0x367: {  	s29 =	sadd.s32 $0xFFFFFFFE, s24;
	v2 =	vld.idx.msk [tilespmem:v5+s19+$0x0], $0xffff  }
0x368: {  	v57 =	vld [tilespmem:s1+$0xFFFFFFD0];
	v58 =	vmov s29  }
0x369: {  	v5 =	vand.u32 $0xFFFFFFFD, v58  }
0x36a: {  	v5 =	vbroadcast v5, $0x0;
	_ =	sdelay $0x1  }
0x36b: {  	v3 =	vmul.f32 v3, v2  }
0x36c: {  	v2 =	vmul.f32 v57, v2  }
0x36d: {  	[tilespmem:s1+$0xFFFFFFC0] =	vst v3  }
0x36e: {  	[tilespmem:s1+$0xFFFFFFD0] =	vst v2;
	v3 =	vld [tilespmem:s1+$0xFFFFFFE0]  }
0x36f: {  	s20 =	sadd.s32 $0xFFFFFFFF, s24;
	v2 =	vld.idx.msk [tilespmem:v5+s19+$0x0], $0xffff  }
0x370: {  	v60 =	vmov s20;
	v59 =	vld [tilespmem:s1+$0xFFFFFFF0]  }
0x371: {  	v5 =	vand.u32 $0xFFFFFFFE, v60  }
0x372: {  	v5 =	vbroadcast v5, $0x0;
	_ =	sdelay $0x1  }
0x373: {  	v3 =	vmul.f32 v3, v2  }
0x374: {  	v2 =	vmul.f32 v59, v2  }
0x375: {  	[tilespmem:s1+$0xFFFFFFE0] =	vst v3  }
0x376: {  	[tilespmem:s1+$0xFFFFFFF0] =	vst v2;
	v2 =	vld [tilespmem:s1+$0x10]  }
0x377: {  	v3 =	vld.idx.msk [tilespmem:v5+s19+$0x0], $0xffff  }
0x378: {  	v61 =	vld [tilespmem:s1+$0x0];
	_ =	sdelay $0x2  }
0x379: {  	v62 =	vmov s24  }
0x37a: {  	v2 =	vmul.f32 v2, v3  }
0x37b: {  	v3 =	vmul.f32 v61, v3  }
0x37c: {  	[tilespmem:s1+$0x10] =	vst v2  }
0x37d: {  	[tilespmem:s1+$0x0] =	vst v3;
	v3 =	vld [tilespmem:s1+$0x20]  }
0x37e: {  	v2 =	vld.idx.msk [tilespmem:v62+s19+$0x0], $0xffff  }
0x37f: {  	v63 =	vld [tilespmem:s1+$0x30];
	_ =	sdelay $0x3  }
0x380: {  	v3 =	vmul.f32 v3, v2  }
0x381: {  	s26 =	sadd.s32 s14, s26;
	v2 =	vmul.f32 v63, v2  }
0x382: {  	s16 =	sshrl.u32 s26, $0x3;
	[tilespmem:s1+$0x20] =	vst v3  }
.Ltmp30:
0x383: {  	s29 =	sadd.s32 s28, s16;
	[tilespmem:s1+$0x30] =	vst v2;
	(pc) =	sbr.rel .LBB2_38-.Ltmp30, $4  }
0x384: {  	[hbm4b:s29+s5] =	stream.linear.scatter [tilespmem:s11], [sflag:$0x7], $0xA00, $0x38;
	[tilespmem:$0x1F8A8] =	vst v63  }
0x385: {  	_ =	swait.ge [sflag:s30], $0xA00  }
0x386: {  	[sflag:s30] =	ssyncset.done $0x0  }
0x387: {  	[sflag:s30] =	ssyncadd.s32 $0xFFFFF600  }
.LBB2_39:
0x388: {  	[bflag:$0x0] =	sbarrier.arrive $0xFFFF;
	s16 =	simm.s32 $0x80;
	s20 =	simm.s32 $0x0  }
.LBB2_40:
0x389: {  	p2 =	sne.s32 s16, $0x2780;
	[tilespmem:s20+$0x18880] =	vst v1;
	s1 =	smov.u32 s16;
	s16 =	sadd.s32 $0x80, s16  }
.Ltmp31:
0x38a: {  	[tilespmem:s20+$0x18890] =	vst v1;
	(pc) =	sbr.rel @p2 .LBB2_40-.Ltmp31, $2  }
0x38b: {  	_ =	sdelay $0x2  }
0x38c: {  	s20 =	sshra.s32 s1, $0x2  }
0x38d: {  	[tilespmem:s20+$0x18880] =	vst v1  }
0x38e: {  	[tilespmem:s20+$0x18890] =	vst v1;
	s1 =	rddreg [dreg:$0xa]  }
0x38f: {  	[spmem:s1] =	stream.linear.scatter [tilespmem:s11], [sflag:$0x7], $0xA00, $0x38;
	[tilespmem:$0x1F8A8] =	vst v63  }
0x390: {  	_ =	swait.ge [sflag:s30], $0xA00  }
0x391: {  	[sflag:s30] =	ssyncset.done $0x0  }
0x392: {  	s21 =	rddreg [dreg:$0xc];
	[sflag:s30] =	ssyncadd.s32 $0xFFFFF600  }
0x393: {  	[spmem:s21] =	stream.linear.scatter [tilespmem:s11], [sflag:$0x7], $0xA00, $0x38;
	[tilespmem:$0x1F8A8] =	vst v63  }
0x394: {  	_ =	swait.ge [sflag:s30], $0xA00  }
0x395: {  	[sflag:s30] =	ssyncset.done $0x0  }
0x396: {  	s24 =	rddreg [dreg:$0xd];
	[sflag:s30] =	ssyncadd.s32 $0xFFFFF600  }
0x397: {  	[spmem:s24] =	stream.linear.scatter [tilespmem:s11], [sflag:$0x7], $0xA00, $0x38;
	[tilespmem:$0x1F8A8] =	vst v63  }
0x398: {  	_ =	swait.ge [sflag:s30], $0xA00  }
0x399: {  	[sflag:s30] =	ssyncset.done $0x0  }
0x39a: {  	s26 =	rddreg [dreg:$0xe];
	[sflag:s30] =	ssyncadd.s32 $0xFFFFF600  }
0x39b: {  	[spmem:s26] =	stream.linear.scatter [tilespmem:s11], [sflag:$0x7], $0xA00, $0x38;
	[tilespmem:$0x1F8A8] =	vst v63  }
0x39c: {  	_ =	swait.ge [sflag:s30], $0xA00  }
0x39d: {  	[sflag:s30] =	ssyncset.done $0x0  }
0x39e: {  	s28 =	rddreg [dreg:$0x13];
	[sflag:s30] =	ssyncadd.s32 $0xFFFFF600  }
0x39f: {  	[spmem:s28] =	stream.linear.scatter [tilespmem:s11], [sflag:$0x7], $0xA00, $0x38;
	[tilespmem:$0x1F8A8] =	vst v63  }
0x3a0: {  	_ =	swait.ge [sflag:s30], $0xA00  }
0x3a1: {  	[sflag:s30] =	ssyncset.done $0x0  }
0x3a2: {  	s1 =	simm.s32 @!p1 $0x18880;
	s16 =	rddreg [dreg:$0x14];
	[sflag:s30] =	ssyncadd.s32 $0xFFFFF600  }
0x3a3: {  	[spmem:s16] =	stream.linear.scatter @!p1 [tilespmem:s1], [sflag:$0x7], $0xA00, $0x38;
	[tilespmem:$0x1F8A8] =	vst v63  }
0x3a4: {  	s16 =	simm.s32 @!p1 $0x7  }
0x3a5: {  	_ =	swait.ge @!p1 [sflag:s16], $0xA00  }
0x3a6: {  	[sflag:s16] =	ssyncset.done @!p1 $0x0  }
0x3a7: {  	s20 =	rddreg [dreg:$0x11];
	[sflag:s16] =	ssyncadd.s32 @!p1 $0xFFFFF600  }
0x3a8: {  	[spmem:s20] =	stream.linear.scatter @!p1 [tilespmem:s1], [sflag:$0x7], $0xA00, $0x38;
	[tilespmem:$0x1F8A8] =	vst v63  }
0x3a9: {  	_ =	swait.ge @!p1 [sflag:s16], $0xA00  }
0x3aa: {  	[sflag:s16] =	ssyncset.done @!p1 $0x0  }
0x3ab: {  	s20 =	rddreg [dreg:$0x12];
	[sflag:s16] =	ssyncadd.s32 @!p1 $0xFFFFF600  }
0x3ac: {  	[spmem:s20] =	stream.linear.scatter @!p1 [tilespmem:s1], [sflag:$0x7], $0xA00, $0x38;
	[tilespmem:$0x1F8A8] =	vst v63  }
0x3ad: {  	_ =	swait.ge @!p1 [sflag:s16], $0xA00  }
0x3ae: {  	[sflag:s16] =	ssyncset.done @!p1 $0x0  }
0x3af: {  	s29 =	simm.s32 $0x4E20;
	[sflag:s16] =	ssyncadd.s32 @!p1 $0xFFFFF600  }
0x3b0: {  	s21 =	simm.s32 $0x0;
	s26 =	simm.s32 $0x0;
	[bflag:$0x0] =	sbarrier.arrive $0xFFFF  }
0x3b1: {  	[tilespmem:s11], [sflag:$0x1] =	stream.indirect.gather [hbm4b:s8+s12], $0x20, s29, s12, $0xb8;
	[tilespmem:$0x1F8A8] =	vst v63  }
.LBB2_42:
0x3b2: {  	s28 =	sshllo.u32 s26, $0x1;
	p2 =	seq.s32 s26, $0x0;
	s1 =	sadd.s32 $0x0, s21  }
0x3b3: {  	s16 =	simm.s32 @!p2 $0x4;
	s20 =	smul.u32 $0x140, s28;
	v2 =	vmov s1  }
0x3b4: {  	_ =	swait.ge @!p2 [sflag:s16], $0xA00;
	v2 =	vand.u32 $0xFFFFFFFC, v2  }
0x3b5: {  	[sflag:s16] =	ssyncset.done @!p2 $0x0;
	s20 =	sshra.s32 s20, $0x2;
	v2 =	vbroadcast v2, $0x0  }
0x3b6: {  	[sflag:s16] =	ssyncadd.s32 @!p2 $0xFFFFF600;
	s20 =	sadd.s32 $0x4E20, s20  }
0x3b7: {  	[tilespmem:s18], [sflag:$0x2] =	stream.indirect.gather [hbm4b:s8+s12], $0x20, s20, s12, $0xb8;
	[tilespmem:$0x1F8A8] =	vst v63  }
0x3b8: {  	_ =	swait.ge [sflag:s22], $0xA00  }
0x3b9: {  	[sflag:s22] =	ssyncset.done $0x0  }
0x3ba: {  	[sflag:s22] =	ssyncadd.s32 $0xFFFFF600  }
0x3bb: {  	s16 =	simm.s32 $0x188C0;
	v2 =	vld.idx.msk [tilespmem:v2+s0+$0x0], $0xffff  }
0x3bc: {  	s24 =	sadd.s32 $0x1, s1;
	v3 =	vld [tilespmem:s16+$0xFFFFFFC0]  }
0x3bd: {  	v5 =	vmov s24;
	v4 =	vld [tilespmem:s16+$0xFFFFFFD0]  }
0x3be: {  	v5 =	vand.u32 $0xFFFFFFFD, v5  }
0x3bf: {  	v5 =	vbroadcast v5, $0x0;
	_ =	sdelay $0x1  }
0x3c0: {  	v3 =	vmul.f32 v3, v2  }
0x3c1: {  	v2 =	vmul.f32 v4, v2  }
0x3c2: {  	[tilespmem:s16+$0xFFFFFFC0] =	vst v3  }
0x3c3: {  	[tilespmem:s16+$0xFFFFFFD0] =	vst v2;
	v3 =	vld [tilespmem:s16+$0xFFFFFFE0]  }
0x3c4: {  	s29 =	sadd.s32 $0x2, s1;
	v2 =	vld.idx.msk [tilespmem:v5+s0+$0x0], $0xffff  }
0x3c5: {  	v4 =	vld [tilespmem:s16+$0xFFFFFFF0];
	v5 =	vmov s29  }
0x3c6: {  	v5 =	vand.u32 $0xFFFFFFFE, v5  }
0x3c7: {  	v5 =	vbroadcast v5, $0x0;
	_ =	sdelay $0x1  }
0x3c8: {  	v3 =	vmul.f32 v3, v2  }
0x3c9: {  	v2 =	vmul.f32 v4, v2  }
0x3ca: {  	[tilespmem:s16+$0xFFFFFFE0] =	vst v3  }
0x3cb: {  	[tilespmem:s16+$0xFFFFFFF0] =	vst v2;
	v2 =	vld [tilespmem:s16+$0x10]  }
0x3cc: {  	v3 =	vld.idx.msk [tilespmem:v5+s0+$0x0], $0xffff  }
0x3cd: {  	v4 =	vld [tilespmem:s16+$0x0];
	_ =	sdelay $0x1  }
0x3ce: {  	s1 =	sadd.s32 $0x3, s1  }
0x3cf: {  	v5 =	vmov s1  }
0x3d0: {  	v2 =	vmul.f32 v2, v3  }
0x3d1: {  	v3 =	vmul.f32 v4, v3  }
0x3d2: {  	v4 =	vld [tilespmem:s16+$0x20];
	[tilespmem:s16+$0x10] =	vst v2  }
0x3d3: {  	[tilespmem:s16+$0x0] =	vst v3;
	v2 =	vld [tilespmem:s16+$0x30]  }
0x3d4: {  	s24 =	sadd.s32 $0x4, s21;
	v3 =	vld.idx.msk [tilespmem:v5+s0+$0x0], $0xffff  }
0x3d5: {  	v5 =	vmov s24  }
0x3d6: {  	s20 =	simm.s32 $0x8;
	v5 =	vand.u32 $0xFFFFFFFC, v5  }
.LBB2_43:
0x3d7: {  	p2 =	sne.s32 s20, $0x4C;
	v5 =	vbroadcast v5, $0x0;
	_ =	sdelay $0x1  }
0x3d8: {  	v2 =	vmul.f32 v2, v3;
	v4 =	vmul.f32 v4, v3;
	_ =	sdelay $0x1  }
0x3d9: {  	[tilespmem:s16+$0x20] =	vst v4  }
0x3da: {  	[tilespmem:s16+$0x30] =	vst v2  }
0x3db: {  	s16 =	sadd.s32 $0x80, s16;
	v2 =	vld.idx.msk [tilespmem:v5+s0+$0x0], $0xffff  }
0x3dc: {  	s1 =	sadd.s32 $0x1, s24;
	v3 =	vld [tilespmem:s16+$0xFFFFFFC0]  }
0x3dd: {  	v5 =	vmov s1;
	v4 =	vld [tilespmem:s16+$0xFFFFFFD0]  }
0x3de: {  	v5 =	vand.u32 $0xFFFFFFFD, v5  }
0x3df: {  	v5 =	vbroadcast v5, $0x0;
	_ =	sdelay $0x1  }
0x3e0: {  	v3 =	vmul.f32 v3, v2  }
0x3e1: {  	v2 =	vmul.f32 v4, v2  }
0x3e2: {  	[tilespmem:s16+$0xFFFFFFC0] =	vst v3  }
0x3e3: {  	[tilespmem:s16+$0xFFFFFFD0] =	vst v2  }
0x3e4: {  	v2 =	vld.idx.msk [tilespmem:v5+s0+$0x0], $0xffff  }
0x3e5: {  	s1 =	sadd.s32 $0x2, s24;
	v3 =	vld [tilespmem:s16+$0xFFFFFFE0]  }
0x3e6: {  	v5 =	vmov s1;
	v4 =	vld [tilespmem:s16+$0xFFFFFFF0]  }
0x3e7: {  	v5 =	vand.u32 $0xFFFFFFFE, v5  }
0x3e8: {  	v5 =	vbroadcast v5, $0x0;
	_ =	sdelay $0x1  }
0x3e9: {  	v3 =	vmul.f32 v3, v2  }
0x3ea: {  	v2 =	vmul.f32 v4, v2  }
0x3eb: {  	[tilespmem:s16+$0xFFFFFFE0] =	vst v3  }
0x3ec: {  	[tilespmem:s16+$0xFFFFFFF0] =	vst v2;
	v2 =	vld [tilespmem:s16+$0x10]  }
0x3ed: {  	v3 =	vld.idx.msk [tilespmem:v5+s0+$0x0], $0xffff  }
0x3ee: {  	v4 =	vld [tilespmem:s16+$0x0];
	_ =	sdelay $0x2  }
0x3ef: {  	s1 =	sadd.s32 $0x3, s24  }
0x3f0: {  	v5 =	vmov s1  }
0x3f1: {  	v2 =	vmul.f32 v2, v3;
	v4 =	vmul.f32 v4, v3;
	_ =	sdelay $0x1  }
0x3f2: {  	[tilespmem:s16+$0x10] =	vst v2  }
.Ltmp32:
0x3f3: {  	[tilespmem:s16+$0x0] =	vst v4;
	v2 =	vld [tilespmem:s16+$0x30];
	(pc) =	sbr.rel @p2 .LBB2_43-.Ltmp32, $4  }
0x3f4: {  	v3 =	vld.idx.msk [tilespmem:v5+s0+$0x0], $0xffff  }
0x3f5: {  	s24 =	sadd.s32 s20, s21;
	v4 =	vld [tilespmem:s16+$0x20]  }
0x3f6: {  	v5 =	vmov s24  }
0x3f7: {  	s20 =	sadd.s32 $0x4, s20;
	v5 =	vand.u32 $0xFFFFFFFC, v5  }
0x3f8: {  	v5 =	vbroadcast v5, $0x0;
	_ =	sdelay $0x1  }
0x3f9: {  	v2 =	vmul.f32 v2, v3  }
0x3fa: {  	v4 =	vmul.f32 v4, v3  }
0x3fb: {  	s1 =	sadd.s32 $0x80, s16;
	[tilespmem:s16+$0x30] =	vst v2  }
0x3fc: {  	v3 =	vld [tilespmem:s1+$0xFFFFFFC0];
	[tilespmem:s16+$0x20] =	vst v4  }
0x3fd: {  	s20 =	sadd.s32 $0x1, s24;
	v2 =	vld.idx.msk [tilespmem:v5+s0+$0x0], $0xffff  }
0x3fe: {  	v4 =	vld [tilespmem:s1+$0xFFFFFFD0];
	v5 =	vmov s20  }
0x3ff: {  	v5 =	vand.u32 $0xFFFFFFFD, v5  }
0x400: {  	v5 =	vbroadcast v5, $0x0;
	_ =	sdelay $0x1  }
0x401: {  	v3 =	vmul.f32 v3, v2  }
0x402: {  	v2 =	vmul.f32 v4, v2  }
0x403: {  	[tilespmem:s1+$0xFFFFFFC0] =	vst v3  }
0x404: {  	[tilespmem:s1+$0xFFFFFFD0] =	vst v2;
	v3 =	vld [tilespmem:s1+$0xFFFFFFE0]  }
0x405: {  	s20 =	sadd.s32 $0x2, s24;
	v2 =	vld.idx.msk [tilespmem:v5+s0+$0x0], $0xffff  }
0x406: {  	v4 =	vld [tilespmem:s1+$0xFFFFFFF0];
	v5 =	vmov s20  }
0x407: {  	v5 =	vand.u32 $0xFFFFFFFE, v5  }
0x408: {  	v5 =	vbroadcast v5, $0x0;
	_ =	sdelay $0x1  }
0x409: {  	v3 =	vmul.f32 v3, v2  }
0x40a: {  	v2 =	vmul.f32 v4, v2  }
0x40b: {  	[tilespmem:s1+$0xFFFFFFE0] =	vst v3  }
0x40c: {  	[tilespmem:s1+$0xFFFFFFF0] =	vst v2;
	v2 =	vld [tilespmem:s1+$0x10]  }
0x40d: {  	v3 =	vld.idx.msk [tilespmem:v5+s0+$0x0], $0xffff  }
0x40e: {  	v4 =	vld [tilespmem:s1+$0x0];
	_ =	sdelay $0x1  }
0x40f: {  	s20 =	sadd.s32 $0x3, s24  }
0x410: {  	v5 =	vmov s20  }
0x411: {  	v2 =	vmul.f32 v2, v3  }
0x412: {  	v3 =	vmul.f32 v4, v3  }
0x413: {  	[tilespmem:s1+$0x10] =	vst v2  }
0x414: {  	[tilespmem:s1+$0x0] =	vst v3;
	v3 =	vld [tilespmem:s1+$0x20]  }
0x415: {  	v2 =	vld.idx.msk [tilespmem:v5+s0+$0x0], $0xffff  }
0x416: {  	v4 =	vld [tilespmem:s1+$0x30];
	_ =	sdelay $0x3  }
0x417: {  	s16 =	smul.u32 $0x280, s26;
	v3 =	vmul.f32 v3, v2  }
0x418: {  	v2 =	vmul.f32 v4, v2  }
0x419: {  	s20 =	sshra.s32 s16, $0x2;
	[tilespmem:s1+$0x20] =	vst v3  }
0x41a: {  	p2 =	seq.s32 s26, $0x7C;
	s24 =	sadd.s32 $0x9C40, s20;
	[tilespmem:s1+$0x30] =	vst v2;
	s1 =	sadd.s32 $0xFFFFFFB0, s21  }
0x41b: {  	[spmem:s4] =	stream.indirect.scatter.add.f32 [tilespmem:s11], [sflag:$0x3], $0x20, s24, s12, $0xb8;
	[tilespmem:$0x1F8A8] =	vst v63  }
0x41c: {  	s20 =	simm.s32 @!p2 $0x3;
	s24 =	sadd.s32 $0xA0, s1  }
0x41d: {  	s16 =	sshra.s32 @!p2 s16, $0x2;
	_ =	swait.ge @!p2 [sflag:s20], $0xA00;
	v2 =	vmov s24  }
0x41e: {  	s16 =	sadd.s32 @!p2 $0x4EC0, s16;
	[sflag:s20] =	ssyncset.done @!p2 $0x0;
	v2 =	vand.u32 $0xFFFFFFFC, v2  }
0x41f: {  	s24 =	simm.s32 @!p2 $0x18880;
	[sflag:s20] =	ssyncadd.s32 @!p2 $0xFFFFF600;
	v2 =	vbroadcast v2, $0x0;
	s20 =	simm.s32 @!p2 $0x50  }
0x420: {  	[tilespmem:s24], [sflag:$0x1] =	stream.indirect.gather @!p2 [hbm4b:s8+s20], $0x20, s16, s20, $0xb8;
	[tilespmem:$0x1F8A8] =	vst v63  }
0x421: {  	_ =	swait.ge [sflag:s23], $0xA00  }
0x422: {  	[sflag:s23] =	ssyncset.done $0x0  }
0x423: {  	s24 =	simm.s32 $0x192C0;
	[sflag:s23] =	ssyncadd.s32 $0xFFFFF600  }
0x424: {  	v3 =	vld [tilespmem:s24+$0xFFFFFFC0]  }
0x425: {  	s20 =	sadd.s32 $0xA1, s1;
	v2 =	vld.idx.msk [tilespmem:v2+s0+$0x0], $0xffff  }
0x426: {  	v5 =	vmov s20;
	v4 =	vld [tilespmem:s24+$0xFFFFFFD0]  }
0x427: {  	v5 =	vand.u32 $0xFFFFFFFD, v5  }
0x428: {  	v5 =	vbroadcast v5, $0x0;
	_ =	sdelay $0x1  }
0x429: {  	v3 =	vmul.f32 v3, v2  }
0x42a: {  	v2 =	vmul.f32 v4, v2  }
0x42b: {  	[tilespmem:s24+$0xFFFFFFC0] =	vst v3  }
0x42c: {  	[tilespmem:s24+$0xFFFFFFD0] =	vst v2;
	v3 =	vld [tilespmem:s24+$0xFFFFFFE0]  }
0x42d: {  	s20 =	sadd.s32 $0xA2, s1;
	v2 =	vld.idx.msk [tilespmem:v5+s0+$0x0], $0xffff  }
0x42e: {  	v4 =	vld [tilespmem:s24+$0xFFFFFFF0];
	v5 =	vmov s20  }
0x42f: {  	v5 =	vand.u32 $0xFFFFFFFE, v5  }
0x430: {  	v5 =	vbroadcast v5, $0x0;
	_ =	sdelay $0x1  }
0x431: {  	v3 =	vmul.f32 v3, v2  }
0x432: {  	v2 =	vmul.f32 v4, v2  }
0x433: {  	[tilespmem:s24+$0xFFFFFFE0] =	vst v3  }
0x434: {  	[tilespmem:s24+$0xFFFFFFF0] =	vst v2;
	v2 =	vld [tilespmem:s24+$0x10]  }
0x435: {  	v3 =	vld.idx.msk [tilespmem:v5+s0+$0x0], $0xffff  }
0x436: {  	v4 =	vld [tilespmem:s24+$0x0];
	_ =	sdelay $0x1  }
0x437: {  	s1 =	sadd.s32 $0xA3, s1  }
0x438: {  	v5 =	vmov s1  }
0x439: {  	v2 =	vmul.f32 v2, v3  }
0x43a: {  	v3 =	vmul.f32 v4, v3  }
0x43b: {  	v4 =	vld [tilespmem:s24+$0x20];
	[tilespmem:s24+$0x10] =	vst v2  }
0x43c: {  	s29 =	sadd.s32 $0xFFFFFFB4, s21;
	[tilespmem:s24+$0x0] =	vst v3;
	v2 =	vld [tilespmem:s24+$0x30]  }
0x43d: {  	s20 =	sadd.s32 $0xA0, s29;
	v3 =	vld.idx.msk [tilespmem:v5+s0+$0x0], $0xffff  }
0x43e: {  	s26 =	sadd.s32 $0x1, s26;
	s16 =	smul.u32 $0x50, s28;
	s28 =	simm.s32 $0xFFFFFFB8;
	v5 =	vmov s20  }
.LBB2_45:
0x43f: {  	p2 =	sne.s32 s28, $0xFFFFFFFC;
	v5 =	vand.u32 $0xFFFFFFFC, v5  }
0x440: {  	v5 =	vbroadcast v5, $0x0;
	_ =	sdelay $0x1  }
0x441: {  	v2 =	vmul.f32 v2, v3;
	v4 =	vmul.f32 v4, v3;
	_ =	sdelay $0x1  }
0x442: {  	[tilespmem:s24+$0x20] =	vst v4  }
0x443: {  	[tilespmem:s24+$0x30] =	vst v2  }
0x444: {  	s24 =	sadd.s32 $0x80, s24;
	v2 =	vld.idx.msk [tilespmem:v5+s0+$0x0], $0xffff  }
0x445: {  	s1 =	sadd.s32 $0xA1, s29;
	v3 =	vld [tilespmem:s24+$0xFFFFFFC0]  }
0x446: {  	v5 =	vmov s1;
	v4 =	vld [tilespmem:s24+$0xFFFFFFD0]  }
0x447: {  	v5 =	vand.u32 $0xFFFFFFFD, v5  }
0x448: {  	v5 =	vbroadcast v5, $0x0;
	_ =	sdelay $0x1  }
0x449: {  	v3 =	vmul.f32 v3, v2  }
0x44a: {  	v2 =	vmul.f32 v4, v2  }
0x44b: {  	[tilespmem:s24+$0xFFFFFFC0] =	vst v3  }
0x44c: {  	[tilespmem:s24+$0xFFFFFFD0] =	vst v2  }
0x44d: {  	v2 =	vld.idx.msk [tilespmem:v5+s0+$0x0], $0xffff  }
0x44e: {  	s1 =	sadd.s32 $0xA2, s29;
	v3 =	vld [tilespmem:s24+$0xFFFFFFE0]  }
0x44f: {  	v5 =	vmov s1;
	v4 =	vld [tilespmem:s24+$0xFFFFFFF0]  }
0x450: {  	v5 =	vand.u32 $0xFFFFFFFE, v5  }
0x451: {  	v5 =	vbroadcast v5, $0x0;
	_ =	sdelay $0x1  }
0x452: {  	v3 =	vmul.f32 v3, v2  }
0x453: {  	v2 =	vmul.f32 v4, v2  }
0x454: {  	[tilespmem:s24+$0xFFFFFFE0] =	vst v3  }
0x455: {  	[tilespmem:s24+$0xFFFFFFF0] =	vst v2;
	v2 =	vld [tilespmem:s24+$0x10]  }
0x456: {  	v3 =	vld.idx.msk [tilespmem:v5+s0+$0x0], $0xffff  }
0x457: {  	v4 =	vld [tilespmem:s24+$0x0];
	_ =	sdelay $0x2  }
0x458: {  	s1 =	sadd.s32 $0xA3, s29  }
0x459: {  	v5 =	vmov s1  }
0x45a: {  	v2 =	vmul.f32 v2, v3;
	v4 =	vmul.f32 v4, v3;
	_ =	sdelay $0x1  }
.Ltmp33:
0x45b: {  	[tilespmem:s24+$0x10] =	vst v2;
	(pc) =	sbr.rel @p2 .LBB2_45-.Ltmp33, $4  }
0x45c: {  	[tilespmem:s24+$0x0] =	vst v4;
	v2 =	vld [tilespmem:s24+$0x30]  }
0x45d: {  	s29 =	sadd.s32 s28, s21;
	v3 =	vld.idx.msk [tilespmem:v5+s0+$0x0], $0xffff  }
0x45e: {  	s1 =	sadd.s32 $0xA0, s29;
	v4 =	vld [tilespmem:s24+$0x20]  }
0x45f: {  	s28 =	sadd.s32 $0x4, s28;
	v5 =	vmov s1  }
0x460: {  	v5 =	vand.u32 $0xFFFFFFFC, v5  }
0x461: {  	v5 =	vbroadcast v5, $0x0;
	_ =	sdelay $0x1  }
0x462: {  	v2 =	vmul.f32 v2, v3  }
0x463: {  	v4 =	vmul.f32 v4, v3  }
0x464: {  	s1 =	sadd.s32 $0x80, s24;
	[tilespmem:s24+$0x30] =	vst v2  }
0x465: {  	v3 =	vld [tilespmem:s1+$0xFFFFFFC0];
	[tilespmem:s24+$0x20] =	vst v4  }
0x466: {  	s20 =	sadd.s32 $0xA1, s29;
	v2 =	vld.idx.msk [tilespmem:v5+s0+$0x0], $0xffff  }
0x467: {  	v57 =	vld [tilespmem:s1+$0xFFFFFFD0];
	v58 =	vmov s20  }
0x468: {  	v5 =	vand.u32 $0xFFFFFFFD, v58  }
0x469: {  	v5 =	vbroadcast v5, $0x0;
	_ =	sdelay $0x1  }
0x46a: {  	v3 =	vmul.f32 v3, v2  }
0x46b: {  	v2 =	vmul.f32 v57, v2  }
0x46c: {  	[tilespmem:s1+$0xFFFFFFC0] =	vst v3  }
0x46d: {  	[tilespmem:s1+$0xFFFFFFD0] =	vst v2;
	v3 =	vld [tilespmem:s1+$0xFFFFFFE0]  }
0x46e: {  	s24 =	sadd.s32 $0xA2, s29;
	v2 =	vld.idx.msk [tilespmem:v5+s0+$0x0], $0xffff  }
0x46f: {  	v59 =	vld [tilespmem:s1+$0xFFFFFFF0];
	v60 =	vmov s24  }
0x470: {  	v5 =	vand.u32 $0xFFFFFFFE, v60  }
0x471: {  	v5 =	vbroadcast v5, $0x0;
	_ =	sdelay $0x1  }
0x472: {  	v3 =	vmul.f32 v3, v2  }
0x473: {  	v2 =	vmul.f32 v59, v2  }
0x474: {  	[tilespmem:s1+$0xFFFFFFE0] =	vst v3  }
0x475: {  	[tilespmem:s1+$0xFFFFFFF0] =	vst v2;
	v2 =	vld [tilespmem:s1+$0x10]  }
0x476: {  	v3 =	vld.idx.msk [tilespmem:v5+s0+$0x0], $0xffff  }
0x477: {  	v61 =	vld [tilespmem:s1+$0x0];
	_ =	sdelay $0x1  }
0x478: {  	s28 =	sadd.s32 $0xA3, s29  }
0x479: {  	v62 =	vmov s28  }
0x47a: {  	v2 =	vmul.f32 v2, v3  }
0x47b: {  	v3 =	vmul.f32 v61, v3  }
0x47c: {  	[tilespmem:s1+$0x10] =	vst v2  }
0x47d: {  	[tilespmem:s1+$0x0] =	vst v3;
	v3 =	vld [tilespmem:s1+$0x20]  }
0x47e: {  	v2 =	vld.idx.msk [tilespmem:v62+s0+$0x0], $0xffff  }
0x47f: {  	v63 =	vld [tilespmem:s1+$0x30];
	_ =	sdelay $0x2  }
0x480: {  	p2 =	sne.s32 s26, $0x7D  }
.Ltmp34:
0x481: {  	v3 =	vmul.f32 v3, v2;
	(pc) =	sbr.rel @p2 .LBB2_42-.Ltmp34, $4  }
0x482: {  	v2 =	vmul.f32 v63, v2  }
0x483: {  	[tilespmem:s1+$0x20] =	vst v3  }
0x484: {  	s21 =	sadd.s32 $0xA0, s21;
	s29 =	sadd.s32 $0x9C40, s16;
	[tilespmem:s1+$0x30] =	vst v2  }
0x485: {  	[spmem:s4] =	stream.indirect.scatter.add.f32 [tilespmem:s18], [sflag:$0x4], $0x20, s29, s12, $0xb8;
	[tilespmem:$0x1F8A8] =	vst v63  }
0x486: {  	s1 =	simm.s32 $0x3  }
0x487: {  	_ =	swait.ge [sflag:s1], $0xA00  }
0x488: {  	[sflag:s1] =	ssyncset.done $0x0  }
0x489: {  	s29 =	simm.s32 $0x4;
	[sflag:s1] =	ssyncadd.s32 $0xFFFFF600  }
.Ltmp35:
0x48a: {  	_ =	swait.ge [sflag:s29], $0xA00;
	(pc) =	sbr.rel .LBB2_48-.Ltmp35, $4  }
0x48b: {  	[sflag:s29] =	ssyncset.done $0x0  }
0x48c: {  	[sflag:s29] =	ssyncadd.s32 $0xFFFFF600  }
0x48d: {  	[bflag:$0x0] =	sbarrier.arrive $0xFFFF  }
0x48e: {  	s21 =	simm.s32 $0x0;
	s28 =	rddreg [dreg:$0x1]  }
.LBB2_52:
0x48f: {  	s21 =	sadd.s32 $0x1, s21  }
0x490: {  	p2 =	sne.s32 s21, $0x8  }
.Ltmp36:
0x491: {  	_ = 	snop;
	(pc) =	sbr.rel @!p2 .LBB2_53-.Ltmp36, $1  }
0x492: {  	_ =	sdelay $0x3  }
.LBB2_48:
0x493: {  	s1 =	smul.u32 $0x50, s21;
	_ =	sdelay $0x1  }
0x494: {  	s16 =	sadd.s32 s9, s1  }
0x495: {  	p2 =	sgt.u32 s16, $0x270F  }
.Ltmp37:
0x496: {  	_ = 	snop;
	(pc) =	sbr.rel @p2 .LBB2_52-.Ltmp37, $1  }
0x497: {  	_ =	sdelay $0x3  }
0x498: {  	s26 =	sshll.u32 s16, $0x5  }
0x499: {  	s1 =	sadd.s32 s26, s4  }
0x49a: {  	[tilespmem:s11], [sflag:$0x8] =	stream.linear.gather [spmem:s1], $0xA00, $0x38;
	[tilespmem:$0x1F8A8] =	vst v63  }
0x49b: {  	_ =	swait.ge [sflag:s25], $0xA00  }
0x49c: {  	[sflag:s25] =	ssyncset.done $0x0  }
0x49d: {  	s20 =	sadd.s32 s16, s3;
	[sflag:s25] =	ssyncadd.s32 $0xFFFFF600  }
0x49e: {  	[tilespmem:s19], [sflag:$0x8] =	stream.linear.gather [spmem:s20], $0x50, $0x38;
	[tilespmem:$0x1F8A8] =	vst v63  }
0x49f: {  	_ =	swait.ge [sflag:s25], $0x50  }
0x4a0: {  	[sflag:s25] =	ssyncset.done $0x0  }
0x4a1: {  	[sflag:s25] =	ssyncadd.s32 $0xFFFFFFB0  }
0x4a2: {  	v2 =	vld [tilespmem:$0x19C80]  }
0x4a3: {  	v3 =	vld [tilespmem:$0x19C90]  }
0x4a4: {  	v4 =	vld [tilespmem:$0x19CA0]  }
0x4a5: {  	v5 =	vld [tilespmem:$0x19CB0]  }
0x4a6: {  	v6 =	vld [tilespmem:$0x19CC0]  }
0x4a7: {  	v2 =	vadd.f32 $9.999999710e-10, v2  }
0x4a8: {  	v3 =	vadd.f32 $9.999999710e-10, v3  }
0x4a9: {  	(erf) = vrcp.f32 v2;
	v2 =	vadd.f32 $9.999999710e-10, v4  }
0x4aa: {  	(erf) = vrcp.f32 v3;
	v3 =	vadd.f32 $9.999999710e-10, v5  }
0x4ab: {  	(erf) = vrcp.f32 v2;
	v2 =	vadd.f32 $9.999999710e-10, v6  }
0x4ac: {  	(erf) = vrcp.f32 v3  }
0x4ad: {  	(erf) = vrcp.f32 v2;
	_ =	sdelay $0x1  }
0x4ae: {  	s24 =	simm.s32 $0x0  }
0x4af: {  	v2 =	vmov s24  }
0x4b0: {  	v2 =	vand.u32 $0xFFFFFFFC, v2  }
0x4b1: {  	v2 =	vbroadcast v2, $0x0;
	v3 =	vpop (erf)  }
0x4b2: {  	v4 =	vpop (erf);
	[tilespmem:$0x19C80] =	vst v3  }
0x4b3: {  	v3 =	vpop (erf);
	[tilespmem:$0x19C90] =	vst v4  }
0x4b4: {  	v4 =	vpop (erf);
	[tilespmem:$0x19CA0] =	vst v3  }
0x4b5: {  	[tilespmem:$0x19CB0] =	vst v4;
	v3 =	vpop (erf)  }
0x4b6: {  	[tilespmem:$0x19CC0] =	vst v3  }
0x4b7: {  	s16 =	simm.s32 $0x188C0;
	v2 =	vld.idx.msk [tilespmem:v2+s19+$0x0], $0xffff  }
0x4b8: {  	s29 =	simm.s32 $0x1;
	v3 =	vld [tilespmem:s16+$0xFFFFFFC0]  }
0x4b9: {  	v5 =	vmov s29;
	v4 =	vld [tilespmem:s16+$0xFFFFFFD0]  }
0x4ba: {  	v5 =	vand.u32 $0xFFFFFFFD, v5  }
0x4bb: {  	v5 =	vbroadcast v5, $0x0;
	_ =	sdelay $0x1  }
0x4bc: {  	v3 =	vmul.f32 v3, v2  }
0x4bd: {  	v2 =	vmul.f32 v4, v2  }
0x4be: {  	[tilespmem:s16+$0xFFFFFFC0] =	vst v3  }
0x4bf: {  	[tilespmem:s16+$0xFFFFFFD0] =	vst v2;
	v3 =	vld [tilespmem:s16+$0xFFFFFFE0]  }
0x4c0: {  	s20 =	simm.s32 $0x2;
	v2 =	vld.idx.msk [tilespmem:v5+s19+$0x0], $0xffff  }
0x4c1: {  	v4 =	vld [tilespmem:s16+$0xFFFFFFF0];
	v5 =	vmov s20  }
0x4c2: {  	v5 =	vand.u32 $0xFFFFFFFE, v5  }
0x4c3: {  	v5 =	vbroadcast v5, $0x0;
	_ =	sdelay $0x1  }
0x4c4: {  	v3 =	vmul.f32 v3, v2  }
0x4c5: {  	v2 =	vmul.f32 v4, v2  }
0x4c6: {  	[tilespmem:s16+$0xFFFFFFE0] =	vst v3  }
0x4c7: {  	[tilespmem:s16+$0xFFFFFFF0] =	vst v2;
	v2 =	vld [tilespmem:s16+$0x10]  }
0x4c8: {  	v3 =	vld.idx.msk [tilespmem:v5+s19+$0x0], $0xffff  }
0x4c9: {  	v4 =	vld [tilespmem:s16+$0x0];
	_ =	sdelay $0x1  }
0x4ca: {  	s24 =	simm.s32 $0x3  }
0x4cb: {  	v5 =	vmov s24  }
0x4cc: {  	v2 =	vmul.f32 v2, v3  }
0x4cd: {  	v3 =	vmul.f32 v4, v3  }
0x4ce: {  	v4 =	vld [tilespmem:s16+$0x20];
	[tilespmem:s16+$0x10] =	vst v2  }
0x4cf: {  	[tilespmem:s16+$0x0] =	vst v3;
	v2 =	vld [tilespmem:s16+$0x30]  }
0x4d0: {  	s29 =	simm.s32 $0x4;
	v3 =	vld.idx.msk [tilespmem:v5+s19+$0x0], $0xffff  }
0x4d1: {  	v5 =	vmov s29  }
0x4d2: {  	s20 =	simm.s32 $0xB;
	s24 =	simm.s32 $0x7;
	v5 =	vand.u32 $0xFFFFFFFC, v5  }
.LBB2_50:
0x4d3: {  	p2 =	sne.s32 s20, $0x4F;
	v5 =	vbroadcast v5, $0x0;
	_ =	sdelay $0x1  }
0x4d4: {  	v2 =	vmul.f32 v2, v3;
	v4 =	vmul.f32 v4, v3;
	_ =	sdelay $0x1  }
0x4d5: {  	[tilespmem:s16+$0x20] =	vst v4  }
0x4d6: {  	[tilespmem:s16+$0x30] =	vst v2  }
0x4d7: {  	s16 =	sadd.s32 $0x80, s16;
	v2 =	vld.idx.msk [tilespmem:v5+s19+$0x0], $0xffff  }
0x4d8: {  	s1 =	sadd.s32 $0xFFFFFFFE, s24;
	v3 =	vld [tilespmem:s16+$0xFFFFFFC0]  }
0x4d9: {  	v5 =	vmov s1;
	v4 =	vld [tilespmem:s16+$0xFFFFFFD0]  }
0x4da: {  	v5 =	vand.u32 $0xFFFFFFFD, v5  }
0x4db: {  	v5 =	vbroadcast v5, $0x0;
	_ =	sdelay $0x1  }
0x4dc: {  	v3 =	vmul.f32 v3, v2  }
0x4dd: {  	v2 =	vmul.f32 v4, v2  }
0x4de: {  	[tilespmem:s16+$0xFFFFFFC0] =	vst v3  }
0x4df: {  	[tilespmem:s16+$0xFFFFFFD0] =	vst v2  }
0x4e0: {  	v2 =	vld.idx.msk [tilespmem:v5+s19+$0x0], $0xffff  }
0x4e1: {  	s1 =	sadd.s32 $0xFFFFFFFF, s24;
	v3 =	vld [tilespmem:s16+$0xFFFFFFE0]  }
0x4e2: {  	v5 =	vmov s1;
	v4 =	vld [tilespmem:s16+$0xFFFFFFF0]  }
0x4e3: {  	v5 =	vand.u32 $0xFFFFFFFE, v5  }
0x4e4: {  	v5 =	vbroadcast v5, $0x0;
	_ =	sdelay $0x1  }
0x4e5: {  	v3 =	vmul.f32 v3, v2  }
0x4e6: {  	v2 =	vmul.f32 v4, v2  }
0x4e7: {  	[tilespmem:s16+$0xFFFFFFE0] =	vst v3  }
0x4e8: {  	[tilespmem:s16+$0xFFFFFFF0] =	vst v2;
	v2 =	vld [tilespmem:s16+$0x10]  }
0x4e9: {  	v3 =	vld.idx.msk [tilespmem:v5+s19+$0x0], $0xffff  }
0x4ea: {  	v4 =	vld [tilespmem:s16+$0x0];
	_ =	sdelay $0x3  }
0x4eb: {  	v5 =	vmov s24;
	s24 =	smov.u32 s20  }
0x4ec: {  	v2 =	vmul.f32 v2, v3;
	v4 =	vmul.f32 v4, v3;
	_ =	sdelay $0x1  }
0x4ed: {  	[tilespmem:s16+$0x10] =	vst v2  }
.Ltmp38:
0x4ee: {  	[tilespmem:s16+$0x0] =	vst v4;
	v2 =	vld [tilespmem:s16+$0x30];
	(pc) =	sbr.rel @p2 .LBB2_50-.Ltmp38, $4  }
0x4ef: {  	v3 =	vld.idx.msk [tilespmem:v5+s19+$0x0], $0xffff  }
0x4f0: {  	s1 =	sadd.s32 $0xFFFFFFFD, s20;
	v4 =	vld [tilespmem:s16+$0x20]  }
0x4f1: {  	v5 =	vmov s1  }
0x4f2: {  	s20 =	sadd.s32 $0x4, s20;
	v5 =	vand.u32 $0xFFFFFFFC, v5  }
0x4f3: {  	v5 =	vbroadcast v5, $0x0;
	_ =	sdelay $0x1  }
0x4f4: {  	v2 =	vmul.f32 v2, v3  }
0x4f5: {  	v4 =	vmul.f32 v4, v3  }
0x4f6: {  	s1 =	sadd.s32 $0x80, s16;
	[tilespmem:s16+$0x30] =	vst v2  }
0x4f7: {  	v3 =	vld [tilespmem:s1+$0xFFFFFFC0];
	[tilespmem:s16+$0x20] =	vst v4  }
0x4f8: {  	s29 =	sadd.s32 $0xFFFFFFFE, s24;
	v2 =	vld.idx.msk [tilespmem:v5+s19+$0x0], $0xffff  }
0x4f9: {  	v57 =	vld [tilespmem:s1+$0xFFFFFFD0];
	v58 =	vmov s29  }
0x4fa: {  	v5 =	vand.u32 $0xFFFFFFFD, v58  }
0x4fb: {  	v5 =	vbroadcast v5, $0x0;
	_ =	sdelay $0x1  }
0x4fc: {  	v3 =	vmul.f32 v3, v2  }
0x4fd: {  	v2 =	vmul.f32 v57, v2  }
0x4fe: {  	[tilespmem:s1+$0xFFFFFFC0] =	vst v3  }
0x4ff: {  	[tilespmem:s1+$0xFFFFFFD0] =	vst v2;
	v3 =	vld [tilespmem:s1+$0xFFFFFFE0]  }
0x500: {  	s20 =	sadd.s32 $0xFFFFFFFF, s24;
	v2 =	vld.idx.msk [tilespmem:v5+s19+$0x0], $0xffff  }
0x501: {  	v60 =	vmov s20;
	v59 =	vld [tilespmem:s1+$0xFFFFFFF0]  }
0x502: {  	v5 =	vand.u32 $0xFFFFFFFE, v60  }
0x503: {  	v5 =	vbroadcast v5, $0x0;
	_ =	sdelay $0x1  }
0x504: {  	v3 =	vmul.f32 v3, v2  }
0x505: {  	v2 =	vmul.f32 v59, v2  }
0x506: {  	[tilespmem:s1+$0xFFFFFFE0] =	vst v3  }
0x507: {  	[tilespmem:s1+$0xFFFFFFF0] =	vst v2;
	v2 =	vld [tilespmem:s1+$0x10]  }
0x508: {  	v3 =	vld.idx.msk [tilespmem:v5+s19+$0x0], $0xffff  }
0x509: {  	v61 =	vld [tilespmem:s1+$0x0];
	_ =	sdelay $0x2  }
0x50a: {  	v62 =	vmov s24  }
0x50b: {  	v2 =	vmul.f32 v2, v3  }
0x50c: {  	v3 =	vmul.f32 v61, v3  }
0x50d: {  	[tilespmem:s1+$0x10] =	vst v2  }
0x50e: {  	[tilespmem:s1+$0x0] =	vst v3;
	v3 =	vld [tilespmem:s1+$0x20]  }
0x50f: {  	v2 =	vld.idx.msk [tilespmem:v62+s19+$0x0], $0xffff  }
0x510: {  	v63 =	vld [tilespmem:s1+$0x30];
	_ =	sdelay $0x3  }
0x511: {  	v3 =	vmul.f32 v3, v2  }
0x512: {  	s26 =	sadd.s32 s26, s17;
	v2 =	vmul.f32 v63, v2  }
0x513: {  	s16 =	sshrl.u32 s26, $0x3;
	[tilespmem:s1+$0x20] =	vst v3  }
.Ltmp39:
0x514: {  	s29 =	sadd.s32 s28, s16;
	[tilespmem:s1+$0x30] =	vst v2;
	(pc) =	sbr.rel .LBB2_52-.Ltmp39, $4  }
0x515: {  	[hbm4b:s29+s5] =	stream.linear.scatter [tilespmem:s11], [sflag:$0x7], $0xA00, $0x38;
	[tilespmem:$0x1F8A8] =	vst v63  }
0x516: {  	_ =	swait.ge [sflag:s30], $0xA00  }
0x517: {  	[sflag:s30] =	ssyncset.done $0x0  }
0x518: {  	[sflag:s30] =	ssyncadd.s32 $0xFFFFF600  }
.LBB2_54:
0x519: {  	_ =	sfence.sel $0x180000  }
0x51a: {  	[bflag:$0x0] =	sbarrier.arrive $0xFFFF  }
0x51b: {  	_ =	strace $0x90000047  }
0x51c: {  	[bflag:$0x2] =	sbarrier.arrive $0xFFFF  }
0x51d: {  	s0 =	rddreg [dreg:$0x5]  }
0x51e: {  	s0 =	sadd.s32 @!p0 $0x100000, s0  }
0x51f: {  	[sflag:s0] =	ssyncadd.tile.s32 @!p0 $0x1;
	_ =	shalt  }
.Lfunc_end2:
_tile_overlayer_lowered:
.L_overlay_start_2:
0x520: {  	(tag) =	ssettag $0x2  }
0x521: {  	s0 =	rddreg [dreg:$0x0];
	s2 =	stileid.u32  }
0x522: {  	s1 =	rddreg [dreg:$0x1];
	p0 =	sne.s32 s2, $0x0  }
0x523: {  	s3 =	rddreg [dreg:$0x2];
	[bflag:$0x3] =	sbarrier.arrive $0xFFFF;
	s2 =	simm.s32 @!p0 $0x1C07  }
0x524: {  	[timem:s3], [sflag:s2] =	dma.local @!p0 [hbm:s0], s1  }
0x525: {  	s0 =	simm.s32 @!p0 $0x7  }
0x526: {  	_ =	swait.ge @!p0 [sflag:s0], s1  }
0x527: {  	s1 =	ssub.s32 @!p0 $0x0, s1;
	[sflag:s0] =	ssyncset.done @!p0 $0x0  }
0x528: {  	[sflag:s0] =	ssyncadd.s32 @!p0 s1  }
0x529: {  	[bflag:$0x3] =	sbarrier.arrive $0xFFFF  }
0x52a: {  	_ =	shalt  }

</sc_bundles>
